<compile_context>
chip_gen: v7x
topology: tpu7x:2x2x1
jax: 0.10.2.dev20260603
libtpu: 0.0.44.dev20260713+nightly
codegen_flags: <defaults>
</compile_context>

<pallas_src>
import functools

import jax
import jax.numpy as jnp
from jax import lax
from jax.experimental import pallas as pl
from jax.experimental.pallas import tpu as pltpu
from jax.experimental.pallas import tpu_sc as plsc

B = 1024
S = 512
E = 128
NC = 2
NS = 16
NW = NC * NS
S_HALF = S // 2
ROWS_PER_W = B // (NW // 2)
NV = E // 16


def _sc_body(seq_hbm, seg_hbm, tok_hbm, segtab_hbm, pos_hbm, gamma_hbm,
             beta_hbm, out_hbm, posbuf, rowbuf, idx_a, idx_b, segibuf,
             segfbuf, segtab, gbuf, bbuf, sem):
    wid = lax.axis_index("s") * NC + lax.axis_index("c")
    bg = wid // 2
    sh = wid % 2

    pltpu.sync_copy(pos_hbm.at[pl.ds(sh * S_HALF, S_HALF)], posbuf)
    pltpu.sync_copy(segtab_hbm, segtab)
    pltpu.sync_copy(gamma_hbm, gbuf)
    pltpu.sync_copy(beta_hbm, bbuf)

    s0 = [segtab[0, pl.ds(16 * k, 16)] for k in range(NV)]
    s1 = [segtab[1, pl.ds(16 * k, 16)] for k in range(NV)]
    dvec = [s1[k] - s0[k] for k in range(NV)]
    gv = [gbuf[pl.ds(16 * k, 16)] for k in range(NV)]
    bv = [bbuf[pl.ds(16 * k, 16)] for k in range(NV)]

    def add_seg0(i, carry):
        for k in range(NV):
            posbuf[i, pl.ds(16 * k, 16)] = posbuf[i, pl.ds(16 * k, 16)] + s0[k]
        return carry

    lax.fori_loop(0, S_HALF, add_seg0, 0)

    def batch_body(bi, carry):
        b = bg * ROWS_PER_W + bi
        gbase = b * S + sh * S_HALF
        pltpu.sync_copy(seq_hbm.at[pl.ds(gbase, 128)], idx_a)
        pltpu.sync_copy(seq_hbm.at[pl.ds(gbase + 128, 128)], idx_b)
        pltpu.sync_copy(seg_hbm.at[pl.ds(gbase, S_HALF)], segibuf)
        cp1 = pltpu.async_copy(tok_hbm.at[idx_a], rowbuf.at[pl.ds(0, 128)], sem)
        cp2 = pltpu.async_copy(tok_hbm.at[idx_b], rowbuf.at[pl.ds(128, 128)], sem)
        cp1.wait()
        cp2.wait()

        def conv(i, c2):
            segfbuf[pl.ds(i * 16, 16)] = segibuf[pl.ds(i * 16, 16)].astype(jnp.float32)
            return c2

        lax.fori_loop(0, S_HALF // 16, conv, 0)

        def grp_body(g, c3):
            base = g * 16
            sgv = segfbuf[pl.ds(base, 16)]
            for j in range(16):
                p = base + j
                fl = sgv[j]
                x = []
                for k in range(NV):
                    t = rowbuf[p, pl.ds(16 * k, 16)] + posbuf[p, pl.ds(16 * k, 16)]
                    x.append(t + fl * dvec[k])
                sm = (x[0] + x[1]) + (x[2] + x[3]) + ((x[4] + x[5]) + (x[6] + x[7]))
                sq = (x[0] * x[0] + x[1] * x[1]) + (x[2] * x[2] + x[3] * x[3]) + \
                     (x[4] * x[4] + x[5] * x[5]) + (x[6] * x[6] + x[7] * x[7])
                s_tot = jnp.sum(sm)
                q_tot = jnp.sum(sq)
                mean = s_tot * (1.0 / E)
                var = q_tot * (1.0 / E) - mean * mean
                v16 = jnp.broadcast_to(var + 1e-5, (16,))
                bits = plsc.bitcast(v16, jnp.int32)
                y = plsc.bitcast(jnp.int32(0x5F3759DF) - (bits >> 1), jnp.float32)
                for _ in range(3):
                    y = y * (1.5 - 0.5 * v16 * y * y)
                for k in range(NV):
                    rowbuf[p, pl.ds(16 * k, 16)] = (x[k] - mean) * y * gv[k] + bv[k]
            return c3

        lax.fori_loop(0, S_HALF // 16, grp_body, 0)
        pltpu.sync_copy(rowbuf, out_hbm.at[b, pl.ds(sh * S_HALF, S_HALF)])
        return carry

    lax.fori_loop(0, ROWS_PER_W, batch_body, 0)


@jax.jit
def _sc_embed_ln(seq_flat, seg_flat, tok_table, seg_table, pos_table, gamma, beta):
    f = functools.partial(
        pl.kernel,
        out_type=jax.ShapeDtypeStruct((B, S, E), jnp.float32),
        mesh=plsc.VectorSubcoreMesh(core_axis_name="c", subcore_axis_name="s"),
        compiler_params=pltpu.CompilerParams(needs_layout_passes=False),
        scratch_types=[
            pltpu.VMEM((S_HALF, E), jnp.float32),
            pltpu.VMEM((S_HALF, E), jnp.float32),
            pltpu.VMEM((128,), jnp.int32),
            pltpu.VMEM((128,), jnp.int32),
            pltpu.VMEM((S_HALF,), jnp.int32),
            pltpu.VMEM((S_HALF,), jnp.float32),
            pltpu.VMEM((2, E), jnp.float32),
            pltpu.VMEM((E,), jnp.float32),
            pltpu.VMEM((E,), jnp.float32),
            pltpu.SemaphoreType.DMA,
        ],
    )(_sc_body)
    return f(seq_flat, seg_flat, tok_table, seg_table, pos_table, gamma, beta)


def kernel(seq, seg, tok_table, seg_table, pos_table, gamma, beta):
    seq_flat = seq.reshape(-1).astype(jnp.int32)
    seg_flat = seg.reshape(-1).astype(jnp.int32)
    return _sc_embed_ln(seq_flat, seg_flat, tok_table, seg_table,
                        pos_table, gamma, beta)

# --- scband reference (transcript-rebuilt; emitter-appended) ---
"""Pipeline reference for scband-bertembedding-29171417874994 (READ-ONLY COPY).

The authoritative reference and input builder live on the scoring server;
editing this copy changes nothing except your own understanding.
"""

import jax, jax.numpy as jnp
import numpy as np

VOCAB = 100000
N_SEG = 2
MAX_LEN = 512
EMBED = 128
B = 1024
S = 512


def setup_inputs(seed: int = 0) -> dict:
    key = jax.random.key(seed)
    k1, k2, k3, k4, k5 = jax.random.split(key, 5)
    seq = jax.random.randint(k1, (B, S), 0, VOCAB, dtype=jnp.int64 if jax.config.read('jax_enable_x64') else jnp.int32)
    seg = jax.random.randint(k2, (B, S), 0, N_SEG, dtype=jnp.int64 if jax.config.read('jax_enable_x64') else jnp.int32)
    tok_table = jax.random.normal(k3, (VOCAB, EMBED), dtype=jnp.float32) * 0.02
    seg_table = jax.random.normal(k4, (N_SEG, EMBED), dtype=jnp.float32) * 0.02
    pos_table = jax.random.normal(k5, (MAX_LEN, EMBED), dtype=jnp.float32) * 0.02
    gamma = jnp.ones((EMBED,), dtype=jnp.float32)
    beta = jnp.zeros((EMBED,), dtype=jnp.float32)
    return {"seq": seq, "seg": seg, "tok_table": tok_table, "seg_table": seg_table, "pos_table": pos_table, "gamma": gamma, "beta": beta}


def reference(seq, seg, tok_table, seg_table, pos_table, gamma, beta):
    batch_size, seq_len = seq.shape
    pos = jnp.broadcast_to(jnp.arange(seq_len)[None, :], (batch_size, seq_len))
    embed_val = jnp.take(tok_table, seq, axis=0) + jnp.take(seg_table, seg, axis=0) + jnp.take(pos_table, pos, axis=0)
    # LayerNorm over last dim, eps=1e-5 (torch default)
    mean = jnp.mean(embed_val, axis=-1, keepdims=True)
    var = jnp.mean((embed_val - mean) ** 2, axis=-1, keepdims=True)
    normed = (embed_val - mean) / jnp.sqrt(var + 1e-5)
    out = normed * gamma + beta
    # dropout is identity in eval/reference mode
    return out

if __name__ == "__main__":
    import jax
    _d = setup_inputs()
    print(jax.jit(kernel)(*tuple(_d.values())))

</pallas_src>

<mosaic_0001>
#map = affine_map<(d0, d1) -> (0)>
#map1 = affine_map<(d0, d1) -> (0, 0)>
#map2 = affine_map<(d0, d1) -> (0, 0, 0)>
module attributes {stable_mosaic.version = 14 : i64} {
  func.func @_sc_body(%arg0: i32, %arg1: i32, %arg2: memref<524288xi32, #tpu.memory_space<hbm>>, %arg3: memref<524288xi32, #tpu.memory_space<hbm>>, %arg4: memref<100000x128xf32, #tpu.memory_space<hbm>>, %arg5: memref<2x128xf32, #tpu.memory_space<hbm>>, %arg6: memref<512x128xf32, #tpu.memory_space<hbm>>, %arg7: memref<128xf32, #tpu.memory_space<hbm>>, %arg8: memref<128xf32, #tpu.memory_space<hbm>>, %arg9: memref<1024x512x128xf32, #tpu.memory_space<hbm>>, %arg10: memref<256x128xf32, #tpu.memory_space<vmem>>, %arg11: memref<256x128xf32, #tpu.memory_space<vmem>>, %arg12: memref<128xi32, #tpu.memory_space<vmem>>, %arg13: memref<128xi32, #tpu.memory_space<vmem>>, %arg14: memref<256xi32, #tpu.memory_space<vmem>>, %arg15: memref<256xf32, #tpu.memory_space<vmem>>, %arg16: memref<2x128xf32, #tpu.memory_space<vmem>>, %arg17: memref<128xf32, #tpu.memory_space<vmem>>, %arg18: memref<128xf32, #tpu.memory_space<vmem>>, %arg19: memref<!tpu.dma_semaphore, #tpu.memory_space<semaphore_mem>>) attributes {dimension_semantics = [#tpu.dimension_semantics<core_parallel>, #tpu.dimension_semantics<subcore_parallel>], iteration_bounds = array<i64: 2, 16>, scalar_prefetch = 0 : i64, scratch_operands = 10 : i64, tpu.core_type = #tpu.core_type<sc_vector_subcore>, window_params = [{transform_indices = #map}, {transform_indices = #map}, {transform_indices = #map1}, {transform_indices = #map1}, {transform_indices = #map1}, {transform_indices = #map}, {transform_indices = #map}, {transform_indices = #map2}]} {
    %mul3A = arith.constant 2 : i32
    %mul3A_0 = arith.muli %arg1, %mul3A : i32
    %add3A = arith.addi %mul3A_0, %arg0 : i32
    %jit3A = arith.constant 2 : i32
    %div3A = arith.divsi %add3A, %jit3A : i32
    %sign3A = arith.constant 0 : i32
    %sign3A_1 = arith.cmpi sgt, %add3A, %sign3A : i32
    %sign3A_2 = arith.extui %sign3A_1 : i1 to i32
    %sign3A_3 = arith.constant 0 : i32
    %sign3A_4 = arith.cmpi slt, %add3A, %sign3A_3 : i32
    %sign3A_5 = arith.extui %sign3A_4 : i1 to i32
    %sign3A_6 = arith.subi %sign3A_2, %sign3A_5 : i32
    %sign3A_7 = arith.constant 0 : i32
    %sign3A_8 = arith.cmpi sgt, %jit3A, %sign3A_7 : i32
    %sign3A_9 = arith.extui %sign3A_8 : i1 to i32
    %sign3A_10 = arith.constant 0 : i32
    %sign3A_11 = arith.cmpi slt, %jit3A, %sign3A_10 : i32
    %sign3A_12 = arith.extui %sign3A_11 : i1 to i32
    %sign3A_13 = arith.subi %sign3A_9, %sign3A_12 : i32
    %ne3A = arith.cmpi ne, %sign3A_6, %sign3A_13 : i32
    %rem3A = arith.remsi %add3A, %jit3A : i32
    %ne3A_14 = arith.constant 0 : i32
    %ne3A_15 = arith.cmpi ne, %rem3A, %ne3A_14 : i32
    %and3A = arith.andi %ne3A, %ne3A_15 : i1
    %sub3A = arith.constant 1 : i32
    %sub3A_16 = arith.subi %div3A, %sub3A : i32
    %select_n3A = arith.select %and3A, %sub3A_16, %div3A : i32
    %jit3A_17 = arith.constant 2 : i32
    %eq3A = arith.constant 0 : i32
    %eq3A_18 = arith.cmpi eq, %jit3A_17, %eq3A : i32
    %jit3A_19 = arith.constant 1 : i32
    %select_n3A_20 = arith.select %eq3A_18, %jit3A_19, %jit3A_17 : i32
    %rem3A_21 = arith.remsi %add3A, %select_n3A_20 : i32
    %ne3A_22 = arith.constant 0 : i32
    %ne3A_23 = arith.cmpi ne, %rem3A_21, %ne3A_22 : i32
    %lt3A = arith.constant 0 : i32
    %lt3A_24 = arith.cmpi slt, %rem3A_21, %lt3A : i32
    %lt3A_25 = arith.constant 0 : i32
    %lt3A_26 = arith.cmpi slt, %select_n3A_20, %lt3A_25 : i32
    %ne3A_27 = arith.xori %lt3A_24, %lt3A_26 : i1
    %and3A_28 = arith.andi %ne3A_27, %ne3A_23 : i1
    %add3A_29 = arith.addi %rem3A_21, %select_n3A_20 : i32
    %select_n3A_30 = arith.select %and3A_28, %add3A_29, %rem3A_21 : i32
    %mul3A_31 = arith.constant 256 : i32
    %mul3A_32 = arith.muli %select_n3A_30, %mul3A_31 : i32
    "tpu.region"() ({
      %run_scoped3A = tpu.sem_alloc : memref<!tpu.dma_semaphore, #tpu.memory_space<semaphore_mem>>
      %dma_start3A = arith.constant 0 : i32
      %dma_start3A_147 = tpu.memref_slice %arg6[%mul3A_32, %dma_start3A] : memref<512x128xf32, #tpu.memory_space<hbm>> -> memref<256x128xf32, #tpu.memory_space<hbm>>
      %dma_start3A_148 = arith.constant 0 : i32
      %dma_start3A_149 = tpu.memref_slice %arg6[%mul3A_32, %dma_start3A_148] : memref<512x128xf32, #tpu.memory_space<hbm>> -> memref<256x128xf32, #tpu.memory_space<hbm>>
      tpu.enqueue_dma source(%dma_start3A_149 : memref<256x128xf32, #tpu.memory_space<hbm>>) target(%arg10 : memref<256x128xf32, #tpu.memory_space<vmem>>) target_semaphore(%run_scoped3A : memref<!tpu.dma_semaphore, #tpu.memory_space<semaphore_mem>>)
      %dma_wait3A = arith.constant 0 : i32
      %dma_wait3A_150 = tpu.memref_slice %arg6[%mul3A_32, %dma_wait3A] : memref<512x128xf32, #tpu.memory_space<hbm>> -> memref<256x128xf32, #tpu.memory_space<hbm>>
      %dma_wait3A_151 = arith.constant 0 : i32
      %dma_wait3A_152 = tpu.memref_slice %arg6[%mul3A_32, %dma_wait3A_151] : memref<512x128xf32, #tpu.memory_space<hbm>> -> memref<256x128xf32, #tpu.memory_space<hbm>>
      tpu.wait_dma2 semaphore(%run_scoped3A : memref<!tpu.dma_semaphore, #tpu.memory_space<semaphore_mem>>) src(%dma_wait3A_152 : memref<256x128xf32, #tpu.memory_space<hbm>>) dst(%arg10 : memref<256x128xf32, #tpu.memory_space<vmem>>)
      tpu.yield
    }) : () -> ()
    "tpu.region"() ({
      %run_scoped3A = tpu.sem_alloc : memref<!tpu.dma_semaphore, #tpu.memory_space<semaphore_mem>>
      tpu.enqueue_dma source(%arg5 : memref<2x128xf32, #tpu.memory_space<hbm>>) target(%arg16 : memref<2x128xf32, #tpu.memory_space<vmem>>) target_semaphore(%run_scoped3A : memref<!tpu.dma_semaphore, #tpu.memory_space<semaphore_mem>>)
      tpu.wait_dma2 semaphore(%run_scoped3A : memref<!tpu.dma_semaphore, #tpu.memory_space<semaphore_mem>>) src(%arg5 : memref<2x128xf32, #tpu.memory_space<hbm>>) dst(%arg16 : memref<2x128xf32, #tpu.memory_space<vmem>>)
      tpu.yield
    }) : () -> ()
    "tpu.region"() ({
      %run_scoped3A = tpu.sem_alloc : memref<!tpu.dma_semaphore, #tpu.memory_space<semaphore_mem>>
      tpu.enqueue_dma source(%arg7 : memref<128xf32, #tpu.memory_space<hbm>>) target(%arg17 : memref<128xf32, #tpu.memory_space<vmem>>) target_semaphore(%run_scoped3A : memref<!tpu.dma_semaphore, #tpu.memory_space<semaphore_mem>>)
      tpu.wait_dma2 semaphore(%run_scoped3A : memref<!tpu.dma_semaphore, #tpu.memory_space<semaphore_mem>>) src(%arg7 : memref<128xf32, #tpu.memory_space<hbm>>) dst(%arg17 : memref<128xf32, #tpu.memory_space<vmem>>)
      tpu.yield
    }) : () -> ()
    "tpu.region"() ({
      %run_scoped3A = tpu.sem_alloc : memref<!tpu.dma_semaphore, #tpu.memory_space<semaphore_mem>>
      tpu.enqueue_dma source(%arg8 : memref<128xf32, #tpu.memory_space<hbm>>) target(%arg18 : memref<128xf32, #tpu.memory_space<vmem>>) target_semaphore(%run_scoped3A : memref<!tpu.dma_semaphore, #tpu.memory_space<semaphore_mem>>)
      tpu.wait_dma2 semaphore(%run_scoped3A : memref<!tpu.dma_semaphore, #tpu.memory_space<semaphore_mem>>) src(%arg8 : memref<128xf32, #tpu.memory_space<hbm>>) dst(%arg18 : memref<128xf32, #tpu.memory_space<vmem>>)
      tpu.yield
    }) : () -> ()
    %get3A = arith.constant 0 : i32
    %get3A_33 = arith.index_cast %get3A : i32 to index
    %get3A_34 = arith.constant 0 : index
    %get3A_35 = tpu.vector_load %arg16[%get3A_33, %get3A_34] {strides = array<i32>} : memref<2x128xf32, #tpu.memory_space<vmem>>, vector<16xf32>,
    %get3A_36 = arith.constant 0 : i32
    %get3A_37 = arith.index_cast %get3A_36 : i32 to index
    %get3A_38 = arith.constant 16 : index
    %get3A_39 = tpu.vector_load %arg16[%get3A_37, %get3A_38] {strides = array<i32>} : memref<2x128xf32, #tpu.memory_space<vmem>>, vector<16xf32>,
    %get3A_40 = arith.constant 0 : i32
    %get3A_41 = arith.index_cast %get3A_40 : i32 to index
    %get3A_42 = arith.constant 32 : index
    %get3A_43 = tpu.vector_load %arg16[%get3A_41, %get3A_42] {strides = array<i32>} : memref<2x128xf32, #tpu.memory_space<vmem>>, vector<16xf32>,
    %get3A_44 = arith.constant 0 : i32
    %get3A_45 = arith.index_cast %get3A_44 : i32 to index
    %get3A_46 = arith.constant 48 : index
    %get3A_47 = tpu.vector_load %arg16[%get3A_45, %get3A_46] {strides = array<i32>} : memref<2x128xf32, #tpu.memory_space<vmem>>, vector<16xf32>,
    %get3A_48 = arith.constant 0 : i32
    %get3A_49 = arith.index_cast %get3A_48 : i32 to index
    %get3A_50 = arith.constant 64 : index
    %get3A_51 = tpu.vector_load %arg16[%get3A_49, %get3A_50] {strides = array<i32>} : memref<2x128xf32, #tpu.memory_space<vmem>>, vector<16xf32>,
    %get3A_52 = arith.constant 0 : i32
    %get3A_53 = arith.index_cast %get3A_52 : i32 to index
    %get3A_54 = arith.constant 80 : index
    %get3A_55 = tpu.vector_load %arg16[%get3A_53, %get3A_54] {strides = array<i32>} : memref<2x128xf32, #tpu.memory_space<vmem>>, vector<16xf32>,
    %get3A_56 = arith.constant 0 : i32
    %get3A_57 = arith.index_cast %get3A_56 : i32 to index
    %get3A_58 = arith.constant 96 : index
    %get3A_59 = tpu.vector_load %arg16[%get3A_57, %get3A_58] {strides = array<i32>} : memref<2x128xf32, #tpu.memory_space<vmem>>, vector<16xf32>,
    %get3A_60 = arith.constant 0 : i32
    %get3A_61 = arith.index_cast %get3A_60 : i32 to index
    %get3A_62 = arith.constant 112 : index
    %get3A_63 = tpu.vector_load %arg16[%get3A_61, %get3A_62] {strides = array<i32>} : memref<2x128xf32, #tpu.memory_space<vmem>>, vector<16xf32>,
    %get3A_64 = arith.constant 1 : i32
    %get3A_65 = arith.index_cast %get3A_64 : i32 to index
    %get3A_66 = arith.constant 0 : index
    %get3A_67 = tpu.vector_load %arg16[%get3A_65, %get3A_66] {strides = array<i32>} : memref<2x128xf32, #tpu.memory_space<vmem>>, vector<16xf32>,
    %get3A_68 = arith.constant 1 : i32
    %get3A_69 = arith.index_cast %get3A_68 : i32 to index
    %get3A_70 = arith.constant 16 : index
    %get3A_71 = tpu.vector_load %arg16[%get3A_69, %get3A_70] {strides = array<i32>} : memref<2x128xf32, #tpu.memory_space<vmem>>, vector<16xf32>,
    %get3A_72 = arith.constant 1 : i32
    %get3A_73 = arith.index_cast %get3A_72 : i32 to index
    %get3A_74 = arith.constant 32 : index
    %get3A_75 = tpu.vector_load %arg16[%get3A_73, %get3A_74] {strides = array<i32>} : memref<2x128xf32, #tpu.memory_space<vmem>>, vector<16xf32>,
    %get3A_76 = arith.constant 1 : i32
    %get3A_77 = arith.index_cast %get3A_76 : i32 to index
    %get3A_78 = arith.constant 48 : index
    %get3A_79 = tpu.vector_load %arg16[%get3A_77, %get3A_78] {strides = array<i32>} : memref<2x128xf32, #tpu.memory_space<vmem>>, vector<16xf32>,
    %get3A_80 = arith.constant 1 : i32
    %get3A_81 = arith.index_cast %get3A_80 : i32 to index
    %get3A_82 = arith.constant 64 : index
    %get3A_83 = tpu.vector_load %arg16[%get3A_81, %get3A_82] {strides = array<i32>} : memref<2x128xf32, #tpu.memory_space<vmem>>, vector<16xf32>,
    %get3A_84 = arith.constant 1 : i32
    %get3A_85 = arith.index_cast %get3A_84 : i32 to index
    %get3A_86 = arith.constant 80 : index
    %get3A_87 = tpu.vector_load %arg16[%get3A_85, %get3A_86] {strides = array<i32>} : memref<2x128xf32, #tpu.memory_space<vmem>>, vector<16xf32>,
    %get3A_88 = arith.constant 1 : i32
    %get3A_89 = arith.index_cast %get3A_88 : i32 to index
    %get3A_90 = arith.constant 96 : index
    %get3A_91 = tpu.vector_load %arg16[%get3A_89, %get3A_90] {strides = array<i32>} : memref<2x128xf32, #tpu.memory_space<vmem>>, vector<16xf32>,
    %get3A_92 = arith.constant 1 : i32
    %get3A_93 = arith.index_cast %get3A_92 : i32 to index
    %get3A_94 = arith.constant 112 : index
    %get3A_95 = tpu.vector_load %arg16[%get3A_93, %get3A_94] {strides = array<i32>} : memref<2x128xf32, #tpu.memory_space<vmem>>, vector<16xf32>,
    %sub3A_96 = arith.subf %get3A_67, %get3A_35 : vector<16xf32>
    %sub3A_97 = arith.subf %get3A_71, %get3A_39 : vector<16xf32>
    %sub3A_98 = arith.subf %get3A_75, %get3A_43 : vector<16xf32>
    %sub3A_99 = arith.subf %get3A_79, %get3A_47 : vector<16xf32>
    %sub3A_100 = arith.subf %get3A_83, %get3A_51 : vector<16xf32>
    %sub3A_101 = arith.subf %get3A_87, %get3A_55 : vector<16xf32>
    %sub3A_102 = arith.subf %get3A_91, %get3A_59 : vector<16xf32>
    %sub3A_103 = arith.subf %get3A_95, %get3A_63 : vector<16xf32>
    %get3A_104 = arith.constant 0 : index
    %get3A_105 = tpu.vector_load %arg17[%get3A_104] {strides = array<i32>} : memref<128xf32, #tpu.memory_space<vmem>>, vector<16xf32>,
    %get3A_106 = arith.constant 16 : index
    %get3A_107 = tpu.vector_load %arg17[%get3A_106] {strides = array<i32>} : memref<128xf32, #tpu.memory_space<vmem>>, vector<16xf32>,
    %get3A_108 = arith.constant 32 : index
    %get3A_109 = tpu.vector_load %arg17[%get3A_108] {strides = array<i32>} : memref<128xf32, #tpu.memory_space<vmem>>, vector<16xf32>,
    %get3A_110 = arith.constant 48 : index
    %get3A_111 = tpu.vector_load %arg17[%get3A_110] {strides = array<i32>} : memref<128xf32, #tpu.memory_space<vmem>>, vector<16xf32>,
    %get3A_112 = arith.constant 64 : index
    %get3A_113 = tpu.vector_load %arg17[%get3A_112] {strides = array<i32>} : memref<128xf32, #tpu.memory_space<vmem>>, vector<16xf32>,
    %get3A_114 = arith.constant 80 : index
    %get3A_115 = tpu.vector_load %arg17[%get3A_114] {strides = array<i32>} : memref<128xf32, #tpu.memory_space<vmem>>, vector<16xf32>,
    %get3A_116 = arith.constant 96 : index
    %get3A_117 = tpu.vector_load %arg17[%get3A_116] {strides = array<i32>} : memref<128xf32, #tpu.memory_space<vmem>>, vector<16xf32>,
    %get3A_118 = arith.constant 112 : index
    %get3A_119 = tpu.vector_load %arg17[%get3A_118] {strides = array<i32>} : memref<128xf32, #tpu.memory_space<vmem>>, vector<16xf32>,
    %get3A_120 = arith.constant 0 : index
    %get3A_121 = tpu.vector_load %arg18[%get3A_120] {strides = array<i32>} : memref<128xf32, #tpu.memory_space<vmem>>, vector<16xf32>,
    %get3A_122 = arith.constant 16 : index
    %get3A_123 = tpu.vector_load %arg18[%get3A_122] {strides = array<i32>} : memref<128xf32, #tpu.memory_space<vmem>>, vector<16xf32>,
    %get3A_124 = arith.constant 32 : index
    %get3A_125 = tpu.vector_load %arg18[%get3A_124] {strides = array<i32>} : memref<128xf32, #tpu.memory_space<vmem>>, vector<16xf32>,
    %get3A_126 = arith.constant 48 : index
    %get3A_127 = tpu.vector_load %arg18[%get3A_126] {strides = array<i32>} : memref<128xf32, #tpu.memory_space<vmem>>, vector<16xf32>,
    %get3A_128 = arith.constant 64 : index
    %get3A_129 = tpu.vector_load %arg18[%get3A_128] {strides = array<i32>} : memref<128xf32, #tpu.memory_space<vmem>>, vector<16xf32>,
    %get3A_130 = arith.constant 80 : index
    %get3A_131 = tpu.vector_load %arg18[%get3A_130] {strides = array<i32>} : memref<128xf32, #tpu.memory_space<vmem>>, vector<16xf32>,
    %get3A_132 = arith.constant 96 : index
    %get3A_133 = tpu.vector_load %arg18[%get3A_132] {strides = array<i32>} : memref<128xf32, #tpu.memory_space<vmem>>, vector<16xf32>,
    %get3A_134 = arith.constant 112 : index
    %get3A_135 = tpu.vector_load %arg18[%get3A_134] {strides = array<i32>} : memref<128xf32, #tpu.memory_space<vmem>>, vector<16xf32>,
    %scan3A = arith.constant 0 : i32
    %scan3A_136 = arith.constant 0 : i32
    %scan3A_137 = arith.constant 256 : i32
    %scan3A_138 = arith.addi %scan3A_136, %scan3A_137 : i32
    %scan3A_139 = arith.constant 1 : i32
    scf.for %scan3A_147 = %scan3A_136 to %scan3A_138 step %scan3A_139  : i32 {
      %get3A_148 = arith.index_cast %scan3A_147 : i32 to index
      %get3A_149 = arith.constant 0 : index
      %get3A_150 = tpu.vector_load %arg10[%get3A_148, %get3A_149] {strides = array<i32>} : memref<256x128xf32, #tpu.memory_space<vmem>>, vector<16xf32>,
      %add3A_151 = arith.addf %get3A_150, %get3A_35 : vector<16xf32>
      %swap3A = arith.index_cast %scan3A_147 : i32 to index
      %swap3A_152 = arith.constant 0 : index
      %swap3A_153 = tpu.vector_load %arg10[%swap3A, %swap3A_152] {strides = array<i32>} : memref<256x128xf32, #tpu.memory_space<vmem>>, vector<16xf32>,
      tpu.vector_store %arg10[%swap3A, %swap3A_152], %add3A_151 {strides = array<i32>} : memref<256x128xf32, #tpu.memory_space<vmem>>, vector<16xf32>,
      %get3A_154 = arith.index_cast %scan3A_147 : i32 to index
      %get3A_155 = arith.constant 16 : index
      %get3A_156 = tpu.vector_load %arg10[%get3A_154, %get3A_155] {strides = array<i32>} : memref<256x128xf32, #tpu.memory_space<vmem>>, vector<16xf32>,
      %add3A_157 = arith.addf %get3A_156, %get3A_39 : vector<16xf32>
      %swap3A_158 = arith.index_cast %scan3A_147 : i32 to index
      %swap3A_159 = arith.constant 16 : index
      %swap3A_160 = tpu.vector_load %arg10[%swap3A_158, %swap3A_159] {strides = array<i32>} : memref<256x128xf32, #tpu.memory_space<vmem>>, vector<16xf32>,
      tpu.vector_store %arg10[%swap3A_158, %swap3A_159], %add3A_157 {strides = array<i32>} : memref<256x128xf32, #tpu.memory_space<vmem>>, vector<16xf32>,
      %get3A_161 = arith.index_cast %scan3A_147 : i32 to index
      %get3A_162 = arith.constant 32 : index
      %get3A_163 = tpu.vector_load %arg10[%get3A_161, %get3A_162] {strides = array<i32>} : memref<256x128xf32, #tpu.memory_space<vmem>>, vector<16xf32>,
      %add3A_164 = arith.addf %get3A_163, %get3A_43 : vector<16xf32>
      %swap3A_165 = arith.index_cast %scan3A_147 : i32 to index
      %swap3A_166 = arith.constant 32 : index
      %swap3A_167 = tpu.vector_load %arg10[%swap3A_165, %swap3A_166] {strides = array<i32>} : memref<256x128xf32, #tpu.memory_space<vmem>>, vector<16xf32>,
      tpu.vector_store %arg10[%swap3A_165, %swap3A_166], %add3A_164 {strides = array<i32>} : memref<256x128xf32, #tpu.memory_space<vmem>>, vector<16xf32>,
      %get3A_168 = arith.index_cast %scan3A_147 : i32 to index
      %get3A_169 = arith.constant 48 : index
      %get3A_170 = tpu.vector_load %arg10[%get3A_168, %get3A_169] {strides = array<i32>} : memref<256x128xf32, #tpu.memory_space<vmem>>, vector<16xf32>,
      %add3A_171 = arith.addf %get3A_170, %get3A_47 : vector<16xf32>
      %swap3A_172 = arith.index_cast %scan3A_147 : i32 to index
      %swap3A_173 = arith.constant 48 : index
      %swap3A_174 = tpu.vector_load %arg10[%swap3A_172, %swap3A_173] {strides = array<i32>} : memref<256x128xf32, #tpu.memory_space<vmem>>, vector<16xf32>,
      tpu.vector_store %arg10[%swap3A_172, %swap3A_173], %add3A_171 {strides = array<i32>} : memref<256x128xf32, #tpu.memory_space<vmem>>, vector<16xf32>,
      %get3A_175 = arith.index_cast %scan3A_147 : i32 to index
      %get3A_176 = arith.constant 64 : index
      %get3A_177 = tpu.vector_load %arg10[%get3A_175, %get3A_176] {strides = array<i32>} : memref<256x128xf32, #tpu.memory_space<vmem>>, vector<16xf32>,
      %add3A_178 = arith.addf %get3A_177, %get3A_51 : vector<16xf32>
      %swap3A_179 = arith.index_cast %scan3A_147 : i32 to index
      %swap3A_180 = arith.constant 64 : index
      %swap3A_181 = tpu.vector_load %arg10[%swap3A_179, %swap3A_180] {strides = array<i32>} : memref<256x128xf32, #tpu.memory_space<vmem>>, vector<16xf32>,
      tpu.vector_store %arg10[%swap3A_179, %swap3A_180], %add3A_178 {strides = array<i32>} : memref<256x128xf32, #tpu.memory_space<vmem>>, vector<16xf32>,
      %get3A_182 = arith.index_cast %scan3A_147 : i32 to index
      %get3A_183 = arith.constant 80 : index
      %get3A_184 = tpu.vector_load %arg10[%get3A_182, %get3A_183] {strides = array<i32>} : memref<256x128xf32, #tpu.memory_space<vmem>>, vector<16xf32>,
      %add3A_185 = arith.addf %get3A_184, %get3A_55 : vector<16xf32>
      %swap3A_186 = arith.index_cast %scan3A_147 : i32 to index
      %swap3A_187 = arith.constant 80 : index
      %swap3A_188 = tpu.vector_load %arg10[%swap3A_186, %swap3A_187] {strides = array<i32>} : memref<256x128xf32, #tpu.memory_space<vmem>>, vector<16xf32>,
      tpu.vector_store %arg10[%swap3A_186, %swap3A_187], %add3A_185 {strides = array<i32>} : memref<256x128xf32, #tpu.memory_space<vmem>>, vector<16xf32>,
      %get3A_189 = arith.index_cast %scan3A_147 : i32 to index
      %get3A_190 = arith.constant 96 : index
      %get3A_191 = tpu.vector_load %arg10[%get3A_189, %get3A_190] {strides = array<i32>} : memref<256x128xf32, #tpu.memory_space<vmem>>, vector<16xf32>,
      %add3A_192 = arith.addf %get3A_191, %get3A_59 : vector<16xf32>
      %swap3A_193 = arith.index_cast %scan3A_147 : i32 to index
      %swap3A_194 = arith.constant 96 : index
      %swap3A_195 = tpu.vector_load %arg10[%swap3A_193, %swap3A_194] {strides = array<i32>} : memref<256x128xf32, #tpu.memory_space<vmem>>, vector<16xf32>,
      tpu.vector_store %arg10[%swap3A_193, %swap3A_194], %add3A_192 {strides = array<i32>} : memref<256x128xf32, #tpu.memory_space<vmem>>, vector<16xf32>,
      %get3A_196 = arith.index_cast %scan3A_147 : i32 to index
      %get3A_197 = arith.constant 112 : index
      %get3A_198 = tpu.vector_load %arg10[%get3A_196, %get3A_197] {strides = array<i32>} : memref<256x128xf32, #tpu.memory_space<vmem>>, vector<16xf32>,
      %add3A_199 = arith.addf %get3A_198, %get3A_63 : vector<16xf32>
      %swap3A_200 = arith.index_cast %scan3A_147 : i32 to index
      %swap3A_201 = arith.constant 112 : index
      %swap3A_202 = tpu.vector_load %arg10[%swap3A_200, %swap3A_201] {strides = array<i32>} : memref<256x128xf32, #tpu.memory_space<vmem>>, vector<16xf32>,
      tpu.vector_store %arg10[%swap3A_200, %swap3A_201], %add3A_199 {strides = array<i32>} : memref<256x128xf32, #tpu.memory_space<vmem>>, vector<16xf32>,
    }
    %scan3A_140 = arith.constant 256 : i32
    %scan3A_141 = arith.constant 0 : i32
    %scan3A_142 = arith.constant 0 : i32
    %scan3A_143 = arith.constant 64 : i32
    %scan3A_144 = arith.addi %scan3A_142, %scan3A_143 : i32
    %scan3A_145 = arith.constant 1 : i32
    scf.for %scan3A_147 = %scan3A_142 to %scan3A_144 step %scan3A_145  : i32 {
      %mul3A_148 = arith.constant 64 : i32
      %mul3A_149 = arith.muli %select_n3A, %mul3A_148 : i32
      %add3A_150 = arith.addi %mul3A_149, %scan3A_147 : i32
      %mul3A_151 = arith.constant 512 : i32
      %mul3A_152 = arith.muli %add3A_150, %mul3A_151 : i32
      %mul3A_153 = arith.constant 256 : i32
      %mul3A_154 = arith.muli %select_n3A_30, %mul3A_153 : i32
      %add3A_155 = arith.addi %mul3A_152, %mul3A_154 : i32
      "tpu.region"() ({
        %run_scoped3A = tpu.sem_alloc : memref<!tpu.dma_semaphore, #tpu.memory_space<semaphore_mem>>
        %dma_start3A_194 = tpu.memref_slice %arg2[%add3A_155] : memref<524288xi32, #tpu.memory_space<hbm>> -> memref<128xi32, #tpu.memory_space<hbm>>
        %dma_start3A_195 = tpu.memref_slice %arg2[%add3A_155] : memref<524288xi32, #tpu.memory_space<hbm>> -> memref<128xi32, #tpu.memory_space<hbm>>
        tpu.enqueue_dma source(%dma_start3A_195 : memref<128xi32, #tpu.memory_space<hbm>>) target(%arg12 : memref<128xi32, #tpu.memory_space<vmem>>) target_semaphore(%run_scoped3A : memref<!tpu.dma_semaphore, #tpu.memory_space<semaphore_mem>>)
        %dma_wait3A_196 = tpu.memref_slice %arg2[%add3A_155] : memref<524288xi32, #tpu.memory_space<hbm>> -> memref<128xi32, #tpu.memory_space<hbm>>
        %dma_wait3A_197 = tpu.memref_slice %arg2[%add3A_155] : memref<524288xi32, #tpu.memory_space<hbm>> -> memref<128xi32, #tpu.memory_space<hbm>>
        tpu.wait_dma2 semaphore(%run_scoped3A : memref<!tpu.dma_semaphore, #tpu.memory_space<semaphore_mem>>) src(%dma_wait3A_197 : memref<128xi32, #tpu.memory_space<hbm>>) dst(%arg12 : memref<128xi32, #tpu.memory_space<vmem>>)
        tpu.yield
      }) : () -> ()
      %add3A_156 = arith.constant 128 : i32
      %add3A_157 = arith.addi %add3A_155, %add3A_156 : i32
      "tpu.region"() ({
        %run_scoped3A = tpu.sem_alloc : memref<!tpu.dma_semaphore, #tpu.memory_space<semaphore_mem>>
        %dma_start3A_194 = tpu.memref_slice %arg2[%add3A_157] : memref<524288xi32, #tpu.memory_space<hbm>> -> memref<128xi32, #tpu.memory_space<hbm>>
        %dma_start3A_195 = tpu.memref_slice %arg2[%add3A_157] : memref<524288xi32, #tpu.memory_space<hbm>> -> memref<128xi32, #tpu.memory_space<hbm>>
        tpu.enqueue_dma source(%dma_start3A_195 : memref<128xi32, #tpu.memory_space<hbm>>) target(%arg13 : memref<128xi32, #tpu.memory_space<vmem>>) target_semaphore(%run_scoped3A : memref<!tpu.dma_semaphore, #tpu.memory_space<semaphore_mem>>)
        %dma_wait3A_196 = tpu.memref_slice %arg2[%add3A_157] : memref<524288xi32, #tpu.memory_space<hbm>> -> memref<128xi32, #tpu.memory_space<hbm>>
        %dma_wait3A_197 = tpu.memref_slice %arg2[%add3A_157] : memref<524288xi32, #tpu.memory_space<hbm>> -> memref<128xi32, #tpu.memory_space<hbm>>
        tpu.wait_dma2 semaphore(%run_scoped3A : memref<!tpu.dma_semaphore, #tpu.memory_space<semaphore_mem>>) src(%dma_wait3A_197 : memref<128xi32, #tpu.memory_space<hbm>>) dst(%arg13 : memref<128xi32, #tpu.memory_space<vmem>>)
        tpu.yield
      }) : () -> ()
      "tpu.region"() ({
        %run_scoped3A = tpu.sem_alloc : memref<!tpu.dma_semaphore, #tpu.memory_space<semaphore_mem>>
        %dma_start3A_194 = tpu.memref_slice %arg3[%add3A_155] : memref<524288xi32, #tpu.memory_space<hbm>> -> memref<256xi32, #tpu.memory_space<hbm>>
        %dma_start3A_195 = tpu.memref_slice %arg3[%add3A_155] : memref<524288xi32, #tpu.memory_space<hbm>> -> memref<256xi32, #tpu.memory_space<hbm>>
        tpu.enqueue_dma source(%dma_start3A_195 : memref<256xi32, #tpu.memory_space<hbm>>) target(%arg14 : memref<256xi32, #tpu.memory_space<vmem>>) target_semaphore(%run_scoped3A : memref<!tpu.dma_semaphore, #tpu.memory_space<semaphore_mem>>)
        %dma_wait3A_196 = tpu.memref_slice %arg3[%add3A_155] : memref<524288xi32, #tpu.memory_space<hbm>> -> memref<256xi32, #tpu.memory_space<hbm>>
        %dma_wait3A_197 = tpu.memref_slice %arg3[%add3A_155] : memref<524288xi32, #tpu.memory_space<hbm>> -> memref<256xi32, #tpu.memory_space<hbm>>
        tpu.wait_dma2 semaphore(%run_scoped3A : memref<!tpu.dma_semaphore, #tpu.memory_space<semaphore_mem>>) src(%dma_wait3A_197 : memref<256xi32, #tpu.memory_space<hbm>>) dst(%arg14 : memref<256xi32, #tpu.memory_space<vmem>>)
        tpu.yield
      }) : () -> ()
      %dma_start3A = arith.constant 0 : i32
      %dma_start3A_158 = arith.constant 0 : i32
      %dma_start3A_159 = tpu.memref_slice %arg11[%dma_start3A, %dma_start3A_158] : memref<256x128xf32, #tpu.memory_space<vmem>> -> memref<128x128xf32, #tpu.memory_space<vmem>>
      %dma_start3A_160 = arith.constant 0 : i32
      %dma_start3A_161 = arith.constant 0 : i32
      %dma_start3A_162 = tpu.memref_slice %arg4[%dma_start3A_160, %dma_start3A_161] : memref<100000x128xf32, #tpu.memory_space<hbm>> -> memref<100000x128xf32, #tpu.memory_space<hbm>>
      tpu.enqueue_indirect_dma source(%dma_start3A_162 : memref<100000x128xf32, #tpu.memory_space<hbm>>) target(%dma_start3A_159 : memref<128x128xf32, #tpu.memory_space<vmem>>) offsets(%arg12 : memref<128xi32, #tpu.memory_space<vmem>>) semaphore(%arg19 : memref<!tpu.dma_semaphore, #tpu.memory_space<semaphore_mem>>)
      %dma_start3A_163 = arith.constant 128 : i32
      %dma_start3A_164 = arith.constant 0 : i32
      %dma_start3A_165 = tpu.memref_slice %arg11[%dma_start3A_163, %dma_start3A_164] : memref<256x128xf32, #tpu.memory_space<vmem>> -> memref<128x128xf32, #tpu.memory_space<vmem>>
      %dma_start3A_166 = arith.constant 0 : i32
      %dma_start3A_167 = arith.constant 0 : i32
      %dma_start3A_168 = tpu.memref_slice %arg4[%dma_start3A_166, %dma_start3A_167] : memref<100000x128xf32, #tpu.memory_space<hbm>> -> memref<100000x128xf32, #tpu.memory_space<hbm>>
      tpu.enqueue_indirect_dma source(%dma_start3A_168 : memref<100000x128xf32, #tpu.memory_space<hbm>>) target(%dma_start3A_165 : memref<128x128xf32, #tpu.memory_space<vmem>>) offsets(%arg13 : memref<128xi32, #tpu.memory_space<vmem>>) semaphore(%arg19 : memref<!tpu.dma_semaphore, #tpu.memory_space<semaphore_mem>>)
      %dma_wait3A = arith.constant 0 : i32
      %dma_wait3A_169 = arith.constant 0 : i32
      %dma_wait3A_170 = tpu.memref_slice %arg11[%dma_wait3A, %dma_wait3A_169] : memref<256x128xf32, #tpu.memory_space<vmem>> -> memref<128x128xf32, #tpu.memory_space<vmem>>
      %dma_wait3A_171 = arith.constant 0 : i32
      %dma_wait3A_172 = arith.constant 0 : i32
      %dma_wait3A_173 = tpu.memref_slice %arg4[%dma_wait3A_171, %dma_wait3A_172] : memref<100000x128xf32, #tpu.memory_space<hbm>> -> memref<100000x128xf32, #tpu.memory_space<hbm>>
      tpu.wait_indirect_dma semaphore(%arg19 : memref<!tpu.dma_semaphore, #tpu.memory_space<semaphore_mem>>) src(%dma_wait3A_173 : memref<100000x128xf32, #tpu.memory_space<hbm>>) dst(%dma_wait3A_170 : memref<128x128xf32, #tpu.memory_space<vmem>>)
      %dma_wait3A_174 = arith.constant 128 : i32
      %dma_wait3A_175 = arith.constant 0 : i32
      %dma_wait3A_176 = tpu.memref_slice %arg11[%dma_wait3A_174, %dma_wait3A_175] : memref<256x128xf32, #tpu.memory_space<vmem>> -> memref<128x128xf32, #tpu.memory_space<vmem>>
      %dma_wait3A_177 = arith.constant 0 : i32
      %dma_wait3A_178 = arith.constant 0 : i32
      %dma_wait3A_179 = tpu.memref_slice %arg4[%dma_wait3A_177, %dma_wait3A_178] : memref<100000x128xf32, #tpu.memory_space<hbm>> -> memref<100000x128xf32, #tpu.memory_space<hbm>>
      tpu.wait_indirect_dma semaphore(%arg19 : memref<!tpu.dma_semaphore, #tpu.memory_space<semaphore_mem>>) src(%dma_wait3A_179 : memref<100000x128xf32, #tpu.memory_space<hbm>>) dst(%dma_wait3A_176 : memref<128x128xf32, #tpu.memory_space<vmem>>)
      %scan3A_180 = arith.constant 0 : i32
      %scan3A_181 = arith.constant 0 : i32
      %scan3A_182 = arith.constant 16 : i32
      %scan3A_183 = arith.addi %scan3A_181, %scan3A_182 : i32
      %scan3A_184 = arith.constant 1 : i32
      scf.for %scan3A_194 = %scan3A_181 to %scan3A_183 step %scan3A_184  : i32 {
        %mul3A_195 = arith.constant 16 : i32
        %mul3A_196 = arith.muli %scan3A_194, %mul3A_195 : i32
        %get3A_197 = arith.index_cast %mul3A_196 : i32 to index
        %get3A_198 = tpu.vector_load %arg14[%get3A_197] {strides = array<i32>} : memref<256xi32, #tpu.memory_space<vmem>>, vector<16xi32>,
        %convert_element_type3A = arith.sitofp %get3A_198 : vector<16xi32> to vector<16xf32>
        %mul3A_199 = arith.constant 16 : i32
        %mul3A_200 = arith.muli %scan3A_194, %mul3A_199 : i32
        %swap3A = arith.index_cast %mul3A_200 : i32 to index
        %swap3A_201 = tpu.vector_load %arg15[%swap3A] {strides = array<i32>} : memref<256xf32, #tpu.memory_space<vmem>>, vector<16xf32>,
        tpu.vector_store %arg15[%swap3A], %convert_element_type3A {strides = array<i32>} : memref<256xf32, #tpu.memory_space<vmem>>, vector<16xf32>,
      }
      %scan3A_185 = arith.constant 16 : i32
      %scan3A_186 = arith.constant 0 : i32
      %scan3A_187 = arith.constant 0 : i32
      %scan3A_188 = arith.constant 16 : i32
      %scan3A_189 = arith.addi %scan3A_187, %scan3A_188 : i32
      %scan3A_190 = arith.constant 1 : i32
      scf.for %scan3A_194 = %scan3A_187 to %scan3A_189 step %scan3A_190  : i32 {
        %mul3A_195 = arith.constant 16 : i32
        %mul3A_196 = arith.muli %scan3A_194, %mul3A_195 : i32
        %get3A_197 = arith.index_cast %mul3A_196 : i32 to index
        %get3A_198 = tpu.vector_load %arg15[%get3A_197] {strides = array<i32>} : memref<256xf32, #tpu.memory_space<vmem>>, vector<16xf32>,
        %add3A_199 = arith.constant 0 : i32
        %add3A_200 = arith.addi %mul3A_196, %add3A_199 : i32
        %slice3A = vector.extract_strided_slice %get3A_198 {offsets = [0], sizes = [1], strides = [1]} : vector<16xf32> to vector<1xf32>
        %squeeze3A = vector.extract %slice3A[0] : f32 from vector<1xf32>
        %get3A_201 = arith.index_cast %add3A_200 : i32 to index
        %get3A_202 = arith.constant 0 : index
        %get3A_203 = tpu.vector_load %arg11[%get3A_201, %get3A_202] {strides = array<i32>} : memref<256x128xf32, #tpu.memory_space<vmem>>, vector<16xf32>,
        %get3A_204 = arith.index_cast %add3A_200 : i32 to index
        %get3A_205 = arith.constant 0 : index
        %get3A_206 = tpu.vector_load %arg10[%get3A_204, %get3A_205] {strides = array<i32>} : memref<256x128xf32, #tpu.memory_space<vmem>>, vector<16xf32>,
        %add3A_207 = arith.addf %get3A_203, %get3A_206 : vector<16xf32>
        %mul3A_208 = vector.broadcast %squeeze3A : f32 to vector<16xf32>
        %mul3A_209 = arith.mulf %mul3A_208, %sub3A_96 : vector<16xf32>
        %add3A_210 = arith.addf %add3A_207, %mul3A_209 : vector<16xf32>
        %get3A_211 = arith.index_cast %add3A_200 : i32 to index
        %get3A_212 = arith.constant 16 : index
        %get3A_213 = tpu.vector_load %arg11[%get3A_211, %get3A_212] {strides = array<i32>} : memref<256x128xf32, #tpu.memory_space<vmem>>, vector<16xf32>,
        %get3A_214 = arith.index_cast %add3A_200 : i32 to index
        %get3A_215 = arith.constant 16 : index
        %get3A_216 = tpu.vector_load %arg10[%get3A_214, %get3A_215] {strides = array<i32>} : memref<256x128xf32, #tpu.memory_space<vmem>>, vector<16xf32>,
        %add3A_217 = arith.addf %get3A_213, %get3A_216 : vector<16xf32>
        %mul3A_218 = vector.broadcast %squeeze3A : f32 to vector<16xf32>
        %mul3A_219 = arith.mulf %mul3A_218, %sub3A_97 : vector<16xf32>
        %add3A_220 = arith.addf %add3A_217, %mul3A_219 : vector<16xf32>
        %get3A_221 = arith.index_cast %add3A_200 : i32 to index
        %get3A_222 = arith.constant 32 : index
        %get3A_223 = tpu.vector_load %arg11[%get3A_221, %get3A_222] {strides = array<i32>} : memref<256x128xf32, #tpu.memory_space<vmem>>, vector<16xf32>,
        %get3A_224 = arith.index_cast %add3A_200 : i32 to index
        %get3A_225 = arith.constant 32 : index
        %get3A_226 = tpu.vector_load %arg10[%get3A_224, %get3A_225] {strides = array<i32>} : memref<256x128xf32, #tpu.memory_space<vmem>>, vector<16xf32>,
        %add3A_227 = arith.addf %get3A_223, %get3A_226 : vector<16xf32>
        %mul3A_228 = vector.broadcast %squeeze3A : f32 to vector<16xf32>
        %mul3A_229 = arith.mulf %mul3A_228, %sub3A_98 : vector<16xf32>
        %add3A_230 = arith.addf %add3A_227, %mul3A_229 : vector<16xf32>
        %get3A_231 = arith.index_cast %add3A_200 : i32 to index
        %get3A_232 = arith.constant 48 : index
        %get3A_233 = tpu.vector_load %arg11[%get3A_231, %get3A_232] {strides = array<i32>} : memref<256x128xf32, #tpu.memory_space<vmem>>, vector<16xf32>,
        %get3A_234 = arith.index_cast %add3A_200 : i32 to index
        %get3A_235 = arith.constant 48 : index
        %get3A_236 = tpu.vector_load %arg10[%get3A_234, %get3A_235] {strides = array<i32>} : memref<256x128xf32, #tpu.memory_space<vmem>>, vector<16xf32>,
        %add3A_237 = arith.addf %get3A_233, %get3A_236 : vector<16xf32>
        %mul3A_238 = vector.broadcast %squeeze3A : f32 to vector<16xf32>
        %mul3A_239 = arith.mulf %mul3A_238, %sub3A_99 : vector<16xf32>
        %add3A_240 = arith.addf %add3A_237, %mul3A_239 : vector<16xf32>
        %get3A_241 = arith.index_cast %add3A_200 : i32 to index
        %get3A_242 = arith.constant 64 : index
        %get3A_243 = tpu.vector_load %arg11[%get3A_241, %get3A_242] {strides = array<i32>} : memref<256x128xf32, #tpu.memory_space<vmem>>, vector<16xf32>,
        %get3A_244 = arith.index_cast %add3A_200 : i32 to index
        %get3A_245 = arith.constant 64 : index
        %get3A_246 = tpu.vector_load %arg10[%get3A_244, %get3A_245] {strides = array<i32>} : memref<256x128xf32, #tpu.memory_space<vmem>>, vector<16xf32>,
        %add3A_247 = arith.addf %get3A_243, %get3A_246 : vector<16xf32>
        %mul3A_248 = vector.broadcast %squeeze3A : f32 to vector<16xf32>
        %mul3A_249 = arith.mulf %mul3A_248, %sub3A_100 : vector<16xf32>
        %add3A_250 = arith.addf %add3A_247, %mul3A_249 : vector<16xf32>
        %get3A_251 = arith.index_cast %add3A_200 : i32 to index
        %get3A_252 = arith.constant 80 : index
        %get3A_253 = tpu.vector_load %arg11[%get3A_251, %get3A_252] {strides = array<i32>} : memref<256x128xf32, #tpu.memory_space<vmem>>, vector<16xf32>,
        %get3A_254 = arith.index_cast %add3A_200 : i32 to index
        %get3A_255 = arith.constant 80 : index
        %get3A_256 = tpu.vector_load %arg10[%get3A_254, %get3A_255] {strides = array<i32>} : memref<256x128xf32, #tpu.memory_space<vmem>>, vector<16xf32>,
        %add3A_257 = arith.addf %get3A_253, %get3A_256 : vector<16xf32>
        %mul3A_258 = vector.broadcast %squeeze3A : f32 to vector<16xf32>
        %mul3A_259 = arith.mulf %mul3A_258, %sub3A_101 : vector<16xf32>
        %add3A_260 = arith.addf %add3A_257, %mul3A_259 : vector<16xf32>
        %get3A_261 = arith.index_cast %add3A_200 : i32 to index
        %get3A_262 = arith.constant 96 : index
        %get3A_263 = tpu.vector_load %arg11[%get3A_261, %get3A_262] {strides = array<i32>} : memref<256x128xf32, #tpu.memory_space<vmem>>, vector<16xf32>,
        %get3A_264 = arith.index_cast %add3A_200 : i32 to index
        %get3A_265 = arith.constant 96 : index
        %get3A_266 = tpu.vector_load %arg10[%get3A_264, %get3A_265] {strides = array<i32>} : memref<256x128xf32, #tpu.memory_space<vmem>>, vector<16xf32>,
        %add3A_267 = arith.addf %get3A_263, %get3A_266 : vector<16xf32>
        %mul3A_268 = vector.broadcast %squeeze3A : f32 to vector<16xf32>
        %mul3A_269 = arith.mulf %mul3A_268, %sub3A_102 : vector<16xf32>
        %add3A_270 = arith.addf %add3A_267, %mul3A_269 : vector<16xf32>
        %get3A_271 = arith.index_cast %add3A_200 : i32 to index
        %get3A_272 = arith.constant 112 : index
        %get3A_273 = tpu.vector_load %arg11[%get3A_271, %get3A_272] {strides = array<i32>} : memref<256x128xf32, #tpu.memory_space<vmem>>, vector<16xf32>,
        %get3A_274 = arith.index_cast %add3A_200 : i32 to index
        %get3A_275 = arith.constant 112 : index
        %get3A_276 = tpu.vector_load %arg10[%get3A_274, %get3A_275] {strides = array<i32>} : memref<256x128xf32, #tpu.memory_space<vmem>>, vector<16xf32>,
        %add3A_277 = arith.addf %get3A_273, %get3A_276 : vector<16xf32>
        %mul3A_278 = vector.broadcast %squeeze3A : f32 to vector<16xf32>
        %mul3A_279 = arith.mulf %mul3A_278, %sub3A_103 : vector<16xf32>
        %add3A_280 = arith.addf %add3A_277, %mul3A_279 : vector<16xf32>
        %add3A_281 = arith.addf %add3A_210, %add3A_220 : vector<16xf32>
        %add3A_282 = arith.addf %add3A_230, %add3A_240 : vector<16xf32>
        %add3A_283 = arith.addf %add3A_281, %add3A_282 : vector<16xf32>
        %add3A_284 = arith.addf %add3A_250, %add3A_260 : vector<16xf32>
        %add3A_285 = arith.addf %add3A_270, %add3A_280 : vector<16xf32>
        %add3A_286 = arith.addf %add3A_284, %add3A_285 : vector<16xf32>
        %add3A_287 = arith.addf %add3A_283, %add3A_286 : vector<16xf32>
        %mul3A_288 = arith.mulf %add3A_210, %add3A_210 : vector<16xf32>
        %mul3A_289 = arith.mulf %add3A_220, %add3A_220 : vector<16xf32>
        %add3A_290 = arith.addf %mul3A_288, %mul3A_289 : vector<16xf32>
        %mul3A_291 = arith.mulf %add3A_230, %add3A_230 : vector<16xf32>
        %mul3A_292 = arith.mulf %add3A_240, %add3A_240 : vector<16xf32>
        %add3A_293 = arith.addf %mul3A_291, %mul3A_292 : vector<16xf32>
        %add3A_294 = arith.addf %add3A_290, %add3A_293 : vector<16xf32>
        %mul3A_295 = arith.mulf %add3A_250, %add3A_250 : vector<16xf32>
        %mul3A_296 = arith.mulf %add3A_260, %add3A_260 : vector<16xf32>
        %add3A_297 = arith.addf %mul3A_295, %mul3A_296 : vector<16xf32>
        %add3A_298 = arith.addf %add3A_294, %add3A_297 : vector<16xf32>
        %mul3A_299 = arith.mulf %add3A_270, %add3A_270 : vector<16xf32>
        %mul3A_300 = arith.mulf %add3A_280, %add3A_280 : vector<16xf32>
        %add3A_301 = arith.addf %mul3A_299, %mul3A_300 : vector<16xf32>
        %add3A_302 = arith.addf %add3A_298, %add3A_301 : vector<16xf32>
        %reduce_sum3A = arith.constant true
        %reduce_sum3A_303 = vector.broadcast %reduce_sum3A : i1 to vector<16xi1>
        %reduce_sum3A_304 = tpu.scan <sum>, %add3A_287 masked %reduce_sum3A_303 : vector<16xf32>, vector<16xi1> -> vector<16xf32>
        %reduce_sum3A_305 = vector.extract %reduce_sum3A_304[15] : f32 from vector<16xf32>
        %reduce_sum3A_306 = arith.constant true
        %reduce_sum3A_307 = vector.broadcast %reduce_sum3A_306 : i1 to vector<16xi1>
        %reduce_sum3A_308 = tpu.scan <sum>, %add3A_302 masked %reduce_sum3A_307 : vector<16xf32>, vector<16xi1> -> vector<16xf32>
        %reduce_sum3A_309 = vector.extract %reduce_sum3A_308[15] : f32 from vector<16xf32>
        %mul3A_310 = arith.constant 7.812500e-03 : f32
        %mul3A_311 = arith.mulf %reduce_sum3A_305, %mul3A_310 : f32
        %mul3A_312 = arith.constant 7.812500e-03 : f32
        %mul3A_313 = arith.mulf %reduce_sum3A_309, %mul3A_312 : f32
        %mul3A_314 = arith.mulf %mul3A_311, %mul3A_311 : f32
        %sub3A_315 = arith.subf %mul3A_313, %mul3A_314 : f32
        %add3A_316 = arith.constant 9.99999974E-6 : f32
        %add3A_317 = arith.addf %sub3A_315, %add3A_316 : f32
        %broadcast_in_dim3A = vector.broadcast %add3A_317 : f32 to vector<16xf32>
        %bitcast3A = vector.bitcast %broadcast_in_dim3A : vector<16xf32> to vector<16xi32>
        %shift_right_arithmetic3A = arith.constant 1 : i32
        %shift_right_arithmetic3A_318 = vector.broadcast %shift_right_arithmetic3A : i32 to vector<16xi32>
        %shift_right_arithmetic3A_319 = arith.shrsi %bitcast3A, %shift_right_arithmetic3A_318 : vector<16xi32>
        %sub3A_320 = arith.constant 1597463007 : i32
        %sub3A_321 = vector.broadcast %sub3A_320 : i32 to vector<16xi32>
        %sub3A_322 = arith.subi %sub3A_321, %shift_right_arithmetic3A_319 : vector<16xi32>
        %bitcast3A_323 = vector.bitcast %sub3A_322 : vector<16xi32> to vector<16xf32>
        %mul3A_324 = arith.constant 5.000000e-01 : f32
        %mul3A_325 = vector.broadcast %mul3A_324 : f32 to vector<16xf32>
        %mul3A_326 = arith.mulf %mul3A_325, %broadcast_in_dim3A : vector<16xf32>
        %mul3A_327 = arith.mulf %mul3A_326, %bitcast3A_323 : vector<16xf32>
        %mul3A_328 = arith.mulf %mul3A_327, %bitcast3A_323 : vector<16xf32>
        %sub3A_329 = arith.constant 1.500000e+00 : f32
        %sub3A_330 = vector.broadcast %sub3A_329 : f32 to vector<16xf32>
        %sub3A_331 = arith.subf %sub3A_330, %mul3A_328 : vector<16xf32>
        %mul3A_332 = arith.mulf %bitcast3A_323, %sub3A_331 : vector<16xf32>
        %mul3A_333 = arith.constant 5.000000e-01 : f32
        %mul3A_334 = vector.broadcast %mul3A_333 : f32 to vector<16xf32>
        %mul3A_335 = arith.mulf %mul3A_334, %broadcast_in_dim3A : vector<16xf32>
        %mul3A_336 = arith.mulf %mul3A_335, %mul3A_332 : vector<16xf32>
        %mul3A_337 = arith.mulf %mul3A_336, %mul3A_332 : vector<16xf32>
        %sub3A_338 = arith.constant 1.500000e+00 : f32
        %sub3A_339 = vector.broadcast %sub3A_338 : f32 to vector<16xf32>
        %sub3A_340 = arith.subf %sub3A_339, %mul3A_337 : vector<16xf32>
        %mul3A_341 = arith.mulf %mul3A_332, %sub3A_340 : vector<16xf32>
        %mul3A_342 = arith.constant 5.000000e-01 : f32
        %mul3A_343 = vector.broadcast %mul3A_342 : f32 to vector<16xf32>
        %mul3A_344 = arith.mulf %mul3A_343, %broadcast_in_dim3A : vector<16xf32>
        %mul3A_345 = arith.mulf %mul3A_344, %mul3A_341 : vector<16xf32>
        %mul3A_346 = arith.mulf %mul3A_345, %mul3A_341 : vector<16xf32>
        %sub3A_347 = arith.constant 1.500000e+00 : f32
        %sub3A_348 = vector.broadcast %sub3A_347 : f32 to vector<16xf32>
        %sub3A_349 = arith.subf %sub3A_348, %mul3A_346 : vector<16xf32>
        %mul3A_350 = arith.mulf %mul3A_341, %sub3A_349 : vector<16xf32>
        %sub3A_351 = vector.broadcast %mul3A_311 : f32 to vector<16xf32>
        %sub3A_352 = arith.subf %add3A_210, %sub3A_351 : vector<16xf32>
        %mul3A_353 = arith.mulf %sub3A_352, %mul3A_350 : vector<16xf32>
        %mul3A_354 = arith.mulf %mul3A_353, %get3A_105 : vector<16xf32>
        %add3A_355 = arith.addf %mul3A_354, %get3A_121 : vector<16xf32>
        %swap3A = arith.index_cast %add3A_200 : i32 to index
        %swap3A_356 = arith.constant 0 : index
        %swap3A_357 = tpu.vector_load %arg11[%swap3A, %swap3A_356] {strides = array<i32>} : memref<256x128xf32, #tpu.memory_space<vmem>>, vector<16xf32>,
        tpu.vector_store %arg11[%swap3A, %swap3A_356], %add3A_355 {strides = array<i32>} : memref<256x128xf32, #tpu.memory_space<vmem>>, vector<16xf32>,
        %sub3A_358 = vector.broadcast %mul3A_311 : f32 to vector<16xf32>
        %sub3A_359 = arith.subf %add3A_220, %sub3A_358 : vector<16xf32>
        %mul3A_360 = arith.mulf %sub3A_359, %mul3A_350 : vector<16xf32>
        %mul3A_361 = arith.mulf %mul3A_360, %get3A_107 : vector<16xf32>
        %add3A_362 = arith.addf %mul3A_361, %get3A_123 : vector<16xf32>
        %swap3A_363 = arith.index_cast %add3A_200 : i32 to index
        %swap3A_364 = arith.constant 16 : index
        %swap3A_365 = tpu.vector_load %arg11[%swap3A_363, %swap3A_364] {strides = array<i32>} : memref<256x128xf32, #tpu.memory_space<vmem>>, vector<16xf32>,
        tpu.vector_store %arg11[%swap3A_363, %swap3A_364], %add3A_362 {strides = array<i32>} : memref<256x128xf32, #tpu.memory_space<vmem>>, vector<16xf32>,
        %sub3A_366 = vector.broadcast %mul3A_311 : f32 to vector<16xf32>
        %sub3A_367 = arith.subf %add3A_230, %sub3A_366 : vector<16xf32>
        %mul3A_368 = arith.mulf %sub3A_367, %mul3A_350 : vector<16xf32>
        %mul3A_369 = arith.mulf %mul3A_368, %get3A_109 : vector<16xf32>
        %add3A_370 = arith.addf %mul3A_369, %get3A_125 : vector<16xf32>
        %swap3A_371 = arith.index_cast %add3A_200 : i32 to index
        %swap3A_372 = arith.constant 32 : index
        %swap3A_373 = tpu.vector_load %arg11[%swap3A_371, %swap3A_372] {strides = array<i32>} : memref<256x128xf32, #tpu.memory_space<vmem>>, vector<16xf32>,
        tpu.vector_store %arg11[%swap3A_371, %swap3A_372], %add3A_370 {strides = array<i32>} : memref<256x128xf32, #tpu.memory_space<vmem>>, vector<16xf32>,
        %sub3A_374 = vector.broadcast %mul3A_311 : f32 to vector<16xf32>
        %sub3A_375 = arith.subf %add3A_240, %sub3A_374 : vector<16xf32>
        %mul3A_376 = arith.mulf %sub3A_375, %mul3A_350 : vector<16xf32>
        %mul3A_377 = arith.mulf %mul3A_376, %get3A_111 : vector<16xf32>
        %add3A_378 = arith.addf %mul3A_377, %get3A_127 : vector<16xf32>
        %swap3A_379 = arith.index_cast %add3A_200 : i32 to index
        %swap3A_380 = arith.constant 48 : index
        %swap3A_381 = tpu.vector_load %arg11[%swap3A_379, %swap3A_380] {strides = array<i32>} : memref<256x128xf32, #tpu.memory_space<vmem>>, vector<16xf32>,
        tpu.vector_store %arg11[%swap3A_379, %swap3A_380], %add3A_378 {strides = array<i32>} : memref<256x128xf32, #tpu.memory_space<vmem>>, vector<16xf32>,
        %sub3A_382 = vector.broadcast %mul3A_311 : f32 to vector<16xf32>
        %sub3A_383 = arith.subf %add3A_250, %sub3A_382 : vector<16xf32>
        %mul3A_384 = arith.mulf %sub3A_383, %mul3A_350 : vector<16xf32>
        %mul3A_385 = arith.mulf %mul3A_384, %get3A_113 : vector<16xf32>
        %add3A_386 = arith.addf %mul3A_385, %get3A_129 : vector<16xf32>
        %swap3A_387 = arith.index_cast %add3A_200 : i32 to index
        %swap3A_388 = arith.constant 64 : index
        %swap3A_389 = tpu.vector_load %arg11[%swap3A_387, %swap3A_388] {strides = array<i32>} : memref<256x128xf32, #tpu.memory_space<vmem>>, vector<16xf32>,
        tpu.vector_store %arg11[%swap3A_387, %swap3A_388], %add3A_386 {strides = array<i32>} : memref<256x128xf32, #tpu.memory_space<vmem>>, vector<16xf32>,
        %sub3A_390 = vector.broadcast %mul3A_311 : f32 to vector<16xf32>
        %sub3A_391 = arith.subf %add3A_260, %sub3A_390 : vector<16xf32>
        %mul3A_392 = arith.mulf %sub3A_391, %mul3A_350 : vector<16xf32>
        %mul3A_393 = arith.mulf %mul3A_392, %get3A_115 : vector<16xf32>
        %add3A_394 = arith.addf %mul3A_393, %get3A_131 : vector<16xf32>
        %swap3A_395 = arith.index_cast %add3A_200 : i32 to index
        %swap3A_396 = arith.constant 80 : index
        %swap3A_397 = tpu.vector_load %arg11[%swap3A_395, %swap3A_396] {strides = array<i32>} : memref<256x128xf32, #tpu.memory_space<vmem>>, vector<16xf32>,
        tpu.vector_store %arg11[%swap3A_395, %swap3A_396], %add3A_394 {strides = array<i32>} : memref<256x128xf32, #tpu.memory_space<vmem>>, vector<16xf32>,
        %sub3A_398 = vector.broadcast %mul3A_311 : f32 to vector<16xf32>
        %sub3A_399 = arith.subf %add3A_270, %sub3A_398 : vector<16xf32>
        %mul3A_400 = arith.mulf %sub3A_399, %mul3A_350 : vector<16xf32>
        %mul3A_401 = arith.mulf %mul3A_400, %get3A_117 : vector<16xf32>
        %add3A_402 = arith.addf %mul3A_401, %get3A_133 : vector<16xf32>
        %swap3A_403 = arith.index_cast %add3A_200 : i32 to index
        %swap3A_404 = arith.constant 96 : index
        %swap3A_405 = tpu.vector_load %arg11[%swap3A_403, %swap3A_404] {strides = array<i32>} : memref<256x128xf32, #tpu.memory_space<vmem>>, vector<16xf32>,
        tpu.vector_store %arg11[%swap3A_403, %swap3A_404], %add3A_402 {strides = array<i32>} : memref<256x128xf32, #tpu.memory_space<vmem>>, vector<16xf32>,
        %sub3A_406 = vector.broadcast %mul3A_311 : f32 to vector<16xf32>
        %sub3A_407 = arith.subf %add3A_280, %sub3A_406 : vector<16xf32>
        %mul3A_408 = arith.mulf %sub3A_407, %mul3A_350 : vector<16xf32>
        %mul3A_409 = arith.mulf %mul3A_408, %get3A_119 : vector<16xf32>
        %add3A_410 = arith.addf %mul3A_409, %get3A_135 : vector<16xf32>
        %swap3A_411 = arith.index_cast %add3A_200 : i32 to index
        %swap3A_412 = arith.constant 112 : index
        %swap3A_413 = tpu.vector_load %arg11[%swap3A_411, %swap3A_412] {strides = array<i32>} : memref<256x128xf32, #tpu.memory_space<vmem>>, vector<16xf32>,
        tpu.vector_store %arg11[%swap3A_411, %swap3A_412], %add3A_410 {strides = array<i32>} : memref<256x128xf32, #tpu.memory_space<vmem>>, vector<16xf32>,
        %add3A_414 = arith.constant 1 : i32
        %add3A_415 = arith.addi %mul3A_196, %add3A_414 : i32
        %slice3A_416 = vector.extract_strided_slice %get3A_198 {offsets = [1], sizes = [1], strides = [1]} : vector<16xf32> to vector<1xf32>
        %squeeze3A_417 = vector.extract %slice3A_416[0] : f32 from vector<1xf32>
        %get3A_418 = arith.index_cast %add3A_415 : i32 to index
        %get3A_419 = arith.constant 0 : index
        %get3A_420 = tpu.vector_load %arg11[%get3A_418, %get3A_419] {strides = array<i32>} : memref<256x128xf32, #tpu.memory_space<vmem>>, vector<16xf32>,
        %get3A_421 = arith.index_cast %add3A_415 : i32 to index
        %get3A_422 = arith.constant 0 : index
        %get3A_423 = tpu.vector_load %arg10[%get3A_421, %get3A_422] {strides = array<i32>} : memref<256x128xf32, #tpu.memory_space<vmem>>, vector<16xf32>,
        %add3A_424 = arith.addf %get3A_420, %get3A_423 : vector<16xf32>
        %mul3A_425 = vector.broadcast %squeeze3A_417 : f32 to vector<16xf32>
        %mul3A_426 = arith.mulf %mul3A_425, %sub3A_96 : vector<16xf32>
        %add3A_427 = arith.addf %add3A_424, %mul3A_426 : vector<16xf32>
        %get3A_428 = arith.index_cast %add3A_415 : i32 to index
        %get3A_429 = arith.constant 16 : index
        %get3A_430 = tpu.vector_load %arg11[%get3A_428, %get3A_429] {strides = array<i32>} : memref<256x128xf32, #tpu.memory_space<vmem>>, vector<16xf32>,
        %get3A_431 = arith.index_cast %add3A_415 : i32 to index
        %get3A_432 = arith.constant 16 : index
        %get3A_433 = tpu.vector_load %arg10[%get3A_431, %get3A_432] {strides = array<i32>} : memref<256x128xf32, #tpu.memory_space<vmem>>, vector<16xf32>,
        %add3A_434 = arith.addf %get3A_430, %get3A_433 : vector<16xf32>
        %mul3A_435 = vector.broadcast %squeeze3A_417 : f32 to vector<16xf32>
        %mul3A_436 = arith.mulf %mul3A_435, %sub3A_97 : vector<16xf32>
        %add3A_437 = arith.addf %add3A_434, %mul3A_436 : vector<16xf32>
        %get3A_438 = arith.index_cast %add3A_415 : i32 to index
        %get3A_439 = arith.constant 32 : index
        %get3A_440 = tpu.vector_load %arg11[%get3A_438, %get3A_439] {strides = array<i32>} : memref<256x128xf32, #tpu.memory_space<vmem>>, vector<16xf32>,
        %get3A_441 = arith.index_cast %add3A_415 : i32 to index
        %get3A_442 = arith.constant 32 : index
        %get3A_443 = tpu.vector_load %arg10[%get3A_441, %get3A_442] {strides = array<i32>} : memref<256x128xf32, #tpu.memory_space<vmem>>, vector<16xf32>,
        %add3A_444 = arith.addf %get3A_440, %get3A_443 : vector<16xf32>
        %mul3A_445 = vector.broadcast %squeeze3A_417 : f32 to vector<16xf32>
        %mul3A_446 = arith.mulf %mul3A_445, %sub3A_98 : vector<16xf32>
        %add3A_447 = arith.addf %add3A_444, %mul3A_446 : vector<16xf32>
        %get3A_448 = arith.index_cast %add3A_415 : i32 to index
        %get3A_449 = arith.constant 48 : index
        %get3A_450 = tpu.vector_load %arg11[%get3A_448, %get3A_449] {strides = array<i32>} : memref<256x128xf32, #tpu.memory_space<vmem>>, vector<16xf32>,
        %get3A_451 = arith.index_cast %add3A_415 : i32 to index
        %get3A_452 = arith.constant 48 : index
        %get3A_453 = tpu.vector_load %arg10[%get3A_451, %get3A_452] {strides = array<i32>} : memref<256x128xf32, #tpu.memory_space<vmem>>, vector<16xf32>,
        %add3A_454 = arith.addf %get3A_450, %get3A_453 : vector<16xf32>
        %mul3A_455 = vector.broadcast %squeeze3A_417 : f32 to vector<16xf32>
        %mul3A_456 = arith.mulf %mul3A_455, %sub3A_99 : vector<16xf32>
        %add3A_457 = arith.addf %add3A_454, %mul3A_456 : vector<16xf32>
        %get3A_458 = arith.index_cast %add3A_415 : i32 to index
        %get3A_459 = arith.constant 64 : index
        %get3A_460 = tpu.vector_load %arg11[%get3A_458, %get3A_459] {strides = array<i32>} : memref<256x128xf32, #tpu.memory_space<vmem>>, vector<16xf32>,
        %get3A_461 = arith.index_cast %add3A_415 : i32 to index
        %get3A_462 = arith.constant 64 : index
        %get3A_463 = tpu.vector_load %arg10[%get3A_461, %get3A_462] {strides = array<i32>} : memref<256x128xf32, #tpu.memory_space<vmem>>, vector<16xf32>,
        %add3A_464 = arith.addf %get3A_460, %get3A_463 : vector<16xf32>
        %mul3A_465 = vector.broadcast %squeeze3A_417 : f32 to vector<16xf32>
        %mul3A_466 = arith.mulf %mul3A_465, %sub3A_100 : vector<16xf32>
        %add3A_467 = arith.addf %add3A_464, %mul3A_466 : vector<16xf32>
        %get3A_468 = arith.index_cast %add3A_415 : i32 to index
        %get3A_469 = arith.constant 80 : index
        %get3A_470 = tpu.vector_load %arg11[%get3A_468, %get3A_469] {strides = array<i32>} : memref<256x128xf32, #tpu.memory_space<vmem>>, vector<16xf32>,
        %get3A_471 = arith.index_cast %add3A_415 : i32 to index
        %get3A_472 = arith.constant 80 : index
        %get3A_473 = tpu.vector_load %arg10[%get3A_471, %get3A_472] {strides = array<i32>} : memref<256x128xf32, #tpu.memory_space<vmem>>, vector<16xf32>,
        %add3A_474 = arith.addf %get3A_470, %get3A_473 : vector<16xf32>
        %mul3A_475 = vector.broadcast %squeeze3A_417 : f32 to vector<16xf32>
        %mul3A_476 = arith.mulf %mul3A_475, %sub3A_101 : vector<16xf32>
        %add3A_477 = arith.addf %add3A_474, %mul3A_476 : vector<16xf32>
        %get3A_478 = arith.index_cast %add3A_415 : i32 to index
        %get3A_479 = arith.constant 96 : index
        %get3A_480 = tpu.vector_load %arg11[%get3A_478, %get3A_479] {strides = array<i32>} : memref<256x128xf32, #tpu.memory_space<vmem>>, vector<16xf32>,
        %get3A_481 = arith.index_cast %add3A_415 : i32 to index
        %get3A_482 = arith.constant 96 : index
        %get3A_483 = tpu.vector_load %arg10[%get3A_481, %get3A_482] {strides = array<i32>} : memref<256x128xf32, #tpu.memory_space<vmem>>, vector<16xf32>,
        %add3A_484 = arith.addf %get3A_480, %get3A_483 : vector<16xf32>
        %mul3A_485 = vector.broadcast %squeeze3A_417 : f32 to vector<16xf32>
        %mul3A_486 = arith.mulf %mul3A_485, %sub3A_102 : vector<16xf32>
        %add3A_487 = arith.addf %add3A_484, %mul3A_486 : vector<16xf32>
        %get3A_488 = arith.index_cast %add3A_415 : i32 to index
        %get3A_489 = arith.constant 112 : index
        %get3A_490 = tpu.vector_load %arg11[%get3A_488, %get3A_489] {strides = array<i32>} : memref<256x128xf32, #tpu.memory_space<vmem>>, vector<16xf32>,
        %get3A_491 = arith.index_cast %add3A_415 : i32 to index
        %get3A_492 = arith.constant 112 : index
        %get3A_493 = tpu.vector_load %arg10[%get3A_491, %get3A_492] {strides = array<i32>} : memref<256x128xf32, #tpu.memory_space<vmem>>, vector<16xf32>,
        %add3A_494 = arith.addf %get3A_490, %get3A_493 : vector<16xf32>
        %mul3A_495 = vector.broadcast %squeeze3A_417 : f32 to vector<16xf32>
        %mul3A_496 = arith.mulf %mul3A_495, %sub3A_103 : vector<16xf32>
        %add3A_497 = arith.addf %add3A_494, %mul3A_496 : vector<16xf32>
        %add3A_498 = arith.addf %add3A_427, %add3A_437 : vector<16xf32>
        %add3A_499 = arith.addf %add3A_447, %add3A_457 : vector<16xf32>
        %add3A_500 = arith.addf %add3A_498, %add3A_499 : vector<16xf32>
        %add3A_501 = arith.addf %add3A_467, %add3A_477 : vector<16xf32>
        %add3A_502 = arith.addf %add3A_487, %add3A_497 : vector<16xf32>
        %add3A_503 = arith.addf %add3A_501, %add3A_502 : vector<16xf32>
        %add3A_504 = arith.addf %add3A_500, %add3A_503 : vector<16xf32>
        %mul3A_505 = arith.mulf %add3A_427, %add3A_427 : vector<16xf32>
        %mul3A_506 = arith.mulf %add3A_437, %add3A_437 : vector<16xf32>
        %add3A_507 = arith.addf %mul3A_505, %mul3A_506 : vector<16xf32>
        %mul3A_508 = arith.mulf %add3A_447, %add3A_447 : vector<16xf32>
        %mul3A_509 = arith.mulf %add3A_457, %add3A_457 : vector<16xf32>
        %add3A_510 = arith.addf %mul3A_508, %mul3A_509 : vector<16xf32>
        %add3A_511 = arith.addf %add3A_507, %add3A_510 : vector<16xf32>
        %mul3A_512 = arith.mulf %add3A_467, %add3A_467 : vector<16xf32>
        %mul3A_513 = arith.mulf %add3A_477, %add3A_477 : vector<16xf32>
        %add3A_514 = arith.addf %mul3A_512, %mul3A_513 : vector<16xf32>
        %add3A_515 = arith.addf %add3A_511, %add3A_514 : vector<16xf32>
        %mul3A_516 = arith.mulf %add3A_487, %add3A_487 : vector<16xf32>
        %mul3A_517 = arith.mulf %add3A_497, %add3A_497 : vector<16xf32>
        %add3A_518 = arith.addf %mul3A_516, %mul3A_517 : vector<16xf32>
        %add3A_519 = arith.addf %add3A_515, %add3A_518 : vector<16xf32>
        %reduce_sum3A_520 = arith.constant true
        %reduce_sum3A_521 = vector.broadcast %reduce_sum3A_520 : i1 to vector<16xi1>
        %reduce_sum3A_522 = tpu.scan <sum>, %add3A_504 masked %reduce_sum3A_521 : vector<16xf32>, vector<16xi1> -> vector<16xf32>
        %reduce_sum3A_523 = vector.extract %reduce_sum3A_522[15] : f32 from vector<16xf32>
        %reduce_sum3A_524 = arith.constant true
        %reduce_sum3A_525 = vector.broadcast %reduce_sum3A_524 : i1 to vector<16xi1>
        %reduce_sum3A_526 = tpu.scan <sum>, %add3A_519 masked %reduce_sum3A_525 : vector<16xf32>, vector<16xi1> -> vector<16xf32>
        %reduce_sum3A_527 = vector.extract %reduce_sum3A_526[15] : f32 from vector<16xf32>
        %mul3A_528 = arith.constant 7.812500e-03 : f32
        %mul3A_529 = arith.mulf %reduce_sum3A_523, %mul3A_528 : f32
        %mul3A_530 = arith.constant 7.812500e-03 : f32
        %mul3A_531 = arith.mulf %reduce_sum3A_527, %mul3A_530 : f32
        %mul3A_532 = arith.mulf %mul3A_529, %mul3A_529 : f32
        %sub3A_533 = arith.subf %mul3A_531, %mul3A_532 : f32
        %add3A_534 = arith.constant 9.99999974E-6 : f32
        %add3A_535 = arith.addf %sub3A_533, %add3A_534 : f32
        %broadcast_in_dim3A_536 = vector.broadcast %add3A_535 : f32 to vector<16xf32>
        %bitcast3A_537 = vector.bitcast %broadcast_in_dim3A_536 : vector<16xf32> to vector<16xi32>
        %shift_right_arithmetic3A_538 = arith.constant 1 : i32
        %shift_right_arithmetic3A_539 = vector.broadcast %shift_right_arithmetic3A_538 : i32 to vector<16xi32>
        %shift_right_arithmetic3A_540 = arith.shrsi %bitcast3A_537, %shift_right_arithmetic3A_539 : vector<16xi32>
        %sub3A_541 = arith.constant 1597463007 : i32
        %sub3A_542 = vector.broadcast %sub3A_541 : i32 to vector<16xi32>
        %sub3A_543 = arith.subi %sub3A_542, %shift_right_arithmetic3A_540 : vector<16xi32>
        %bitcast3A_544 = vector.bitcast %sub3A_543 : vector<16xi32> to vector<16xf32>
        %mul3A_545 = arith.constant 5.000000e-01 : f32
        %mul3A_546 = vector.broadcast %mul3A_545 : f32 to vector<16xf32>
        %mul3A_547 = arith.mulf %mul3A_546, %broadcast_in_dim3A_536 : vector<16xf32>
        %mul3A_548 = arith.mulf %mul3A_547, %bitcast3A_544 : vector<16xf32>
        %mul3A_549 = arith.mulf %mul3A_548, %bitcast3A_544 : vector<16xf32>
        %sub3A_550 = arith.constant 1.500000e+00 : f32
        %sub3A_551 = vector.broadcast %sub3A_550 : f32 to vector<16xf32>
        %sub3A_552 = arith.subf %sub3A_551, %mul3A_549 : vector<16xf32>
        %mul3A_553 = arith.mulf %bitcast3A_544, %sub3A_552 : vector<16xf32>
        %mul3A_554 = arith.constant 5.000000e-01 : f32
        %mul3A_555 = vector.broadcast %mul3A_554 : f32 to vector<16xf32>
        %mul3A_556 = arith.mulf %mul3A_555, %broadcast_in_dim3A_536 : vector<16xf32>
        %mul3A_557 = arith.mulf %mul3A_556, %mul3A_553 : vector<16xf32>
        %mul3A_558 = arith.mulf %mul3A_557, %mul3A_553 : vector<16xf32>
        %sub3A_559 = arith.constant 1.500000e+00 : f32
        %sub3A_560 = vector.broadcast %sub3A_559 : f32 to vector<16xf32>
        %sub3A_561 = arith.subf %sub3A_560, %mul3A_558 : vector<16xf32>
        %mul3A_562 = arith.mulf %mul3A_553, %sub3A_561 : vector<16xf32>
        %mul3A_563 = arith.constant 5.000000e-01 : f32
        %mul3A_564 = vector.broadcast %mul3A_563 : f32 to vector<16xf32>
        %mul3A_565 = arith.mulf %mul3A_564, %broadcast_in_dim3A_536 : vector<16xf32>
        %mul3A_566 = arith.mulf %mul3A_565, %mul3A_562 : vector<16xf32>
        %mul3A_567 = arith.mulf %mul3A_566, %mul3A_562 : vector<16xf32>
        %sub3A_568 = arith.constant 1.500000e+00 : f32
        %sub3A_569 = vector.broadcast %sub3A_568 : f32 to vector<16xf32>
        %sub3A_570 = arith.subf %sub3A_569, %mul3A_567 : vector<16xf32>
        %mul3A_571 = arith.mulf %mul3A_562, %sub3A_570 : vector<16xf32>
        %sub3A_572 = vector.broadcast %mul3A_529 : f32 to vector<16xf32>
        %sub3A_573 = arith.subf %add3A_427, %sub3A_572 : vector<16xf32>
        %mul3A_574 = arith.mulf %sub3A_573, %mul3A_571 : vector<16xf32>
        %mul3A_575 = arith.mulf %mul3A_574, %get3A_105 : vector<16xf32>
        %add3A_576 = arith.addf %mul3A_575, %get3A_121 : vector<16xf32>
        %swap3A_577 = arith.index_cast %add3A_415 : i32 to index
        %swap3A_578 = arith.constant 0 : index
        %swap3A_579 = tpu.vector_load %arg11[%swap3A_577, %swap3A_578] {strides = array<i32>} : memref<256x128xf32, #tpu.memory_space<vmem>>, vector<16xf32>,
        tpu.vector_store %arg11[%swap3A_577, %swap3A_578], %add3A_576 {strides = array<i32>} : memref<256x128xf32, #tpu.memory_space<vmem>>, vector<16xf32>,
        %sub3A_580 = vector.broadcast %mul3A_529 : f32 to vector<16xf32>
        %sub3A_581 = arith.subf %add3A_437, %sub3A_580 : vector<16xf32>
        %mul3A_582 = arith.mulf %sub3A_581, %mul3A_571 : vector<16xf32>
        %mul3A_583 = arith.mulf %mul3A_582, %get3A_107 : vector<16xf32>
        %add3A_584 = arith.addf %mul3A_583, %get3A_123 : vector<16xf32>
        %swap3A_585 = arith.index_cast %add3A_415 : i32 to index
        %swap3A_586 = arith.constant 16 : index
        %swap3A_587 = tpu.vector_load %arg11[%swap3A_585, %swap3A_586] {strides = array<i32>} : memref<256x128xf32, #tpu.memory_space<vmem>>, vector<16xf32>,
        tpu.vector_store %arg11[%swap3A_585, %swap3A_586], %add3A_584 {strides = array<i32>} : memref<256x128xf32, #tpu.memory_space<vmem>>, vector<16xf32>,
        %sub3A_588 = vector.broadcast %mul3A_529 : f32 to vector<16xf32>
        %sub3A_589 = arith.subf %add3A_447, %sub3A_588 : vector<16xf32>
        %mul3A_590 = arith.mulf %sub3A_589, %mul3A_571 : vector<16xf32>
        %mul3A_591 = arith.mulf %mul3A_590, %get3A_109 : vector<16xf32>
        %add3A_592 = arith.addf %mul3A_591, %get3A_125 : vector<16xf32>
        %swap3A_593 = arith.index_cast %add3A_415 : i32 to index
        %swap3A_594 = arith.constant 32 : index
        %swap3A_595 = tpu.vector_load %arg11[%swap3A_593, %swap3A_594] {strides = array<i32>} : memref<256x128xf32, #tpu.memory_space<vmem>>, vector<16xf32>,
        tpu.vector_store %arg11[%swap3A_593, %swap3A_594], %add3A_592 {strides = array<i32>} : memref<256x128xf32, #tpu.memory_space<vmem>>, vector<16xf32>,
        %sub3A_596 = vector.broadcast %mul3A_529 : f32 to vector<16xf32>
        %sub3A_597 = arith.subf %add3A_457, %sub3A_596 : vector<16xf32>
        %mul3A_598 = arith.mulf %sub3A_597, %mul3A_571 : vector<16xf32>
        %mul3A_599 = arith.mulf %mul3A_598, %get3A_111 : vector<16xf32>
        %add3A_600 = arith.addf %mul3A_599, %get3A_127 : vector<16xf32>
        %swap3A_601 = arith.index_cast %add3A_415 : i32 to index
        %swap3A_602 = arith.constant 48 : index
        %swap3A_603 = tpu.vector_load %arg11[%swap3A_601, %swap3A_602] {strides = array<i32>} : memref<256x128xf32, #tpu.memory_space<vmem>>, vector<16xf32>,
        tpu.vector_store %arg11[%swap3A_601, %swap3A_602], %add3A_600 {strides = array<i32>} : memref<256x128xf32, #tpu.memory_space<vmem>>, vector<16xf32>,
        %sub3A_604 = vector.broadcast %mul3A_529 : f32 to vector<16xf32>
        %sub3A_605 = arith.subf %add3A_467, %sub3A_604 : vector<16xf32>
        %mul3A_606 = arith.mulf %sub3A_605, %mul3A_571 : vector<16xf32>
        %mul3A_607 = arith.mulf %mul3A_606, %get3A_113 : vector<16xf32>
        %add3A_608 = arith.addf %mul3A_607, %get3A_129 : vector<16xf32>
        %swap3A_609 = arith.index_cast %add3A_415 : i32 to index
        %swap3A_610 = arith.constant 64 : index
        %swap3A_611 = tpu.vector_load %arg11[%swap3A_609, %swap3A_610] {strides = array<i32>} : memref<256x128xf32, #tpu.memory_space<vmem>>, vector<16xf32>,
        tpu.vector_store %arg11[%swap3A_609, %swap3A_610], %add3A_608 {strides = array<i32>} : memref<256x128xf32, #tpu.memory_space<vmem>>, vector<16xf32>,
        %sub3A_612 = vector.broadcast %mul3A_529 : f32 to vector<16xf32>
        %sub3A_613 = arith.subf %add3A_477, %sub3A_612 : vector<16xf32>
        %mul3A_614 = arith.mulf %sub3A_613, %mul3A_571 : vector<16xf32>
        %mul3A_615 = arith.mulf %mul3A_614, %get3A_115 : vector<16xf32>
        %add3A_616 = arith.addf %mul3A_615, %get3A_131 : vector<16xf32>
        %swap3A_617 = arith.index_cast %add3A_415 : i32 to index
        %swap3A_618 = arith.constant 80 : index
        %swap3A_619 = tpu.vector_load %arg11[%swap3A_617, %swap3A_618] {strides = array<i32>} : memref<256x128xf32, #tpu.memory_space<vmem>>, vector<16xf32>,
        tpu.vector_store %arg11[%swap3A_617, %swap3A_618], %add3A_616 {strides = array<i32>} : memref<256x128xf32, #tpu.memory_space<vmem>>, vector<16xf32>,
        %sub3A_620 = vector.broadcast %mul3A_529 : f32 to vector<16xf32>
        %sub3A_621 = arith.subf %add3A_487, %sub3A_620 : vector<16xf32>
        %mul3A_622 = arith.mulf %sub3A_621, %mul3A_571 : vector<16xf32>
        %mul3A_623 = arith.mulf %mul3A_622, %get3A_117 : vector<16xf32>
        %add3A_624 = arith.addf %mul3A_623, %get3A_133 : vector<16xf32>
        %swap3A_625 = arith.index_cast %add3A_415 : i32 to index
        %swap3A_626 = arith.constant 96 : index
        %swap3A_627 = tpu.vector_load %arg11[%swap3A_625, %swap3A_626] {strides = array<i32>} : memref<256x128xf32, #tpu.memory_space<vmem>>, vector<16xf32>,
        tpu.vector_store %arg11[%swap3A_625, %swap3A_626], %add3A_624 {strides = array<i32>} : memref<256x128xf32, #tpu.memory_space<vmem>>, vector<16xf32>,
        %sub3A_628 = vector.broadcast %mul3A_529 : f32 to vector<16xf32>
        %sub3A_629 = arith.subf %add3A_497, %sub3A_628 : vector<16xf32>
        %mul3A_630 = arith.mulf %sub3A_629, %mul3A_571 : vector<16xf32>
        %mul3A_631 = arith.mulf %mul3A_630, %get3A_119 : vector<16xf32>
        %add3A_632 = arith.addf %mul3A_631, %get3A_135 : vector<16xf32>
        %swap3A_633 = arith.index_cast %add3A_415 : i32 to index
        %swap3A_634 = arith.constant 112 : index
        %swap3A_635 = tpu.vector_load %arg11[%swap3A_633, %swap3A_634] {strides = array<i32>} : memref<256x128xf32, #tpu.memory_space<vmem>>, vector<16xf32>,
        tpu.vector_store %arg11[%swap3A_633, %swap3A_634], %add3A_632 {strides = array<i32>} : memref<256x128xf32, #tpu.memory_space<vmem>>, vector<16xf32>,
        %add3A_636 = arith.constant 2 : i32
        %add3A_637 = arith.addi %mul3A_196, %add3A_636 : i32
        %slice3A_638 = vector.extract_strided_slice %get3A_198 {offsets = [2], sizes = [1], strides = [1]} : vector<16xf32> to vector<1xf32>
        %squeeze3A_639 = vector.extract %slice3A_638[0] : f32 from vector<1xf32>
        %get3A_640 = arith.index_cast %add3A_637 : i32 to index
        %get3A_641 = arith.constant 0 : index
        %get3A_642 = tpu.vector_load %arg11[%get3A_640, %get3A_641] {strides = array<i32>} : memref<256x128xf32, #tpu.memory_space<vmem>>, vector<16xf32>,
        %get3A_643 = arith.index_cast %add3A_637 : i32 to index
        %get3A_644 = arith.constant 0 : index
        %get3A_645 = tpu.vector_load %arg10[%get3A_643, %get3A_644] {strides = array<i32>} : memref<256x128xf32, #tpu.memory_space<vmem>>, vector<16xf32>,
        %add3A_646 = arith.addf %get3A_642, %get3A_645 : vector<16xf32>
        %mul3A_647 = vector.broadcast %squeeze3A_639 : f32 to vector<16xf32>
        %mul3A_648 = arith.mulf %mul3A_647, %sub3A_96 : vector<16xf32>
        %add3A_649 = arith.addf %add3A_646, %mul3A_648 : vector<16xf32>
        %get3A_650 = arith.index_cast %add3A_637 : i32 to index
        %get3A_651 = arith.constant 16 : index
        %get3A_652 = tpu.vector_load %arg11[%get3A_650, %get3A_651] {strides = array<i32>} : memref<256x128xf32, #tpu.memory_space<vmem>>, vector<16xf32>,
        %get3A_653 = arith.index_cast %add3A_637 : i32 to index
        %get3A_654 = arith.constant 16 : index
        %get3A_655 = tpu.vector_load %arg10[%get3A_653, %get3A_654] {strides = array<i32>} : memref<256x128xf32, #tpu.memory_space<vmem>>, vector<16xf32>,
        %add3A_656 = arith.addf %get3A_652, %get3A_655 : vector<16xf32>
        %mul3A_657 = vector.broadcast %squeeze3A_639 : f32 to vector<16xf32>
        %mul3A_658 = arith.mulf %mul3A_657, %sub3A_97 : vector<16xf32>
        %add3A_659 = arith.addf %add3A_656, %mul3A_658 : vector<16xf32>
        %get3A_660 = arith.index_cast %add3A_637 : i32 to index
        %get3A_661 = arith.constant 32 : index
        %get3A_662 = tpu.vector_load %arg11[%get3A_660, %get3A_661] {strides = array<i32>} : memref<256x128xf32, #tpu.memory_space<vmem>>, vector<16xf32>,
        %get3A_663 = arith.index_cast %add3A_637 : i32 to index
        %get3A_664 = arith.constant 32 : index
        %get3A_665 = tpu.vector_load %arg10[%get3A_663, %get3A_664] {strides = array<i32>} : memref<256x128xf32, #tpu.memory_space<vmem>>, vector<16xf32>,
        %add3A_666 = arith.addf %get3A_662, %get3A_665 : vector<16xf32>
        %mul3A_667 = vector.broadcast %squeeze3A_639 : f32 to vector<16xf32>
        %mul3A_668 = arith.mulf %mul3A_667, %sub3A_98 : vector<16xf32>
        %add3A_669 = arith.addf %add3A_666, %mul3A_668 : vector<16xf32>
        %get3A_670 = arith.index_cast %add3A_637 : i32 to index
        %get3A_671 = arith.constant 48 : index
        %get3A_672 = tpu.vector_load %arg11[%get3A_670, %get3A_671] {strides = array<i32>} : memref<256x128xf32, #tpu.memory_space<vmem>>, vector<16xf32>,
        %get3A_673 = arith.index_cast %add3A_637 : i32 to index
        %get3A_674 = arith.constant 48 : index
        %get3A_675 = tpu.vector_load %arg10[%get3A_673, %get3A_674] {strides = array<i32>} : memref<256x128xf32, #tpu.memory_space<vmem>>, vector<16xf32>,
        %add3A_676 = arith.addf %get3A_672, %get3A_675 : vector<16xf32>
        %mul3A_677 = vector.broadcast %squeeze3A_639 : f32 to vector<16xf32>
        %mul3A_678 = arith.mulf %mul3A_677, %sub3A_99 : vector<16xf32>
        %add3A_679 = arith.addf %add3A_676, %mul3A_678 : vector<16xf32>
        %get3A_680 = arith.index_cast %add3A_637 : i32 to index
        %get3A_681 = arith.constant 64 : index
        %get3A_682 = tpu.vector_load %arg11[%get3A_680, %get3A_681] {strides = array<i32>} : memref<256x128xf32, #tpu.memory_space<vmem>>, vector<16xf32>,
        %get3A_683 = arith.index_cast %add3A_637 : i32 to index
        %get3A_684 = arith.constant 64 : index
        %get3A_685 = tpu.vector_load %arg10[%get3A_683, %get3A_684] {strides = array<i32>} : memref<256x128xf32, #tpu.memory_space<vmem>>, vector<16xf32>,
        %add3A_686 = arith.addf %get3A_682, %get3A_685 : vector<16xf32>
        %mul3A_687 = vector.broadcast %squeeze3A_639 : f32 to vector<16xf32>
        %mul3A_688 = arith.mulf %mul3A_687, %sub3A_100 : vector<16xf32>
        %add3A_689 = arith.addf %add3A_686, %mul3A_688 : vector<16xf32>
        %get3A_690 = arith.index_cast %add3A_637 : i32 to index
        %get3A_691 = arith.constant 80 : index
        %get3A_692 = tpu.vector_load %arg11[%get3A_690, %get3A_691] {strides = array<i32>} : memref<256x128xf32, #tpu.memory_space<vmem>>, vector<16xf32>,
        %get3A_693 = arith.index_cast %add3A_637 : i32 to index
        %get3A_694 = arith.constant 80 : index
        %get3A_695 = tpu.vector_load %arg10[%get3A_693, %get3A_694] {strides = array<i32>} : memref<256x128xf32, #tpu.memory_space<vmem>>, vector<16xf32>,
        %add3A_696 = arith.addf %get3A_692, %get3A_695 : vector<16xf32>
        %mul3A_697 = vector.broadcast %squeeze3A_639 : f32 to vector<16xf32>
        %mul3A_698 = arith.mulf %mul3A_697, %sub3A_101 : vector<16xf32>
        %add3A_699 = arith.addf %add3A_696, %mul3A_698 : vector<16xf32>
        %get3A_700 = arith.index_cast %add3A_637 : i32 to index
        %get3A_701 = arith.constant 96 : index
        %get3A_702 = tpu.vector_load %arg11[%get3A_700, %get3A_701] {strides = array<i32>} : memref<256x128xf32, #tpu.memory_space<vmem>>, vector<16xf32>,
        %get3A_703 = arith.index_cast %add3A_637 : i32 to index
        %get3A_704 = arith.constant 96 : index
        %get3A_705 = tpu.vector_load %arg10[%get3A_703, %get3A_704] {strides = array<i32>} : memref<256x128xf32, #tpu.memory_space<vmem>>, vector<16xf32>,
        %add3A_706 = arith.addf %get3A_702, %get3A_705 : vector<16xf32>
        %mul3A_707 = vector.broadcast %squeeze3A_639 : f32 to vector<16xf32>
        %mul3A_708 = arith.mulf %mul3A_707, %sub3A_102 : vector<16xf32>
        %add3A_709 = arith.addf %add3A_706, %mul3A_708 : vector<16xf32>
        %get3A_710 = arith.index_cast %add3A_637 : i32 to index
        %get3A_711 = arith.constant 112 : index
        %get3A_712 = tpu.vector_load %arg11[%get3A_710, %get3A_711] {strides = array<i32>} : memref<256x128xf32, #tpu.memory_space<vmem>>, vector<16xf32>,
        %get3A_713 = arith.index_cast %add3A_637 : i32 to index
        %get3A_714 = arith.constant 112 : index
        %get3A_715 = tpu.vector_load %arg10[%get3A_713, %get3A_714] {strides = array<i32>} : memref<256x128xf32, #tpu.memory_space<vmem>>, vector<16xf32>,
        %add3A_716 = arith.addf %get3A_712, %get3A_715 : vector<16xf32>
        %mul3A_717 = vector.broadcast %squeeze3A_639 : f32 to vector<16xf32>
        %mul3A_718 = arith.mulf %mul3A_717, %sub3A_103 : vector<16xf32>
        %add3A_719 = arith.addf %add3A_716, %mul3A_718 : vector<16xf32>
        %add3A_720 = arith.addf %add3A_649, %add3A_659 : vector<16xf32>
        %add3A_721 = arith.addf %add3A_669, %add3A_679 : vector<16xf32>
        %add3A_722 = arith.addf %add3A_720, %add3A_721 : vector<16xf32>
        %add3A_723 = arith.addf %add3A_689, %add3A_699 : vector<16xf32>
        %add3A_724 = arith.addf %add3A_709, %add3A_719 : vector<16xf32>
        %add3A_725 = arith.addf %add3A_723, %add3A_724 : vector<16xf32>
        %add3A_726 = arith.addf %add3A_722, %add3A_725 : vector<16xf32>
        %mul3A_727 = arith.mulf %add3A_649, %add3A_649 : vector<16xf32>
        %mul3A_728 = arith.mulf %add3A_659, %add3A_659 : vector<16xf32>
        %add3A_729 = arith.addf %mul3A_727, %mul3A_728 : vector<16xf32>
        %mul3A_730 = arith.mulf %add3A_669, %add3A_669 : vector<16xf32>
        %mul3A_731 = arith.mulf %add3A_679, %add3A_679 : vector<16xf32>
        %add3A_732 = arith.addf %mul3A_730, %mul3A_731 : vector<16xf32>
        %add3A_733 = arith.addf %add3A_729, %add3A_732 : vector<16xf32>
        %mul3A_734 = arith.mulf %add3A_689, %add3A_689 : vector<16xf32>
        %mul3A_735 = arith.mulf %add3A_699, %add3A_699 : vector<16xf32>
        %add3A_736 = arith.addf %mul3A_734, %mul3A_735 : vector<16xf32>
        %add3A_737 = arith.addf %add3A_733, %add3A_736 : vector<16xf32>
        %mul3A_738 = arith.mulf %add3A_709, %add3A_709 : vector<16xf32>
        %mul3A_739 = arith.mulf %add3A_719, %add3A_719 : vector<16xf32>
        %add3A_740 = arith.addf %mul3A_738, %mul3A_739 : vector<16xf32>
        %add3A_741 = arith.addf %add3A_737, %add3A_740 : vector<16xf32>
        %reduce_sum3A_742 = arith.constant true
        %reduce_sum3A_743 = vector.broadcast %reduce_sum3A_742 : i1 to vector<16xi1>
        %reduce_sum3A_744 = tpu.scan <sum>, %add3A_726 masked %reduce_sum3A_743 : vector<16xf32>, vector<16xi1> -> vector<16xf32>
        %reduce_sum3A_745 = vector.extract %reduce_sum3A_744[15] : f32 from vector<16xf32>
        %reduce_sum3A_746 = arith.constant true
        %reduce_sum3A_747 = vector.broadcast %reduce_sum3A_746 : i1 to vector<16xi1>
        %reduce_sum3A_748 = tpu.scan <sum>, %add3A_741 masked %reduce_sum3A_747 : vector<16xf32>, vector<16xi1> -> vector<16xf32>
        %reduce_sum3A_749 = vector.extract %reduce_sum3A_748[15] : f32 from vector<16xf32>
        %mul3A_750 = arith.constant 7.812500e-03 : f32
        %mul3A_751 = arith.mulf %reduce_sum3A_745, %mul3A_750 : f32
        %mul3A_752 = arith.constant 7.812500e-03 : f32
        %mul3A_753 = arith.mulf %reduce_sum3A_749, %mul3A_752 : f32
        %mul3A_754 = arith.mulf %mul3A_751, %mul3A_751 : f32
        %sub3A_755 = arith.subf %mul3A_753, %mul3A_754 : f32
        %add3A_756 = arith.constant 9.99999974E-6 : f32
        %add3A_757 = arith.addf %sub3A_755, %add3A_756 : f32
        %broadcast_in_dim3A_758 = vector.broadcast %add3A_757 : f32 to vector<16xf32>
        %bitcast3A_759 = vector.bitcast %broadcast_in_dim3A_758 : vector<16xf32> to vector<16xi32>
        %shift_right_arithmetic3A_760 = arith.constant 1 : i32
        %shift_right_arithmetic3A_761 = vector.broadcast %shift_right_arithmetic3A_760 : i32 to vector<16xi32>
        %shift_right_arithmetic3A_762 = arith.shrsi %bitcast3A_759, %shift_right_arithmetic3A_761 : vector<16xi32>
        %sub3A_763 = arith.constant 1597463007 : i32
        %sub3A_764 = vector.broadcast %sub3A_763 : i32 to vector<16xi32>
        %sub3A_765 = arith.subi %sub3A_764, %shift_right_arithmetic3A_762 : vector<16xi32>
        %bitcast3A_766 = vector.bitcast %sub3A_765 : vector<16xi32> to vector<16xf32>
        %mul3A_767 = arith.constant 5.000000e-01 : f32
        %mul3A_768 = vector.broadcast %mul3A_767 : f32 to vector<16xf32>
        %mul3A_769 = arith.mulf %mul3A_768, %broadcast_in_dim3A_758 : vector<16xf32>
        %mul3A_770 = arith.mulf %mul3A_769, %bitcast3A_766 : vector<16xf32>
        %mul3A_771 = arith.mulf %mul3A_770, %bitcast3A_766 : vector<16xf32>
        %sub3A_772 = arith.constant 1.500000e+00 : f32
        %sub3A_773 = vector.broadcast %sub3A_772 : f32 to vector<16xf32>
        %sub3A_774 = arith.subf %sub3A_773, %mul3A_771 : vector<16xf32>
        %mul3A_775 = arith.mulf %bitcast3A_766, %sub3A_774 : vector<16xf32>
        %mul3A_776 = arith.constant 5.000000e-01 : f32
        %mul3A_777 = vector.broadcast %mul3A_776 : f32 to vector<16xf32>
        %mul3A_778 = arith.mulf %mul3A_777, %broadcast_in_dim3A_758 : vector<16xf32>
        %mul3A_779 = arith.mulf %mul3A_778, %mul3A_775 : vector<16xf32>
        %mul3A_780 = arith.mulf %mul3A_779, %mul3A_775 : vector<16xf32>
        %sub3A_781 = arith.constant 1.500000e+00 : f32
        %sub3A_782 = vector.broadcast %sub3A_781 : f32 to vector<16xf32>
        %sub3A_783 = arith.subf %sub3A_782, %mul3A_780 : vector<16xf32>
        %mul3A_784 = arith.mulf %mul3A_775, %sub3A_783 : vector<16xf32>
        %mul3A_785 = arith.constant 5.000000e-01 : f32
        %mul3A_786 = vector.broadcast %mul3A_785 : f32 to vector<16xf32>
        %mul3A_787 = arith.mulf %mul3A_786, %broadcast_in_dim3A_758 : vector<16xf32>
        %mul3A_788 = arith.mulf %mul3A_787, %mul3A_784 : vector<16xf32>
        %mul3A_789 = arith.mulf %mul3A_788, %mul3A_784 : vector<16xf32>
        %sub3A_790 = arith.constant 1.500000e+00 : f32
        %sub3A_791 = vector.broadcast %sub3A_790 : f32 to vector<16xf32>
        %sub3A_792 = arith.subf %sub3A_791, %mul3A_789 : vector<16xf32>
        %mul3A_793 = arith.mulf %mul3A_784, %sub3A_792 : vector<16xf32>
        %sub3A_794 = vector.broadcast %mul3A_751 : f32 to vector<16xf32>
        %sub3A_795 = arith.subf %add3A_649, %sub3A_794 : vector<16xf32>
        %mul3A_796 = arith.mulf %sub3A_795, %mul3A_793 : vector<16xf32>
        %mul3A_797 = arith.mulf %mul3A_796, %get3A_105 : vector<16xf32>
        %add3A_798 = arith.addf %mul3A_797, %get3A_121 : vector<16xf32>
        %swap3A_799 = arith.index_cast %add3A_637 : i32 to index
        %swap3A_800 = arith.constant 0 : index
        %swap3A_801 = tpu.vector_load %arg11[%swap3A_799, %swap3A_800] {strides = array<i32>} : memref<256x128xf32, #tpu.memory_space<vmem>>, vector<16xf32>,
        tpu.vector_store %arg11[%swap3A_799, %swap3A_800], %add3A_798 {strides = array<i32>} : memref<256x128xf32, #tpu.memory_space<vmem>>, vector<16xf32>,
        %sub3A_802 = vector.broadcast %mul3A_751 : f32 to vector<16xf32>
        %sub3A_803 = arith.subf %add3A_659, %sub3A_802 : vector<16xf32>
        %mul3A_804 = arith.mulf %sub3A_803, %mul3A_793 : vector<16xf32>
        %mul3A_805 = arith.mulf %mul3A_804, %get3A_107 : vector<16xf32>
        %add3A_806 = arith.addf %mul3A_805, %get3A_123 : vector<16xf32>
        %swap3A_807 = arith.index_cast %add3A_637 : i32 to index
        %swap3A_808 = arith.constant 16 : index
        %swap3A_809 = tpu.vector_load %arg11[%swap3A_807, %swap3A_808] {strides = array<i32>} : memref<256x128xf32, #tpu.memory_space<vmem>>, vector<16xf32>,
        tpu.vector_store %arg11[%swap3A_807, %swap3A_808], %add3A_806 {strides = array<i32>} : memref<256x128xf32, #tpu.memory_space<vmem>>, vector<16xf32>,
        %sub3A_810 = vector.broadcast %mul3A_751 : f32 to vector<16xf32>
        %sub3A_811 = arith.subf %add3A_669, %sub3A_810 : vector<16xf32>
        %mul3A_812 = arith.mulf %sub3A_811, %mul3A_793 : vector<16xf32>
        %mul3A_813 = arith.mulf %mul3A_812, %get3A_109 : vector<16xf32>
        %add3A_814 = arith.addf %mul3A_813, %get3A_125 : vector<16xf32>
        %swap3A_815 = arith.index_cast %add3A_637 : i32 to index
        %swap3A_816 = arith.constant 32 : index
        %swap3A_817 = tpu.vector_load %arg11[%swap3A_815, %swap3A_816] {strides = array<i32>} : memref<256x128xf32, #tpu.memory_space<vmem>>, vector<16xf32>,
        tpu.vector_store %arg11[%swap3A_815, %swap3A_816], %add3A_814 {strides = array<i32>} : memref<256x128xf32, #tpu.memory_space<vmem>>, vector<16xf32>,
        %sub3A_818 = vector.broadcast %mul3A_751 : f32 to vector<16xf32>
        %sub3A_819 = arith.subf %add3A_679, %sub3A_818 : vector<16xf32>
        %mul3A_820 = arith.mulf %sub3A_819, %mul3A_793 : vector<16xf32>
        %mul3A_821 = arith.mulf %mul3A_820, %get3A_111 : vector<16xf32>
        %add3A_822 = arith.addf %mul3A_821, %get3A_127 : vector<16xf32>
        %swap3A_823 = arith.index_cast %add3A_637 : i32 to index
        %swap3A_824 = arith.constant 48 : index
        %swap3A_825 = tpu.vector_load %arg11[%swap3A_823, %swap3A_824] {strides = array<i32>} : memref<256x128xf32, #tpu.memory_space<vmem>>, vector<16xf32>,
        tpu.vector_store %arg11[%swap3A_823, %swap3A_824], %add3A_822 {strides = array<i32>} : memref<256x128xf32, #tpu.memory_space<vmem>>, vector<16xf32>,
        %sub3A_826 = vector.broadcast %mul3A_751 : f32 to vector<16xf32>
        %sub3A_827 = arith.subf %add3A_689, %sub3A_826 : vector<16xf32>
        %mul3A_828 = arith.mulf %sub3A_827, %mul3A_793 : vector<16xf32>
        %mul3A_829 = arith.mulf %mul3A_828, %get3A_113 : vector<16xf32>
        %add3A_830 = arith.addf %mul3A_829, %get3A_129 : vector<16xf32>
        %swap3A_831 = arith.index_cast %add3A_637 : i32 to index
        %swap3A_832 = arith.constant 64 : index
        %swap3A_833 = tpu.vector_load %arg11[%swap3A_831, %swap3A_832] {strides = array<i32>} : memref<256x128xf32, #tpu.memory_space<vmem>>, vector<16xf32>,
        tpu.vector_store %arg11[%swap3A_831, %swap3A_832], %add3A_830 {strides = array<i32>} : memref<256x128xf32, #tpu.memory_space<vmem>>, vector<16xf32>,
        %sub3A_834 = vector.broadcast %mul3A_751 : f32 to vector<16xf32>
        %sub3A_835 = arith.subf %add3A_699, %sub3A_834 : vector<16xf32>
        %mul3A_836 = arith.mulf %sub3A_835, %mul3A_793 : vector<16xf32>
        %mul3A_837 = arith.mulf %mul3A_836, %get3A_115 : vector<16xf32>
        %add3A_838 = arith.addf %mul3A_837, %get3A_131 : vector<16xf32>
        %swap3A_839 = arith.index_cast %add3A_637 : i32 to index
        %swap3A_840 = arith.constant 80 : index
        %swap3A_841 = tpu.vector_load %arg11[%swap3A_839, %swap3A_840] {strides = array<i32>} : memref<256x128xf32, #tpu.memory_space<vmem>>, vector<16xf32>,
        tpu.vector_store %arg11[%swap3A_839, %swap3A_840], %add3A_838 {strides = array<i32>} : memref<256x128xf32, #tpu.memory_space<vmem>>, vector<16xf32>,
        %sub3A_842 = vector.broadcast %mul3A_751 : f32 to vector<16xf32>
        %sub3A_843 = arith.subf %add3A_709, %sub3A_842 : vector<16xf32>
        %mul3A_844 = arith.mulf %sub3A_843, %mul3A_793 : vector<16xf32>
        %mul3A_845 = arith.mulf %mul3A_844, %get3A_117 : vector<16xf32>
        %add3A_846 = arith.addf %mul3A_845, %get3A_133 : vector<16xf32>
        %swap3A_847 = arith.index_cast %add3A_637 : i32 to index
        %swap3A_848 = arith.constant 96 : index
        %swap3A_849 = tpu.vector_load %arg11[%swap3A_847, %swap3A_848] {strides = array<i32>} : memref<256x128xf32, #tpu.memory_space<vmem>>, vector<16xf32>,
        tpu.vector_store %arg11[%swap3A_847, %swap3A_848], %add3A_846 {strides = array<i32>} : memref<256x128xf32, #tpu.memory_space<vmem>>, vector<16xf32>,
        %sub3A_850 = vector.broadcast %mul3A_751 : f32 to vector<16xf32>
        %sub3A_851 = arith.subf %add3A_719, %sub3A_850 : vector<16xf32>
        %mul3A_852 = arith.mulf %sub3A_851, %mul3A_793 : vector<16xf32>
        %mul3A_853 = arith.mulf %mul3A_852, %get3A_119 : vector<16xf32>
        %add3A_854 = arith.addf %mul3A_853, %get3A_135 : vector<16xf32>
        %swap3A_855 = arith.index_cast %add3A_637 : i32 to index
        %swap3A_856 = arith.constant 112 : index
        %swap3A_857 = tpu.vector_load %arg11[%swap3A_855, %swap3A_856] {strides = array<i32>} : memref<256x128xf32, #tpu.memory_space<vmem>>, vector<16xf32>,
        tpu.vector_store %arg11[%swap3A_855, %swap3A_856], %add3A_854 {strides = array<i32>} : memref<256x128xf32, #tpu.memory_space<vmem>>, vector<16xf32>,
        %add3A_858 = arith.constant 3 : i32
        %add3A_859 = arith.addi %mul3A_196, %add3A_858 : i32
        %slice3A_860 = vector.extract_strided_slice %get3A_198 {offsets = [3], sizes = [1], strides = [1]} : vector<16xf32> to vector<1xf32>
        %squeeze3A_861 = vector.extract %slice3A_860[0] : f32 from vector<1xf32>
        %get3A_862 = arith.index_cast %add3A_859 : i32 to index
        %get3A_863 = arith.constant 0 : index
        %get3A_864 = tpu.vector_load %arg11[%get3A_862, %get3A_863] {strides = array<i32>} : memref<256x128xf32, #tpu.memory_space<vmem>>, vector<16xf32>,
        %get3A_865 = arith.index_cast %add3A_859 : i32 to index
        %get3A_866 = arith.constant 0 : index
        %get3A_867 = tpu.vector_load %arg10[%get3A_865, %get3A_866] {strides = array<i32>} : memref<256x128xf32, #tpu.memory_space<vmem>>, vector<16xf32>,
        %add3A_868 = arith.addf %get3A_864, %get3A_867 : vector<16xf32>
        %mul3A_869 = vector.broadcast %squeeze3A_861 : f32 to vector<16xf32>
        %mul3A_870 = arith.mulf %mul3A_869, %sub3A_96 : vector<16xf32>
        %add3A_871 = arith.addf %add3A_868, %mul3A_870 : vector<16xf32>
        %get3A_872 = arith.index_cast %add3A_859 : i32 to index
        %get3A_873 = arith.constant 16 : index
        %get3A_874 = tpu.vector_load %arg11[%get3A_872, %get3A_873] {strides = array<i32>} : memref<256x128xf32, #tpu.memory_space<vmem>>, vector<16xf32>,
        %get3A_875 = arith.index_cast %add3A_859 : i32 to index
        %get3A_876 = arith.constant 16 : index
        %get3A_877 = tpu.vector_load %arg10[%get3A_875, %get3A_876] {strides = array<i32>} : memref<256x128xf32, #tpu.memory_space<vmem>>, vector<16xf32>,
        %add3A_878 = arith.addf %get3A_874, %get3A_877 : vector<16xf32>
        %mul3A_879 = vector.broadcast %squeeze3A_861 : f32 to vector<16xf32>
        %mul3A_880 = arith.mulf %mul3A_879, %sub3A_97 : vector<16xf32>
        %add3A_881 = arith.addf %add3A_878, %mul3A_880 : vector<16xf32>
        %get3A_882 = arith.index_cast %add3A_859 : i32 to index
        %get3A_883 = arith.constant 32 : index
        %get3A_884 = tpu.vector_load %arg11[%get3A_882, %get3A_883] {strides = array<i32>} : memref<256x128xf32, #tpu.memory_space<vmem>>, vector<16xf32>,
        %get3A_885 = arith.index_cast %add3A_859 : i32 to index
        %get3A_886 = arith.constant 32 : index
        %get3A_887 = tpu.vector_load %arg10[%get3A_885, %get3A_886] {strides = array<i32>} : memref<256x128xf32, #tpu.memory_space<vmem>>, vector<16xf32>,
        %add3A_888 = arith.addf %get3A_884, %get3A_887 : vector<16xf32>
        %mul3A_889 = vector.broadcast %squeeze3A_861 : f32 to vector<16xf32>
        %mul3A_890 = arith.mulf %mul3A_889, %sub3A_98 : vector<16xf32>
        %add3A_891 = arith.addf %add3A_888, %mul3A_890 : vector<16xf32>
        %get3A_892 = arith.index_cast %add3A_859 : i32 to index
        %get3A_893 = arith.constant 48 : index
        %get3A_894 = tpu.vector_load %arg11[%get3A_892, %get3A_893] {strides = array<i32>} : memref<256x128xf32, #tpu.memory_space<vmem>>, vector<16xf32>,
        %get3A_895 = arith.index_cast %add3A_859 : i32 to index
        %get3A_896 = arith.constant 48 : index
        %get3A_897 = tpu.vector_load %arg10[%get3A_895, %get3A_896] {strides = array<i32>} : memref<256x128xf32, #tpu.memory_space<vmem>>, vector<16xf32>,
        %add3A_898 = arith.addf %get3A_894, %get3A_897 : vector<16xf32>
        %mul3A_899 = vector.broadcast %squeeze3A_861 : f32 to vector<16xf32>
        %mul3A_900 = arith.mulf %mul3A_899, %sub3A_99 : vector<16xf32>
        %add3A_901 = arith.addf %add3A_898, %mul3A_900 : vector<16xf32>
        %get3A_902 = arith.index_cast %add3A_859 : i32 to index
        %get3A_903 = arith.constant 64 : index
        %get3A_904 = tpu.vector_load %arg11[%get3A_902, %get3A_903] {strides = array<i32>} : memref<256x128xf32, #tpu.memory_space<vmem>>, vector<16xf32>,
        %get3A_905 = arith.index_cast %add3A_859 : i32 to index
        %get3A_906 = arith.constant 64 : index
        %get3A_907 = tpu.vector_load %arg10[%get3A_905, %get3A_906] {strides = array<i32>} : memref<256x128xf32, #tpu.memory_space<vmem>>, vector<16xf32>,
        %add3A_908 = arith.addf %get3A_904, %get3A_907 : vector<16xf32>
        %mul3A_909 = vector.broadcast %squeeze3A_861 : f32 to vector<16xf32>
        %mul3A_910 = arith.mulf %mul3A_909, %sub3A_100 : vector<16xf32>
        %add3A_911 = arith.addf %add3A_908, %mul3A_910 : vector<16xf32>
        %get3A_912 = arith.index_cast %add3A_859 : i32 to index
        %get3A_913 = arith.constant 80 : index
        %get3A_914 = tpu.vector_load %arg11[%get3A_912, %get3A_913] {strides = array<i32>} : memref<256x128xf32, #tpu.memory_space<vmem>>, vector<16xf32>,
        %get3A_915 = arith.index_cast %add3A_859 : i32 to index
        %get3A_916 = arith.constant 80 : index
        %get3A_917 = tpu.vector_load %arg10[%get3A_915, %get3A_916] {strides = array<i32>} : memref<256x128xf32, #tpu.memory_space<vmem>>, vector<16xf32>,
        %add3A_918 = arith.addf %get3A_914, %get3A_917 : vector<16xf32>
        %mul3A_919 = vector.broadcast %squeeze3A_861 : f32 to vector<16xf32>
        %mul3A_920 = arith.mulf %mul3A_919, %sub3A_101 : vector<16xf32>
        %add3A_921 = arith.addf %add3A_918, %mul3A_920 : vector<16xf32>
        %get3A_922 = arith.index_cast %add3A_859 : i32 to index
        %get3A_923 = arith.constant 96 : index
        %get3A_924 = tpu.vector_load %arg11[%get3A_922, %get3A_923] {strides = array<i32>} : memref<256x128xf32, #tpu.memory_space<vmem>>, vector<16xf32>,
        %get3A_925 = arith.index_cast %add3A_859 : i32 to index
        %get3A_926 = arith.constant 96 : index
        %get3A_927 = tpu.vector_load %arg10[%get3A_925, %get3A_926] {strides = array<i32>} : memref<256x128xf32, #tpu.memory_space<vmem>>, vector<16xf32>,
        %add3A_928 = arith.addf %get3A_924, %get3A_927 : vector<16xf32>
        %mul3A_929 = vector.broadcast %squeeze3A_861 : f32 to vector<16xf32>
        %mul3A_930 = arith.mulf %mul3A_929, %sub3A_102 : vector<16xf32>
        %add3A_931 = arith.addf %add3A_928, %mul3A_930 : vector<16xf32>
        %get3A_932 = arith.index_cast %add3A_859 : i32 to index
        %get3A_933 = arith.constant 112 : index
        %get3A_934 = tpu.vector_load %arg11[%get3A_932, %get3A_933] {strides = array<i32>} : memref<256x128xf32, #tpu.memory_space<vmem>>, vector<16xf32>,
        %get3A_935 = arith.index_cast %add3A_859 : i32 to index
        %get3A_936 = arith.constant 112 : index
        %get3A_937 = tpu.vector_load %arg10[%get3A_935, %get3A_936] {strides = array<i32>} : memref<256x128xf32, #tpu.memory_space<vmem>>, vector<16xf32>,
        %add3A_938 = arith.addf %get3A_934, %get3A_937 : vector<16xf32>
        %mul3A_939 = vector.broadcast %squeeze3A_861 : f32 to vector<16xf32>
        %mul3A_940 = arith.mulf %mul3A_939, %sub3A_103 : vector<16xf32>
        %add3A_941 = arith.addf %add3A_938, %mul3A_940 : vector<16xf32>
        %add3A_942 = arith.addf %add3A_871, %add3A_881 : vector<16xf32>
        %add3A_943 = arith.addf %add3A_891, %add3A_901 : vector<16xf32>
        %add3A_944 = arith.addf %add3A_942, %add3A_943 : vector<16xf32>
        %add3A_945 = arith.addf %add3A_911, %add3A_921 : vector<16xf32>
        %add3A_946 = arith.addf %add3A_931, %add3A_941 : vector<16xf32>
        %add3A_947 = arith.addf %add3A_945, %add3A_946 : vector<16xf32>
        %add3A_948 = arith.addf %add3A_944, %add3A_947 : vector<16xf32>
        %mul3A_949 = arith.mulf %add3A_871, %add3A_871 : vector<16xf32>
        %mul3A_950 = arith.mulf %add3A_881, %add3A_881 : vector<16xf32>
        %add3A_951 = arith.addf %mul3A_949, %mul3A_950 : vector<16xf32>
        %mul3A_952 = arith.mulf %add3A_891, %add3A_891 : vector<16xf32>
        %mul3A_953 = arith.mulf %add3A_901, %add3A_901 : vector<16xf32>
        %add3A_954 = arith.addf %mul3A_952, %mul3A_953 : vector<16xf32>
        %add3A_955 = arith.addf %add3A_951, %add3A_954 : vector<16xf32>
        %mul3A_956 = arith.mulf %add3A_911, %add3A_911 : vector<16xf32>
        %mul3A_957 = arith.mulf %add3A_921, %add3A_921 : vector<16xf32>
        %add3A_958 = arith.addf %mul3A_956, %mul3A_957 : vector<16xf32>
        %add3A_959 = arith.addf %add3A_955, %add3A_958 : vector<16xf32>
        %mul3A_960 = arith.mulf %add3A_931, %add3A_931 : vector<16xf32>
        %mul3A_961 = arith.mulf %add3A_941, %add3A_941 : vector<16xf32>
        %add3A_962 = arith.addf %mul3A_960, %mul3A_961 : vector<16xf32>
        %add3A_963 = arith.addf %add3A_959, %add3A_962 : vector<16xf32>
        %reduce_sum3A_964 = arith.constant true
        %reduce_sum3A_965 = vector.broadcast %reduce_sum3A_964 : i1 to vector<16xi1>
        %reduce_sum3A_966 = tpu.scan <sum>, %add3A_948 masked %reduce_sum3A_965 : vector<16xf32>, vector<16xi1> -> vector<16xf32>
        %reduce_sum3A_967 = vector.extract %reduce_sum3A_966[15] : f32 from vector<16xf32>
        %reduce_sum3A_968 = arith.constant true
        %reduce_sum3A_969 = vector.broadcast %reduce_sum3A_968 : i1 to vector<16xi1>
        %reduce_sum3A_970 = tpu.scan <sum>, %add3A_963 masked %reduce_sum3A_969 : vector<16xf32>, vector<16xi1> -> vector<16xf32>
        %reduce_sum3A_971 = vector.extract %reduce_sum3A_970[15] : f32 from vector<16xf32>
        %mul3A_972 = arith.constant 7.812500e-03 : f32
        %mul3A_973 = arith.mulf %reduce_sum3A_967, %mul3A_972 : f32
        %mul3A_974 = arith.constant 7.812500e-03 : f32
        %mul3A_975 = arith.mulf %reduce_sum3A_971, %mul3A_974 : f32
        %mul3A_976 = arith.mulf %mul3A_973, %mul3A_973 : f32
        %sub3A_977 = arith.subf %mul3A_975, %mul3A_976 : f32
        %add3A_978 = arith.constant 9.99999974E-6 : f32
        %add3A_979 = arith.addf %sub3A_977, %add3A_978 : f32
        %broadcast_in_dim3A_980 = vector.broadcast %add3A_979 : f32 to vector<16xf32>
        %bitcast3A_981 = vector.bitcast %broadcast_in_dim3A_980 : vector<16xf32> to vector<16xi32>
        %shift_right_arithmetic3A_982 = arith.constant 1 : i32
        %shift_right_arithmetic3A_983 = vector.broadcast %shift_right_arithmetic3A_982 : i32 to vector<16xi32>
        %shift_right_arithmetic3A_984 = arith.shrsi %bitcast3A_981, %shift_right_arithmetic3A_983 : vector<16xi32>
        %sub3A_985 = arith.constant 1597463007 : i32
        %sub3A_986 = vector.broadcast %sub3A_985 : i32 to vector<16xi32>
        %sub3A_987 = arith.subi %sub3A_986, %shift_right_arithmetic3A_984 : vector<16xi32>
        %bitcast3A_988 = vector.bitcast %sub3A_987 : vector<16xi32> to vector<16xf32>
        %mul3A_989 = arith.constant 5.000000e-01 : f32
        %mul3A_990 = vector.broadcast %mul3A_989 : f32 to vector<16xf32>
        %mul3A_991 = arith.mulf %mul3A_990, %broadcast_in_dim3A_980 : vector<16xf32>
        %mul3A_992 = arith.mulf %mul3A_991, %bitcast3A_988 : vector<16xf32>
        %mul3A_993 = arith.mulf %mul3A_992, %bitcast3A_988 : vector<16xf32>
        %sub3A_994 = arith.constant 1.500000e+00 : f32
        %sub3A_995 = vector.broadcast %sub3A_994 : f32 to vector<16xf32>
        %sub3A_996 = arith.subf %sub3A_995, %mul3A_993 : vector<16xf32>
        %mul3A_997 = arith.mulf %bitcast3A_988, %sub3A_996 : vector<16xf32>
        %mul3A_998 = arith.constant 5.000000e-01 : f32
        %mul3A_999 = vector.broadcast %mul3A_998 : f32 to vector<16xf32>
        %mul3A_1000 = arith.mulf %mul3A_999, %broadcast_in_dim3A_980 : vector<16xf32>
        %mul3A_1001 = arith.mulf %mul3A_1000, %mul3A_997 : vector<16xf32>
        %mul3A_1002 = arith.mulf %mul3A_1001, %mul3A_997 : vector<16xf32>
        %sub3A_1003 = arith.constant 1.500000e+00 : f32
        %sub3A_1004 = vector.broadcast %sub3A_1003 : f32 to vector<16xf32>
        %sub3A_1005 = arith.subf %sub3A_1004, %mul3A_1002 : vector<16xf32>
        %mul3A_1006 = arith.mulf %mul3A_997, %sub3A_1005 : vector<16xf32>
        %mul3A_1007 = arith.constant 5.000000e-01 : f32
        %mul3A_1008 = vector.broadcast %mul3A_1007 : f32 to vector<16xf32>
        %mul3A_1009 = arith.mulf %mul3A_1008, %broadcast_in_dim3A_980 : vector<16xf32>
        %mul3A_1010 = arith.mulf %mul3A_1009, %mul3A_1006 : vector<16xf32>
        %mul3A_1011 = arith.mulf %mul3A_1010, %mul3A_1006 : vector<16xf32>
        %sub3A_1012 = arith.constant 1.500000e+00 : f32
        %sub3A_1013 = vector.broadcast %sub3A_1012 : f32 to vector<16xf32>
        %sub3A_1014 = arith.subf %sub3A_1013, %mul3A_1011 : vector<16xf32>
        %mul3A_1015 = arith.mulf %mul3A_1006, %sub3A_1014 : vector<16xf32>
        %sub3A_1016 = vector.broadcast %mul3A_973 : f32 to vector<16xf32>
        %sub3A_1017 = arith.subf %add3A_871, %sub3A_1016 : vector<16xf32>
        %mul3A_1018 = arith.mulf %sub3A_1017, %mul3A_1015 : vector<16xf32>
        %mul3A_1019 = arith.mulf %mul3A_1018, %get3A_105 : vector<16xf32>
        %add3A_1020 = arith.addf %mul3A_1019, %get3A_121 : vector<16xf32>
        %swap3A_1021 = arith.index_cast %add3A_859 : i32 to index
        %swap3A_1022 = arith.constant 0 : index
        %swap3A_1023 = tpu.vector_load %arg11[%swap3A_1021, %swap3A_1022] {strides = array<i32>} : memref<256x128xf32, #tpu.memory_space<vmem>>, vector<16xf32>,
        tpu.vector_store %arg11[%swap3A_1021, %swap3A_1022], %add3A_1020 {strides = array<i32>} : memref<256x128xf32, #tpu.memory_space<vmem>>, vector<16xf32>,
        %sub3A_1024 = vector.broadcast %mul3A_973 : f32 to vector<16xf32>
        %sub3A_1025 = arith.subf %add3A_881, %sub3A_1024 : vector<16xf32>
        %mul3A_1026 = arith.mulf %sub3A_1025, %mul3A_1015 : vector<16xf32>
        %mul3A_1027 = arith.mulf %mul3A_1026, %get3A_107 : vector<16xf32>
        %add3A_1028 = arith.addf %mul3A_1027, %get3A_123 : vector<16xf32>
        %swap3A_1029 = arith.index_cast %add3A_859 : i32 to index
        %swap3A_1030 = arith.constant 16 : index
        %swap3A_1031 = tpu.vector_load %arg11[%swap3A_1029, %swap3A_1030] {strides = array<i32>} : memref<256x128xf32, #tpu.memory_space<vmem>>, vector<16xf32>,
        tpu.vector_store %arg11[%swap3A_1029, %swap3A_1030], %add3A_1028 {strides = array<i32>} : memref<256x128xf32, #tpu.memory_space<vmem>>, vector<16xf32>,
        %sub3A_1032 = vector.broadcast %mul3A_973 : f32 to vector<16xf32>
        %sub3A_1033 = arith.subf %add3A_891, %sub3A_1032 : vector<16xf32>
        %mul3A_1034 = arith.mulf %sub3A_1033, %mul3A_1015 : vector<16xf32>
        %mul3A_1035 = arith.mulf %mul3A_1034, %get3A_109 : vector<16xf32>
        %add3A_1036 = arith.addf %mul3A_1035, %get3A_125 : vector<16xf32>
        %swap3A_1037 = arith.index_cast %add3A_859 : i32 to index
        %swap3A_1038 = arith.constant 32 : index
        %swap3A_1039 = tpu.vector_load %arg11[%swap3A_1037, %swap3A_1038] {strides = array<i32>} : memref<256x128xf32, #tpu.memory_space<vmem>>, vector<16xf32>,
        tpu.vector_store %arg11[%swap3A_1037, %swap3A_1038], %add3A_1036 {strides = array<i32>} : memref<256x128xf32, #tpu.memory_space<vmem>>, vector<16xf32>,
        %sub3A_1040 = vector.broadcast %mul3A_973 : f32 to vector<16xf32>
        %sub3A_1041 = arith.subf %add3A_901, %sub3A_1040 : vector<16xf32>
        %mul3A_1042 = arith.mulf %sub3A_1041, %mul3A_1015 : vector<16xf32>
        %mul3A_1043 = arith.mulf %mul3A_1042, %get3A_111 : vector<16xf32>
        %add3A_1044 = arith.addf %mul3A_1043, %get3A_127 : vector<16xf32>
        %swap3A_1045 = arith.index_cast %add3A_859 : i32 to index
        %swap3A_1046 = arith.constant 48 : index
        %swap3A_1047 = tpu.vector_load %arg11[%swap3A_1045, %swap3A_1046] {strides = array<i32>} : memref<256x128xf32, #tpu.memory_space<vmem>>, vector<16xf32>,
        tpu.vector_store %arg11[%swap3A_1045, %swap3A_1046], %add3A_1044 {strides = array<i32>} : memref<256x128xf32, #tpu.memory_space<vmem>>, vector<16xf32>,
        %sub3A_1048 = vector.broadcast %mul3A_973 : f32 to vector<16xf32>
        %sub3A_1049 = arith.subf %add3A_911, %sub3A_1048 : vector<16xf32>
        %mul3A_1050 = arith.mulf %sub3A_1049, %mul3A_1015 : vector<16xf32>
        %mul3A_1051 = arith.mulf %mul3A_1050, %get3A_113 : vector<16xf32>
        %add3A_1052 = arith.addf %mul3A_1051, %get3A_129 : vector<16xf32>
        %swap3A_1053 = arith.index_cast %add3A_859 : i32 to index
        %swap3A_1054 = arith.constant 64 : index
        %swap3A_1055 = tpu.vector_load %arg11[%swap3A_1053, %swap3A_1054] {strides = array<i32>} : memref<256x128xf32, #tpu.memory_space<vmem>>, vector<16xf32>,
        tpu.vector_store %arg11[%swap3A_1053, %swap3A_1054], %add3A_1052 {strides = array<i32>} : memref<256x128xf32, #tpu.memory_space<vmem>>, vector<16xf32>,
        %sub3A_1056 = vector.broadcast %mul3A_973 : f32 to vector<16xf32>
        %sub3A_1057 = arith.subf %add3A_921, %sub3A_1056 : vector<16xf32>
        %mul3A_1058 = arith.mulf %sub3A_1057, %mul3A_1015 : vector<16xf32>
        %mul3A_1059 = arith.mulf %mul3A_1058, %get3A_115 : vector<16xf32>
        %add3A_1060 = arith.addf %mul3A_1059, %get3A_131 : vector<16xf32>
        %swap3A_1061 = arith.index_cast %add3A_859 : i32 to index
        %swap3A_1062 = arith.constant 80 : index
        %swap3A_1063 = tpu.vector_load %arg11[%swap3A_1061, %swap3A_1062] {strides = array<i32>} : memref<256x128xf32, #tpu.memory_space<vmem>>, vector<16xf32>,
        tpu.vector_store %arg11[%swap3A_1061, %swap3A_1062], %add3A_1060 {strides = array<i32>} : memref<256x128xf32, #tpu.memory_space<vmem>>, vector<16xf32>,
        %sub3A_1064 = vector.broadcast %mul3A_973 : f32 to vector<16xf32>
        %sub3A_1065 = arith.subf %add3A_931, %sub3A_1064 : vector<16xf32>
        %mul3A_1066 = arith.mulf %sub3A_1065, %mul3A_1015 : vector<16xf32>
        %mul3A_1067 = arith.mulf %mul3A_1066, %get3A_117 : vector<16xf32>
        %add3A_1068 = arith.addf %mul3A_1067, %get3A_133 : vector<16xf32>
        %swap3A_1069 = arith.index_cast %add3A_859 : i32 to index
        %swap3A_1070 = arith.constant 96 : index
        %swap3A_1071 = tpu.vector_load %arg11[%swap3A_1069, %swap3A_1070] {strides = array<i32>} : memref<256x128xf32, #tpu.memory_space<vmem>>, vector<16xf32>,
        tpu.vector_store %arg11[%swap3A_1069, %swap3A_1070], %add3A_1068 {strides = array<i32>} : memref<256x128xf32, #tpu.memory_space<vmem>>, vector<16xf32>,
        %sub3A_1072 = vector.broadcast %mul3A_973 : f32 to vector<16xf32>
        %sub3A_1073 = arith.subf %add3A_941, %sub3A_1072 : vector<16xf32>
        %mul3A_1074 = arith.mulf %sub3A_1073, %mul3A_1015 : vector<16xf32>
        %mul3A_1075 = arith.mulf %mul3A_1074, %get3A_119 : vector<16xf32>
        %add3A_1076 = arith.addf %mul3A_1075, %get3A_135 : vector<16xf32>
        %swap3A_1077 = arith.index_cast %add3A_859 : i32 to index
        %swap3A_1078 = arith.constant 112 : index
        %swap3A_1079 = tpu.vector_load %arg11[%swap3A_1077, %swap3A_1078] {strides = array<i32>} : memref<256x128xf32, #tpu.memory_space<vmem>>, vector<16xf32>,
        tpu.vector_store %arg11[%swap3A_1077, %swap3A_1078], %add3A_1076 {strides = array<i32>} : memref<256x128xf32, #tpu.memory_space<vmem>>, vector<16xf32>,
        %add3A_1080 = arith.constant 4 : i32
        %add3A_1081 = arith.addi %mul3A_196, %add3A_1080 : i32
        %slice3A_1082 = vector.extract_strided_slice %get3A_198 {offsets = [4], sizes = [1], strides = [1]} : vector<16xf32> to vector<1xf32>
        %squeeze3A_1083 = vector.extract %slice3A_1082[0] : f32 from vector<1xf32>
        %get3A_1084 = arith.index_cast %add3A_1081 : i32 to index
        %get3A_1085 = arith.constant 0 : index
        %get3A_1086 = tpu.vector_load %arg11[%get3A_1084, %get3A_1085] {strides = array<i32>} : memref<256x128xf32, #tpu.memory_space<vmem>>, vector<16xf32>,
        %get3A_1087 = arith.index_cast %add3A_1081 : i32 to index
        %get3A_1088 = arith.constant 0 : index
        %get3A_1089 = tpu.vector_load %arg10[%get3A_1087, %get3A_1088] {strides = array<i32>} : memref<256x128xf32, #tpu.memory_space<vmem>>, vector<16xf32>,
        %add3A_1090 = arith.addf %get3A_1086, %get3A_1089 : vector<16xf32>
        %mul3A_1091 = vector.broadcast %squeeze3A_1083 : f32 to vector<16xf32>
        %mul3A_1092 = arith.mulf %mul3A_1091, %sub3A_96 : vector<16xf32>
        %add3A_1093 = arith.addf %add3A_1090, %mul3A_1092 : vector<16xf32>
        %get3A_1094 = arith.index_cast %add3A_1081 : i32 to index
        %get3A_1095 = arith.constant 16 : index
        %get3A_1096 = tpu.vector_load %arg11[%get3A_1094, %get3A_1095] {strides = array<i32>} : memref<256x128xf32, #tpu.memory_space<vmem>>, vector<16xf32>,
        %get3A_1097 = arith.index_cast %add3A_1081 : i32 to index
        %get3A_1098 = arith.constant 16 : index
        %get3A_1099 = tpu.vector_load %arg10[%get3A_1097, %get3A_1098] {strides = array<i32>} : memref<256x128xf32, #tpu.memory_space<vmem>>, vector<16xf32>,
        %add3A_1100 = arith.addf %get3A_1096, %get3A_1099 : vector<16xf32>
        %mul3A_1101 = vector.broadcast %squeeze3A_1083 : f32 to vector<16xf32>
        %mul3A_1102 = arith.mulf %mul3A_1101, %sub3A_97 : vector<16xf32>
        %add3A_1103 = arith.addf %add3A_1100, %mul3A_1102 : vector<16xf32>
        %get3A_1104 = arith.index_cast %add3A_1081 : i32 to index
        %get3A_1105 = arith.constant 32 : index
        %get3A_1106 = tpu.vector_load %arg11[%get3A_1104, %get3A_1105] {strides = array<i32>} : memref<256x128xf32, #tpu.memory_space<vmem>>, vector<16xf32>,
        %get3A_1107 = arith.index_cast %add3A_1081 : i32 to index
        %get3A_1108 = arith.constant 32 : index
        %get3A_1109 = tpu.vector_load %arg10[%get3A_1107, %get3A_1108] {strides = array<i32>} : memref<256x128xf32, #tpu.memory_space<vmem>>, vector<16xf32>,
        %add3A_1110 = arith.addf %get3A_1106, %get3A_1109 : vector<16xf32>
        %mul3A_1111 = vector.broadcast %squeeze3A_1083 : f32 to vector<16xf32>
        %mul3A_1112 = arith.mulf %mul3A_1111, %sub3A_98 : vector<16xf32>
        %add3A_1113 = arith.addf %add3A_1110, %mul3A_1112 : vector<16xf32>
        %get3A_1114 = arith.index_cast %add3A_1081 : i32 to index
        %get3A_1115 = arith.constant 48 : index
        %get3A_1116 = tpu.vector_load %arg11[%get3A_1114, %get3A_1115] {strides = array<i32>} : memref<256x128xf32, #tpu.memory_space<vmem>>, vector<16xf32>,
        %get3A_1117 = arith.index_cast %add3A_1081 : i32 to index
        %get3A_1118 = arith.constant 48 : index
        %get3A_1119 = tpu.vector_load %arg10[%get3A_1117, %get3A_1118] {strides = array<i32>} : memref<256x128xf32, #tpu.memory_space<vmem>>, vector<16xf32>,
        %add3A_1120 = arith.addf %get3A_1116, %get3A_1119 : vector<16xf32>
        %mul3A_1121 = vector.broadcast %squeeze3A_1083 : f32 to vector<16xf32>
        %mul3A_1122 = arith.mulf %mul3A_1121, %sub3A_99 : vector<16xf32>
        %add3A_1123 = arith.addf %add3A_1120, %mul3A_1122 : vector<16xf32>
        %get3A_1124 = arith.index_cast %add3A_1081 : i32 to index
        %get3A_1125 = arith.constant 64 : index
        %get3A_1126 = tpu.vector_load %arg11[%get3A_1124, %get3A_1125] {strides = array<i32>} : memref<256x128xf32, #tpu.memory_space<vmem>>, vector<16xf32>,
        %get3A_1127 = arith.index_cast %add3A_1081 : i32 to index
        %get3A_1128 = arith.constant 64 : index
        %get3A_1129 = tpu.vector_load %arg10[%get3A_1127, %get3A_1128] {strides = array<i32>} : memref<256x128xf32, #tpu.memory_space<vmem>>, vector<16xf32>,
        %add3A_1130 = arith.addf %get3A_1126, %get3A_1129 : vector<16xf32>
        %mul3A_1131 = vector.broadcast %squeeze3A_1083 : f32 to vector<16xf32>
        %mul3A_1132 = arith.mulf %mul3A_1131, %sub3A_100 : vector<16xf32>
        %add3A_1133 = arith.addf %add3A_1130, %mul3A_1132 : vector<16xf32>
        %get3A_1134 = arith.index_cast %add3A_1081 : i32 to index
        %get3A_1135 = arith.constant 80 : index
        %get3A_1136 = tpu.vector_load %arg11[%get3A_1134, %get3A_1135] {strides = array<i32>} : memref<256x128xf32, #tpu.memory_space<vmem>>, vector<16xf32>,
        %get3A_1137 = arith.index_cast %add3A_1081 : i32 to index
        %get3A_1138 = arith.constant 80 : index
        %get3A_1139 = tpu.vector_load %arg10[%get3A_1137, %get3A_1138] {strides = array<i32>} : memref<256x128xf32, #tpu.memory_space<vmem>>, vector<16xf32>,
        %add3A_1140 = arith.addf %get3A_1136, %get3A_1139 : vector<16xf32>
        %mul3A_1141 = vector.broadcast %squeeze3A_1083 : f32 to vector<16xf32>
        %mul3A_1142 = arith.mulf %mul3A_1141, %sub3A_101 : vector<16xf32>
        %add3A_1143 = arith.addf %add3A_1140, %mul3A_1142 : vector<16xf32>
        %get3A_1144 = arith.index_cast %add3A_1081 : i32 to index
        %get3A_1145 = arith.constant 96 : index
        %get3A_1146 = tpu.vector_load %arg11[%get3A_1144, %get3A_1145] {strides = array<i32>} : memref<256x128xf32, #tpu.memory_space<vmem>>, vector<16xf32>,
        %get3A_1147 = arith.index_cast %add3A_1081 : i32 to index
        %get3A_1148 = arith.constant 96 : index
        %get3A_1149 = tpu.vector_load %arg10[%get3A_1147, %get3A_1148] {strides = array<i32>} : memref<256x128xf32, #tpu.memory_space<vmem>>, vector<16xf32>,
        %add3A_1150 = arith.addf %get3A_1146, %get3A_1149 : vector<16xf32>
        %mul3A_1151 = vector.broadcast %squeeze3A_1083 : f32 to vector<16xf32>
        %mul3A_1152 = arith.mulf %mul3A_1151, %sub3A_102 : vector<16xf32>
        %add3A_1153 = arith.addf %add3A_1150, %mul3A_1152 : vector<16xf32>
        %get3A_1154 = arith.index_cast %add3A_1081 : i32 to index
        %get3A_1155 = arith.constant 112 : index
        %get3A_1156 = tpu.vector_load %arg11[%get3A_1154, %get3A_1155] {strides = array<i32>} : memref<256x128xf32, #tpu.memory_space<vmem>>, vector<16xf32>,
        %get3A_1157 = arith.index_cast %add3A_1081 : i32 to index
        %get3A_1158 = arith.constant 112 : index
        %get3A_1159 = tpu.vector_load %arg10[%get3A_1157, %get3A_1158] {strides = array<i32>} : memref<256x128xf32, #tpu.memory_space<vmem>>, vector<16xf32>,
        %add3A_1160 = arith.addf %get3A_1156, %get3A_1159 : vector<16xf32>
        %mul3A_1161 = vector.broadcast %squeeze3A_1083 : f32 to vector<16xf32>
        %mul3A_1162 = arith.mulf %mul3A_1161, %sub3A_103 : vector<16xf32>
        %add3A_1163 = arith.addf %add3A_1160, %mul3A_1162 : vector<16xf32>
        %add3A_1164 = arith.addf %add3A_1093, %add3A_1103 : vector<16xf32>
        %add3A_1165 = arith.addf %add3A_1113, %add3A_1123 : vector<16xf32>
        %add3A_1166 = arith.addf %add3A_1164, %add3A_1165 : vector<16xf32>
        %add3A_1167 = arith.addf %add3A_1133, %add3A_1143 : vector<16xf32>
        %add3A_1168 = arith.addf %add3A_1153, %add3A_1163 : vector<16xf32>
        %add3A_1169 = arith.addf %add3A_1167, %add3A_1168 : vector<16xf32>
        %add3A_1170 = arith.addf %add3A_1166, %add3A_1169 : vector<16xf32>
        %mul3A_1171 = arith.mulf %add3A_1093, %add3A_1093 : vector<16xf32>
        %mul3A_1172 = arith.mulf %add3A_1103, %add3A_1103 : vector<16xf32>
        %add3A_1173 = arith.addf %mul3A_1171, %mul3A_1172 : vector<16xf32>
        %mul3A_1174 = arith.mulf %add3A_1113, %add3A_1113 : vector<16xf32>
        %mul3A_1175 = arith.mulf %add3A_1123, %add3A_1123 : vector<16xf32>
        %add3A_1176 = arith.addf %mul3A_1174, %mul3A_1175 : vector<16xf32>
        %add3A_1177 = arith.addf %add3A_1173, %add3A_1176 : vector<16xf32>
        %mul3A_1178 = arith.mulf %add3A_1133, %add3A_1133 : vector<16xf32>
        %mul3A_1179 = arith.mulf %add3A_1143, %add3A_1143 : vector<16xf32>
        %add3A_1180 = arith.addf %mul3A_1178, %mul3A_1179 : vector<16xf32>
        %add3A_1181 = arith.addf %add3A_1177, %add3A_1180 : vector<16xf32>
        %mul3A_1182 = arith.mulf %add3A_1153, %add3A_1153 : vector<16xf32>
        %mul3A_1183 = arith.mulf %add3A_1163, %add3A_1163 : vector<16xf32>
        %add3A_1184 = arith.addf %mul3A_1182, %mul3A_1183 : vector<16xf32>
        %add3A_1185 = arith.addf %add3A_1181, %add3A_1184 : vector<16xf32>
        %reduce_sum3A_1186 = arith.constant true
        %reduce_sum3A_1187 = vector.broadcast %reduce_sum3A_1186 : i1 to vector<16xi1>
        %reduce_sum3A_1188 = tpu.scan <sum>, %add3A_1170 masked %reduce_sum3A_1187 : vector<16xf32>, vector<16xi1> -> vector<16xf32>
        %reduce_sum3A_1189 = vector.extract %reduce_sum3A_1188[15] : f32 from vector<16xf32>
        %reduce_sum3A_1190 = arith.constant true
        %reduce_sum3A_1191 = vector.broadcast %reduce_sum3A_1190 : i1 to vector<16xi1>
        %reduce_sum3A_1192 = tpu.scan <sum>, %add3A_1185 masked %reduce_sum3A_1191 : vector<16xf32>, vector<16xi1> -> vector<16xf32>
        %reduce_sum3A_1193 = vector.extract %reduce_sum3A_1192[15] : f32 from vector<16xf32>
        %mul3A_1194 = arith.constant 7.812500e-03 : f32
        %mul3A_1195 = arith.mulf %reduce_sum3A_1189, %mul3A_1194 : f32
        %mul3A_1196 = arith.constant 7.812500e-03 : f32
        %mul3A_1197 = arith.mulf %reduce_sum3A_1193, %mul3A_1196 : f32
        %mul3A_1198 = arith.mulf %mul3A_1195, %mul3A_1195 : f32
        %sub3A_1199 = arith.subf %mul3A_1197, %mul3A_1198 : f32
        %add3A_1200 = arith.constant 9.99999974E-6 : f32
        %add3A_1201 = arith.addf %sub3A_1199, %add3A_1200 : f32
        %broadcast_in_dim3A_1202 = vector.broadcast %add3A_1201 : f32 to vector<16xf32>
        %bitcast3A_1203 = vector.bitcast %broadcast_in_dim3A_1202 : vector<16xf32> to vector<16xi32>
        %shift_right_arithmetic3A_1204 = arith.constant 1 : i32
        %shift_right_arithmetic3A_1205 = vector.broadcast %shift_right_arithmetic3A_1204 : i32 to vector<16xi32>
        %shift_right_arithmetic3A_1206 = arith.shrsi %bitcast3A_1203, %shift_right_arithmetic3A_1205 : vector<16xi32>
        %sub3A_1207 = arith.constant 1597463007 : i32
        %sub3A_1208 = vector.broadcast %sub3A_1207 : i32 to vector<16xi32>
        %sub3A_1209 = arith.subi %sub3A_1208, %shift_right_arithmetic3A_1206 : vector<16xi32>
        %bitcast3A_1210 = vector.bitcast %sub3A_1209 : vector<16xi32> to vector<16xf32>
        %mul3A_1211 = arith.constant 5.000000e-01 : f32
        %mul3A_1212 = vector.broadcast %mul3A_1211 : f32 to vector<16xf32>
        %mul3A_1213 = arith.mulf %mul3A_1212, %broadcast_in_dim3A_1202 : vector<16xf32>
        %mul3A_1214 = arith.mulf %mul3A_1213, %bitcast3A_1210 : vector<16xf32>
        %mul3A_1215 = arith.mulf %mul3A_1214, %bitcast3A_1210 : vector<16xf32>
        %sub3A_1216 = arith.constant 1.500000e+00 : f32
        %sub3A_1217 = vector.broadcast %sub3A_1216 : f32 to vector<16xf32>
        %sub3A_1218 = arith.subf %sub3A_1217, %mul3A_1215 : vector<16xf32>
        %mul3A_1219 = arith.mulf %bitcast3A_1210, %sub3A_1218 : vector<16xf32>
        %mul3A_1220 = arith.constant 5.000000e-01 : f32
        %mul3A_1221 = vector.broadcast %mul3A_1220 : f32 to vector<16xf32>
        %mul3A_1222 = arith.mulf %mul3A_1221, %broadcast_in_dim3A_1202 : vector<16xf32>
        %mul3A_1223 = arith.mulf %mul3A_1222, %mul3A_1219 : vector<16xf32>
        %mul3A_1224 = arith.mulf %mul3A_1223, %mul3A_1219 : vector<16xf32>
        %sub3A_1225 = arith.constant 1.500000e+00 : f32
        %sub3A_1226 = vector.broadcast %sub3A_1225 : f32 to vector<16xf32>
        %sub3A_1227 = arith.subf %sub3A_1226, %mul3A_1224 : vector<16xf32>
        %mul3A_1228 = arith.mulf %mul3A_1219, %sub3A_1227 : vector<16xf32>
        %mul3A_1229 = arith.constant 5.000000e-01 : f32
        %mul3A_1230 = vector.broadcast %mul3A_1229 : f32 to vector<16xf32>
        %mul3A_1231 = arith.mulf %mul3A_1230, %broadcast_in_dim3A_1202 : vector<16xf32>
        %mul3A_1232 = arith.mulf %mul3A_1231, %mul3A_1228 : vector<16xf32>
        %mul3A_1233 = arith.mulf %mul3A_1232, %mul3A_1228 : vector<16xf32>
        %sub3A_1234 = arith.constant 1.500000e+00 : f32
        %sub3A_1235 = vector.broadcast %sub3A_1234 : f32 to vector<16xf32>
        %sub3A_1236 = arith.subf %sub3A_1235, %mul3A_1233 : vector<16xf32>
        %mul3A_1237 = arith.mulf %mul3A_1228, %sub3A_1236 : vector<16xf32>
        %sub3A_1238 = vector.broadcast %mul3A_1195 : f32 to vector<16xf32>
        %sub3A_1239 = arith.subf %add3A_1093, %sub3A_1238 : vector<16xf32>
        %mul3A_1240 = arith.mulf %sub3A_1239, %mul3A_1237 : vector<16xf32>
        %mul3A_1241 = arith.mulf %mul3A_1240, %get3A_105 : vector<16xf32>
        %add3A_1242 = arith.addf %mul3A_1241, %get3A_121 : vector<16xf32>
        %swap3A_1243 = arith.index_cast %add3A_1081 : i32 to index
        %swap3A_1244 = arith.constant 0 : index
        %swap3A_1245 = tpu.vector_load %arg11[%swap3A_1243, %swap3A_1244] {strides = array<i32>} : memref<256x128xf32, #tpu.memory_space<vmem>>, vector<16xf32>,
        tpu.vector_store %arg11[%swap3A_1243, %swap3A_1244], %add3A_1242 {strides = array<i32>} : memref<256x128xf32, #tpu.memory_space<vmem>>, vector<16xf32>,
        %sub3A_1246 = vector.broadcast %mul3A_1195 : f32 to vector<16xf32>
        %sub3A_1247 = arith.subf %add3A_1103, %sub3A_1246 : vector<16xf32>
        %mul3A_1248 = arith.mulf %sub3A_1247, %mul3A_1237 : vector<16xf32>
        %mul3A_1249 = arith.mulf %mul3A_1248, %get3A_107 : vector<16xf32>
        %add3A_1250 = arith.addf %mul3A_1249, %get3A_123 : vector<16xf32>
        %swap3A_1251 = arith.index_cast %add3A_1081 : i32 to index
        %swap3A_1252 = arith.constant 16 : index
        %swap3A_1253 = tpu.vector_load %arg11[%swap3A_1251, %swap3A_1252] {strides = array<i32>} : memref<256x128xf32, #tpu.memory_space<vmem>>, vector<16xf32>,
        tpu.vector_store %arg11[%swap3A_1251, %swap3A_1252], %add3A_1250 {strides = array<i32>} : memref<256x128xf32, #tpu.memory_space<vmem>>, vector<16xf32>,
        %sub3A_1254 = vector.broadcast %mul3A_1195 : f32 to vector<16xf32>
        %sub3A_1255 = arith.subf %add3A_1113, %sub3A_1254 : vector<16xf32>
        %mul3A_1256 = arith.mulf %sub3A_1255, %mul3A_1237 : vector<16xf32>
        %mul3A_1257 = arith.mulf %mul3A_1256, %get3A_109 : vector<16xf32>
        %add3A_1258 = arith.addf %mul3A_1257, %get3A_125 : vector<16xf32>
        %swap3A_1259 = arith.index_cast %add3A_1081 : i32 to index
        %swap3A_1260 = arith.constant 32 : index
        %swap3A_1261 = tpu.vector_load %arg11[%swap3A_1259, %swap3A_1260] {strides = array<i32>} : memref<256x128xf32, #tpu.memory_space<vmem>>, vector<16xf32>,
        tpu.vector_store %arg11[%swap3A_1259, %swap3A_1260], %add3A_1258 {strides = array<i32>} : memref<256x128xf32, #tpu.memory_space<vmem>>, vector<16xf32>,
        %sub3A_1262 = vector.broadcast %mul3A_1195 : f32 to vector<16xf32>
        %sub3A_1263 = arith.subf %add3A_1123, %sub3A_1262 : vector<16xf32>
        %mul3A_1264 = arith.mulf %sub3A_1263, %mul3A_1237 : vector<16xf32>
        %mul3A_1265 = arith.mulf %mul3A_1264, %get3A_111 : vector<16xf32>
        %add3A_1266 = arith.addf %mul3A_1265, %get3A_127 : vector<16xf32>
        %swap3A_1267 = arith.index_cast %add3A_1081 : i32 to index
        %swap3A_1268 = arith.constant 48 : index
        %swap3A_1269 = tpu.vector_load %arg11[%swap3A_1267, %swap3A_1268] {strides = array<i32>} : memref<256x128xf32, #tpu.memory_space<vmem>>, vector<16xf32>,
        tpu.vector_store %arg11[%swap3A_1267, %swap3A_1268], %add3A_1266 {strides = array<i32>} : memref<256x128xf32, #tpu.memory_space<vmem>>, vector<16xf32>,
        %sub3A_1270 = vector.broadcast %mul3A_1195 : f32 to vector<16xf32>
        %sub3A_1271 = arith.subf %add3A_1133, %sub3A_1270 : vector<16xf32>
        %mul3A_1272 = arith.mulf %sub3A_1271, %mul3A_1237 : vector<16xf32>
        %mul3A_1273 = arith.mulf %mul3A_1272, %get3A_113 : vector<16xf32>
        %add3A_1274 = arith.addf %mul3A_1273, %get3A_129 : vector<16xf32>
        %swap3A_1275 = arith.index_cast %add3A_1081 : i32 to index
        %swap3A_1276 = arith.constant 64 : index
        %swap3A_1277 = tpu.vector_load %arg11[%swap3A_1275, %swap3A_1276] {strides = array<i32>} : memref<256x128xf32, #tpu.memory_space<vmem>>, vector<16xf32>,
        tpu.vector_store %arg11[%swap3A_1275, %swap3A_1276], %add3A_1274 {strides = array<i32>} : memref<256x128xf32, #tpu.memory_space<vmem>>, vector<16xf32>,
        %sub3A_1278 = vector.broadcast %mul3A_1195 : f32 to vector<16xf32>
        %sub3A_1279 = arith.subf %add3A_1143, %sub3A_1278 : vector<16xf32>
        %mul3A_1280 = arith.mulf %sub3A_1279, %mul3A_1237 : vector<16xf32>
        %mul3A_1281 = arith.mulf %mul3A_1280, %get3A_115 : vector<16xf32>
        %add3A_1282 = arith.addf %mul3A_1281, %get3A_131 : vector<16xf32>
        %swap3A_1283 = arith.index_cast %add3A_1081 : i32 to index
        %swap3A_1284 = arith.constant 80 : index
        %swap3A_1285 = tpu.vector_load %arg11[%swap3A_1283, %swap3A_1284] {strides = array<i32>} : memref<256x128xf32, #tpu.memory_space<vmem>>, vector<16xf32>,
        tpu.vector_store %arg11[%swap3A_1283, %swap3A_1284], %add3A_1282 {strides = array<i32>} : memref<256x128xf32, #tpu.memory_space<vmem>>, vector<16xf32>,
        %sub3A_1286 = vector.broadcast %mul3A_1195 : f32 to vector<16xf32>
        %sub3A_1287 = arith.subf %add3A_1153, %sub3A_1286 : vector<16xf32>
        %mul3A_1288 = arith.mulf %sub3A_1287, %mul3A_1237 : vector<16xf32>
        %mul3A_1289 = arith.mulf %mul3A_1288, %get3A_117 : vector<16xf32>
        %add3A_1290 = arith.addf %mul3A_1289, %get3A_133 : vector<16xf32>
        %swap3A_1291 = arith.index_cast %add3A_1081 : i32 to index
        %swap3A_1292 = arith.constant 96 : index
        %swap3A_1293 = tpu.vector_load %arg11[%swap3A_1291, %swap3A_1292] {strides = array<i32>} : memref<256x128xf32, #tpu.memory_space<vmem>>, vector<16xf32>,
        tpu.vector_store %arg11[%swap3A_1291, %swap3A_1292], %add3A_1290 {strides = array<i32>} : memref<256x128xf32, #tpu.memory_space<vmem>>, vector<16xf32>,
        %sub3A_1294 = vector.broadcast %mul3A_1195 : f32 to vector<16xf32>
        %sub3A_1295 = arith.subf %add3A_1163, %sub3A_1294 : vector<16xf32>
        %mul3A_1296 = arith.mulf %sub3A_1295, %mul3A_1237 : vector<16xf32>
        %mul3A_1297 = arith.mulf %mul3A_1296, %get3A_119 : vector<16xf32>
        %add3A_1298 = arith.addf %mul3A_1297, %get3A_135 : vector<16xf32>
        %swap3A_1299 = arith.index_cast %add3A_1081 : i32 to index
        %swap3A_1300 = arith.constant 112 : index
        %swap3A_1301 = tpu.vector_load %arg11[%swap3A_1299, %swap3A_1300] {strides = array<i32>} : memref<256x128xf32, #tpu.memory_space<vmem>>, vector<16xf32>,
        tpu.vector_store %arg11[%swap3A_1299, %swap3A_1300], %add3A_1298 {strides = array<i32>} : memref<256x128xf32, #tpu.memory_space<vmem>>, vector<16xf32>,
        %add3A_1302 = arith.constant 5 : i32
        %add3A_1303 = arith.addi %mul3A_196, %add3A_1302 : i32
        %slice3A_1304 = vector.extract_strided_slice %get3A_198 {offsets = [5], sizes = [1], strides = [1]} : vector<16xf32> to vector<1xf32>
        %squeeze3A_1305 = vector.extract %slice3A_1304[0] : f32 from vector<1xf32>
        %get3A_1306 = arith.index_cast %add3A_1303 : i32 to index
        %get3A_1307 = arith.constant 0 : index
        %get3A_1308 = tpu.vector_load %arg11[%get3A_1306, %get3A_1307] {strides = array<i32>} : memref<256x128xf32, #tpu.memory_space<vmem>>, vector<16xf32>,
        %get3A_1309 = arith.index_cast %add3A_1303 : i32 to index
        %get3A_1310 = arith.constant 0 : index
        %get3A_1311 = tpu.vector_load %arg10[%get3A_1309, %get3A_1310] {strides = array<i32>} : memref<256x128xf32, #tpu.memory_space<vmem>>, vector<16xf32>,
        %add3A_1312 = arith.addf %get3A_1308, %get3A_1311 : vector<16xf32>
        %mul3A_1313 = vector.broadcast %squeeze3A_1305 : f32 to vector<16xf32>
        %mul3A_1314 = arith.mulf %mul3A_1313, %sub3A_96 : vector<16xf32>
        %add3A_1315 = arith.addf %add3A_1312, %mul3A_1314 : vector<16xf32>
        %get3A_1316 = arith.index_cast %add3A_1303 : i32 to index
        %get3A_1317 = arith.constant 16 : index
        %get3A_1318 = tpu.vector_load %arg11[%get3A_1316, %get3A_1317] {strides = array<i32>} : memref<256x128xf32, #tpu.memory_space<vmem>>, vector<16xf32>,
        %get3A_1319 = arith.index_cast %add3A_1303 : i32 to index
        %get3A_1320 = arith.constant 16 : index
        %get3A_1321 = tpu.vector_load %arg10[%get3A_1319, %get3A_1320] {strides = array<i32>} : memref<256x128xf32, #tpu.memory_space<vmem>>, vector<16xf32>,
        %add3A_1322 = arith.addf %get3A_1318, %get3A_1321 : vector<16xf32>
        %mul3A_1323 = vector.broadcast %squeeze3A_1305 : f32 to vector<16xf32>
        %mul3A_1324 = arith.mulf %mul3A_1323, %sub3A_97 : vector<16xf32>
        %add3A_1325 = arith.addf %add3A_1322, %mul3A_1324 : vector<16xf32>
        %get3A_1326 = arith.index_cast %add3A_1303 : i32 to index
        %get3A_1327 = arith.constant 32 : index
        %get3A_1328 = tpu.vector_load %arg11[%get3A_1326, %get3A_1327] {strides = array<i32>} : memref<256x128xf32, #tpu.memory_space<vmem>>, vector<16xf32>,
        %get3A_1329 = arith.index_cast %add3A_1303 : i32 to index
        %get3A_1330 = arith.constant 32 : index
        %get3A_1331 = tpu.vector_load %arg10[%get3A_1329, %get3A_1330] {strides = array<i32>} : memref<256x128xf32, #tpu.memory_space<vmem>>, vector<16xf32>,
        %add3A_1332 = arith.addf %get3A_1328, %get3A_1331 : vector<16xf32>
        %mul3A_1333 = vector.broadcast %squeeze3A_1305 : f32 to vector<16xf32>
        %mul3A_1334 = arith.mulf %mul3A_1333, %sub3A_98 : vector<16xf32>
        %add3A_1335 = arith.addf %add3A_1332, %mul3A_1334 : vector<16xf32>
        %get3A_1336 = arith.index_cast %add3A_1303 : i32 to index
        %get3A_1337 = arith.constant 48 : index
        %get3A_1338 = tpu.vector_load %arg11[%get3A_1336, %get3A_1337] {strides = array<i32>} : memref<256x128xf32, #tpu.memory_space<vmem>>, vector<16xf32>,
        %get3A_1339 = arith.index_cast %add3A_1303 : i32 to index
        %get3A_1340 = arith.constant 48 : index
        %get3A_1341 = tpu.vector_load %arg10[%get3A_1339, %get3A_1340] {strides = array<i32>} : memref<256x128xf32, #tpu.memory_space<vmem>>, vector<16xf32>,
        %add3A_1342 = arith.addf %get3A_1338, %get3A_1341 : vector<16xf32>
        %mul3A_1343 = vector.broadcast %squeeze3A_1305 : f32 to vector<16xf32>
        %mul3A_1344 = arith.mulf %mul3A_1343, %sub3A_99 : vector<16xf32>
        %add3A_1345 = arith.addf %add3A_1342, %mul3A_1344 : vector<16xf32>
        %get3A_1346 = arith.index_cast %add3A_1303 : i32 to index
        %get3A_1347 = arith.constant 64 : index
        %get3A_1348 = tpu.vector_load %arg11[%get3A_1346, %get3A_1347] {strides = array<i32>} : memref<256x128xf32, #tpu.memory_space<vmem>>, vector<16xf32>,
        %get3A_1349 = arith.index_cast %add3A_1303 : i32 to index
        %get3A_1350 = arith.constant 64 : index
        %get3A_1351 = tpu.vector_load %arg10[%get3A_1349, %get3A_1350] {strides = array<i32>} : memref<256x128xf32, #tpu.memory_space<vmem>>, vector<16xf32>,
        %add3A_1352 = arith.addf %get3A_1348, %get3A_1351 : vector<16xf32>
        %mul3A_1353 = vector.broadcast %squeeze3A_1305 : f32 to vector<16xf32>
        %mul3A_1354 = arith.mulf %mul3A_1353, %sub3A_100 : vector<16xf32>
        %add3A_1355 = arith.addf %add3A_1352, %mul3A_1354 : vector<16xf32>
        %get3A_1356 = arith.index_cast %add3A_1303 : i32 to index
        %get3A_1357 = arith.constant 80 : index
        %get3A_1358 = tpu.vector_load %arg11[%get3A_1356, %get3A_1357] {strides = array<i32>} : memref<256x128xf32, #tpu.memory_space<vmem>>, vector<16xf32>,
        %get3A_1359 = arith.index_cast %add3A_1303 : i32 to index
        %get3A_1360 = arith.constant 80 : index
        %get3A_1361 = tpu.vector_load %arg10[%get3A_1359, %get3A_1360] {strides = array<i32>} : memref<256x128xf32, #tpu.memory_space<vmem>>, vector<16xf32>,
        %add3A_1362 = arith.addf %get3A_1358, %get3A_1361 : vector<16xf32>
        %mul3A_1363 = vector.broadcast %squeeze3A_1305 : f32 to vector<16xf32>
        %mul3A_1364 = arith.mulf %mul3A_1363, %sub3A_101 : vector<16xf32>
        %add3A_1365 = arith.addf %add3A_1362, %mul3A_1364 : vector<16xf32>
        %get3A_1366 = arith.index_cast %add3A_1303 : i32 to index
        %get3A_1367 = arith.constant 96 : index
        %get3A_1368 = tpu.vector_load %arg11[%get3A_1366, %get3A_1367] {strides = array<i32>} : memref<256x128xf32, #tpu.memory_space<vmem>>, vector<16xf32>,
        %get3A_1369 = arith.index_cast %add3A_1303 : i32 to index
        %get3A_1370 = arith.constant 96 : index
        %get3A_1371 = tpu.vector_load %arg10[%get3A_1369, %get3A_1370] {strides = array<i32>} : memref<256x128xf32, #tpu.memory_space<vmem>>, vector<16xf32>,
        %add3A_1372 = arith.addf %get3A_1368, %get3A_1371 : vector<16xf32>
        %mul3A_1373 = vector.broadcast %squeeze3A_1305 : f32 to vector<16xf32>
        %mul3A_1374 = arith.mulf %mul3A_1373, %sub3A_102 : vector<16xf32>
        %add3A_1375 = arith.addf %add3A_1372, %mul3A_1374 : vector<16xf32>
        %get3A_1376 = arith.index_cast %add3A_1303 : i32 to index
        %get3A_1377 = arith.constant 112 : index
        %get3A_1378 = tpu.vector_load %arg11[%get3A_1376, %get3A_1377] {strides = array<i32>} : memref<256x128xf32, #tpu.memory_space<vmem>>, vector<16xf32>,
        %get3A_1379 = arith.index_cast %add3A_1303 : i32 to index
        %get3A_1380 = arith.constant 112 : index
        %get3A_1381 = tpu.vector_load %arg10[%get3A_1379, %get3A_1380] {strides = array<i32>} : memref<256x128xf32, #tpu.memory_space<vmem>>, vector<16xf32>,
        %add3A_1382 = arith.addf %get3A_1378, %get3A_1381 : vector<16xf32>
        %mul3A_1383 = vector.broadcast %squeeze3A_1305 : f32 to vector<16xf32>
        %mul3A_1384 = arith.mulf %mul3A_1383, %sub3A_103 : vector<16xf32>
        %add3A_1385 = arith.addf %add3A_1382, %mul3A_1384 : vector<16xf32>
        %add3A_1386 = arith.addf %add3A_1315, %add3A_1325 : vector<16xf32>
        %add3A_1387 = arith.addf %add3A_1335, %add3A_1345 : vector<16xf32>
        %add3A_1388 = arith.addf %add3A_1386, %add3A_1387 : vector<16xf32>
        %add3A_1389 = arith.addf %add3A_1355, %add3A_1365 : vector<16xf32>
        %add3A_1390 = arith.addf %add3A_1375, %add3A_1385 : vector<16xf32>
        %add3A_1391 = arith.addf %add3A_1389, %add3A_1390 : vector<16xf32>
        %add3A_1392 = arith.addf %add3A_1388, %add3A_1391 : vector<16xf32>
        %mul3A_1393 = arith.mulf %add3A_1315, %add3A_1315 : vector<16xf32>
        %mul3A_1394 = arith.mulf %add3A_1325, %add3A_1325 : vector<16xf32>
        %add3A_1395 = arith.addf %mul3A_1393, %mul3A_1394 : vector<16xf32>
        %mul3A_1396 = arith.mulf %add3A_1335, %add3A_1335 : vector<16xf32>
        %mul3A_1397 = arith.mulf %add3A_1345, %add3A_1345 : vector<16xf32>
        %add3A_1398 = arith.addf %mul3A_1396, %mul3A_1397 : vector<16xf32>
        %add3A_1399 = arith.addf %add3A_1395, %add3A_1398 : vector<16xf32>
        %mul3A_1400 = arith.mulf %add3A_1355, %add3A_1355 : vector<16xf32>
        %mul3A_1401 = arith.mulf %add3A_1365, %add3A_1365 : vector<16xf32>
        %add3A_1402 = arith.addf %mul3A_1400, %mul3A_1401 : vector<16xf32>
        %add3A_1403 = arith.addf %add3A_1399, %add3A_1402 : vector<16xf32>
        %mul3A_1404 = arith.mulf %add3A_1375, %add3A_1375 : vector<16xf32>
        %mul3A_1405 = arith.mulf %add3A_1385, %add3A_1385 : vector<16xf32>
        %add3A_1406 = arith.addf %mul3A_1404, %mul3A_1405 : vector<16xf32>
        %add3A_1407 = arith.addf %add3A_1403, %add3A_1406 : vector<16xf32>
        %reduce_sum3A_1408 = arith.constant true
        %reduce_sum3A_1409 = vector.broadcast %reduce_sum3A_1408 : i1 to vector<16xi1>
        %reduce_sum3A_1410 = tpu.scan <sum>, %add3A_1392 masked %reduce_sum3A_1409 : vector<16xf32>, vector<16xi1> -> vector<16xf32>
        %reduce_sum3A_1411 = vector.extract %reduce_sum3A_1410[15] : f32 from vector<16xf32>
        %reduce_sum3A_1412 = arith.constant true
        %reduce_sum3A_1413 = vector.broadcast %reduce_sum3A_1412 : i1 to vector<16xi1>
        %reduce_sum3A_1414 = tpu.scan <sum>, %add3A_1407 masked %reduce_sum3A_1413 : vector<16xf32>, vector<16xi1> -> vector<16xf32>
        %reduce_sum3A_1415 = vector.extract %reduce_sum3A_1414[15] : f32 from vector<16xf32>
        %mul3A_1416 = arith.constant 7.812500e-03 : f32
        %mul3A_1417 = arith.mulf %reduce_sum3A_1411, %mul3A_1416 : f32
        %mul3A_1418 = arith.constant 7.812500e-03 : f32
        %mul3A_1419 = arith.mulf %reduce_sum3A_1415, %mul3A_1418 : f32
        %mul3A_1420 = arith.mulf %mul3A_1417, %mul3A_1417 : f32
        %sub3A_1421 = arith.subf %mul3A_1419, %mul3A_1420 : f32
        %add3A_1422 = arith.constant 9.99999974E-6 : f32
        %add3A_1423 = arith.addf %sub3A_1421, %add3A_1422 : f32
        %broadcast_in_dim3A_1424 = vector.broadcast %add3A_1423 : f32 to vector<16xf32>
        %bitcast3A_1425 = vector.bitcast %broadcast_in_dim3A_1424 : vector<16xf32> to vector<16xi32>
        %shift_right_arithmetic3A_1426 = arith.constant 1 : i32
        %shift_right_arithmetic3A_1427 = vector.broadcast %shift_right_arithmetic3A_1426 : i32 to vector<16xi32>
        %shift_right_arithmetic3A_1428 = arith.shrsi %bitcast3A_1425, %shift_right_arithmetic3A_1427 : vector<16xi32>
        %sub3A_1429 = arith.constant 1597463007 : i32
        %sub3A_1430 = vector.broadcast %sub3A_1429 : i32 to vector<16xi32>
        %sub3A_1431 = arith.subi %sub3A_1430, %shift_right_arithmetic3A_1428 : vector<16xi32>
        %bitcast3A_1432 = vector.bitcast %sub3A_1431 : vector<16xi32> to vector<16xf32>
        %mul3A_1433 = arith.constant 5.000000e-01 : f32
        %mul3A_1434 = vector.broadcast %mul3A_1433 : f32 to vector<16xf32>
        %mul3A_1435 = arith.mulf %mul3A_1434, %broadcast_in_dim3A_1424 : vector<16xf32>
        %mul3A_1436 = arith.mulf %mul3A_1435, %bitcast3A_1432 : vector<16xf32>
        %mul3A_1437 = arith.mulf %mul3A_1436, %bitcast3A_1432 : vector<16xf32>
        %sub3A_1438 = arith.constant 1.500000e+00 : f32
        %sub3A_1439 = vector.broadcast %sub3A_1438 : f32 to vector<16xf32>
        %sub3A_1440 = arith.subf %sub3A_1439, %mul3A_1437 : vector<16xf32>
        %mul3A_1441 = arith.mulf %bitcast3A_1432, %sub3A_1440 : vector<16xf32>
        %mul3A_1442 = arith.constant 5.000000e-01 : f32
        %mul3A_1443 = vector.broadcast %mul3A_1442 : f32 to vector<16xf32>
        %mul3A_1444 = arith.mulf %mul3A_1443, %broadcast_in_dim3A_1424 : vector<16xf32>
        %mul3A_1445 = arith.mulf %mul3A_1444, %mul3A_1441 : vector<16xf32>
        %mul3A_1446 = arith.mulf %mul3A_1445, %mul3A_1441 : vector<16xf32>
        %sub3A_1447 = arith.constant 1.500000e+00 : f32
        %sub3A_1448 = vector.broadcast %sub3A_1447 : f32 to vector<16xf32>
        %sub3A_1449 = arith.subf %sub3A_1448, %mul3A_1446 : vector<16xf32>
        %mul3A_1450 = arith.mulf %mul3A_1441, %sub3A_1449 : vector<16xf32>
        %mul3A_1451 = arith.constant 5.000000e-01 : f32
        %mul3A_1452 = vector.broadcast %mul3A_1451 : f32 to vector<16xf32>
        %mul3A_1453 = arith.mulf %mul3A_1452, %broadcast_in_dim3A_1424 : vector<16xf32>
        %mul3A_1454 = arith.mulf %mul3A_1453, %mul3A_1450 : vector<16xf32>
        %mul3A_1455 = arith.mulf %mul3A_1454, %mul3A_1450 : vector<16xf32>
        %sub3A_1456 = arith.constant 1.500000e+00 : f32
        %sub3A_1457 = vector.broadcast %sub3A_1456 : f32 to vector<16xf32>
        %sub3A_1458 = arith.subf %sub3A_1457, %mul3A_1455 : vector<16xf32>
        %mul3A_1459 = arith.mulf %mul3A_1450, %sub3A_1458 : vector<16xf32>
        %sub3A_1460 = vector.broadcast %mul3A_1417 : f32 to vector<16xf32>
        %sub3A_1461 = arith.subf %add3A_1315, %sub3A_1460 : vector<16xf32>
        %mul3A_1462 = arith.mulf %sub3A_1461, %mul3A_1459 : vector<16xf32>
        %mul3A_1463 = arith.mulf %mul3A_1462, %get3A_105 : vector<16xf32>
        %add3A_1464 = arith.addf %mul3A_1463, %get3A_121 : vector<16xf32>
        %swap3A_1465 = arith.index_cast %add3A_1303 : i32 to index
        %swap3A_1466 = arith.constant 0 : index
        %swap3A_1467 = tpu.vector_load %arg11[%swap3A_1465, %swap3A_1466] {strides = array<i32>} : memref<256x128xf32, #tpu.memory_space<vmem>>, vector<16xf32>,
        tpu.vector_store %arg11[%swap3A_1465, %swap3A_1466], %add3A_1464 {strides = array<i32>} : memref<256x128xf32, #tpu.memory_space<vmem>>, vector<16xf32>,
        %sub3A_1468 = vector.broadcast %mul3A_1417 : f32 to vector<16xf32>
        %sub3A_1469 = arith.subf %add3A_1325, %sub3A_1468 : vector<16xf32>
        %mul3A_1470 = arith.mulf %sub3A_1469, %mul3A_1459 : vector<16xf32>
        %mul3A_1471 = arith.mulf %mul3A_1470, %get3A_107 : vector<16xf32>
        %add3A_1472 = arith.addf %mul3A_1471, %get3A_123 : vector<16xf32>
        %swap3A_1473 = arith.index_cast %add3A_1303 : i32 to index
        %swap3A_1474 = arith.constant 16 : index
        %swap3A_1475 = tpu.vector_load %arg11[%swap3A_1473, %swap3A_1474] {strides = array<i32>} : memref<256x128xf32, #tpu.memory_space<vmem>>, vector<16xf32>,
        tpu.vector_store %arg11[%swap3A_1473, %swap3A_1474], %add3A_1472 {strides = array<i32>} : memref<256x128xf32, #tpu.memory_space<vmem>>, vector<16xf32>,
        %sub3A_1476 = vector.broadcast %mul3A_1417 : f32 to vector<16xf32>
        %sub3A_1477 = arith.subf %add3A_1335, %sub3A_1476 : vector<16xf32>
        %mul3A_1478 = arith.mulf %sub3A_1477, %mul3A_1459 : vector<16xf32>
        %mul3A_1479 = arith.mulf %mul3A_1478, %get3A_109 : vector<16xf32>
        %add3A_1480 = arith.addf %mul3A_1479, %get3A_125 : vector<16xf32>
        %swap3A_1481 = arith.index_cast %add3A_1303 : i32 to index
        %swap3A_1482 = arith.constant 32 : index
        %swap3A_1483 = tpu.vector_load %arg11[%swap3A_1481, %swap3A_1482] {strides = array<i32>} : memref<256x128xf32, #tpu.memory_space<vmem>>, vector<16xf32>,
        tpu.vector_store %arg11[%swap3A_1481, %swap3A_1482], %add3A_1480 {strides = array<i32>} : memref<256x128xf32, #tpu.memory_space<vmem>>, vector<16xf32>,
        %sub3A_1484 = vector.broadcast %mul3A_1417 : f32 to vector<16xf32>
        %sub3A_1485 = arith.subf %add3A_1345, %sub3A_1484 : vector<16xf32>
        %mul3A_1486 = arith.mulf %sub3A_1485, %mul3A_1459 : vector<16xf32>
        %mul3A_1487 = arith.mulf %mul3A_1486, %get3A_111 : vector<16xf32>
        %add3A_1488 = arith.addf %mul3A_1487, %get3A_127 : vector<16xf32>
        %swap3A_1489 = arith.index_cast %add3A_1303 : i32 to index
        %swap3A_1490 = arith.constant 48 : index
        %swap3A_1491 = tpu.vector_load %arg11[%swap3A_1489, %swap3A_1490] {strides = array<i32>} : memref<256x128xf32, #tpu.memory_space<vmem>>, vector<16xf32>,
        tpu.vector_store %arg11[%swap3A_1489, %swap3A_1490], %add3A_1488 {strides = array<i32>} : memref<256x128xf32, #tpu.memory_space<vmem>>, vector<16xf32>,
        %sub3A_1492 = vector.broadcast %mul3A_1417 : f32 to vector<16xf32>
        %sub3A_1493 = arith.subf %add3A_1355, %sub3A_1492 : vector<16xf32>
        %mul3A_1494 = arith.mulf %sub3A_1493, %mul3A_1459 : vector<16xf32>
        %mul3A_1495 = arith.mulf %mul3A_1494, %get3A_113 : vector<16xf32>
        %add3A_1496 = arith.addf %mul3A_1495, %get3A_129 : vector<16xf32>
        %swap3A_1497 = arith.index_cast %add3A_1303 : i32 to index
        %swap3A_1498 = arith.constant 64 : index
        %swap3A_1499 = tpu.vector_load %arg11[%swap3A_1497, %swap3A_1498] {strides = array<i32>} : memref<256x128xf32, #tpu.memory_space<vmem>>, vector<16xf32>,
        tpu.vector_store %arg11[%swap3A_1497, %swap3A_1498], %add3A_1496 {strides = array<i32>} : memref<256x128xf32, #tpu.memory_space<vmem>>, vector<16xf32>,
        %sub3A_1500 = vector.broadcast %mul3A_1417 : f32 to vector<16xf32>
        %sub3A_1501 = arith.subf %add3A_1365, %sub3A_1500 : vector<16xf32>
        %mul3A_1502 = arith.mulf %sub3A_1501, %mul3A_1459 : vector<16xf32>
        %mul3A_1503 = arith.mulf %mul3A_1502, %get3A_115 : vector<16xf32>
        %add3A_1504 = arith.addf %mul3A_1503, %get3A_131 : vector<16xf32>
        %swap3A_1505 = arith.index_cast %add3A_1303 : i32 to index
        %swap3A_1506 = arith.constant 80 : index
        %swap3A_1507 = tpu.vector_load %arg11[%swap3A_1505, %swap3A_1506] {strides = array<i32>} : memref<256x128xf32, #tpu.memory_space<vmem>>, vector<16xf32>,
        tpu.vector_store %arg11[%swap3A_1505, %swap3A_1506], %add3A_1504 {strides = array<i32>} : memref<256x128xf32, #tpu.memory_space<vmem>>, vector<16xf32>,
        %sub3A_1508 = vector.broadcast %mul3A_1417 : f32 to vector<16xf32>
        %sub3A_1509 = arith.subf %add3A_1375, %sub3A_1508 : vector<16xf32>
        %mul3A_1510 = arith.mulf %sub3A_1509, %mul3A_1459 : vector<16xf32>
        %mul3A_1511 = arith.mulf %mul3A_1510, %get3A_117 : vector<16xf32>
        %add3A_1512 = arith.addf %mul3A_1511, %get3A_133 : vector<16xf32>
        %swap3A_1513 = arith.index_cast %add3A_1303 : i32 to index
        %swap3A_1514 = arith.constant 96 : index
        %swap3A_1515 = tpu.vector_load %arg11[%swap3A_1513, %swap3A_1514] {strides = array<i32>} : memref<256x128xf32, #tpu.memory_space<vmem>>, vector<16xf32>,
        tpu.vector_store %arg11[%swap3A_1513, %swap3A_1514], %add3A_1512 {strides = array<i32>} : memref<256x128xf32, #tpu.memory_space<vmem>>, vector<16xf32>,
        %sub3A_1516 = vector.broadcast %mul3A_1417 : f32 to vector<16xf32>
        %sub3A_1517 = arith.subf %add3A_1385, %sub3A_1516 : vector<16xf32>
        %mul3A_1518 = arith.mulf %sub3A_1517, %mul3A_1459 : vector<16xf32>
        %mul3A_1519 = arith.mulf %mul3A_1518, %get3A_119 : vector<16xf32>
        %add3A_1520 = arith.addf %mul3A_1519, %get3A_135 : vector<16xf32>
        %swap3A_1521 = arith.index_cast %add3A_1303 : i32 to index
        %swap3A_1522 = arith.constant 112 : index
        %swap3A_1523 = tpu.vector_load %arg11[%swap3A_1521, %swap3A_1522] {strides = array<i32>} : memref<256x128xf32, #tpu.memory_space<vmem>>, vector<16xf32>,
        tpu.vector_store %arg11[%swap3A_1521, %swap3A_1522], %add3A_1520 {strides = array<i32>} : memref<256x128xf32, #tpu.memory_space<vmem>>, vector<16xf32>,
        %add3A_1524 = arith.constant 6 : i32
        %add3A_1525 = arith.addi %mul3A_196, %add3A_1524 : i32
        %slice3A_1526 = vector.extract_strided_slice %get3A_198 {offsets = [6], sizes = [1], strides = [1]} : vector<16xf32> to vector<1xf32>
        %squeeze3A_1527 = vector.extract %slice3A_1526[0] : f32 from vector<1xf32>
        %get3A_1528 = arith.index_cast %add3A_1525 : i32 to index
        %get3A_1529 = arith.constant 0 : index
        %get3A_1530 = tpu.vector_load %arg11[%get3A_1528, %get3A_1529] {strides = array<i32>} : memref<256x128xf32, #tpu.memory_space<vmem>>, vector<16xf32>,
        %get3A_1531 = arith.index_cast %add3A_1525 : i32 to index
        %get3A_1532 = arith.constant 0 : index
        %get3A_1533 = tpu.vector_load %arg10[%get3A_1531, %get3A_1532] {strides = array<i32>} : memref<256x128xf32, #tpu.memory_space<vmem>>, vector<16xf32>,
        %add3A_1534 = arith.addf %get3A_1530, %get3A_1533 : vector<16xf32>
        %mul3A_1535 = vector.broadcast %squeeze3A_1527 : f32 to vector<16xf32>
        %mul3A_1536 = arith.mulf %mul3A_1535, %sub3A_96 : vector<16xf32>
        %add3A_1537 = arith.addf %add3A_1534, %mul3A_1536 : vector<16xf32>
        %get3A_1538 = arith.index_cast %add3A_1525 : i32 to index
        %get3A_1539 = arith.constant 16 : index
        %get3A_1540 = tpu.vector_load %arg11[%get3A_1538, %get3A_1539] {strides = array<i32>} : memref<256x128xf32, #tpu.memory_space<vmem>>, vector<16xf32>,
        %get3A_1541 = arith.index_cast %add3A_1525 : i32 to index
        %get3A_1542 = arith.constant 16 : index
        %get3A_1543 = tpu.vector_load %arg10[%get3A_1541, %get3A_1542] {strides = array<i32>} : memref<256x128xf32, #tpu.memory_space<vmem>>, vector<16xf32>,
        %add3A_1544 = arith.addf %get3A_1540, %get3A_1543 : vector<16xf32>
        %mul3A_1545 = vector.broadcast %squeeze3A_1527 : f32 to vector<16xf32>
        %mul3A_1546 = arith.mulf %mul3A_1545, %sub3A_97 : vector<16xf32>
        %add3A_1547 = arith.addf %add3A_1544, %mul3A_1546 : vector<16xf32>
        %get3A_1548 = arith.index_cast %add3A_1525 : i32 to index
        %get3A_1549 = arith.constant 32 : index
        %get3A_1550 = tpu.vector_load %arg11[%get3A_1548, %get3A_1549] {strides = array<i32>} : memref<256x128xf32, #tpu.memory_space<vmem>>, vector<16xf32>,
        %get3A_1551 = arith.index_cast %add3A_1525 : i32 to index
        %get3A_1552 = arith.constant 32 : index
        %get3A_1553 = tpu.vector_load %arg10[%get3A_1551, %get3A_1552] {strides = array<i32>} : memref<256x128xf32, #tpu.memory_space<vmem>>, vector<16xf32>,
        %add3A_1554 = arith.addf %get3A_1550, %get3A_1553 : vector<16xf32>
        %mul3A_1555 = vector.broadcast %squeeze3A_1527 : f32 to vector<16xf32>
        %mul3A_1556 = arith.mulf %mul3A_1555, %sub3A_98 : vector<16xf32>
        %add3A_1557 = arith.addf %add3A_1554, %mul3A_1556 : vector<16xf32>
        %get3A_1558 = arith.index_cast %add3A_1525 : i32 to index
        %get3A_1559 = arith.constant 48 : index
        %get3A_1560 = tpu.vector_load %arg11[%get3A_1558, %get3A_1559] {strides = array<i32>} : memref<256x128xf32, #tpu.memory_space<vmem>>, vector<16xf32>,
        %get3A_1561 = arith.index_cast %add3A_1525 : i32 to index
        %get3A_1562 = arith.constant 48 : index
        %get3A_1563 = tpu.vector_load %arg10[%get3A_1561, %get3A_1562] {strides = array<i32>} : memref<256x128xf32, #tpu.memory_space<vmem>>, vector<16xf32>,
        %add3A_1564 = arith.addf %get3A_1560, %get3A_1563 : vector<16xf32>
        %mul3A_1565 = vector.broadcast %squeeze3A_1527 : f32 to vector<16xf32>
        %mul3A_1566 = arith.mulf %mul3A_1565, %sub3A_99 : vector<16xf32>
        %add3A_1567 = arith.addf %add3A_1564, %mul3A_1566 : vector<16xf32>
        %get3A_1568 = arith.index_cast %add3A_1525 : i32 to index
        %get3A_1569 = arith.constant 64 : index
        %get3A_1570 = tpu.vector_load %arg11[%get3A_1568, %get3A_1569] {strides = array<i32>} : memref<256x128xf32, #tpu.memory_space<vmem>>, vector<16xf32>,
        %get3A_1571 = arith.index_cast %add3A_1525 : i32 to index
        %get3A_1572 = arith.constant 64 : index
        %get3A_1573 = tpu.vector_load %arg10[%get3A_1571, %get3A_1572] {strides = array<i32>} : memref<256x128xf32, #tpu.memory_space<vmem>>, vector<16xf32>,
        %add3A_1574 = arith.addf %get3A_1570, %get3A_1573 : vector<16xf32>
        %mul3A_1575 = vector.broadcast %squeeze3A_1527 : f32 to vector<16xf32>
        %mul3A_1576 = arith.mulf %mul3A_1575, %sub3A_100 : vector<16xf32>
        %add3A_1577 = arith.addf %add3A_1574, %mul3A_1576 : vector<16xf32>
        %get3A_1578 = arith.index_cast %add3A_1525 : i32 to index
        %get3A_1579 = arith.constant 80 : index
        %get3A_1580 = tpu.vector_load %arg11[%get3A_1578, %get3A_1579] {strides = array<i32>} : memref<256x128xf32, #tpu.memory_space<vmem>>, vector<16xf32>,
        %get3A_1581 = arith.index_cast %add3A_1525 : i32 to index
        %get3A_1582 = arith.constant 80 : index
        %get3A_1583 = tpu.vector_load %arg10[%get3A_1581, %get3A_1582] {strides = array<i32>} : memref<256x128xf32, #tpu.memory_space<vmem>>, vector<16xf32>,
        %add3A_1584 = arith.addf %get3A_1580, %get3A_1583 : vector<16xf32>
        %mul3A_1585 = vector.broadcast %squeeze3A_1527 : f32 to vector<16xf32>
        %mul3A_1586 = arith.mulf %mul3A_1585, %sub3A_101 : vector<16xf32>
        %add3A_1587 = arith.addf %add3A_1584, %mul3A_1586 : vector<16xf32>
        %get3A_1588 = arith.index_cast %add3A_1525 : i32 to index
        %get3A_1589 = arith.constant 96 : index
        %get3A_1590 = tpu.vector_load %arg11[%get3A_1588, %get3A_1589] {strides = array<i32>} : memref<256x128xf32, #tpu.memory_space<vmem>>, vector<16xf32>,
        %get3A_1591 = arith.index_cast %add3A_1525 : i32 to index
        %get3A_1592 = arith.constant 96 : index
        %get3A_1593 = tpu.vector_load %arg10[%get3A_1591, %get3A_1592] {strides = array<i32>} : memref<256x128xf32, #tpu.memory_space<vmem>>, vector<16xf32>,
        %add3A_1594 = arith.addf %get3A_1590, %get3A_1593 : vector<16xf32>
        %mul3A_1595 = vector.broadcast %squeeze3A_1527 : f32 to vector<16xf32>
        %mul3A_1596 = arith.mulf %mul3A_1595, %sub3A_102 : vector<16xf32>
        %add3A_1597 = arith.addf %add3A_1594, %mul3A_1596 : vector<16xf32>
        %get3A_1598 = arith.index_cast %add3A_1525 : i32 to index
        %get3A_1599 = arith.constant 112 : index
        %get3A_1600 = tpu.vector_load %arg11[%get3A_1598, %get3A_1599] {strides = array<i32>} : memref<256x128xf32, #tpu.memory_space<vmem>>, vector<16xf32>,
        %get3A_1601 = arith.index_cast %add3A_1525 : i32 to index
        %get3A_1602 = arith.constant 112 : index
        %get3A_1603 = tpu.vector_load %arg10[%get3A_1601, %get3A_1602] {strides = array<i32>} : memref<256x128xf32, #tpu.memory_space<vmem>>, vector<16xf32>,
        %add3A_1604 = arith.addf %get3A_1600, %get3A_1603 : vector<16xf32>
        %mul3A_1605 = vector.broadcast %squeeze3A_1527 : f32 to vector<16xf32>
        %mul3A_1606 = arith.mulf %mul3A_1605, %sub3A_103 : vector<16xf32>
        %add3A_1607 = arith.addf %add3A_1604, %mul3A_1606 : vector<16xf32>
        %add3A_1608 = arith.addf %add3A_1537, %add3A_1547 : vector<16xf32>
        %add3A_1609 = arith.addf %add3A_1557, %add3A_1567 : vector<16xf32>
        %add3A_1610 = arith.addf %add3A_1608, %add3A_1609 : vector<16xf32>
        %add3A_1611 = arith.addf %add3A_1577, %add3A_1587 : vector<16xf32>
        %add3A_1612 = arith.addf %add3A_1597, %add3A_1607 : vector<16xf32>
        %add3A_1613 = arith.addf %add3A_1611, %add3A_1612 : vector<16xf32>
        %add3A_1614 = arith.addf %add3A_1610, %add3A_1613 : vector<16xf32>
        %mul3A_1615 = arith.mulf %add3A_1537, %add3A_1537 : vector<16xf32>
        %mul3A_1616 = arith.mulf %add3A_1547, %add3A_1547 : vector<16xf32>
        %add3A_1617 = arith.addf %mul3A_1615, %mul3A_1616 : vector<16xf32>
        %mul3A_1618 = arith.mulf %add3A_1557, %add3A_1557 : vector<16xf32>
        %mul3A_1619 = arith.mulf %add3A_1567, %add3A_1567 : vector<16xf32>
        %add3A_1620 = arith.addf %mul3A_1618, %mul3A_1619 : vector<16xf32>
        %add3A_1621 = arith.addf %add3A_1617, %add3A_1620 : vector<16xf32>
        %mul3A_1622 = arith.mulf %add3A_1577, %add3A_1577 : vector<16xf32>
        %mul3A_1623 = arith.mulf %add3A_1587, %add3A_1587 : vector<16xf32>
        %add3A_1624 = arith.addf %mul3A_1622, %mul3A_1623 : vector<16xf32>
        %add3A_1625 = arith.addf %add3A_1621, %add3A_1624 : vector<16xf32>
        %mul3A_1626 = arith.mulf %add3A_1597, %add3A_1597 : vector<16xf32>
        %mul3A_1627 = arith.mulf %add3A_1607, %add3A_1607 : vector<16xf32>
        %add3A_1628 = arith.addf %mul3A_1626, %mul3A_1627 : vector<16xf32>
        %add3A_1629 = arith.addf %add3A_1625, %add3A_1628 : vector<16xf32>
        %reduce_sum3A_1630 = arith.constant true
        %reduce_sum3A_1631 = vector.broadcast %reduce_sum3A_1630 : i1 to vector<16xi1>
        %reduce_sum3A_1632 = tpu.scan <sum>, %add3A_1614 masked %reduce_sum3A_1631 : vector<16xf32>, vector<16xi1> -> vector<16xf32>
        %reduce_sum3A_1633 = vector.extract %reduce_sum3A_1632[15] : f32 from vector<16xf32>
        %reduce_sum3A_1634 = arith.constant true
        %reduce_sum3A_1635 = vector.broadcast %reduce_sum3A_1634 : i1 to vector<16xi1>
        %reduce_sum3A_1636 = tpu.scan <sum>, %add3A_1629 masked %reduce_sum3A_1635 : vector<16xf32>, vector<16xi1> -> vector<16xf32>
        %reduce_sum3A_1637 = vector.extract %reduce_sum3A_1636[15] : f32 from vector<16xf32>
        %mul3A_1638 = arith.constant 7.812500e-03 : f32
        %mul3A_1639 = arith.mulf %reduce_sum3A_1633, %mul3A_1638 : f32
        %mul3A_1640 = arith.constant 7.812500e-03 : f32
        %mul3A_1641 = arith.mulf %reduce_sum3A_1637, %mul3A_1640 : f32
        %mul3A_1642 = arith.mulf %mul3A_1639, %mul3A_1639 : f32
        %sub3A_1643 = arith.subf %mul3A_1641, %mul3A_1642 : f32
        %add3A_1644 = arith.constant 9.99999974E-6 : f32
        %add3A_1645 = arith.addf %sub3A_1643, %add3A_1644 : f32
        %broadcast_in_dim3A_1646 = vector.broadcast %add3A_1645 : f32 to vector<16xf32>
        %bitcast3A_1647 = vector.bitcast %broadcast_in_dim3A_1646 : vector<16xf32> to vector<16xi32>
        %shift_right_arithmetic3A_1648 = arith.constant 1 : i32
        %shift_right_arithmetic3A_1649 = vector.broadcast %shift_right_arithmetic3A_1648 : i32 to vector<16xi32>
        %shift_right_arithmetic3A_1650 = arith.shrsi %bitcast3A_1647, %shift_right_arithmetic3A_1649 : vector<16xi32>
        %sub3A_1651 = arith.constant 1597463007 : i32
        %sub3A_1652 = vector.broadcast %sub3A_1651 : i32 to vector<16xi32>
        %sub3A_1653 = arith.subi %sub3A_1652, %shift_right_arithmetic3A_1650 : vector<16xi32>
        %bitcast3A_1654 = vector.bitcast %sub3A_1653 : vector<16xi32> to vector<16xf32>
        %mul3A_1655 = arith.constant 5.000000e-01 : f32
        %mul3A_1656 = vector.broadcast %mul3A_1655 : f32 to vector<16xf32>
        %mul3A_1657 = arith.mulf %mul3A_1656, %broadcast_in_dim3A_1646 : vector<16xf32>
        %mul3A_1658 = arith.mulf %mul3A_1657, %bitcast3A_1654 : vector<16xf32>
        %mul3A_1659 = arith.mulf %mul3A_1658, %bitcast3A_1654 : vector<16xf32>
        %sub3A_1660 = arith.constant 1.500000e+00 : f32
        %sub3A_1661 = vector.broadcast %sub3A_1660 : f32 to vector<16xf32>
        %sub3A_1662 = arith.subf %sub3A_1661, %mul3A_1659 : vector<16xf32>
        %mul3A_1663 = arith.mulf %bitcast3A_1654, %sub3A_1662 : vector<16xf32>
        %mul3A_1664 = arith.constant 5.000000e-01 : f32
        %mul3A_1665 = vector.broadcast %mul3A_1664 : f32 to vector<16xf32>
        %mul3A_1666 = arith.mulf %mul3A_1665, %broadcast_in_dim3A_1646 : vector<16xf32>
        %mul3A_1667 = arith.mulf %mul3A_1666, %mul3A_1663 : vector<16xf32>
        %mul3A_1668 = arith.mulf %mul3A_1667, %mul3A_1663 : vector<16xf32>
        %sub3A_1669 = arith.constant 1.500000e+00 : f32
        %sub3A_1670 = vector.broadcast %sub3A_1669 : f32 to vector<16xf32>
        %sub3A_1671 = arith.subf %sub3A_1670, %mul3A_1668 : vector<16xf32>
        %mul3A_1672 = arith.mulf %mul3A_1663, %sub3A_1671 : vector<16xf32>
        %mul3A_1673 = arith.constant 5.000000e-01 : f32
        %mul3A_1674 = vector.broadcast %mul3A_1673 : f32 to vector<16xf32>
        %mul3A_1675 = arith.mulf %mul3A_1674, %broadcast_in_dim3A_1646 : vector<16xf32>
        %mul3A_1676 = arith.mulf %mul3A_1675, %mul3A_1672 : vector<16xf32>
        %mul3A_1677 = arith.mulf %mul3A_1676, %mul3A_1672 : vector<16xf32>
        %sub3A_1678 = arith.constant 1.500000e+00 : f32
        %sub3A_1679 = vector.broadcast %sub3A_1678 : f32 to vector<16xf32>
        %sub3A_1680 = arith.subf %sub3A_1679, %mul3A_1677 : vector<16xf32>
        %mul3A_1681 = arith.mulf %mul3A_1672, %sub3A_1680 : vector<16xf32>
        %sub3A_1682 = vector.broadcast %mul3A_1639 : f32 to vector<16xf32>
        %sub3A_1683 = arith.subf %add3A_1537, %sub3A_1682 : vector<16xf32>
        %mul3A_1684 = arith.mulf %sub3A_1683, %mul3A_1681 : vector<16xf32>
        %mul3A_1685 = arith.mulf %mul3A_1684, %get3A_105 : vector<16xf32>
        %add3A_1686 = arith.addf %mul3A_1685, %get3A_121 : vector<16xf32>
        %swap3A_1687 = arith.index_cast %add3A_1525 : i32 to index
        %swap3A_1688 = arith.constant 0 : index
        %swap3A_1689 = tpu.vector_load %arg11[%swap3A_1687, %swap3A_1688] {strides = array<i32>} : memref<256x128xf32, #tpu.memory_space<vmem>>, vector<16xf32>,
        tpu.vector_store %arg11[%swap3A_1687, %swap3A_1688], %add3A_1686 {strides = array<i32>} : memref<256x128xf32, #tpu.memory_space<vmem>>, vector<16xf32>,
        %sub3A_1690 = vector.broadcast %mul3A_1639 : f32 to vector<16xf32>
        %sub3A_1691 = arith.subf %add3A_1547, %sub3A_1690 : vector<16xf32>
        %mul3A_1692 = arith.mulf %sub3A_1691, %mul3A_1681 : vector<16xf32>
        %mul3A_1693 = arith.mulf %mul3A_1692, %get3A_107 : vector<16xf32>
        %add3A_1694 = arith.addf %mul3A_1693, %get3A_123 : vector<16xf32>
        %swap3A_1695 = arith.index_cast %add3A_1525 : i32 to index
        %swap3A_1696 = arith.constant 16 : index
        %swap3A_1697 = tpu.vector_load %arg11[%swap3A_1695, %swap3A_1696] {strides = array<i32>} : memref<256x128xf32, #tpu.memory_space<vmem>>, vector<16xf32>,
        tpu.vector_store %arg11[%swap3A_1695, %swap3A_1696], %add3A_1694 {strides = array<i32>} : memref<256x128xf32, #tpu.memory_space<vmem>>, vector<16xf32>,
        %sub3A_1698 = vector.broadcast %mul3A_1639 : f32 to vector<16xf32>
        %sub3A_1699 = arith.subf %add3A_1557, %sub3A_1698 : vector<16xf32>
        %mul3A_1700 = arith.mulf %sub3A_1699, %mul3A_1681 : vector<16xf32>
        %mul3A_1701 = arith.mulf %mul3A_1700, %get3A_109 : vector<16xf32>
        %add3A_1702 = arith.addf %mul3A_1701, %get3A_125 : vector<16xf32>
        %swap3A_1703 = arith.index_cast %add3A_1525 : i32 to index
        %swap3A_1704 = arith.constant 32 : index
        %swap3A_1705 = tpu.vector_load %arg11[%swap3A_1703, %swap3A_1704] {strides = array<i32>} : memref<256x128xf32, #tpu.memory_space<vmem>>, vector<16xf32>,
        tpu.vector_store %arg11[%swap3A_1703, %swap3A_1704], %add3A_1702 {strides = array<i32>} : memref<256x128xf32, #tpu.memory_space<vmem>>, vector<16xf32>,
        %sub3A_1706 = vector.broadcast %mul3A_1639 : f32 to vector<16xf32>
        %sub3A_1707 = arith.subf %add3A_1567, %sub3A_1706 : vector<16xf32>
        %mul3A_1708 = arith.mulf %sub3A_1707, %mul3A_1681 : vector<16xf32>
        %mul3A_1709 = arith.mulf %mul3A_1708, %get3A_111 : vector<16xf32>
        %add3A_1710 = arith.addf %mul3A_1709, %get3A_127 : vector<16xf32>
        %swap3A_1711 = arith.index_cast %add3A_1525 : i32 to index
        %swap3A_1712 = arith.constant 48 : index
        %swap3A_1713 = tpu.vector_load %arg11[%swap3A_1711, %swap3A_1712] {strides = array<i32>} : memref<256x128xf32, #tpu.memory_space<vmem>>, vector<16xf32>,
        tpu.vector_store %arg11[%swap3A_1711, %swap3A_1712], %add3A_1710 {strides = array<i32>} : memref<256x128xf32, #tpu.memory_space<vmem>>, vector<16xf32>,
        %sub3A_1714 = vector.broadcast %mul3A_1639 : f32 to vector<16xf32>
        %sub3A_1715 = arith.subf %add3A_1577, %sub3A_1714 : vector<16xf32>
        %mul3A_1716 = arith.mulf %sub3A_1715, %mul3A_1681 : vector<16xf32>
        %mul3A_1717 = arith.mulf %mul3A_1716, %get3A_113 : vector<16xf32>
        %add3A_1718 = arith.addf %mul3A_1717, %get3A_129 : vector<16xf32>
        %swap3A_1719 = arith.index_cast %add3A_1525 : i32 to index
        %swap3A_1720 = arith.constant 64 : index
        %swap3A_1721 = tpu.vector_load %arg11[%swap3A_1719, %swap3A_1720] {strides = array<i32>} : memref<256x128xf32, #tpu.memory_space<vmem>>, vector<16xf32>,
        tpu.vector_store %arg11[%swap3A_1719, %swap3A_1720], %add3A_1718 {strides = array<i32>} : memref<256x128xf32, #tpu.memory_space<vmem>>, vector<16xf32>,
        %sub3A_1722 = vector.broadcast %mul3A_1639 : f32 to vector<16xf32>
        %sub3A_1723 = arith.subf %add3A_1587, %sub3A_1722 : vector<16xf32>
        %mul3A_1724 = arith.mulf %sub3A_1723, %mul3A_1681 : vector<16xf32>
        %mul3A_1725 = arith.mulf %mul3A_1724, %get3A_115 : vector<16xf32>
        %add3A_1726 = arith.addf %mul3A_1725, %get3A_131 : vector<16xf32>
        %swap3A_1727 = arith.index_cast %add3A_1525 : i32 to index
        %swap3A_1728 = arith.constant 80 : index
        %swap3A_1729 = tpu.vector_load %arg11[%swap3A_1727, %swap3A_1728] {strides = array<i32>} : memref<256x128xf32, #tpu.memory_space<vmem>>, vector<16xf32>,
        tpu.vector_store %arg11[%swap3A_1727, %swap3A_1728], %add3A_1726 {strides = array<i32>} : memref<256x128xf32, #tpu.memory_space<vmem>>, vector<16xf32>,
        %sub3A_1730 = vector.broadcast %mul3A_1639 : f32 to vector<16xf32>
        %sub3A_1731 = arith.subf %add3A_1597, %sub3A_1730 : vector<16xf32>
        %mul3A_1732 = arith.mulf %sub3A_1731, %mul3A_1681 : vector<16xf32>
        %mul3A_1733 = arith.mulf %mul3A_1732, %get3A_117 : vector<16xf32>
        %add3A_1734 = arith.addf %mul3A_1733, %get3A_133 : vector<16xf32>
        %swap3A_1735 = arith.index_cast %add3A_1525 : i32 to index
        %swap3A_1736 = arith.constant 96 : index
        %swap3A_1737 = tpu.vector_load %arg11[%swap3A_1735, %swap3A_1736] {strides = array<i32>} : memref<256x128xf32, #tpu.memory_space<vmem>>, vector<16xf32>,
        tpu.vector_store %arg11[%swap3A_1735, %swap3A_1736], %add3A_1734 {strides = array<i32>} : memref<256x128xf32, #tpu.memory_space<vmem>>, vector<16xf32>,
        %sub3A_1738 = vector.broadcast %mul3A_1639 : f32 to vector<16xf32>
        %sub3A_1739 = arith.subf %add3A_1607, %sub3A_1738 : vector<16xf32>
        %mul3A_1740 = arith.mulf %sub3A_1739, %mul3A_1681 : vector<16xf32>
        %mul3A_1741 = arith.mulf %mul3A_1740, %get3A_119 : vector<16xf32>
        %add3A_1742 = arith.addf %mul3A_1741, %get3A_135 : vector<16xf32>
        %swap3A_1743 = arith.index_cast %add3A_1525 : i32 to index
        %swap3A_1744 = arith.constant 112 : index
        %swap3A_1745 = tpu.vector_load %arg11[%swap3A_1743, %swap3A_1744] {strides = array<i32>} : memref<256x128xf32, #tpu.memory_space<vmem>>, vector<16xf32>,
        tpu.vector_store %arg11[%swap3A_1743, %swap3A_1744], %add3A_1742 {strides = array<i32>} : memref<256x128xf32, #tpu.memory_space<vmem>>, vector<16xf32>,
        %add3A_1746 = arith.constant 7 : i32
        %add3A_1747 = arith.addi %mul3A_196, %add3A_1746 : i32
        %slice3A_1748 = vector.extract_strided_slice %get3A_198 {offsets = [7], sizes = [1], strides = [1]} : vector<16xf32> to vector<1xf32>
        %squeeze3A_1749 = vector.extract %slice3A_1748[0] : f32 from vector<1xf32>
        %get3A_1750 = arith.index_cast %add3A_1747 : i32 to index
        %get3A_1751 = arith.constant 0 : index
        %get3A_1752 = tpu.vector_load %arg11[%get3A_1750, %get3A_1751] {strides = array<i32>} : memref<256x128xf32, #tpu.memory_space<vmem>>, vector<16xf32>,
        %get3A_1753 = arith.index_cast %add3A_1747 : i32 to index
        %get3A_1754 = arith.constant 0 : index
        %get3A_1755 = tpu.vector_load %arg10[%get3A_1753, %get3A_1754] {strides = array<i32>} : memref<256x128xf32, #tpu.memory_space<vmem>>, vector<16xf32>,
        %add3A_1756 = arith.addf %get3A_1752, %get3A_1755 : vector<16xf32>
        %mul3A_1757 = vector.broadcast %squeeze3A_1749 : f32 to vector<16xf32>
        %mul3A_1758 = arith.mulf %mul3A_1757, %sub3A_96 : vector<16xf32>
        %add3A_1759 = arith.addf %add3A_1756, %mul3A_1758 : vector<16xf32>
        %get3A_1760 = arith.index_cast %add3A_1747 : i32 to index
        %get3A_1761 = arith.constant 16 : index
        %get3A_1762 = tpu.vector_load %arg11[%get3A_1760, %get3A_1761] {strides = array<i32>} : memref<256x128xf32, #tpu.memory_space<vmem>>, vector<16xf32>,
        %get3A_1763 = arith.index_cast %add3A_1747 : i32 to index
        %get3A_1764 = arith.constant 16 : index
        %get3A_1765 = tpu.vector_load %arg10[%get3A_1763, %get3A_1764] {strides = array<i32>} : memref<256x128xf32, #tpu.memory_space<vmem>>, vector<16xf32>,
        %add3A_1766 = arith.addf %get3A_1762, %get3A_1765 : vector<16xf32>
        %mul3A_1767 = vector.broadcast %squeeze3A_1749 : f32 to vector<16xf32>
        %mul3A_1768 = arith.mulf %mul3A_1767, %sub3A_97 : vector<16xf32>
        %add3A_1769 = arith.addf %add3A_1766, %mul3A_1768 : vector<16xf32>
        %get3A_1770 = arith.index_cast %add3A_1747 : i32 to index
        %get3A_1771 = arith.constant 32 : index
        %get3A_1772 = tpu.vector_load %arg11[%get3A_1770, %get3A_1771] {strides = array<i32>} : memref<256x128xf32, #tpu.memory_space<vmem>>, vector<16xf32>,
        %get3A_1773 = arith.index_cast %add3A_1747 : i32 to index
        %get3A_1774 = arith.constant 32 : index
        %get3A_1775 = tpu.vector_load %arg10[%get3A_1773, %get3A_1774] {strides = array<i32>} : memref<256x128xf32, #tpu.memory_space<vmem>>, vector<16xf32>,
        %add3A_1776 = arith.addf %get3A_1772, %get3A_1775 : vector<16xf32>
        %mul3A_1777 = vector.broadcast %squeeze3A_1749 : f32 to vector<16xf32>
        %mul3A_1778 = arith.mulf %mul3A_1777, %sub3A_98 : vector<16xf32>
        %add3A_1779 = arith.addf %add3A_1776, %mul3A_1778 : vector<16xf32>
        %get3A_1780 = arith.index_cast %add3A_1747 : i32 to index
        %get3A_1781 = arith.constant 48 : index
        %get3A_1782 = tpu.vector_load %arg11[%get3A_1780, %get3A_1781] {strides = array<i32>} : memref<256x128xf32, #tpu.memory_space<vmem>>, vector<16xf32>,
        %get3A_1783 = arith.index_cast %add3A_1747 : i32 to index
        %get3A_1784 = arith.constant 48 : index
        %get3A_1785 = tpu.vector_load %arg10[%get3A_1783, %get3A_1784] {strides = array<i32>} : memref<256x128xf32, #tpu.memory_space<vmem>>, vector<16xf32>,
        %add3A_1786 = arith.addf %get3A_1782, %get3A_1785 : vector<16xf32>
        %mul3A_1787 = vector.broadcast %squeeze3A_1749 : f32 to vector<16xf32>
        %mul3A_1788 = arith.mulf %mul3A_1787, %sub3A_99 : vector<16xf32>
        %add3A_1789 = arith.addf %add3A_1786, %mul3A_1788 : vector<16xf32>
        %get3A_1790 = arith.index_cast %add3A_1747 : i32 to index
        %get3A_1791 = arith.constant 64 : index
        %get3A_1792 = tpu.vector_load %arg11[%get3A_1790, %get3A_1791] {strides = array<i32>} : memref<256x128xf32, #tpu.memory_space<vmem>>, vector<16xf32>,
        %get3A_1793 = arith.index_cast %add3A_1747 : i32 to index
        %get3A_1794 = arith.constant 64 : index
        %get3A_1795 = tpu.vector_load %arg10[%get3A_1793, %get3A_1794] {strides = array<i32>} : memref<256x128xf32, #tpu.memory_space<vmem>>, vector<16xf32>,
        %add3A_1796 = arith.addf %get3A_1792, %get3A_1795 : vector<16xf32>
        %mul3A_1797 = vector.broadcast %squeeze3A_1749 : f32 to vector<16xf32>
        %mul3A_1798 = arith.mulf %mul3A_1797, %sub3A_100 : vector<16xf32>
        %add3A_1799 = arith.addf %add3A_1796, %mul3A_1798 : vector<16xf32>
        %get3A_1800 = arith.index_cast %add3A_1747 : i32 to index
        %get3A_1801 = arith.constant 80 : index
        %get3A_1802 = tpu.vector_load %arg11[%get3A_1800, %get3A_1801] {strides = array<i32>} : memref<256x128xf32, #tpu.memory_space<vmem>>, vector<16xf32>,
        %get3A_1803 = arith.index_cast %add3A_1747 : i32 to index
        %get3A_1804 = arith.constant 80 : index
        %get3A_1805 = tpu.vector_load %arg10[%get3A_1803, %get3A_1804] {strides = array<i32>} : memref<256x128xf32, #tpu.memory_space<vmem>>, vector<16xf32>,
        %add3A_1806 = arith.addf %get3A_1802, %get3A_1805 : vector<16xf32>
        %mul3A_1807 = vector.broadcast %squeeze3A_1749 : f32 to vector<16xf32>
        %mul3A_1808 = arith.mulf %mul3A_1807, %sub3A_101 : vector<16xf32>
        %add3A_1809 = arith.addf %add3A_1806, %mul3A_1808 : vector<16xf32>
        %get3A_1810 = arith.index_cast %add3A_1747 : i32 to index
        %get3A_1811 = arith.constant 96 : index
        %get3A_1812 = tpu.vector_load %arg11[%get3A_1810, %get3A_1811] {strides = array<i32>} : memref<256x128xf32, #tpu.memory_space<vmem>>, vector<16xf32>,
        %get3A_1813 = arith.index_cast %add3A_1747 : i32 to index
        %get3A_1814 = arith.constant 96 : index
        %get3A_1815 = tpu.vector_load %arg10[%get3A_1813, %get3A_1814] {strides = array<i32>} : memref<256x128xf32, #tpu.memory_space<vmem>>, vector<16xf32>,
        %add3A_1816 = arith.addf %get3A_1812, %get3A_1815 : vector<16xf32>
        %mul3A_1817 = vector.broadcast %squeeze3A_1749 : f32 to vector<16xf32>
        %mul3A_1818 = arith.mulf %mul3A_1817, %sub3A_102 : vector<16xf32>
        %add3A_1819 = arith.addf %add3A_1816, %mul3A_1818 : vector<16xf32>
        %get3A_1820 = arith.index_cast %add3A_1747 : i32 to index
        %get3A_1821 = arith.constant 112 : index
        %get3A_1822 = tpu.vector_load %arg11[%get3A_1820, %get3A_1821] {strides = array<i32>} : memref<256x128xf32, #tpu.memory_space<vmem>>, vector<16xf32>,
        %get3A_1823 = arith.index_cast %add3A_1747 : i32 to index
        %get3A_1824 = arith.constant 112 : index
        %get3A_1825 = tpu.vector_load %arg10[%get3A_1823, %get3A_1824] {strides = array<i32>} : memref<256x128xf32, #tpu.memory_space<vmem>>, vector<16xf32>,
        %add3A_1826 = arith.addf %get3A_1822, %get3A_1825 : vector<16xf32>
        %mul3A_1827 = vector.broadcast %squeeze3A_1749 : f32 to vector<16xf32>
        %mul3A_1828 = arith.mulf %mul3A_1827, %sub3A_103 : vector<16xf32>
        %add3A_1829 = arith.addf %add3A_1826, %mul3A_1828 : vector<16xf32>
        %add3A_1830 = arith.addf %add3A_1759, %add3A_1769 : vector<16xf32>
        %add3A_1831 = arith.addf %add3A_1779, %add3A_1789 : vector<16xf32>
        %add3A_1832 = arith.addf %add3A_1830, %add3A_1831 : vector<16xf32>
        %add3A_1833 = arith.addf %add3A_1799, %add3A_1809 : vector<16xf32>
        %add3A_1834 = arith.addf %add3A_1819, %add3A_1829 : vector<16xf32>
        %add3A_1835 = arith.addf %add3A_1833, %add3A_1834 : vector<16xf32>
        %add3A_1836 = arith.addf %add3A_1832, %add3A_1835 : vector<16xf32>
        %mul3A_1837 = arith.mulf %add3A_1759, %add3A_1759 : vector<16xf32>
        %mul3A_1838 = arith.mulf %add3A_1769, %add3A_1769 : vector<16xf32>
        %add3A_1839 = arith.addf %mul3A_1837, %mul3A_1838 : vector<16xf32>
        %mul3A_1840 = arith.mulf %add3A_1779, %add3A_1779 : vector<16xf32>
        %mul3A_1841 = arith.mulf %add3A_1789, %add3A_1789 : vector<16xf32>
        %add3A_1842 = arith.addf %mul3A_1840, %mul3A_1841 : vector<16xf32>
        %add3A_1843 = arith.addf %add3A_1839, %add3A_1842 : vector<16xf32>
        %mul3A_1844 = arith.mulf %add3A_1799, %add3A_1799 : vector<16xf32>
        %mul3A_1845 = arith.mulf %add3A_1809, %add3A_1809 : vector<16xf32>
        %add3A_1846 = arith.addf %mul3A_1844, %mul3A_1845 : vector<16xf32>
        %add3A_1847 = arith.addf %add3A_1843, %add3A_1846 : vector<16xf32>
        %mul3A_1848 = arith.mulf %add3A_1819, %add3A_1819 : vector<16xf32>
        %mul3A_1849 = arith.mulf %add3A_1829, %add3A_1829 : vector<16xf32>
        %add3A_1850 = arith.addf %mul3A_1848, %mul3A_1849 : vector<16xf32>
        %add3A_1851 = arith.addf %add3A_1847, %add3A_1850 : vector<16xf32>
        %reduce_sum3A_1852 = arith.constant true
        %reduce_sum3A_1853 = vector.broadcast %reduce_sum3A_1852 : i1 to vector<16xi1>
        %reduce_sum3A_1854 = tpu.scan <sum>, %add3A_1836 masked %reduce_sum3A_1853 : vector<16xf32>, vector<16xi1> -> vector<16xf32>
        %reduce_sum3A_1855 = vector.extract %reduce_sum3A_1854[15] : f32 from vector<16xf32>
        %reduce_sum3A_1856 = arith.constant true
        %reduce_sum3A_1857 = vector.broadcast %reduce_sum3A_1856 : i1 to vector<16xi1>
        %reduce_sum3A_1858 = tpu.scan <sum>, %add3A_1851 masked %reduce_sum3A_1857 : vector<16xf32>, vector<16xi1> -> vector<16xf32>
        %reduce_sum3A_1859 = vector.extract %reduce_sum3A_1858[15] : f32 from vector<16xf32>
        %mul3A_1860 = arith.constant 7.812500e-03 : f32
        %mul3A_1861 = arith.mulf %reduce_sum3A_1855, %mul3A_1860 : f32
        %mul3A_1862 = arith.constant 7.812500e-03 : f32
        %mul3A_1863 = arith.mulf %reduce_sum3A_1859, %mul3A_1862 : f32
        %mul3A_1864 = arith.mulf %mul3A_1861, %mul3A_1861 : f32
        %sub3A_1865 = arith.subf %mul3A_1863, %mul3A_1864 : f32
        %add3A_1866 = arith.constant 9.99999974E-6 : f32
        %add3A_1867 = arith.addf %sub3A_1865, %add3A_1866 : f32
        %broadcast_in_dim3A_1868 = vector.broadcast %add3A_1867 : f32 to vector<16xf32>
        %bitcast3A_1869 = vector.bitcast %broadcast_in_dim3A_1868 : vector<16xf32> to vector<16xi32>
        %shift_right_arithmetic3A_1870 = arith.constant 1 : i32
        %shift_right_arithmetic3A_1871 = vector.broadcast %shift_right_arithmetic3A_1870 : i32 to vector<16xi32>
        %shift_right_arithmetic3A_1872 = arith.shrsi %bitcast3A_1869, %shift_right_arithmetic3A_1871 : vector<16xi32>
        %sub3A_1873 = arith.constant 1597463007 : i32
        %sub3A_1874 = vector.broadcast %sub3A_1873 : i32 to vector<16xi32>
        %sub3A_1875 = arith.subi %sub3A_1874, %shift_right_arithmetic3A_1872 : vector<16xi32>
        %bitcast3A_1876 = vector.bitcast %sub3A_1875 : vector<16xi32> to vector<16xf32>
        %mul3A_1877 = arith.constant 5.000000e-01 : f32
        %mul3A_1878 = vector.broadcast %mul3A_1877 : f32 to vector<16xf32>
        %mul3A_1879 = arith.mulf %mul3A_1878, %broadcast_in_dim3A_1868 : vector<16xf32>
        %mul3A_1880 = arith.mulf %mul3A_1879, %bitcast3A_1876 : vector<16xf32>
        %mul3A_1881 = arith.mulf %mul3A_1880, %bitcast3A_1876 : vector<16xf32>
        %sub3A_1882 = arith.constant 1.500000e+00 : f32
        %sub3A_1883 = vector.broadcast %sub3A_1882 : f32 to vector<16xf32>
        %sub3A_1884 = arith.subf %sub3A_1883, %mul3A_1881 : vector<16xf32>
        %mul3A_1885 = arith.mulf %bitcast3A_1876, %sub3A_1884 : vector<16xf32>
        %mul3A_1886 = arith.constant 5.000000e-01 : f32
        %mul3A_1887 = vector.broadcast %mul3A_1886 : f32 to vector<16xf32>
        %mul3A_1888 = arith.mulf %mul3A_1887, %broadcast_in_dim3A_1868 : vector<16xf32>
        %mul3A_1889 = arith.mulf %mul3A_1888, %mul3A_1885 : vector<16xf32>
        %mul3A_1890 = arith.mulf %mul3A_1889, %mul3A_1885 : vector<16xf32>
        %sub3A_1891 = arith.constant 1.500000e+00 : f32
        %sub3A_1892 = vector.broadcast %sub3A_1891 : f32 to vector<16xf32>
        %sub3A_1893 = arith.subf %sub3A_1892, %mul3A_1890 : vector<16xf32>
        %mul3A_1894 = arith.mulf %mul3A_1885, %sub3A_1893 : vector<16xf32>
        %mul3A_1895 = arith.constant 5.000000e-01 : f32
        %mul3A_1896 = vector.broadcast %mul3A_1895 : f32 to vector<16xf32>
        %mul3A_1897 = arith.mulf %mul3A_1896, %broadcast_in_dim3A_1868 : vector<16xf32>
        %mul3A_1898 = arith.mulf %mul3A_1897, %mul3A_1894 : vector<16xf32>
        %mul3A_1899 = arith.mulf %mul3A_1898, %mul3A_1894 : vector<16xf32>
        %sub3A_1900 = arith.constant 1.500000e+00 : f32
        %sub3A_1901 = vector.broadcast %sub3A_1900 : f32 to vector<16xf32>
        %sub3A_1902 = arith.subf %sub3A_1901, %mul3A_1899 : vector<16xf32>
        %mul3A_1903 = arith.mulf %mul3A_1894, %sub3A_1902 : vector<16xf32>
        %sub3A_1904 = vector.broadcast %mul3A_1861 : f32 to vector<16xf32>
        %sub3A_1905 = arith.subf %add3A_1759, %sub3A_1904 : vector<16xf32>
        %mul3A_1906 = arith.mulf %sub3A_1905, %mul3A_1903 : vector<16xf32>
        %mul3A_1907 = arith.mulf %mul3A_1906, %get3A_105 : vector<16xf32>
        %add3A_1908 = arith.addf %mul3A_1907, %get3A_121 : vector<16xf32>
        %swap3A_1909 = arith.index_cast %add3A_1747 : i32 to index
        %swap3A_1910 = arith.constant 0 : index
        %swap3A_1911 = tpu.vector_load %arg11[%swap3A_1909, %swap3A_1910] {strides = array<i32>} : memref<256x128xf32, #tpu.memory_space<vmem>>, vector<16xf32>,
        tpu.vector_store %arg11[%swap3A_1909, %swap3A_1910], %add3A_1908 {strides = array<i32>} : memref<256x128xf32, #tpu.memory_space<vmem>>, vector<16xf32>,
        %sub3A_1912 = vector.broadcast %mul3A_1861 : f32 to vector<16xf32>
        %sub3A_1913 = arith.subf %add3A_1769, %sub3A_1912 : vector<16xf32>
        %mul3A_1914 = arith.mulf %sub3A_1913, %mul3A_1903 : vector<16xf32>
        %mul3A_1915 = arith.mulf %mul3A_1914, %get3A_107 : vector<16xf32>
        %add3A_1916 = arith.addf %mul3A_1915, %get3A_123 : vector<16xf32>
        %swap3A_1917 = arith.index_cast %add3A_1747 : i32 to index
        %swap3A_1918 = arith.constant 16 : index
        %swap3A_1919 = tpu.vector_load %arg11[%swap3A_1917, %swap3A_1918] {strides = array<i32>} : memref<256x128xf32, #tpu.memory_space<vmem>>, vector<16xf32>,
        tpu.vector_store %arg11[%swap3A_1917, %swap3A_1918], %add3A_1916 {strides = array<i32>} : memref<256x128xf32, #tpu.memory_space<vmem>>, vector<16xf32>,
        %sub3A_1920 = vector.broadcast %mul3A_1861 : f32 to vector<16xf32>
        %sub3A_1921 = arith.subf %add3A_1779, %sub3A_1920 : vector<16xf32>
        %mul3A_1922 = arith.mulf %sub3A_1921, %mul3A_1903 : vector<16xf32>
        %mul3A_1923 = arith.mulf %mul3A_1922, %get3A_109 : vector<16xf32>
        %add3A_1924 = arith.addf %mul3A_1923, %get3A_125 : vector<16xf32>
        %swap3A_1925 = arith.index_cast %add3A_1747 : i32 to index
        %swap3A_1926 = arith.constant 32 : index
        %swap3A_1927 = tpu.vector_load %arg11[%swap3A_1925, %swap3A_1926] {strides = array<i32>} : memref<256x128xf32, #tpu.memory_space<vmem>>, vector<16xf32>,
        tpu.vector_store %arg11[%swap3A_1925, %swap3A_1926], %add3A_1924 {strides = array<i32>} : memref<256x128xf32, #tpu.memory_space<vmem>>, vector<16xf32>,
        %sub3A_1928 = vector.broadcast %mul3A_1861 : f32 to vector<16xf32>
        %sub3A_1929 = arith.subf %add3A_1789, %sub3A_1928 : vector<16xf32>
        %mul3A_1930 = arith.mulf %sub3A_1929, %mul3A_1903 : vector<16xf32>
        %mul3A_1931 = arith.mulf %mul3A_1930, %get3A_111 : vector<16xf32>
        %add3A_1932 = arith.addf %mul3A_1931, %get3A_127 : vector<16xf32>
        %swap3A_1933 = arith.index_cast %add3A_1747 : i32 to index
        %swap3A_1934 = arith.constant 48 : index
        %swap3A_1935 = tpu.vector_load %arg11[%swap3A_1933, %swap3A_1934] {strides = array<i32>} : memref<256x128xf32, #tpu.memory_space<vmem>>, vector<16xf32>,
        tpu.vector_store %arg11[%swap3A_1933, %swap3A_1934], %add3A_1932 {strides = array<i32>} : memref<256x128xf32, #tpu.memory_space<vmem>>, vector<16xf32>,
        %sub3A_1936 = vector.broadcast %mul3A_1861 : f32 to vector<16xf32>
        %sub3A_1937 = arith.subf %add3A_1799, %sub3A_1936 : vector<16xf32>
        %mul3A_1938 = arith.mulf %sub3A_1937, %mul3A_1903 : vector<16xf32>
        %mul3A_1939 = arith.mulf %mul3A_1938, %get3A_113 : vector<16xf32>
        %add3A_1940 = arith.addf %mul3A_1939, %get3A_129 : vector<16xf32>
        %swap3A_1941 = arith.index_cast %add3A_1747 : i32 to index
        %swap3A_1942 = arith.constant 64 : index
        %swap3A_1943 = tpu.vector_load %arg11[%swap3A_1941, %swap3A_1942] {strides = array<i32>} : memref<256x128xf32, #tpu.memory_space<vmem>>, vector<16xf32>,
        tpu.vector_store %arg11[%swap3A_1941, %swap3A_1942], %add3A_1940 {strides = array<i32>} : memref<256x128xf32, #tpu.memory_space<vmem>>, vector<16xf32>,
        %sub3A_1944 = vector.broadcast %mul3A_1861 : f32 to vector<16xf32>
        %sub3A_1945 = arith.subf %add3A_1809, %sub3A_1944 : vector<16xf32>
        %mul3A_1946 = arith.mulf %sub3A_1945, %mul3A_1903 : vector<16xf32>
        %mul3A_1947 = arith.mulf %mul3A_1946, %get3A_115 : vector<16xf32>
        %add3A_1948 = arith.addf %mul3A_1947, %get3A_131 : vector<16xf32>
        %swap3A_1949 = arith.index_cast %add3A_1747 : i32 to index
        %swap3A_1950 = arith.constant 80 : index
        %swap3A_1951 = tpu.vector_load %arg11[%swap3A_1949, %swap3A_1950] {strides = array<i32>} : memref<256x128xf32, #tpu.memory_space<vmem>>, vector<16xf32>,
        tpu.vector_store %arg11[%swap3A_1949, %swap3A_1950], %add3A_1948 {strides = array<i32>} : memref<256x128xf32, #tpu.memory_space<vmem>>, vector<16xf32>,
        %sub3A_1952 = vector.broadcast %mul3A_1861 : f32 to vector<16xf32>
        %sub3A_1953 = arith.subf %add3A_1819, %sub3A_1952 : vector<16xf32>
        %mul3A_1954 = arith.mulf %sub3A_1953, %mul3A_1903 : vector<16xf32>
        %mul3A_1955 = arith.mulf %mul3A_1954, %get3A_117 : vector<16xf32>
        %add3A_1956 = arith.addf %mul3A_1955, %get3A_133 : vector<16xf32>
        %swap3A_1957 = arith.index_cast %add3A_1747 : i32 to index
        %swap3A_1958 = arith.constant 96 : index
        %swap3A_1959 = tpu.vector_load %arg11[%swap3A_1957, %swap3A_1958] {strides = array<i32>} : memref<256x128xf32, #tpu.memory_space<vmem>>, vector<16xf32>,
        tpu.vector_store %arg11[%swap3A_1957, %swap3A_1958], %add3A_1956 {strides = array<i32>} : memref<256x128xf32, #tpu.memory_space<vmem>>, vector<16xf32>,
        %sub3A_1960 = vector.broadcast %mul3A_1861 : f32 to vector<16xf32>
        %sub3A_1961 = arith.subf %add3A_1829, %sub3A_1960 : vector<16xf32>
        %mul3A_1962 = arith.mulf %sub3A_1961, %mul3A_1903 : vector<16xf32>
        %mul3A_1963 = arith.mulf %mul3A_1962, %get3A_119 : vector<16xf32>
        %add3A_1964 = arith.addf %mul3A_1963, %get3A_135 : vector<16xf32>
        %swap3A_1965 = arith.index_cast %add3A_1747 : i32 to index
        %swap3A_1966 = arith.constant 112 : index
        %swap3A_1967 = tpu.vector_load %arg11[%swap3A_1965, %swap3A_1966] {strides = array<i32>} : memref<256x128xf32, #tpu.memory_space<vmem>>, vector<16xf32>,
        tpu.vector_store %arg11[%swap3A_1965, %swap3A_1966], %add3A_1964 {strides = array<i32>} : memref<256x128xf32, #tpu.memory_space<vmem>>, vector<16xf32>,
        %add3A_1968 = arith.constant 8 : i32
        %add3A_1969 = arith.addi %mul3A_196, %add3A_1968 : i32
        %slice3A_1970 = vector.extract_strided_slice %get3A_198 {offsets = [8], sizes = [1], strides = [1]} : vector<16xf32> to vector<1xf32>
        %squeeze3A_1971 = vector.extract %slice3A_1970[0] : f32 from vector<1xf32>
        %get3A_1972 = arith.index_cast %add3A_1969 : i32 to index
        %get3A_1973 = arith.constant 0 : index
        %get3A_1974 = tpu.vector_load %arg11[%get3A_1972, %get3A_1973] {strides = array<i32>} : memref<256x128xf32, #tpu.memory_space<vmem>>, vector<16xf32>,
        %get3A_1975 = arith.index_cast %add3A_1969 : i32 to index
        %get3A_1976 = arith.constant 0 : index
        %get3A_1977 = tpu.vector_load %arg10[%get3A_1975, %get3A_1976] {strides = array<i32>} : memref<256x128xf32, #tpu.memory_space<vmem>>, vector<16xf32>,
        %add3A_1978 = arith.addf %get3A_1974, %get3A_1977 : vector<16xf32>
        %mul3A_1979 = vector.broadcast %squeeze3A_1971 : f32 to vector<16xf32>
        %mul3A_1980 = arith.mulf %mul3A_1979, %sub3A_96 : vector<16xf32>
        %add3A_1981 = arith.addf %add3A_1978, %mul3A_1980 : vector<16xf32>
        %get3A_1982 = arith.index_cast %add3A_1969 : i32 to index
        %get3A_1983 = arith.constant 16 : index
        %get3A_1984 = tpu.vector_load %arg11[%get3A_1982, %get3A_1983] {strides = array<i32>} : memref<256x128xf32, #tpu.memory_space<vmem>>, vector<16xf32>,
        %get3A_1985 = arith.index_cast %add3A_1969 : i32 to index
        %get3A_1986 = arith.constant 16 : index
        %get3A_1987 = tpu.vector_load %arg10[%get3A_1985, %get3A_1986] {strides = array<i32>} : memref<256x128xf32, #tpu.memory_space<vmem>>, vector<16xf32>,
        %add3A_1988 = arith.addf %get3A_1984, %get3A_1987 : vector<16xf32>
        %mul3A_1989 = vector.broadcast %squeeze3A_1971 : f32 to vector<16xf32>
        %mul3A_1990 = arith.mulf %mul3A_1989, %sub3A_97 : vector<16xf32>
        %add3A_1991 = arith.addf %add3A_1988, %mul3A_1990 : vector<16xf32>
        %get3A_1992 = arith.index_cast %add3A_1969 : i32 to index
        %get3A_1993 = arith.constant 32 : index
        %get3A_1994 = tpu.vector_load %arg11[%get3A_1992, %get3A_1993] {strides = array<i32>} : memref<256x128xf32, #tpu.memory_space<vmem>>, vector<16xf32>,
        %get3A_1995 = arith.index_cast %add3A_1969 : i32 to index
        %get3A_1996 = arith.constant 32 : index
        %get3A_1997 = tpu.vector_load %arg10[%get3A_1995, %get3A_1996] {strides = array<i32>} : memref<256x128xf32, #tpu.memory_space<vmem>>, vector<16xf32>,
        %add3A_1998 = arith.addf %get3A_1994, %get3A_1997 : vector<16xf32>
        %mul3A_1999 = vector.broadcast %squeeze3A_1971 : f32 to vector<16xf32>
        %mul3A_2000 = arith.mulf %mul3A_1999, %sub3A_98 : vector<16xf32>
        %add3A_2001 = arith.addf %add3A_1998, %mul3A_2000 : vector<16xf32>
        %get3A_2002 = arith.index_cast %add3A_1969 : i32 to index
        %get3A_2003 = arith.constant 48 : index
        %get3A_2004 = tpu.vector_load %arg11[%get3A_2002, %get3A_2003] {strides = array<i32>} : memref<256x128xf32, #tpu.memory_space<vmem>>, vector<16xf32>,
        %get3A_2005 = arith.index_cast %add3A_1969 : i32 to index
        %get3A_2006 = arith.constant 48 : index
        %get3A_2007 = tpu.vector_load %arg10[%get3A_2005, %get3A_2006] {strides = array<i32>} : memref<256x128xf32, #tpu.memory_space<vmem>>, vector<16xf32>,
        %add3A_2008 = arith.addf %get3A_2004, %get3A_2007 : vector<16xf32>
        %mul3A_2009 = vector.broadcast %squeeze3A_1971 : f32 to vector<16xf32>
        %mul3A_2010 = arith.mulf %mul3A_2009, %sub3A_99 : vector<16xf32>
        %add3A_2011 = arith.addf %add3A_2008, %mul3A_2010 : vector<16xf32>
        %get3A_2012 = arith.index_cast %add3A_1969 : i32 to index
        %get3A_2013 = arith.constant 64 : index
        %get3A_2014 = tpu.vector_load %arg11[%get3A_2012, %get3A_2013] {strides = array<i32>} : memref<256x128xf32, #tpu.memory_space<vmem>>, vector<16xf32>,
        %get3A_2015 = arith.index_cast %add3A_1969 : i32 to index
        %get3A_2016 = arith.constant 64 : index
        %get3A_2017 = tpu.vector_load %arg10[%get3A_2015, %get3A_2016] {strides = array<i32>} : memref<256x128xf32, #tpu.memory_space<vmem>>, vector<16xf32>,
        %add3A_2018 = arith.addf %get3A_2014, %get3A_2017 : vector<16xf32>
        %mul3A_2019 = vector.broadcast %squeeze3A_1971 : f32 to vector<16xf32>
        %mul3A_2020 = arith.mulf %mul3A_2019, %sub3A_100 : vector<16xf32>
        %add3A_2021 = arith.addf %add3A_2018, %mul3A_2020 : vector<16xf32>
        %get3A_2022 = arith.index_cast %add3A_1969 : i32 to index
        %get3A_2023 = arith.constant 80 : index
        %get3A_2024 = tpu.vector_load %arg11[%get3A_2022, %get3A_2023] {strides = array<i32>} : memref<256x128xf32, #tpu.memory_space<vmem>>, vector<16xf32>,
        %get3A_2025 = arith.index_cast %add3A_1969 : i32 to index
        %get3A_2026 = arith.constant 80 : index
        %get3A_2027 = tpu.vector_load %arg10[%get3A_2025, %get3A_2026] {strides = array<i32>} : memref<256x128xf32, #tpu.memory_space<vmem>>, vector<16xf32>,
        %add3A_2028 = arith.addf %get3A_2024, %get3A_2027 : vector<16xf32>
        %mul3A_2029 = vector.broadcast %squeeze3A_1971 : f32 to vector<16xf32>
        %mul3A_2030 = arith.mulf %mul3A_2029, %sub3A_101 : vector<16xf32>
        %add3A_2031 = arith.addf %add3A_2028, %mul3A_2030 : vector<16xf32>
        %get3A_2032 = arith.index_cast %add3A_1969 : i32 to index
        %get3A_2033 = arith.constant 96 : index
        %get3A_2034 = tpu.vector_load %arg11[%get3A_2032, %get3A_2033] {strides = array<i32>} : memref<256x128xf32, #tpu.memory_space<vmem>>, vector<16xf32>,
        %get3A_2035 = arith.index_cast %add3A_1969 : i32 to index
        %get3A_2036 = arith.constant 96 : index
        %get3A_2037 = tpu.vector_load %arg10[%get3A_2035, %get3A_2036] {strides = array<i32>} : memref<256x128xf32, #tpu.memory_space<vmem>>, vector<16xf32>,
        %add3A_2038 = arith.addf %get3A_2034, %get3A_2037 : vector<16xf32>
        %mul3A_2039 = vector.broadcast %squeeze3A_1971 : f32 to vector<16xf32>
        %mul3A_2040 = arith.mulf %mul3A_2039, %sub3A_102 : vector<16xf32>
        %add3A_2041 = arith.addf %add3A_2038, %mul3A_2040 : vector<16xf32>
        %get3A_2042 = arith.index_cast %add3A_1969 : i32 to index
        %get3A_2043 = arith.constant 112 : index
        %get3A_2044 = tpu.vector_load %arg11[%get3A_2042, %get3A_2043] {strides = array<i32>} : memref<256x128xf32, #tpu.memory_space<vmem>>, vector<16xf32>,
        %get3A_2045 = arith.index_cast %add3A_1969 : i32 to index
        %get3A_2046 = arith.constant 112 : index
        %get3A_2047 = tpu.vector_load %arg10[%get3A_2045, %get3A_2046] {strides = array<i32>} : memref<256x128xf32, #tpu.memory_space<vmem>>, vector<16xf32>,
        %add3A_2048 = arith.addf %get3A_2044, %get3A_2047 : vector<16xf32>
        %mul3A_2049 = vector.broadcast %squeeze3A_1971 : f32 to vector<16xf32>
        %mul3A_2050 = arith.mulf %mul3A_2049, %sub3A_103 : vector<16xf32>
        %add3A_2051 = arith.addf %add3A_2048, %mul3A_2050 : vector<16xf32>
        %add3A_2052 = arith.addf %add3A_1981, %add3A_1991 : vector<16xf32>
        %add3A_2053 = arith.addf %add3A_2001, %add3A_2011 : vector<16xf32>
        %add3A_2054 = arith.addf %add3A_2052, %add3A_2053 : vector<16xf32>
        %add3A_2055 = arith.addf %add3A_2021, %add3A_2031 : vector<16xf32>
        %add3A_2056 = arith.addf %add3A_2041, %add3A_2051 : vector<16xf32>
        %add3A_2057 = arith.addf %add3A_2055, %add3A_2056 : vector<16xf32>
        %add3A_2058 = arith.addf %add3A_2054, %add3A_2057 : vector<16xf32>
        %mul3A_2059 = arith.mulf %add3A_1981, %add3A_1981 : vector<16xf32>
        %mul3A_2060 = arith.mulf %add3A_1991, %add3A_1991 : vector<16xf32>
        %add3A_2061 = arith.addf %mul3A_2059, %mul3A_2060 : vector<16xf32>
        %mul3A_2062 = arith.mulf %add3A_2001, %add3A_2001 : vector<16xf32>
        %mul3A_2063 = arith.mulf %add3A_2011, %add3A_2011 : vector<16xf32>
        %add3A_2064 = arith.addf %mul3A_2062, %mul3A_2063 : vector<16xf32>
        %add3A_2065 = arith.addf %add3A_2061, %add3A_2064 : vector<16xf32>
        %mul3A_2066 = arith.mulf %add3A_2021, %add3A_2021 : vector<16xf32>
        %mul3A_2067 = arith.mulf %add3A_2031, %add3A_2031 : vector<16xf32>
        %add3A_2068 = arith.addf %mul3A_2066, %mul3A_2067 : vector<16xf32>
        %add3A_2069 = arith.addf %add3A_2065, %add3A_2068 : vector<16xf32>
        %mul3A_2070 = arith.mulf %add3A_2041, %add3A_2041 : vector<16xf32>
        %mul3A_2071 = arith.mulf %add3A_2051, %add3A_2051 : vector<16xf32>
        %add3A_2072 = arith.addf %mul3A_2070, %mul3A_2071 : vector<16xf32>
        %add3A_2073 = arith.addf %add3A_2069, %add3A_2072 : vector<16xf32>
        %reduce_sum3A_2074 = arith.constant true
        %reduce_sum3A_2075 = vector.broadcast %reduce_sum3A_2074 : i1 to vector<16xi1>
        %reduce_sum3A_2076 = tpu.scan <sum>, %add3A_2058 masked %reduce_sum3A_2075 : vector<16xf32>, vector<16xi1> -> vector<16xf32>
        %reduce_sum3A_2077 = vector.extract %reduce_sum3A_2076[15] : f32 from vector<16xf32>
        %reduce_sum3A_2078 = arith.constant true
        %reduce_sum3A_2079 = vector.broadcast %reduce_sum3A_2078 : i1 to vector<16xi1>
        %reduce_sum3A_2080 = tpu.scan <sum>, %add3A_2073 masked %reduce_sum3A_2079 : vector<16xf32>, vector<16xi1> -> vector<16xf32>
        %reduce_sum3A_2081 = vector.extract %reduce_sum3A_2080[15] : f32 from vector<16xf32>
        %mul3A_2082 = arith.constant 7.812500e-03 : f32
        %mul3A_2083 = arith.mulf %reduce_sum3A_2077, %mul3A_2082 : f32
        %mul3A_2084 = arith.constant 7.812500e-03 : f32
        %mul3A_2085 = arith.mulf %reduce_sum3A_2081, %mul3A_2084 : f32
        %mul3A_2086 = arith.mulf %mul3A_2083, %mul3A_2083 : f32
        %sub3A_2087 = arith.subf %mul3A_2085, %mul3A_2086 : f32
        %add3A_2088 = arith.constant 9.99999974E-6 : f32
        %add3A_2089 = arith.addf %sub3A_2087, %add3A_2088 : f32
        %broadcast_in_dim3A_2090 = vector.broadcast %add3A_2089 : f32 to vector<16xf32>
        %bitcast3A_2091 = vector.bitcast %broadcast_in_dim3A_2090 : vector<16xf32> to vector<16xi32>
        %shift_right_arithmetic3A_2092 = arith.constant 1 : i32
        %shift_right_arithmetic3A_2093 = vector.broadcast %shift_right_arithmetic3A_2092 : i32 to vector<16xi32>
        %shift_right_arithmetic3A_2094 = arith.shrsi %bitcast3A_2091, %shift_right_arithmetic3A_2093 : vector<16xi32>
        %sub3A_2095 = arith.constant 1597463007 : i32
        %sub3A_2096 = vector.broadcast %sub3A_2095 : i32 to vector<16xi32>
        %sub3A_2097 = arith.subi %sub3A_2096, %shift_right_arithmetic3A_2094 : vector<16xi32>
        %bitcast3A_2098 = vector.bitcast %sub3A_2097 : vector<16xi32> to vector<16xf32>
        %mul3A_2099 = arith.constant 5.000000e-01 : f32
        %mul3A_2100 = vector.broadcast %mul3A_2099 : f32 to vector<16xf32>
        %mul3A_2101 = arith.mulf %mul3A_2100, %broadcast_in_dim3A_2090 : vector<16xf32>
        %mul3A_2102 = arith.mulf %mul3A_2101, %bitcast3A_2098 : vector<16xf32>
        %mul3A_2103 = arith.mulf %mul3A_2102, %bitcast3A_2098 : vector<16xf32>
        %sub3A_2104 = arith.constant 1.500000e+00 : f32
        %sub3A_2105 = vector.broadcast %sub3A_2104 : f32 to vector<16xf32>
        %sub3A_2106 = arith.subf %sub3A_2105, %mul3A_2103 : vector<16xf32>
        %mul3A_2107 = arith.mulf %bitcast3A_2098, %sub3A_2106 : vector<16xf32>
        %mul3A_2108 = arith.constant 5.000000e-01 : f32
        %mul3A_2109 = vector.broadcast %mul3A_2108 : f32 to vector<16xf32>
        %mul3A_2110 = arith.mulf %mul3A_2109, %broadcast_in_dim3A_2090 : vector<16xf32>
        %mul3A_2111 = arith.mulf %mul3A_2110, %mul3A_2107 : vector<16xf32>
        %mul3A_2112 = arith.mulf %mul3A_2111, %mul3A_2107 : vector<16xf32>
        %sub3A_2113 = arith.constant 1.500000e+00 : f32
        %sub3A_2114 = vector.broadcast %sub3A_2113 : f32 to vector<16xf32>
        %sub3A_2115 = arith.subf %sub3A_2114, %mul3A_2112 : vector<16xf32>
        %mul3A_2116 = arith.mulf %mul3A_2107, %sub3A_2115 : vector<16xf32>
        %mul3A_2117 = arith.constant 5.000000e-01 : f32
        %mul3A_2118 = vector.broadcast %mul3A_2117 : f32 to vector<16xf32>
        %mul3A_2119 = arith.mulf %mul3A_2118, %broadcast_in_dim3A_2090 : vector<16xf32>
        %mul3A_2120 = arith.mulf %mul3A_2119, %mul3A_2116 : vector<16xf32>
        %mul3A_2121 = arith.mulf %mul3A_2120, %mul3A_2116 : vector<16xf32>
        %sub3A_2122 = arith.constant 1.500000e+00 : f32
        %sub3A_2123 = vector.broadcast %sub3A_2122 : f32 to vector<16xf32>
        %sub3A_2124 = arith.subf %sub3A_2123, %mul3A_2121 : vector<16xf32>
        %mul3A_2125 = arith.mulf %mul3A_2116, %sub3A_2124 : vector<16xf32>
        %sub3A_2126 = vector.broadcast %mul3A_2083 : f32 to vector<16xf32>
        %sub3A_2127 = arith.subf %add3A_1981, %sub3A_2126 : vector<16xf32>
        %mul3A_2128 = arith.mulf %sub3A_2127, %mul3A_2125 : vector<16xf32>
        %mul3A_2129 = arith.mulf %mul3A_2128, %get3A_105 : vector<16xf32>
        %add3A_2130 = arith.addf %mul3A_2129, %get3A_121 : vector<16xf32>
        %swap3A_2131 = arith.index_cast %add3A_1969 : i32 to index
        %swap3A_2132 = arith.constant 0 : index
        %swap3A_2133 = tpu.vector_load %arg11[%swap3A_2131, %swap3A_2132] {strides = array<i32>} : memref<256x128xf32, #tpu.memory_space<vmem>>, vector<16xf32>,
        tpu.vector_store %arg11[%swap3A_2131, %swap3A_2132], %add3A_2130 {strides = array<i32>} : memref<256x128xf32, #tpu.memory_space<vmem>>, vector<16xf32>,
        %sub3A_2134 = vector.broadcast %mul3A_2083 : f32 to vector<16xf32>
        %sub3A_2135 = arith.subf %add3A_1991, %sub3A_2134 : vector<16xf32>
        %mul3A_2136 = arith.mulf %sub3A_2135, %mul3A_2125 : vector<16xf32>
        %mul3A_2137 = arith.mulf %mul3A_2136, %get3A_107 : vector<16xf32>
        %add3A_2138 = arith.addf %mul3A_2137, %get3A_123 : vector<16xf32>
        %swap3A_2139 = arith.index_cast %add3A_1969 : i32 to index
        %swap3A_2140 = arith.constant 16 : index
        %swap3A_2141 = tpu.vector_load %arg11[%swap3A_2139, %swap3A_2140] {strides = array<i32>} : memref<256x128xf32, #tpu.memory_space<vmem>>, vector<16xf32>,
        tpu.vector_store %arg11[%swap3A_2139, %swap3A_2140], %add3A_2138 {strides = array<i32>} : memref<256x128xf32, #tpu.memory_space<vmem>>, vector<16xf32>,
        %sub3A_2142 = vector.broadcast %mul3A_2083 : f32 to vector<16xf32>
        %sub3A_2143 = arith.subf %add3A_2001, %sub3A_2142 : vector<16xf32>
        %mul3A_2144 = arith.mulf %sub3A_2143, %mul3A_2125 : vector<16xf32>
        %mul3A_2145 = arith.mulf %mul3A_2144, %get3A_109 : vector<16xf32>
        %add3A_2146 = arith.addf %mul3A_2145, %get3A_125 : vector<16xf32>
        %swap3A_2147 = arith.index_cast %add3A_1969 : i32 to index
        %swap3A_2148 = arith.constant 32 : index
        %swap3A_2149 = tpu.vector_load %arg11[%swap3A_2147, %swap3A_2148] {strides = array<i32>} : memref<256x128xf32, #tpu.memory_space<vmem>>, vector<16xf32>,
        tpu.vector_store %arg11[%swap3A_2147, %swap3A_2148], %add3A_2146 {strides = array<i32>} : memref<256x128xf32, #tpu.memory_space<vmem>>, vector<16xf32>,
        %sub3A_2150 = vector.broadcast %mul3A_2083 : f32 to vector<16xf32>
        %sub3A_2151 = arith.subf %add3A_2011, %sub3A_2150 : vector<16xf32>
        %mul3A_2152 = arith.mulf %sub3A_2151, %mul3A_2125 : vector<16xf32>
        %mul3A_2153 = arith.mulf %mul3A_2152, %get3A_111 : vector<16xf32>
        %add3A_2154 = arith.addf %mul3A_2153, %get3A_127 : vector<16xf32>
        %swap3A_2155 = arith.index_cast %add3A_1969 : i32 to index
        %swap3A_2156 = arith.constant 48 : index
        %swap3A_2157 = tpu.vector_load %arg11[%swap3A_2155, %swap3A_2156] {strides = array<i32>} : memref<256x128xf32, #tpu.memory_space<vmem>>, vector<16xf32>,
        tpu.vector_store %arg11[%swap3A_2155, %swap3A_2156], %add3A_2154 {strides = array<i32>} : memref<256x128xf32, #tpu.memory_space<vmem>>, vector<16xf32>,
        %sub3A_2158 = vector.broadcast %mul3A_2083 : f32 to vector<16xf32>
        %sub3A_2159 = arith.subf %add3A_2021, %sub3A_2158 : vector<16xf32>
        %mul3A_2160 = arith.mulf %sub3A_2159, %mul3A_2125 : vector<16xf32>
        %mul3A_2161 = arith.mulf %mul3A_2160, %get3A_113 : vector<16xf32>
        %add3A_2162 = arith.addf %mul3A_2161, %get3A_129 : vector<16xf32>
        %swap3A_2163 = arith.index_cast %add3A_1969 : i32 to index
        %swap3A_2164 = arith.constant 64 : index
        %swap3A_2165 = tpu.vector_load %arg11[%swap3A_2163, %swap3A_2164] {strides = array<i32>} : memref<256x128xf32, #tpu.memory_space<vmem>>, vector<16xf32>,
        tpu.vector_store %arg11[%swap3A_2163, %swap3A_2164], %add3A_2162 {strides = array<i32>} : memref<256x128xf32, #tpu.memory_space<vmem>>, vector<16xf32>,
        %sub3A_2166 = vector.broadcast %mul3A_2083 : f32 to vector<16xf32>
        %sub3A_2167 = arith.subf %add3A_2031, %sub3A_2166 : vector<16xf32>
        %mul3A_2168 = arith.mulf %sub3A_2167, %mul3A_2125 : vector<16xf32>
        %mul3A_2169 = arith.mulf %mul3A_2168, %get3A_115 : vector<16xf32>
        %add3A_2170 = arith.addf %mul3A_2169, %get3A_131 : vector<16xf32>
        %swap3A_2171 = arith.index_cast %add3A_1969 : i32 to index
        %swap3A_2172 = arith.constant 80 : index
        %swap3A_2173 = tpu.vector_load %arg11[%swap3A_2171, %swap3A_2172] {strides = array<i32>} : memref<256x128xf32, #tpu.memory_space<vmem>>, vector<16xf32>,
        tpu.vector_store %arg11[%swap3A_2171, %swap3A_2172], %add3A_2170 {strides = array<i32>} : memref<256x128xf32, #tpu.memory_space<vmem>>, vector<16xf32>,
        %sub3A_2174 = vector.broadcast %mul3A_2083 : f32 to vector<16xf32>
        %sub3A_2175 = arith.subf %add3A_2041, %sub3A_2174 : vector<16xf32>
        %mul3A_2176 = arith.mulf %sub3A_2175, %mul3A_2125 : vector<16xf32>
        %mul3A_2177 = arith.mulf %mul3A_2176, %get3A_117 : vector<16xf32>
        %add3A_2178 = arith.addf %mul3A_2177, %get3A_133 : vector<16xf32>
        %swap3A_2179 = arith.index_cast %add3A_1969 : i32 to index
        %swap3A_2180 = arith.constant 96 : index
        %swap3A_2181 = tpu.vector_load %arg11[%swap3A_2179, %swap3A_2180] {strides = array<i32>} : memref<256x128xf32, #tpu.memory_space<vmem>>, vector<16xf32>,
        tpu.vector_store %arg11[%swap3A_2179, %swap3A_2180], %add3A_2178 {strides = array<i32>} : memref<256x128xf32, #tpu.memory_space<vmem>>, vector<16xf32>,
        %sub3A_2182 = vector.broadcast %mul3A_2083 : f32 to vector<16xf32>
        %sub3A_2183 = arith.subf %add3A_2051, %sub3A_2182 : vector<16xf32>
        %mul3A_2184 = arith.mulf %sub3A_2183, %mul3A_2125 : vector<16xf32>
        %mul3A_2185 = arith.mulf %mul3A_2184, %get3A_119 : vector<16xf32>
        %add3A_2186 = arith.addf %mul3A_2185, %get3A_135 : vector<16xf32>
        %swap3A_2187 = arith.index_cast %add3A_1969 : i32 to index
        %swap3A_2188 = arith.constant 112 : index
        %swap3A_2189 = tpu.vector_load %arg11[%swap3A_2187, %swap3A_2188] {strides = array<i32>} : memref<256x128xf32, #tpu.memory_space<vmem>>, vector<16xf32>,
        tpu.vector_store %arg11[%swap3A_2187, %swap3A_2188], %add3A_2186 {strides = array<i32>} : memref<256x128xf32, #tpu.memory_space<vmem>>, vector<16xf32>,
        %add3A_2190 = arith.constant 9 : i32
        %add3A_2191 = arith.addi %mul3A_196, %add3A_2190 : i32
        %slice3A_2192 = vector.extract_strided_slice %get3A_198 {offsets = [9], sizes = [1], strides = [1]} : vector<16xf32> to vector<1xf32>
        %squeeze3A_2193 = vector.extract %slice3A_2192[0] : f32 from vector<1xf32>
        %get3A_2194 = arith.index_cast %add3A_2191 : i32 to index
        %get3A_2195 = arith.constant 0 : index
        %get3A_2196 = tpu.vector_load %arg11[%get3A_2194, %get3A_2195] {strides = array<i32>} : memref<256x128xf32, #tpu.memory_space<vmem>>, vector<16xf32>,
        %get3A_2197 = arith.index_cast %add3A_2191 : i32 to index
        %get3A_2198 = arith.constant 0 : index
        %get3A_2199 = tpu.vector_load %arg10[%get3A_2197, %get3A_2198] {strides = array<i32>} : memref<256x128xf32, #tpu.memory_space<vmem>>, vector<16xf32>,
        %add3A_2200 = arith.addf %get3A_2196, %get3A_2199 : vector<16xf32>
        %mul3A_2201 = vector.broadcast %squeeze3A_2193 : f32 to vector<16xf32>
        %mul3A_2202 = arith.mulf %mul3A_2201, %sub3A_96 : vector<16xf32>
        %add3A_2203 = arith.addf %add3A_2200, %mul3A_2202 : vector<16xf32>
        %get3A_2204 = arith.index_cast %add3A_2191 : i32 to index
        %get3A_2205 = arith.constant 16 : index
        %get3A_2206 = tpu.vector_load %arg11[%get3A_2204, %get3A_2205] {strides = array<i32>} : memref<256x128xf32, #tpu.memory_space<vmem>>, vector<16xf32>,
        %get3A_2207 = arith.index_cast %add3A_2191 : i32 to index
        %get3A_2208 = arith.constant 16 : index
        %get3A_2209 = tpu.vector_load %arg10[%get3A_2207, %get3A_2208] {strides = array<i32>} : memref<256x128xf32, #tpu.memory_space<vmem>>, vector<16xf32>,
        %add3A_2210 = arith.addf %get3A_2206, %get3A_2209 : vector<16xf32>
        %mul3A_2211 = vector.broadcast %squeeze3A_2193 : f32 to vector<16xf32>
        %mul3A_2212 = arith.mulf %mul3A_2211, %sub3A_97 : vector<16xf32>
        %add3A_2213 = arith.addf %add3A_2210, %mul3A_2212 : vector<16xf32>
        %get3A_2214 = arith.index_cast %add3A_2191 : i32 to index
        %get3A_2215 = arith.constant 32 : index
        %get3A_2216 = tpu.vector_load %arg11[%get3A_2214, %get3A_2215] {strides = array<i32>} : memref<256x128xf32, #tpu.memory_space<vmem>>, vector<16xf32>,
        %get3A_2217 = arith.index_cast %add3A_2191 : i32 to index
        %get3A_2218 = arith.constant 32 : index
        %get3A_2219 = tpu.vector_load %arg10[%get3A_2217, %get3A_2218] {strides = array<i32>} : memref<256x128xf32, #tpu.memory_space<vmem>>, vector<16xf32>,
        %add3A_2220 = arith.addf %get3A_2216, %get3A_2219 : vector<16xf32>
        %mul3A_2221 = vector.broadcast %squeeze3A_2193 : f32 to vector<16xf32>
        %mul3A_2222 = arith.mulf %mul3A_2221, %sub3A_98 : vector<16xf32>
        %add3A_2223 = arith.addf %add3A_2220, %mul3A_2222 : vector<16xf32>
        %get3A_2224 = arith.index_cast %add3A_2191 : i32 to index
        %get3A_2225 = arith.constant 48 : index
        %get3A_2226 = tpu.vector_load %arg11[%get3A_2224, %get3A_2225] {strides = array<i32>} : memref<256x128xf32, #tpu.memory_space<vmem>>, vector<16xf32>,
        %get3A_2227 = arith.index_cast %add3A_2191 : i32 to index
        %get3A_2228 = arith.constant 48 : index
        %get3A_2229 = tpu.vector_load %arg10[%get3A_2227, %get3A_2228] {strides = array<i32>} : memref<256x128xf32, #tpu.memory_space<vmem>>, vector<16xf32>,
        %add3A_2230 = arith.addf %get3A_2226, %get3A_2229 : vector<16xf32>
        %mul3A_2231 = vector.broadcast %squeeze3A_2193 : f32 to vector<16xf32>
        %mul3A_2232 = arith.mulf %mul3A_2231, %sub3A_99 : vector<16xf32>
        %add3A_2233 = arith.addf %add3A_2230, %mul3A_2232 : vector<16xf32>
        %get3A_2234 = arith.index_cast %add3A_2191 : i32 to index
        %get3A_2235 = arith.constant 64 : index
        %get3A_2236 = tpu.vector_load %arg11[%get3A_2234, %get3A_2235] {strides = array<i32>} : memref<256x128xf32, #tpu.memory_space<vmem>>, vector<16xf32>,
        %get3A_2237 = arith.index_cast %add3A_2191 : i32 to index
        %get3A_2238 = arith.constant 64 : index
        %get3A_2239 = tpu.vector_load %arg10[%get3A_2237, %get3A_2238] {strides = array<i32>} : memref<256x128xf32, #tpu.memory_space<vmem>>, vector<16xf32>,
        %add3A_2240 = arith.addf %get3A_2236, %get3A_2239 : vector<16xf32>
        %mul3A_2241 = vector.broadcast %squeeze3A_2193 : f32 to vector<16xf32>
        %mul3A_2242 = arith.mulf %mul3A_2241, %sub3A_100 : vector<16xf32>
        %add3A_2243 = arith.addf %add3A_2240, %mul3A_2242 : vector<16xf32>
        %get3A_2244 = arith.index_cast %add3A_2191 : i32 to index
        %get3A_2245 = arith.constant 80 : index
        %get3A_2246 = tpu.vector_load %arg11[%get3A_2244, %get3A_2245] {strides = array<i32>} : memref<256x128xf32, #tpu.memory_space<vmem>>, vector<16xf32>,
        %get3A_2247 = arith.index_cast %add3A_2191 : i32 to index
        %get3A_2248 = arith.constant 80 : index
        %get3A_2249 = tpu.vector_load %arg10[%get3A_2247, %get3A_2248] {strides = array<i32>} : memref<256x128xf32, #tpu.memory_space<vmem>>, vector<16xf32>,
        %add3A_2250 = arith.addf %get3A_2246, %get3A_2249 : vector<16xf32>
        %mul3A_2251 = vector.broadcast %squeeze3A_2193 : f32 to vector<16xf32>
        %mul3A_2252 = arith.mulf %mul3A_2251, %sub3A_101 : vector<16xf32>
        %add3A_2253 = arith.addf %add3A_2250, %mul3A_2252 : vector<16xf32>
        %get3A_2254 = arith.index_cast %add3A_2191 : i32 to index
        %get3A_2255 = arith.constant 96 : index
        %get3A_2256 = tpu.vector_load %arg11[%get3A_2254, %get3A_2255] {strides = array<i32>} : memref<256x128xf32, #tpu.memory_space<vmem>>, vector<16xf32>,
        %get3A_2257 = arith.index_cast %add3A_2191 : i32 to index
        %get3A_2258 = arith.constant 96 : index
        %get3A_2259 = tpu.vector_load %arg10[%get3A_2257, %get3A_2258] {strides = array<i32>} : memref<256x128xf32, #tpu.memory_space<vmem>>, vector<16xf32>,
        %add3A_2260 = arith.addf %get3A_2256, %get3A_2259 : vector<16xf32>
        %mul3A_2261 = vector.broadcast %squeeze3A_2193 : f32 to vector<16xf32>
        %mul3A_2262 = arith.mulf %mul3A_2261, %sub3A_102 : vector<16xf32>
        %add3A_2263 = arith.addf %add3A_2260, %mul3A_2262 : vector<16xf32>
        %get3A_2264 = arith.index_cast %add3A_2191 : i32 to index
        %get3A_2265 = arith.constant 112 : index
        %get3A_2266 = tpu.vector_load %arg11[%get3A_2264, %get3A_2265] {strides = array<i32>} : memref<256x128xf32, #tpu.memory_space<vmem>>, vector<16xf32>,
        %get3A_2267 = arith.index_cast %add3A_2191 : i32 to index
        %get3A_2268 = arith.constant 112 : index
        %get3A_2269 = tpu.vector_load %arg10[%get3A_2267, %get3A_2268] {strides = array<i32>} : memref<256x128xf32, #tpu.memory_space<vmem>>, vector<16xf32>,
        %add3A_2270 = arith.addf %get3A_2266, %get3A_2269 : vector<16xf32>
        %mul3A_2271 = vector.broadcast %squeeze3A_2193 : f32 to vector<16xf32>
        %mul3A_2272 = arith.mulf %mul3A_2271, %sub3A_103 : vector<16xf32>
        %add3A_2273 = arith.addf %add3A_2270, %mul3A_2272 : vector<16xf32>
        %add3A_2274 = arith.addf %add3A_2203, %add3A_2213 : vector<16xf32>
        %add3A_2275 = arith.addf %add3A_2223, %add3A_2233 : vector<16xf32>
        %add3A_2276 = arith.addf %add3A_2274, %add3A_2275 : vector<16xf32>
        %add3A_2277 = arith.addf %add3A_2243, %add3A_2253 : vector<16xf32>
        %add3A_2278 = arith.addf %add3A_2263, %add3A_2273 : vector<16xf32>
        %add3A_2279 = arith.addf %add3A_2277, %add3A_2278 : vector<16xf32>
        %add3A_2280 = arith.addf %add3A_2276, %add3A_2279 : vector<16xf32>
        %mul3A_2281 = arith.mulf %add3A_2203, %add3A_2203 : vector<16xf32>
        %mul3A_2282 = arith.mulf %add3A_2213, %add3A_2213 : vector<16xf32>
        %add3A_2283 = arith.addf %mul3A_2281, %mul3A_2282 : vector<16xf32>
        %mul3A_2284 = arith.mulf %add3A_2223, %add3A_2223 : vector<16xf32>
        %mul3A_2285 = arith.mulf %add3A_2233, %add3A_2233 : vector<16xf32>
        %add3A_2286 = arith.addf %mul3A_2284, %mul3A_2285 : vector<16xf32>
        %add3A_2287 = arith.addf %add3A_2283, %add3A_2286 : vector<16xf32>
        %mul3A_2288 = arith.mulf %add3A_2243, %add3A_2243 : vector<16xf32>
        %mul3A_2289 = arith.mulf %add3A_2253, %add3A_2253 : vector<16xf32>
        %add3A_2290 = arith.addf %mul3A_2288, %mul3A_2289 : vector<16xf32>
        %add3A_2291 = arith.addf %add3A_2287, %add3A_2290 : vector<16xf32>
        %mul3A_2292 = arith.mulf %add3A_2263, %add3A_2263 : vector<16xf32>
        %mul3A_2293 = arith.mulf %add3A_2273, %add3A_2273 : vector<16xf32>
        %add3A_2294 = arith.addf %mul3A_2292, %mul3A_2293 : vector<16xf32>
        %add3A_2295 = arith.addf %add3A_2291, %add3A_2294 : vector<16xf32>
        %reduce_sum3A_2296 = arith.constant true
        %reduce_sum3A_2297 = vector.broadcast %reduce_sum3A_2296 : i1 to vector<16xi1>
        %reduce_sum3A_2298 = tpu.scan <sum>, %add3A_2280 masked %reduce_sum3A_2297 : vector<16xf32>, vector<16xi1> -> vector<16xf32>
        %reduce_sum3A_2299 = vector.extract %reduce_sum3A_2298[15] : f32 from vector<16xf32>
        %reduce_sum3A_2300 = arith.constant true
        %reduce_sum3A_2301 = vector.broadcast %reduce_sum3A_2300 : i1 to vector<16xi1>
        %reduce_sum3A_2302 = tpu.scan <sum>, %add3A_2295 masked %reduce_sum3A_2301 : vector<16xf32>, vector<16xi1> -> vector<16xf32>
        %reduce_sum3A_2303 = vector.extract %reduce_sum3A_2302[15] : f32 from vector<16xf32>
        %mul3A_2304 = arith.constant 7.812500e-03 : f32
        %mul3A_2305 = arith.mulf %reduce_sum3A_2299, %mul3A_2304 : f32
        %mul3A_2306 = arith.constant 7.812500e-03 : f32
        %mul3A_2307 = arith.mulf %reduce_sum3A_2303, %mul3A_2306 : f32
        %mul3A_2308 = arith.mulf %mul3A_2305, %mul3A_2305 : f32
        %sub3A_2309 = arith.subf %mul3A_2307, %mul3A_2308 : f32
        %add3A_2310 = arith.constant 9.99999974E-6 : f32
        %add3A_2311 = arith.addf %sub3A_2309, %add3A_2310 : f32
        %broadcast_in_dim3A_2312 = vector.broadcast %add3A_2311 : f32 to vector<16xf32>
        %bitcast3A_2313 = vector.bitcast %broadcast_in_dim3A_2312 : vector<16xf32> to vector<16xi32>
        %shift_right_arithmetic3A_2314 = arith.constant 1 : i32
        %shift_right_arithmetic3A_2315 = vector.broadcast %shift_right_arithmetic3A_2314 : i32 to vector<16xi32>
        %shift_right_arithmetic3A_2316 = arith.shrsi %bitcast3A_2313, %shift_right_arithmetic3A_2315 : vector<16xi32>
        %sub3A_2317 = arith.constant 1597463007 : i32
        %sub3A_2318 = vector.broadcast %sub3A_2317 : i32 to vector<16xi32>
        %sub3A_2319 = arith.subi %sub3A_2318, %shift_right_arithmetic3A_2316 : vector<16xi32>
        %bitcast3A_2320 = vector.bitcast %sub3A_2319 : vector<16xi32> to vector<16xf32>
        %mul3A_2321 = arith.constant 5.000000e-01 : f32
        %mul3A_2322 = vector.broadcast %mul3A_2321 : f32 to vector<16xf32>
        %mul3A_2323 = arith.mulf %mul3A_2322, %broadcast_in_dim3A_2312 : vector<16xf32>
        %mul3A_2324 = arith.mulf %mul3A_2323, %bitcast3A_2320 : vector<16xf32>
        %mul3A_2325 = arith.mulf %mul3A_2324, %bitcast3A_2320 : vector<16xf32>
        %sub3A_2326 = arith.constant 1.500000e+00 : f32
        %sub3A_2327 = vector.broadcast %sub3A_2326 : f32 to vector<16xf32>
        %sub3A_2328 = arith.subf %sub3A_2327, %mul3A_2325 : vector<16xf32>
        %mul3A_2329 = arith.mulf %bitcast3A_2320, %sub3A_2328 : vector<16xf32>
        %mul3A_2330 = arith.constant 5.000000e-01 : f32
        %mul3A_2331 = vector.broadcast %mul3A_2330 : f32 to vector<16xf32>
        %mul3A_2332 = arith.mulf %mul3A_2331, %broadcast_in_dim3A_2312 : vector<16xf32>
        %mul3A_2333 = arith.mulf %mul3A_2332, %mul3A_2329 : vector<16xf32>
        %mul3A_2334 = arith.mulf %mul3A_2333, %mul3A_2329 : vector<16xf32>
        %sub3A_2335 = arith.constant 1.500000e+00 : f32
        %sub3A_2336 = vector.broadcast %sub3A_2335 : f32 to vector<16xf32>
        %sub3A_2337 = arith.subf %sub3A_2336, %mul3A_2334 : vector<16xf32>
        %mul3A_2338 = arith.mulf %mul3A_2329, %sub3A_2337 : vector<16xf32>
        %mul3A_2339 = arith.constant 5.000000e-01 : f32
        %mul3A_2340 = vector.broadcast %mul3A_2339 : f32 to vector<16xf32>
        %mul3A_2341 = arith.mulf %mul3A_2340, %broadcast_in_dim3A_2312 : vector<16xf32>
        %mul3A_2342 = arith.mulf %mul3A_2341, %mul3A_2338 : vector<16xf32>
        %mul3A_2343 = arith.mulf %mul3A_2342, %mul3A_2338 : vector<16xf32>
        %sub3A_2344 = arith.constant 1.500000e+00 : f32
        %sub3A_2345 = vector.broadcast %sub3A_2344 : f32 to vector<16xf32>
        %sub3A_2346 = arith.subf %sub3A_2345, %mul3A_2343 : vector<16xf32>
        %mul3A_2347 = arith.mulf %mul3A_2338, %sub3A_2346 : vector<16xf32>
        %sub3A_2348 = vector.broadcast %mul3A_2305 : f32 to vector<16xf32>
        %sub3A_2349 = arith.subf %add3A_2203, %sub3A_2348 : vector<16xf32>
        %mul3A_2350 = arith.mulf %sub3A_2349, %mul3A_2347 : vector<16xf32>
        %mul3A_2351 = arith.mulf %mul3A_2350, %get3A_105 : vector<16xf32>
        %add3A_2352 = arith.addf %mul3A_2351, %get3A_121 : vector<16xf32>
        %swap3A_2353 = arith.index_cast %add3A_2191 : i32 to index
        %swap3A_2354 = arith.constant 0 : index
        %swap3A_2355 = tpu.vector_load %arg11[%swap3A_2353, %swap3A_2354] {strides = array<i32>} : memref<256x128xf32, #tpu.memory_space<vmem>>, vector<16xf32>,
        tpu.vector_store %arg11[%swap3A_2353, %swap3A_2354], %add3A_2352 {strides = array<i32>} : memref<256x128xf32, #tpu.memory_space<vmem>>, vector<16xf32>,
        %sub3A_2356 = vector.broadcast %mul3A_2305 : f32 to vector<16xf32>
        %sub3A_2357 = arith.subf %add3A_2213, %sub3A_2356 : vector<16xf32>
        %mul3A_2358 = arith.mulf %sub3A_2357, %mul3A_2347 : vector<16xf32>
        %mul3A_2359 = arith.mulf %mul3A_2358, %get3A_107 : vector<16xf32>
        %add3A_2360 = arith.addf %mul3A_2359, %get3A_123 : vector<16xf32>
        %swap3A_2361 = arith.index_cast %add3A_2191 : i32 to index
        %swap3A_2362 = arith.constant 16 : index
        %swap3A_2363 = tpu.vector_load %arg11[%swap3A_2361, %swap3A_2362] {strides = array<i32>} : memref<256x128xf32, #tpu.memory_space<vmem>>, vector<16xf32>,
        tpu.vector_store %arg11[%swap3A_2361, %swap3A_2362], %add3A_2360 {strides = array<i32>} : memref<256x128xf32, #tpu.memory_space<vmem>>, vector<16xf32>,
        %sub3A_2364 = vector.broadcast %mul3A_2305 : f32 to vector<16xf32>
        %sub3A_2365 = arith.subf %add3A_2223, %sub3A_2364 : vector<16xf32>
        %mul3A_2366 = arith.mulf %sub3A_2365, %mul3A_2347 : vector<16xf32>
        %mul3A_2367 = arith.mulf %mul3A_2366, %get3A_109 : vector<16xf32>
        %add3A_2368 = arith.addf %mul3A_2367, %get3A_125 : vector<16xf32>
        %swap3A_2369 = arith.index_cast %add3A_2191 : i32 to index
        %swap3A_2370 = arith.constant 32 : index
        %swap3A_2371 = tpu.vector_load %arg11[%swap3A_2369, %swap3A_2370] {strides = array<i32>} : memref<256x128xf32, #tpu.memory_space<vmem>>, vector<16xf32>,
        tpu.vector_store %arg11[%swap3A_2369, %swap3A_2370], %add3A_2368 {strides = array<i32>} : memref<256x128xf32, #tpu.memory_space<vmem>>, vector<16xf32>,
        %sub3A_2372 = vector.broadcast %mul3A_2305 : f32 to vector<16xf32>
        %sub3A_2373 = arith.subf %add3A_2233, %sub3A_2372 : vector<16xf32>
        %mul3A_2374 = arith.mulf %sub3A_2373, %mul3A_2347 : vector<16xf32>
        %mul3A_2375 = arith.mulf %mul3A_2374, %get3A_111 : vector<16xf32>
        %add3A_2376 = arith.addf %mul3A_2375, %get3A_127 : vector<16xf32>
        %swap3A_2377 = arith.index_cast %add3A_2191 : i32 to index
        %swap3A_2378 = arith.constant 48 : index
        %swap3A_2379 = tpu.vector_load %arg11[%swap3A_2377, %swap3A_2378] {strides = array<i32>} : memref<256x128xf32, #tpu.memory_space<vmem>>, vector<16xf32>,
        tpu.vector_store %arg11[%swap3A_2377, %swap3A_2378], %add3A_2376 {strides = array<i32>} : memref<256x128xf32, #tpu.memory_space<vmem>>, vector<16xf32>,
        %sub3A_2380 = vector.broadcast %mul3A_2305 : f32 to vector<16xf32>
        %sub3A_2381 = arith.subf %add3A_2243, %sub3A_2380 : vector<16xf32>
        %mul3A_2382 = arith.mulf %sub3A_2381, %mul3A_2347 : vector<16xf32>
        %mul3A_2383 = arith.mulf %mul3A_2382, %get3A_113 : vector<16xf32>
        %add3A_2384 = arith.addf %mul3A_2383, %get3A_129 : vector<16xf32>
        %swap3A_2385 = arith.index_cast %add3A_2191 : i32 to index
        %swap3A_2386 = arith.constant 64 : index
        %swap3A_2387 = tpu.vector_load %arg11[%swap3A_2385, %swap3A_2386] {strides = array<i32>} : memref<256x128xf32, #tpu.memory_space<vmem>>, vector<16xf32>,
        tpu.vector_store %arg11[%swap3A_2385, %swap3A_2386], %add3A_2384 {strides = array<i32>} : memref<256x128xf32, #tpu.memory_space<vmem>>, vector<16xf32>,
        %sub3A_2388 = vector.broadcast %mul3A_2305 : f32 to vector<16xf32>
        %sub3A_2389 = arith.subf %add3A_2253, %sub3A_2388 : vector<16xf32>
        %mul3A_2390 = arith.mulf %sub3A_2389, %mul3A_2347 : vector<16xf32>
        %mul3A_2391 = arith.mulf %mul3A_2390, %get3A_115 : vector<16xf32>
        %add3A_2392 = arith.addf %mul3A_2391, %get3A_131 : vector<16xf32>
        %swap3A_2393 = arith.index_cast %add3A_2191 : i32 to index
        %swap3A_2394 = arith.constant 80 : index
        %swap3A_2395 = tpu.vector_load %arg11[%swap3A_2393, %swap3A_2394] {strides = array<i32>} : memref<256x128xf32, #tpu.memory_space<vmem>>, vector<16xf32>,
        tpu.vector_store %arg11[%swap3A_2393, %swap3A_2394], %add3A_2392 {strides = array<i32>} : memref<256x128xf32, #tpu.memory_space<vmem>>, vector<16xf32>,
        %sub3A_2396 = vector.broadcast %mul3A_2305 : f32 to vector<16xf32>
        %sub3A_2397 = arith.subf %add3A_2263, %sub3A_2396 : vector<16xf32>
        %mul3A_2398 = arith.mulf %sub3A_2397, %mul3A_2347 : vector<16xf32>
        %mul3A_2399 = arith.mulf %mul3A_2398, %get3A_117 : vector<16xf32>
        %add3A_2400 = arith.addf %mul3A_2399, %get3A_133 : vector<16xf32>
        %swap3A_2401 = arith.index_cast %add3A_2191 : i32 to index
        %swap3A_2402 = arith.constant 96 : index
        %swap3A_2403 = tpu.vector_load %arg11[%swap3A_2401, %swap3A_2402] {strides = array<i32>} : memref<256x128xf32, #tpu.memory_space<vmem>>, vector<16xf32>,
        tpu.vector_store %arg11[%swap3A_2401, %swap3A_2402], %add3A_2400 {strides = array<i32>} : memref<256x128xf32, #tpu.memory_space<vmem>>, vector<16xf32>,
        %sub3A_2404 = vector.broadcast %mul3A_2305 : f32 to vector<16xf32>
        %sub3A_2405 = arith.subf %add3A_2273, %sub3A_2404 : vector<16xf32>
        %mul3A_2406 = arith.mulf %sub3A_2405, %mul3A_2347 : vector<16xf32>
        %mul3A_2407 = arith.mulf %mul3A_2406, %get3A_119 : vector<16xf32>
        %add3A_2408 = arith.addf %mul3A_2407, %get3A_135 : vector<16xf32>
        %swap3A_2409 = arith.index_cast %add3A_2191 : i32 to index
        %swap3A_2410 = arith.constant 112 : index
        %swap3A_2411 = tpu.vector_load %arg11[%swap3A_2409, %swap3A_2410] {strides = array<i32>} : memref<256x128xf32, #tpu.memory_space<vmem>>, vector<16xf32>,
        tpu.vector_store %arg11[%swap3A_2409, %swap3A_2410], %add3A_2408 {strides = array<i32>} : memref<256x128xf32, #tpu.memory_space<vmem>>, vector<16xf32>,
        %add3A_2412 = arith.constant 10 : i32
        %add3A_2413 = arith.addi %mul3A_196, %add3A_2412 : i32
        %slice3A_2414 = vector.extract_strided_slice %get3A_198 {offsets = [10], sizes = [1], strides = [1]} : vector<16xf32> to vector<1xf32>
        %squeeze3A_2415 = vector.extract %slice3A_2414[0] : f32 from vector<1xf32>
        %get3A_2416 = arith.index_cast %add3A_2413 : i32 to index
        %get3A_2417 = arith.constant 0 : index
        %get3A_2418 = tpu.vector_load %arg11[%get3A_2416, %get3A_2417] {strides = array<i32>} : memref<256x128xf32, #tpu.memory_space<vmem>>, vector<16xf32>,
        %get3A_2419 = arith.index_cast %add3A_2413 : i32 to index
        %get3A_2420 = arith.constant 0 : index
        %get3A_2421 = tpu.vector_load %arg10[%get3A_2419, %get3A_2420] {strides = array<i32>} : memref<256x128xf32, #tpu.memory_space<vmem>>, vector<16xf32>,
        %add3A_2422 = arith.addf %get3A_2418, %get3A_2421 : vector<16xf32>
        %mul3A_2423 = vector.broadcast %squeeze3A_2415 : f32 to vector<16xf32>
        %mul3A_2424 = arith.mulf %mul3A_2423, %sub3A_96 : vector<16xf32>
        %add3A_2425 = arith.addf %add3A_2422, %mul3A_2424 : vector<16xf32>
        %get3A_2426 = arith.index_cast %add3A_2413 : i32 to index
        %get3A_2427 = arith.constant 16 : index
        %get3A_2428 = tpu.vector_load %arg11[%get3A_2426, %get3A_2427] {strides = array<i32>} : memref<256x128xf32, #tpu.memory_space<vmem>>, vector<16xf32>,
        %get3A_2429 = arith.index_cast %add3A_2413 : i32 to index
        %get3A_2430 = arith.constant 16 : index
        %get3A_2431 = tpu.vector_load %arg10[%get3A_2429, %get3A_2430] {strides = array<i32>} : memref<256x128xf32, #tpu.memory_space<vmem>>, vector<16xf32>,
        %add3A_2432 = arith.addf %get3A_2428, %get3A_2431 : vector<16xf32>
        %mul3A_2433 = vector.broadcast %squeeze3A_2415 : f32 to vector<16xf32>
        %mul3A_2434 = arith.mulf %mul3A_2433, %sub3A_97 : vector<16xf32>
        %add3A_2435 = arith.addf %add3A_2432, %mul3A_2434 : vector<16xf32>
        %get3A_2436 = arith.index_cast %add3A_2413 : i32 to index
        %get3A_2437 = arith.constant 32 : index
        %get3A_2438 = tpu.vector_load %arg11[%get3A_2436, %get3A_2437] {strides = array<i32>} : memref<256x128xf32, #tpu.memory_space<vmem>>, vector<16xf32>,
        %get3A_2439 = arith.index_cast %add3A_2413 : i32 to index
        %get3A_2440 = arith.constant 32 : index
        %get3A_2441 = tpu.vector_load %arg10[%get3A_2439, %get3A_2440] {strides = array<i32>} : memref<256x128xf32, #tpu.memory_space<vmem>>, vector<16xf32>,
        %add3A_2442 = arith.addf %get3A_2438, %get3A_2441 : vector<16xf32>
        %mul3A_2443 = vector.broadcast %squeeze3A_2415 : f32 to vector<16xf32>
        %mul3A_2444 = arith.mulf %mul3A_2443, %sub3A_98 : vector<16xf32>
        %add3A_2445 = arith.addf %add3A_2442, %mul3A_2444 : vector<16xf32>
        %get3A_2446 = arith.index_cast %add3A_2413 : i32 to index
        %get3A_2447 = arith.constant 48 : index
        %get3A_2448 = tpu.vector_load %arg11[%get3A_2446, %get3A_2447] {strides = array<i32>} : memref<256x128xf32, #tpu.memory_space<vmem>>, vector<16xf32>,
        %get3A_2449 = arith.index_cast %add3A_2413 : i32 to index
        %get3A_2450 = arith.constant 48 : index
        %get3A_2451 = tpu.vector_load %arg10[%get3A_2449, %get3A_2450] {strides = array<i32>} : memref<256x128xf32, #tpu.memory_space<vmem>>, vector<16xf32>,
        %add3A_2452 = arith.addf %get3A_2448, %get3A_2451 : vector<16xf32>
        %mul3A_2453 = vector.broadcast %squeeze3A_2415 : f32 to vector<16xf32>
        %mul3A_2454 = arith.mulf %mul3A_2453, %sub3A_99 : vector<16xf32>
        %add3A_2455 = arith.addf %add3A_2452, %mul3A_2454 : vector<16xf32>
        %get3A_2456 = arith.index_cast %add3A_2413 : i32 to index
        %get3A_2457 = arith.constant 64 : index
        %get3A_2458 = tpu.vector_load %arg11[%get3A_2456, %get3A_2457] {strides = array<i32>} : memref<256x128xf32, #tpu.memory_space<vmem>>, vector<16xf32>,
        %get3A_2459 = arith.index_cast %add3A_2413 : i32 to index
        %get3A_2460 = arith.constant 64 : index
        %get3A_2461 = tpu.vector_load %arg10[%get3A_2459, %get3A_2460] {strides = array<i32>} : memref<256x128xf32, #tpu.memory_space<vmem>>, vector<16xf32>,
        %add3A_2462 = arith.addf %get3A_2458, %get3A_2461 : vector<16xf32>
        %mul3A_2463 = vector.broadcast %squeeze3A_2415 : f32 to vector<16xf32>
        %mul3A_2464 = arith.mulf %mul3A_2463, %sub3A_100 : vector<16xf32>
        %add3A_2465 = arith.addf %add3A_2462, %mul3A_2464 : vector<16xf32>
        %get3A_2466 = arith.index_cast %add3A_2413 : i32 to index
        %get3A_2467 = arith.constant 80 : index
        %get3A_2468 = tpu.vector_load %arg11[%get3A_2466, %get3A_2467] {strides = array<i32>} : memref<256x128xf32, #tpu.memory_space<vmem>>, vector<16xf32>,
        %get3A_2469 = arith.index_cast %add3A_2413 : i32 to index
        %get3A_2470 = arith.constant 80 : index
        %get3A_2471 = tpu.vector_load %arg10[%get3A_2469, %get3A_2470] {strides = array<i32>} : memref<256x128xf32, #tpu.memory_space<vmem>>, vector<16xf32>,
        %add3A_2472 = arith.addf %get3A_2468, %get3A_2471 : vector<16xf32>
        %mul3A_2473 = vector.broadcast %squeeze3A_2415 : f32 to vector<16xf32>
        %mul3A_2474 = arith.mulf %mul3A_2473, %sub3A_101 : vector<16xf32>
        %add3A_2475 = arith.addf %add3A_2472, %mul3A_2474 : vector<16xf32>
        %get3A_2476 = arith.index_cast %add3A_2413 : i32 to index
        %get3A_2477 = arith.constant 96 : index
        %get3A_2478 = tpu.vector_load %arg11[%get3A_2476, %get3A_2477] {strides = array<i32>} : memref<256x128xf32, #tpu.memory_space<vmem>>, vector<16xf32>,
        %get3A_2479 = arith.index_cast %add3A_2413 : i32 to index
        %get3A_2480 = arith.constant 96 : index
        %get3A_2481 = tpu.vector_load %arg10[%get3A_2479, %get3A_2480] {strides = array<i32>} : memref<256x128xf32, #tpu.memory_space<vmem>>, vector<16xf32>,
        %add3A_2482 = arith.addf %get3A_2478, %get3A_2481 : vector<16xf32>
        %mul3A_2483 = vector.broadcast %squeeze3A_2415 : f32 to vector<16xf32>
        %mul3A_2484 = arith.mulf %mul3A_2483, %sub3A_102 : vector<16xf32>
        %add3A_2485 = arith.addf %add3A_2482, %mul3A_2484 : vector<16xf32>
        %get3A_2486 = arith.index_cast %add3A_2413 : i32 to index
        %get3A_2487 = arith.constant 112 : index
        %get3A_2488 = tpu.vector_load %arg11[%get3A_2486, %get3A_2487] {strides = array<i32>} : memref<256x128xf32, #tpu.memory_space<vmem>>, vector<16xf32>,
        %get3A_2489 = arith.index_cast %add3A_2413 : i32 to index
        %get3A_2490 = arith.constant 112 : index
        %get3A_2491 = tpu.vector_load %arg10[%get3A_2489, %get3A_2490] {strides = array<i32>} : memref<256x128xf32, #tpu.memory_space<vmem>>, vector<16xf32>,
        %add3A_2492 = arith.addf %get3A_2488, %get3A_2491 : vector<16xf32>
        %mul3A_2493 = vector.broadcast %squeeze3A_2415 : f32 to vector<16xf32>
        %mul3A_2494 = arith.mulf %mul3A_2493, %sub3A_103 : vector<16xf32>
        %add3A_2495 = arith.addf %add3A_2492, %mul3A_2494 : vector<16xf32>
        %add3A_2496 = arith.addf %add3A_2425, %add3A_2435 : vector<16xf32>
        %add3A_2497 = arith.addf %add3A_2445, %add3A_2455 : vector<16xf32>
        %add3A_2498 = arith.addf %add3A_2496, %add3A_2497 : vector<16xf32>
        %add3A_2499 = arith.addf %add3A_2465, %add3A_2475 : vector<16xf32>
        %add3A_2500 = arith.addf %add3A_2485, %add3A_2495 : vector<16xf32>
        %add3A_2501 = arith.addf %add3A_2499, %add3A_2500 : vector<16xf32>
        %add3A_2502 = arith.addf %add3A_2498, %add3A_2501 : vector<16xf32>
        %mul3A_2503 = arith.mulf %add3A_2425, %add3A_2425 : vector<16xf32>
        %mul3A_2504 = arith.mulf %add3A_2435, %add3A_2435 : vector<16xf32>
        %add3A_2505 = arith.addf %mul3A_2503, %mul3A_2504 : vector<16xf32>
        %mul3A_2506 = arith.mulf %add3A_2445, %add3A_2445 : vector<16xf32>
        %mul3A_2507 = arith.mulf %add3A_2455, %add3A_2455 : vector<16xf32>
        %add3A_2508 = arith.addf %mul3A_2506, %mul3A_2507 : vector<16xf32>
        %add3A_2509 = arith.addf %add3A_2505, %add3A_2508 : vector<16xf32>
        %mul3A_2510 = arith.mulf %add3A_2465, %add3A_2465 : vector<16xf32>
        %mul3A_2511 = arith.mulf %add3A_2475, %add3A_2475 : vector<16xf32>
        %add3A_2512 = arith.addf %mul3A_2510, %mul3A_2511 : vector<16xf32>
        %add3A_2513 = arith.addf %add3A_2509, %add3A_2512 : vector<16xf32>
        %mul3A_2514 = arith.mulf %add3A_2485, %add3A_2485 : vector<16xf32>
        %mul3A_2515 = arith.mulf %add3A_2495, %add3A_2495 : vector<16xf32>
        %add3A_2516 = arith.addf %mul3A_2514, %mul3A_2515 : vector<16xf32>
        %add3A_2517 = arith.addf %add3A_2513, %add3A_2516 : vector<16xf32>
        %reduce_sum3A_2518 = arith.constant true
        %reduce_sum3A_2519 = vector.broadcast %reduce_sum3A_2518 : i1 to vector<16xi1>
        %reduce_sum3A_2520 = tpu.scan <sum>, %add3A_2502 masked %reduce_sum3A_2519 : vector<16xf32>, vector<16xi1> -> vector<16xf32>
        %reduce_sum3A_2521 = vector.extract %reduce_sum3A_2520[15] : f32 from vector<16xf32>
        %reduce_sum3A_2522 = arith.constant true
        %reduce_sum3A_2523 = vector.broadcast %reduce_sum3A_2522 : i1 to vector<16xi1>
        %reduce_sum3A_2524 = tpu.scan <sum>, %add3A_2517 masked %reduce_sum3A_2523 : vector<16xf32>, vector<16xi1> -> vector<16xf32>
        %reduce_sum3A_2525 = vector.extract %reduce_sum3A_2524[15] : f32 from vector<16xf32>
        %mul3A_2526 = arith.constant 7.812500e-03 : f32
        %mul3A_2527 = arith.mulf %reduce_sum3A_2521, %mul3A_2526 : f32
        %mul3A_2528 = arith.constant 7.812500e-03 : f32
        %mul3A_2529 = arith.mulf %reduce_sum3A_2525, %mul3A_2528 : f32
        %mul3A_2530 = arith.mulf %mul3A_2527, %mul3A_2527 : f32
        %sub3A_2531 = arith.subf %mul3A_2529, %mul3A_2530 : f32
        %add3A_2532 = arith.constant 9.99999974E-6 : f32
        %add3A_2533 = arith.addf %sub3A_2531, %add3A_2532 : f32
        %broadcast_in_dim3A_2534 = vector.broadcast %add3A_2533 : f32 to vector<16xf32>
        %bitcast3A_2535 = vector.bitcast %broadcast_in_dim3A_2534 : vector<16xf32> to vector<16xi32>
        %shift_right_arithmetic3A_2536 = arith.constant 1 : i32
        %shift_right_arithmetic3A_2537 = vector.broadcast %shift_right_arithmetic3A_2536 : i32 to vector<16xi32>
        %shift_right_arithmetic3A_2538 = arith.shrsi %bitcast3A_2535, %shift_right_arithmetic3A_2537 : vector<16xi32>
        %sub3A_2539 = arith.constant 1597463007 : i32
        %sub3A_2540 = vector.broadcast %sub3A_2539 : i32 to vector<16xi32>
        %sub3A_2541 = arith.subi %sub3A_2540, %shift_right_arithmetic3A_2538 : vector<16xi32>
        %bitcast3A_2542 = vector.bitcast %sub3A_2541 : vector<16xi32> to vector<16xf32>
        %mul3A_2543 = arith.constant 5.000000e-01 : f32
        %mul3A_2544 = vector.broadcast %mul3A_2543 : f32 to vector<16xf32>
        %mul3A_2545 = arith.mulf %mul3A_2544, %broadcast_in_dim3A_2534 : vector<16xf32>
        %mul3A_2546 = arith.mulf %mul3A_2545, %bitcast3A_2542 : vector<16xf32>
        %mul3A_2547 = arith.mulf %mul3A_2546, %bitcast3A_2542 : vector<16xf32>
        %sub3A_2548 = arith.constant 1.500000e+00 : f32
        %sub3A_2549 = vector.broadcast %sub3A_2548 : f32 to vector<16xf32>
        %sub3A_2550 = arith.subf %sub3A_2549, %mul3A_2547 : vector<16xf32>
        %mul3A_2551 = arith.mulf %bitcast3A_2542, %sub3A_2550 : vector<16xf32>
        %mul3A_2552 = arith.constant 5.000000e-01 : f32
        %mul3A_2553 = vector.broadcast %mul3A_2552 : f32 to vector<16xf32>
        %mul3A_2554 = arith.mulf %mul3A_2553, %broadcast_in_dim3A_2534 : vector<16xf32>
        %mul3A_2555 = arith.mulf %mul3A_2554, %mul3A_2551 : vector<16xf32>
        %mul3A_2556 = arith.mulf %mul3A_2555, %mul3A_2551 : vector<16xf32>
        %sub3A_2557 = arith.constant 1.500000e+00 : f32
        %sub3A_2558 = vector.broadcast %sub3A_2557 : f32 to vector<16xf32>
        %sub3A_2559 = arith.subf %sub3A_2558, %mul3A_2556 : vector<16xf32>
        %mul3A_2560 = arith.mulf %mul3A_2551, %sub3A_2559 : vector<16xf32>
        %mul3A_2561 = arith.constant 5.000000e-01 : f32
        %mul3A_2562 = vector.broadcast %mul3A_2561 : f32 to vector<16xf32>
        %mul3A_2563 = arith.mulf %mul3A_2562, %broadcast_in_dim3A_2534 : vector<16xf32>
        %mul3A_2564 = arith.mulf %mul3A_2563, %mul3A_2560 : vector<16xf32>
        %mul3A_2565 = arith.mulf %mul3A_2564, %mul3A_2560 : vector<16xf32>
        %sub3A_2566 = arith.constant 1.500000e+00 : f32
        %sub3A_2567 = vector.broadcast %sub3A_2566 : f32 to vector<16xf32>
        %sub3A_2568 = arith.subf %sub3A_2567, %mul3A_2565 : vector<16xf32>
        %mul3A_2569 = arith.mulf %mul3A_2560, %sub3A_2568 : vector<16xf32>
        %sub3A_2570 = vector.broadcast %mul3A_2527 : f32 to vector<16xf32>
        %sub3A_2571 = arith.subf %add3A_2425, %sub3A_2570 : vector<16xf32>
        %mul3A_2572 = arith.mulf %sub3A_2571, %mul3A_2569 : vector<16xf32>
        %mul3A_2573 = arith.mulf %mul3A_2572, %get3A_105 : vector<16xf32>
        %add3A_2574 = arith.addf %mul3A_2573, %get3A_121 : vector<16xf32>
        %swap3A_2575 = arith.index_cast %add3A_2413 : i32 to index
        %swap3A_2576 = arith.constant 0 : index
        %swap3A_2577 = tpu.vector_load %arg11[%swap3A_2575, %swap3A_2576] {strides = array<i32>} : memref<256x128xf32, #tpu.memory_space<vmem>>, vector<16xf32>,
        tpu.vector_store %arg11[%swap3A_2575, %swap3A_2576], %add3A_2574 {strides = array<i32>} : memref<256x128xf32, #tpu.memory_space<vmem>>, vector<16xf32>,
        %sub3A_2578 = vector.broadcast %mul3A_2527 : f32 to vector<16xf32>
        %sub3A_2579 = arith.subf %add3A_2435, %sub3A_2578 : vector<16xf32>
        %mul3A_2580 = arith.mulf %sub3A_2579, %mul3A_2569 : vector<16xf32>
        %mul3A_2581 = arith.mulf %mul3A_2580, %get3A_107 : vector<16xf32>
        %add3A_2582 = arith.addf %mul3A_2581, %get3A_123 : vector<16xf32>
        %swap3A_2583 = arith.index_cast %add3A_2413 : i32 to index
        %swap3A_2584 = arith.constant 16 : index
        %swap3A_2585 = tpu.vector_load %arg11[%swap3A_2583, %swap3A_2584] {strides = array<i32>} : memref<256x128xf32, #tpu.memory_space<vmem>>, vector<16xf32>,
        tpu.vector_store %arg11[%swap3A_2583, %swap3A_2584], %add3A_2582 {strides = array<i32>} : memref<256x128xf32, #tpu.memory_space<vmem>>, vector<16xf32>,
        %sub3A_2586 = vector.broadcast %mul3A_2527 : f32 to vector<16xf32>
        %sub3A_2587 = arith.subf %add3A_2445, %sub3A_2586 : vector<16xf32>
        %mul3A_2588 = arith.mulf %sub3A_2587, %mul3A_2569 : vector<16xf32>
        %mul3A_2589 = arith.mulf %mul3A_2588, %get3A_109 : vector<16xf32>
        %add3A_2590 = arith.addf %mul3A_2589, %get3A_125 : vector<16xf32>
        %swap3A_2591 = arith.index_cast %add3A_2413 : i32 to index
        %swap3A_2592 = arith.constant 32 : index
        %swap3A_2593 = tpu.vector_load %arg11[%swap3A_2591, %swap3A_2592] {strides = array<i32>} : memref<256x128xf32, #tpu.memory_space<vmem>>, vector<16xf32>,
        tpu.vector_store %arg11[%swap3A_2591, %swap3A_2592], %add3A_2590 {strides = array<i32>} : memref<256x128xf32, #tpu.memory_space<vmem>>, vector<16xf32>,
        %sub3A_2594 = vector.broadcast %mul3A_2527 : f32 to vector<16xf32>
        %sub3A_2595 = arith.subf %add3A_2455, %sub3A_2594 : vector<16xf32>
        %mul3A_2596 = arith.mulf %sub3A_2595, %mul3A_2569 : vector<16xf32>
        %mul3A_2597 = arith.mulf %mul3A_2596, %get3A_111 : vector<16xf32>
        %add3A_2598 = arith.addf %mul3A_2597, %get3A_127 : vector<16xf32>
        %swap3A_2599 = arith.index_cast %add3A_2413 : i32 to index
        %swap3A_2600 = arith.constant 48 : index
        %swap3A_2601 = tpu.vector_load %arg11[%swap3A_2599, %swap3A_2600] {strides = array<i32>} : memref<256x128xf32, #tpu.memory_space<vmem>>, vector<16xf32>,
        tpu.vector_store %arg11[%swap3A_2599, %swap3A_2600], %add3A_2598 {strides = array<i32>} : memref<256x128xf32, #tpu.memory_space<vmem>>, vector<16xf32>,
        %sub3A_2602 = vector.broadcast %mul3A_2527 : f32 to vector<16xf32>
        %sub3A_2603 = arith.subf %add3A_2465, %sub3A_2602 : vector<16xf32>
        %mul3A_2604 = arith.mulf %sub3A_2603, %mul3A_2569 : vector<16xf32>
        %mul3A_2605 = arith.mulf %mul3A_2604, %get3A_113 : vector<16xf32>
        %add3A_2606 = arith.addf %mul3A_2605, %get3A_129 : vector<16xf32>
        %swap3A_2607 = arith.index_cast %add3A_2413 : i32 to index
        %swap3A_2608 = arith.constant 64 : index
        %swap3A_2609 = tpu.vector_load %arg11[%swap3A_2607, %swap3A_2608] {strides = array<i32>} : memref<256x128xf32, #tpu.memory_space<vmem>>, vector<16xf32>,
        tpu.vector_store %arg11[%swap3A_2607, %swap3A_2608], %add3A_2606 {strides = array<i32>} : memref<256x128xf32, #tpu.memory_space<vmem>>, vector<16xf32>,
        %sub3A_2610 = vector.broadcast %mul3A_2527 : f32 to vector<16xf32>
        %sub3A_2611 = arith.subf %add3A_2475, %sub3A_2610 : vector<16xf32>
        %mul3A_2612 = arith.mulf %sub3A_2611, %mul3A_2569 : vector<16xf32>
        %mul3A_2613 = arith.mulf %mul3A_2612, %get3A_115 : vector<16xf32>
        %add3A_2614 = arith.addf %mul3A_2613, %get3A_131 : vector<16xf32>
        %swap3A_2615 = arith.index_cast %add3A_2413 : i32 to index
        %swap3A_2616 = arith.constant 80 : index
        %swap3A_2617 = tpu.vector_load %arg11[%swap3A_2615, %swap3A_2616] {strides = array<i32>} : memref<256x128xf32, #tpu.memory_space<vmem>>, vector<16xf32>,
        tpu.vector_store %arg11[%swap3A_2615, %swap3A_2616], %add3A_2614 {strides = array<i32>} : memref<256x128xf32, #tpu.memory_space<vmem>>, vector<16xf32>,
        %sub3A_2618 = vector.broadcast %mul3A_2527 : f32 to vector<16xf32>
        %sub3A_2619 = arith.subf %add3A_2485, %sub3A_2618 : vector<16xf32>
        %mul3A_2620 = arith.mulf %sub3A_2619, %mul3A_2569 : vector<16xf32>
        %mul3A_2621 = arith.mulf %mul3A_2620, %get3A_117 : vector<16xf32>
        %add3A_2622 = arith.addf %mul3A_2621, %get3A_133 : vector<16xf32>
        %swap3A_2623 = arith.index_cast %add3A_2413 : i32 to index
        %swap3A_2624 = arith.constant 96 : index
        %swap3A_2625 = tpu.vector_load %arg11[%swap3A_2623, %swap3A_2624] {strides = array<i32>} : memref<256x128xf32, #tpu.memory_space<vmem>>, vector<16xf32>,
        tpu.vector_store %arg11[%swap3A_2623, %swap3A_2624], %add3A_2622 {strides = array<i32>} : memref<256x128xf32, #tpu.memory_space<vmem>>, vector<16xf32>,
        %sub3A_2626 = vector.broadcast %mul3A_2527 : f32 to vector<16xf32>
        %sub3A_2627 = arith.subf %add3A_2495, %sub3A_2626 : vector<16xf32>
        %mul3A_2628 = arith.mulf %sub3A_2627, %mul3A_2569 : vector<16xf32>
        %mul3A_2629 = arith.mulf %mul3A_2628, %get3A_119 : vector<16xf32>
        %add3A_2630 = arith.addf %mul3A_2629, %get3A_135 : vector<16xf32>
        %swap3A_2631 = arith.index_cast %add3A_2413 : i32 to index
        %swap3A_2632 = arith.constant 112 : index
        %swap3A_2633 = tpu.vector_load %arg11[%swap3A_2631, %swap3A_2632] {strides = array<i32>} : memref<256x128xf32, #tpu.memory_space<vmem>>, vector<16xf32>,
        tpu.vector_store %arg11[%swap3A_2631, %swap3A_2632], %add3A_2630 {strides = array<i32>} : memref<256x128xf32, #tpu.memory_space<vmem>>, vector<16xf32>,
        %add3A_2634 = arith.constant 11 : i32
        %add3A_2635 = arith.addi %mul3A_196, %add3A_2634 : i32
        %slice3A_2636 = vector.extract_strided_slice %get3A_198 {offsets = [11], sizes = [1], strides = [1]} : vector<16xf32> to vector<1xf32>
        %squeeze3A_2637 = vector.extract %slice3A_2636[0] : f32 from vector<1xf32>
        %get3A_2638 = arith.index_cast %add3A_2635 : i32 to index
        %get3A_2639 = arith.constant 0 : index
        %get3A_2640 = tpu.vector_load %arg11[%get3A_2638, %get3A_2639] {strides = array<i32>} : memref<256x128xf32, #tpu.memory_space<vmem>>, vector<16xf32>,
        %get3A_2641 = arith.index_cast %add3A_2635 : i32 to index
        %get3A_2642 = arith.constant 0 : index
        %get3A_2643 = tpu.vector_load %arg10[%get3A_2641, %get3A_2642] {strides = array<i32>} : memref<256x128xf32, #tpu.memory_space<vmem>>, vector<16xf32>,
        %add3A_2644 = arith.addf %get3A_2640, %get3A_2643 : vector<16xf32>
        %mul3A_2645 = vector.broadcast %squeeze3A_2637 : f32 to vector<16xf32>
        %mul3A_2646 = arith.mulf %mul3A_2645, %sub3A_96 : vector<16xf32>
        %add3A_2647 = arith.addf %add3A_2644, %mul3A_2646 : vector<16xf32>
        %get3A_2648 = arith.index_cast %add3A_2635 : i32 to index
        %get3A_2649 = arith.constant 16 : index
        %get3A_2650 = tpu.vector_load %arg11[%get3A_2648, %get3A_2649] {strides = array<i32>} : memref<256x128xf32, #tpu.memory_space<vmem>>, vector<16xf32>,
        %get3A_2651 = arith.index_cast %add3A_2635 : i32 to index
        %get3A_2652 = arith.constant 16 : index
        %get3A_2653 = tpu.vector_load %arg10[%get3A_2651, %get3A_2652] {strides = array<i32>} : memref<256x128xf32, #tpu.memory_space<vmem>>, vector<16xf32>,
        %add3A_2654 = arith.addf %get3A_2650, %get3A_2653 : vector<16xf32>
        %mul3A_2655 = vector.broadcast %squeeze3A_2637 : f32 to vector<16xf32>
        %mul3A_2656 = arith.mulf %mul3A_2655, %sub3A_97 : vector<16xf32>
        %add3A_2657 = arith.addf %add3A_2654, %mul3A_2656 : vector<16xf32>
        %get3A_2658 = arith.index_cast %add3A_2635 : i32 to index
        %get3A_2659 = arith.constant 32 : index
        %get3A_2660 = tpu.vector_load %arg11[%get3A_2658, %get3A_2659] {strides = array<i32>} : memref<256x128xf32, #tpu.memory_space<vmem>>, vector<16xf32>,
        %get3A_2661 = arith.index_cast %add3A_2635 : i32 to index
        %get3A_2662 = arith.constant 32 : index
        %get3A_2663 = tpu.vector_load %arg10[%get3A_2661, %get3A_2662] {strides = array<i32>} : memref<256x128xf32, #tpu.memory_space<vmem>>, vector<16xf32>,
        %add3A_2664 = arith.addf %get3A_2660, %get3A_2663 : vector<16xf32>
        %mul3A_2665 = vector.broadcast %squeeze3A_2637 : f32 to vector<16xf32>
        %mul3A_2666 = arith.mulf %mul3A_2665, %sub3A_98 : vector<16xf32>
        %add3A_2667 = arith.addf %add3A_2664, %mul3A_2666 : vector<16xf32>
        %get3A_2668 = arith.index_cast %add3A_2635 : i32 to index
        %get3A_2669 = arith.constant 48 : index
        %get3A_2670 = tpu.vector_load %arg11[%get3A_2668, %get3A_2669] {strides = array<i32>} : memref<256x128xf32, #tpu.memory_space<vmem>>, vector<16xf32>,
        %get3A_2671 = arith.index_cast %add3A_2635 : i32 to index
        %get3A_2672 = arith.constant 48 : index
        %get3A_2673 = tpu.vector_load %arg10[%get3A_2671, %get3A_2672] {strides = array<i32>} : memref<256x128xf32, #tpu.memory_space<vmem>>, vector<16xf32>,
        %add3A_2674 = arith.addf %get3A_2670, %get3A_2673 : vector<16xf32>
        %mul3A_2675 = vector.broadcast %squeeze3A_2637 : f32 to vector<16xf32>
        %mul3A_2676 = arith.mulf %mul3A_2675, %sub3A_99 : vector<16xf32>
        %add3A_2677 = arith.addf %add3A_2674, %mul3A_2676 : vector<16xf32>
        %get3A_2678 = arith.index_cast %add3A_2635 : i32 to index
        %get3A_2679 = arith.constant 64 : index
        %get3A_2680 = tpu.vector_load %arg11[%get3A_2678, %get3A_2679] {strides = array<i32>} : memref<256x128xf32, #tpu.memory_space<vmem>>, vector<16xf32>,
        %get3A_2681 = arith.index_cast %add3A_2635 : i32 to index
        %get3A_2682 = arith.constant 64 : index
        %get3A_2683 = tpu.vector_load %arg10[%get3A_2681, %get3A_2682] {strides = array<i32>} : memref<256x128xf32, #tpu.memory_space<vmem>>, vector<16xf32>,
        %add3A_2684 = arith.addf %get3A_2680, %get3A_2683 : vector<16xf32>
        %mul3A_2685 = vector.broadcast %squeeze3A_2637 : f32 to vector<16xf32>
        %mul3A_2686 = arith.mulf %mul3A_2685, %sub3A_100 : vector<16xf32>
        %add3A_2687 = arith.addf %add3A_2684, %mul3A_2686 : vector<16xf32>
        %get3A_2688 = arith.index_cast %add3A_2635 : i32 to index
        %get3A_2689 = arith.constant 80 : index
        %get3A_2690 = tpu.vector_load %arg11[%get3A_2688, %get3A_2689] {strides = array<i32>} : memref<256x128xf32, #tpu.memory_space<vmem>>, vector<16xf32>,
        %get3A_2691 = arith.index_cast %add3A_2635 : i32 to index
        %get3A_2692 = arith.constant 80 : index
        %get3A_2693 = tpu.vector_load %arg10[%get3A_2691, %get3A_2692] {strides = array<i32>} : memref<256x128xf32, #tpu.memory_space<vmem>>, vector<16xf32>,
        %add3A_2694 = arith.addf %get3A_2690, %get3A_2693 : vector<16xf32>
        %mul3A_2695 = vector.broadcast %squeeze3A_2637 : f32 to vector<16xf32>
        %mul3A_2696 = arith.mulf %mul3A_2695, %sub3A_101 : vector<16xf32>
        %add3A_2697 = arith.addf %add3A_2694, %mul3A_2696 : vector<16xf32>
        %get3A_2698 = arith.index_cast %add3A_2635 : i32 to index
        %get3A_2699 = arith.constant 96 : index
        %get3A_2700 = tpu.vector_load %arg11[%get3A_2698, %get3A_2699] {strides = array<i32>} : memref<256x128xf32, #tpu.memory_space<vmem>>, vector<16xf32>,
        %get3A_2701 = arith.index_cast %add3A_2635 : i32 to index
        %get3A_2702 = arith.constant 96 : index
        %get3A_2703 = tpu.vector_load %arg10[%get3A_2701, %get3A_2702] {strides = array<i32>} : memref<256x128xf32, #tpu.memory_space<vmem>>, vector<16xf32>,
        %add3A_2704 = arith.addf %get3A_2700, %get3A_2703 : vector<16xf32>
        %mul3A_2705 = vector.broadcast %squeeze3A_2637 : f32 to vector<16xf32>
        %mul3A_2706 = arith.mulf %mul3A_2705, %sub3A_102 : vector<16xf32>
        %add3A_2707 = arith.addf %add3A_2704, %mul3A_2706 : vector<16xf32>
        %get3A_2708 = arith.index_cast %add3A_2635 : i32 to index
        %get3A_2709 = arith.constant 112 : index
        %get3A_2710 = tpu.vector_load %arg11[%get3A_2708, %get3A_2709] {strides = array<i32>} : memref<256x128xf32, #tpu.memory_space<vmem>>, vector<16xf32>,
        %get3A_2711 = arith.index_cast %add3A_2635 : i32 to index
        %get3A_2712 = arith.constant 112 : index
        %get3A_2713 = tpu.vector_load %arg10[%get3A_2711, %get3A_2712] {strides = array<i32>} : memref<256x128xf32, #tpu.memory_space<vmem>>, vector<16xf32>,
        %add3A_2714 = arith.addf %get3A_2710, %get3A_2713 : vector<16xf32>
        %mul3A_2715 = vector.broadcast %squeeze3A_2637 : f32 to vector<16xf32>
        %mul3A_2716 = arith.mulf %mul3A_2715, %sub3A_103 : vector<16xf32>
        %add3A_2717 = arith.addf %add3A_2714, %mul3A_2716 : vector<16xf32>
        %add3A_2718 = arith.addf %add3A_2647, %add3A_2657 : vector<16xf32>
        %add3A_2719 = arith.addf %add3A_2667, %add3A_2677 : vector<16xf32>
        %add3A_2720 = arith.addf %add3A_2718, %add3A_2719 : vector<16xf32>
        %add3A_2721 = arith.addf %add3A_2687, %add3A_2697 : vector<16xf32>
        %add3A_2722 = arith.addf %add3A_2707, %add3A_2717 : vector<16xf32>
        %add3A_2723 = arith.addf %add3A_2721, %add3A_2722 : vector<16xf32>
        %add3A_2724 = arith.addf %add3A_2720, %add3A_2723 : vector<16xf32>
        %mul3A_2725 = arith.mulf %add3A_2647, %add3A_2647 : vector<16xf32>
        %mul3A_2726 = arith.mulf %add3A_2657, %add3A_2657 : vector<16xf32>
        %add3A_2727 = arith.addf %mul3A_2725, %mul3A_2726 : vector<16xf32>
        %mul3A_2728 = arith.mulf %add3A_2667, %add3A_2667 : vector<16xf32>
        %mul3A_2729 = arith.mulf %add3A_2677, %add3A_2677 : vector<16xf32>
        %add3A_2730 = arith.addf %mul3A_2728, %mul3A_2729 : vector<16xf32>
        %add3A_2731 = arith.addf %add3A_2727, %add3A_2730 : vector<16xf32>
        %mul3A_2732 = arith.mulf %add3A_2687, %add3A_2687 : vector<16xf32>
        %mul3A_2733 = arith.mulf %add3A_2697, %add3A_2697 : vector<16xf32>
        %add3A_2734 = arith.addf %mul3A_2732, %mul3A_2733 : vector<16xf32>
        %add3A_2735 = arith.addf %add3A_2731, %add3A_2734 : vector<16xf32>
        %mul3A_2736 = arith.mulf %add3A_2707, %add3A_2707 : vector<16xf32>
        %mul3A_2737 = arith.mulf %add3A_2717, %add3A_2717 : vector<16xf32>
        %add3A_2738 = arith.addf %mul3A_2736, %mul3A_2737 : vector<16xf32>
        %add3A_2739 = arith.addf %add3A_2735, %add3A_2738 : vector<16xf32>
        %reduce_sum3A_2740 = arith.constant true
        %reduce_sum3A_2741 = vector.broadcast %reduce_sum3A_2740 : i1 to vector<16xi1>
        %reduce_sum3A_2742 = tpu.scan <sum>, %add3A_2724 masked %reduce_sum3A_2741 : vector<16xf32>, vector<16xi1> -> vector<16xf32>
        %reduce_sum3A_2743 = vector.extract %reduce_sum3A_2742[15] : f32 from vector<16xf32>
        %reduce_sum3A_2744 = arith.constant true
        %reduce_sum3A_2745 = vector.broadcast %reduce_sum3A_2744 : i1 to vector<16xi1>
        %reduce_sum3A_2746 = tpu.scan <sum>, %add3A_2739 masked %reduce_sum3A_2745 : vector<16xf32>, vector<16xi1> -> vector<16xf32>
        %reduce_sum3A_2747 = vector.extract %reduce_sum3A_2746[15] : f32 from vector<16xf32>
        %mul3A_2748 = arith.constant 7.812500e-03 : f32
        %mul3A_2749 = arith.mulf %reduce_sum3A_2743, %mul3A_2748 : f32
        %mul3A_2750 = arith.constant 7.812500e-03 : f32
        %mul3A_2751 = arith.mulf %reduce_sum3A_2747, %mul3A_2750 : f32
        %mul3A_2752 = arith.mulf %mul3A_2749, %mul3A_2749 : f32
        %sub3A_2753 = arith.subf %mul3A_2751, %mul3A_2752 : f32
        %add3A_2754 = arith.constant 9.99999974E-6 : f32
        %add3A_2755 = arith.addf %sub3A_2753, %add3A_2754 : f32
        %broadcast_in_dim3A_2756 = vector.broadcast %add3A_2755 : f32 to vector<16xf32>
        %bitcast3A_2757 = vector.bitcast %broadcast_in_dim3A_2756 : vector<16xf32> to vector<16xi32>
        %shift_right_arithmetic3A_2758 = arith.constant 1 : i32
        %shift_right_arithmetic3A_2759 = vector.broadcast %shift_right_arithmetic3A_2758 : i32 to vector<16xi32>
        %shift_right_arithmetic3A_2760 = arith.shrsi %bitcast3A_2757, %shift_right_arithmetic3A_2759 : vector<16xi32>
        %sub3A_2761 = arith.constant 1597463007 : i32
        %sub3A_2762 = vector.broadcast %sub3A_2761 : i32 to vector<16xi32>
        %sub3A_2763 = arith.subi %sub3A_2762, %shift_right_arithmetic3A_2760 : vector<16xi32>
        %bitcast3A_2764 = vector.bitcast %sub3A_2763 : vector<16xi32> to vector<16xf32>
        %mul3A_2765 = arith.constant 5.000000e-01 : f32
        %mul3A_2766 = vector.broadcast %mul3A_2765 : f32 to vector<16xf32>
        %mul3A_2767 = arith.mulf %mul3A_2766, %broadcast_in_dim3A_2756 : vector<16xf32>
        %mul3A_2768 = arith.mulf %mul3A_2767, %bitcast3A_2764 : vector<16xf32>
        %mul3A_2769 = arith.mulf %mul3A_2768, %bitcast3A_2764 : vector<16xf32>
        %sub3A_2770 = arith.constant 1.500000e+00 : f32
        %sub3A_2771 = vector.broadcast %sub3A_2770 : f32 to vector<16xf32>
        %sub3A_2772 = arith.subf %sub3A_2771, %mul3A_2769 : vector<16xf32>
        %mul3A_2773 = arith.mulf %bitcast3A_2764, %sub3A_2772 : vector<16xf32>
        %mul3A_2774 = arith.constant 5.000000e-01 : f32
        %mul3A_2775 = vector.broadcast %mul3A_2774 : f32 to vector<16xf32>
        %mul3A_2776 = arith.mulf %mul3A_2775, %broadcast_in_dim3A_2756 : vector<16xf32>
        %mul3A_2777 = arith.mulf %mul3A_2776, %mul3A_2773 : vector<16xf32>
        %mul3A_2778 = arith.mulf %mul3A_2777, %mul3A_2773 : vector<16xf32>
        %sub3A_2779 = arith.constant 1.500000e+00 : f32
        %sub3A_2780 = vector.broadcast %sub3A_2779 : f32 to vector<16xf32>
        %sub3A_2781 = arith.subf %sub3A_2780, %mul3A_2778 : vector<16xf32>
        %mul3A_2782 = arith.mulf %mul3A_2773, %sub3A_2781 : vector<16xf32>
        %mul3A_2783 = arith.constant 5.000000e-01 : f32
        %mul3A_2784 = vector.broadcast %mul3A_2783 : f32 to vector<16xf32>
        %mul3A_2785 = arith.mulf %mul3A_2784, %broadcast_in_dim3A_2756 : vector<16xf32>
        %mul3A_2786 = arith.mulf %mul3A_2785, %mul3A_2782 : vector<16xf32>
        %mul3A_2787 = arith.mulf %mul3A_2786, %mul3A_2782 : vector<16xf32>
        %sub3A_2788 = arith.constant 1.500000e+00 : f32
        %sub3A_2789 = vector.broadcast %sub3A_2788 : f32 to vector<16xf32>
        %sub3A_2790 = arith.subf %sub3A_2789, %mul3A_2787 : vector<16xf32>
        %mul3A_2791 = arith.mulf %mul3A_2782, %sub3A_2790 : vector<16xf32>
        %sub3A_2792 = vector.broadcast %mul3A_2749 : f32 to vector<16xf32>
        %sub3A_2793 = arith.subf %add3A_2647, %sub3A_2792 : vector<16xf32>
        %mul3A_2794 = arith.mulf %sub3A_2793, %mul3A_2791 : vector<16xf32>
        %mul3A_2795 = arith.mulf %mul3A_2794, %get3A_105 : vector<16xf32>
        %add3A_2796 = arith.addf %mul3A_2795, %get3A_121 : vector<16xf32>
        %swap3A_2797 = arith.index_cast %add3A_2635 : i32 to index
        %swap3A_2798 = arith.constant 0 : index
        %swap3A_2799 = tpu.vector_load %arg11[%swap3A_2797, %swap3A_2798] {strides = array<i32>} : memref<256x128xf32, #tpu.memory_space<vmem>>, vector<16xf32>,
        tpu.vector_store %arg11[%swap3A_2797, %swap3A_2798], %add3A_2796 {strides = array<i32>} : memref<256x128xf32, #tpu.memory_space<vmem>>, vector<16xf32>,
        %sub3A_2800 = vector.broadcast %mul3A_2749 : f32 to vector<16xf32>
        %sub3A_2801 = arith.subf %add3A_2657, %sub3A_2800 : vector<16xf32>
        %mul3A_2802 = arith.mulf %sub3A_2801, %mul3A_2791 : vector<16xf32>
        %mul3A_2803 = arith.mulf %mul3A_2802, %get3A_107 : vector<16xf32>
        %add3A_2804 = arith.addf %mul3A_2803, %get3A_123 : vector<16xf32>
        %swap3A_2805 = arith.index_cast %add3A_2635 : i32 to index
        %swap3A_2806 = arith.constant 16 : index
        %swap3A_2807 = tpu.vector_load %arg11[%swap3A_2805, %swap3A_2806] {strides = array<i32>} : memref<256x128xf32, #tpu.memory_space<vmem>>, vector<16xf32>,
        tpu.vector_store %arg11[%swap3A_2805, %swap3A_2806], %add3A_2804 {strides = array<i32>} : memref<256x128xf32, #tpu.memory_space<vmem>>, vector<16xf32>,
        %sub3A_2808 = vector.broadcast %mul3A_2749 : f32 to vector<16xf32>
        %sub3A_2809 = arith.subf %add3A_2667, %sub3A_2808 : vector<16xf32>
        %mul3A_2810 = arith.mulf %sub3A_2809, %mul3A_2791 : vector<16xf32>
        %mul3A_2811 = arith.mulf %mul3A_2810, %get3A_109 : vector<16xf32>
        %add3A_2812 = arith.addf %mul3A_2811, %get3A_125 : vector<16xf32>
        %swap3A_2813 = arith.index_cast %add3A_2635 : i32 to index
        %swap3A_2814 = arith.constant 32 : index
        %swap3A_2815 = tpu.vector_load %arg11[%swap3A_2813, %swap3A_2814] {strides = array<i32>} : memref<256x128xf32, #tpu.memory_space<vmem>>, vector<16xf32>,
        tpu.vector_store %arg11[%swap3A_2813, %swap3A_2814], %add3A_2812 {strides = array<i32>} : memref<256x128xf32, #tpu.memory_space<vmem>>, vector<16xf32>,
        %sub3A_2816 = vector.broadcast %mul3A_2749 : f32 to vector<16xf32>
        %sub3A_2817 = arith.subf %add3A_2677, %sub3A_2816 : vector<16xf32>
        %mul3A_2818 = arith.mulf %sub3A_2817, %mul3A_2791 : vector<16xf32>
        %mul3A_2819 = arith.mulf %mul3A_2818, %get3A_111 : vector<16xf32>
        %add3A_2820 = arith.addf %mul3A_2819, %get3A_127 : vector<16xf32>
        %swap3A_2821 = arith.index_cast %add3A_2635 : i32 to index
        %swap3A_2822 = arith.constant 48 : index
        %swap3A_2823 = tpu.vector_load %arg11[%swap3A_2821, %swap3A_2822] {strides = array<i32>} : memref<256x128xf32, #tpu.memory_space<vmem>>, vector<16xf32>,
        tpu.vector_store %arg11[%swap3A_2821, %swap3A_2822], %add3A_2820 {strides = array<i32>} : memref<256x128xf32, #tpu.memory_space<vmem>>, vector<16xf32>,
        %sub3A_2824 = vector.broadcast %mul3A_2749 : f32 to vector<16xf32>
        %sub3A_2825 = arith.subf %add3A_2687, %sub3A_2824 : vector<16xf32>
        %mul3A_2826 = arith.mulf %sub3A_2825, %mul3A_2791 : vector<16xf32>
        %mul3A_2827 = arith.mulf %mul3A_2826, %get3A_113 : vector<16xf32>
        %add3A_2828 = arith.addf %mul3A_2827, %get3A_129 : vector<16xf32>
        %swap3A_2829 = arith.index_cast %add3A_2635 : i32 to index
        %swap3A_2830 = arith.constant 64 : index
        %swap3A_2831 = tpu.vector_load %arg11[%swap3A_2829, %swap3A_2830] {strides = array<i32>} : memref<256x128xf32, #tpu.memory_space<vmem>>, vector<16xf32>,
        tpu.vector_store %arg11[%swap3A_2829, %swap3A_2830], %add3A_2828 {strides = array<i32>} : memref<256x128xf32, #tpu.memory_space<vmem>>, vector<16xf32>,
        %sub3A_2832 = vector.broadcast %mul3A_2749 : f32 to vector<16xf32>
        %sub3A_2833 = arith.subf %add3A_2697, %sub3A_2832 : vector<16xf32>
        %mul3A_2834 = arith.mulf %sub3A_2833, %mul3A_2791 : vector<16xf32>
        %mul3A_2835 = arith.mulf %mul3A_2834, %get3A_115 : vector<16xf32>
        %add3A_2836 = arith.addf %mul3A_2835, %get3A_131 : vector<16xf32>
        %swap3A_2837 = arith.index_cast %add3A_2635 : i32 to index
        %swap3A_2838 = arith.constant 80 : index
        %swap3A_2839 = tpu.vector_load %arg11[%swap3A_2837, %swap3A_2838] {strides = array<i32>} : memref<256x128xf32, #tpu.memory_space<vmem>>, vector<16xf32>,
        tpu.vector_store %arg11[%swap3A_2837, %swap3A_2838], %add3A_2836 {strides = array<i32>} : memref<256x128xf32, #tpu.memory_space<vmem>>, vector<16xf32>,
        %sub3A_2840 = vector.broadcast %mul3A_2749 : f32 to vector<16xf32>
        %sub3A_2841 = arith.subf %add3A_2707, %sub3A_2840 : vector<16xf32>
        %mul3A_2842 = arith.mulf %sub3A_2841, %mul3A_2791 : vector<16xf32>
        %mul3A_2843 = arith.mulf %mul3A_2842, %get3A_117 : vector<16xf32>
        %add3A_2844 = arith.addf %mul3A_2843, %get3A_133 : vector<16xf32>
        %swap3A_2845 = arith.index_cast %add3A_2635 : i32 to index
        %swap3A_2846 = arith.constant 96 : index
        %swap3A_2847 = tpu.vector_load %arg11[%swap3A_2845, %swap3A_2846] {strides = array<i32>} : memref<256x128xf32, #tpu.memory_space<vmem>>, vector<16xf32>,
        tpu.vector_store %arg11[%swap3A_2845, %swap3A_2846], %add3A_2844 {strides = array<i32>} : memref<256x128xf32, #tpu.memory_space<vmem>>, vector<16xf32>,
        %sub3A_2848 = vector.broadcast %mul3A_2749 : f32 to vector<16xf32>
        %sub3A_2849 = arith.subf %add3A_2717, %sub3A_2848 : vector<16xf32>
        %mul3A_2850 = arith.mulf %sub3A_2849, %mul3A_2791 : vector<16xf32>
        %mul3A_2851 = arith.mulf %mul3A_2850, %get3A_119 : vector<16xf32>
        %add3A_2852 = arith.addf %mul3A_2851, %get3A_135 : vector<16xf32>
        %swap3A_2853 = arith.index_cast %add3A_2635 : i32 to index
        %swap3A_2854 = arith.constant 112 : index
        %swap3A_2855 = tpu.vector_load %arg11[%swap3A_2853, %swap3A_2854] {strides = array<i32>} : memref<256x128xf32, #tpu.memory_space<vmem>>, vector<16xf32>,
        tpu.vector_store %arg11[%swap3A_2853, %swap3A_2854], %add3A_2852 {strides = array<i32>} : memref<256x128xf32, #tpu.memory_space<vmem>>, vector<16xf32>,
        %add3A_2856 = arith.constant 12 : i32
        %add3A_2857 = arith.addi %mul3A_196, %add3A_2856 : i32
        %slice3A_2858 = vector.extract_strided_slice %get3A_198 {offsets = [12], sizes = [1], strides = [1]} : vector<16xf32> to vector<1xf32>
        %squeeze3A_2859 = vector.extract %slice3A_2858[0] : f32 from vector<1xf32>
        %get3A_2860 = arith.index_cast %add3A_2857 : i32 to index
        %get3A_2861 = arith.constant 0 : index
        %get3A_2862 = tpu.vector_load %arg11[%get3A_2860, %get3A_2861] {strides = array<i32>} : memref<256x128xf32, #tpu.memory_space<vmem>>, vector<16xf32>,
        %get3A_2863 = arith.index_cast %add3A_2857 : i32 to index
        %get3A_2864 = arith.constant 0 : index
        %get3A_2865 = tpu.vector_load %arg10[%get3A_2863, %get3A_2864] {strides = array<i32>} : memref<256x128xf32, #tpu.memory_space<vmem>>, vector<16xf32>,
        %add3A_2866 = arith.addf %get3A_2862, %get3A_2865 : vector<16xf32>
        %mul3A_2867 = vector.broadcast %squeeze3A_2859 : f32 to vector<16xf32>
        %mul3A_2868 = arith.mulf %mul3A_2867, %sub3A_96 : vector<16xf32>
        %add3A_2869 = arith.addf %add3A_2866, %mul3A_2868 : vector<16xf32>
        %get3A_2870 = arith.index_cast %add3A_2857 : i32 to index
        %get3A_2871 = arith.constant 16 : index
        %get3A_2872 = tpu.vector_load %arg11[%get3A_2870, %get3A_2871] {strides = array<i32>} : memref<256x128xf32, #tpu.memory_space<vmem>>, vector<16xf32>,
        %get3A_2873 = arith.index_cast %add3A_2857 : i32 to index
        %get3A_2874 = arith.constant 16 : index
        %get3A_2875 = tpu.vector_load %arg10[%get3A_2873, %get3A_2874] {strides = array<i32>} : memref<256x128xf32, #tpu.memory_space<vmem>>, vector<16xf32>,
        %add3A_2876 = arith.addf %get3A_2872, %get3A_2875 : vector<16xf32>
        %mul3A_2877 = vector.broadcast %squeeze3A_2859 : f32 to vector<16xf32>
        %mul3A_2878 = arith.mulf %mul3A_2877, %sub3A_97 : vector<16xf32>
        %add3A_2879 = arith.addf %add3A_2876, %mul3A_2878 : vector<16xf32>
        %get3A_2880 = arith.index_cast %add3A_2857 : i32 to index
        %get3A_2881 = arith.constant 32 : index
        %get3A_2882 = tpu.vector_load %arg11[%get3A_2880, %get3A_2881] {strides = array<i32>} : memref<256x128xf32, #tpu.memory_space<vmem>>, vector<16xf32>,
        %get3A_2883 = arith.index_cast %add3A_2857 : i32 to index
        %get3A_2884 = arith.constant 32 : index
        %get3A_2885 = tpu.vector_load %arg10[%get3A_2883, %get3A_2884] {strides = array<i32>} : memref<256x128xf32, #tpu.memory_space<vmem>>, vector<16xf32>,
        %add3A_2886 = arith.addf %get3A_2882, %get3A_2885 : vector<16xf32>
        %mul3A_2887 = vector.broadcast %squeeze3A_2859 : f32 to vector<16xf32>
        %mul3A_2888 = arith.mulf %mul3A_2887, %sub3A_98 : vector<16xf32>
        %add3A_2889 = arith.addf %add3A_2886, %mul3A_2888 : vector<16xf32>
        %get3A_2890 = arith.index_cast %add3A_2857 : i32 to index
        %get3A_2891 = arith.constant 48 : index
        %get3A_2892 = tpu.vector_load %arg11[%get3A_2890, %get3A_2891] {strides = array<i32>} : memref<256x128xf32, #tpu.memory_space<vmem>>, vector<16xf32>,
        %get3A_2893 = arith.index_cast %add3A_2857 : i32 to index
        %get3A_2894 = arith.constant 48 : index
        %get3A_2895 = tpu.vector_load %arg10[%get3A_2893, %get3A_2894] {strides = array<i32>} : memref<256x128xf32, #tpu.memory_space<vmem>>, vector<16xf32>,
        %add3A_2896 = arith.addf %get3A_2892, %get3A_2895 : vector<16xf32>
        %mul3A_2897 = vector.broadcast %squeeze3A_2859 : f32 to vector<16xf32>
        %mul3A_2898 = arith.mulf %mul3A_2897, %sub3A_99 : vector<16xf32>
        %add3A_2899 = arith.addf %add3A_2896, %mul3A_2898 : vector<16xf32>
        %get3A_2900 = arith.index_cast %add3A_2857 : i32 to index
        %get3A_2901 = arith.constant 64 : index
        %get3A_2902 = tpu.vector_load %arg11[%get3A_2900, %get3A_2901] {strides = array<i32>} : memref<256x128xf32, #tpu.memory_space<vmem>>, vector<16xf32>,
        %get3A_2903 = arith.index_cast %add3A_2857 : i32 to index
        %get3A_2904 = arith.constant 64 : index
        %get3A_2905 = tpu.vector_load %arg10[%get3A_2903, %get3A_2904] {strides = array<i32>} : memref<256x128xf32, #tpu.memory_space<vmem>>, vector<16xf32>,
        %add3A_2906 = arith.addf %get3A_2902, %get3A_2905 : vector<16xf32>
        %mul3A_2907 = vector.broadcast %squeeze3A_2859 : f32 to vector<16xf32>
        %mul3A_2908 = arith.mulf %mul3A_2907, %sub3A_100 : vector<16xf32>
        %add3A_2909 = arith.addf %add3A_2906, %mul3A_2908 : vector<16xf32>
        %get3A_2910 = arith.index_cast %add3A_2857 : i32 to index
        %get3A_2911 = arith.constant 80 : index
        %get3A_2912 = tpu.vector_load %arg11[%get3A_2910, %get3A_2911] {strides = array<i32>} : memref<256x128xf32, #tpu.memory_space<vmem>>, vector<16xf32>,
        %get3A_2913 = arith.index_cast %add3A_2857 : i32 to index
        %get3A_2914 = arith.constant 80 : index
        %get3A_2915 = tpu.vector_load %arg10[%get3A_2913, %get3A_2914] {strides = array<i32>} : memref<256x128xf32, #tpu.memory_space<vmem>>, vector<16xf32>,
        %add3A_2916 = arith.addf %get3A_2912, %get3A_2915 : vector<16xf32>
        %mul3A_2917 = vector.broadcast %squeeze3A_2859 : f32 to vector<16xf32>
        %mul3A_2918 = arith.mulf %mul3A_2917, %sub3A_101 : vector<16xf32>
        %add3A_2919 = arith.addf %add3A_2916, %mul3A_2918 : vector<16xf32>
        %get3A_2920 = arith.index_cast %add3A_2857 : i32 to index
        %get3A_2921 = arith.constant 96 : index
        %get3A_2922 = tpu.vector_load %arg11[%get3A_2920, %get3A_2921] {strides = array<i32>} : memref<256x128xf32, #tpu.memory_space<vmem>>, vector<16xf32>,
        %get3A_2923 = arith.index_cast %add3A_2857 : i32 to index
        %get3A_2924 = arith.constant 96 : index
        %get3A_2925 = tpu.vector_load %arg10[%get3A_2923, %get3A_2924] {strides = array<i32>} : memref<256x128xf32, #tpu.memory_space<vmem>>, vector<16xf32>,
        %add3A_2926 = arith.addf %get3A_2922, %get3A_2925 : vector<16xf32>
        %mul3A_2927 = vector.broadcast %squeeze3A_2859 : f32 to vector<16xf32>
        %mul3A_2928 = arith.mulf %mul3A_2927, %sub3A_102 : vector<16xf32>
        %add3A_2929 = arith.addf %add3A_2926, %mul3A_2928 : vector<16xf32>
        %get3A_2930 = arith.index_cast %add3A_2857 : i32 to index
        %get3A_2931 = arith.constant 112 : index
        %get3A_2932 = tpu.vector_load %arg11[%get3A_2930, %get3A_2931] {strides = array<i32>} : memref<256x128xf32, #tpu.memory_space<vmem>>, vector<16xf32>,
        %get3A_2933 = arith.index_cast %add3A_2857 : i32 to index
        %get3A_2934 = arith.constant 112 : index
        %get3A_2935 = tpu.vector_load %arg10[%get3A_2933, %get3A_2934] {strides = array<i32>} : memref<256x128xf32, #tpu.memory_space<vmem>>, vector<16xf32>,
        %add3A_2936 = arith.addf %get3A_2932, %get3A_2935 : vector<16xf32>
        %mul3A_2937 = vector.broadcast %squeeze3A_2859 : f32 to vector<16xf32>
        %mul3A_2938 = arith.mulf %mul3A_2937, %sub3A_103 : vector<16xf32>
        %add3A_2939 = arith.addf %add3A_2936, %mul3A_2938 : vector<16xf32>
        %add3A_2940 = arith.addf %add3A_2869, %add3A_2879 : vector<16xf32>
        %add3A_2941 = arith.addf %add3A_2889, %add3A_2899 : vector<16xf32>
        %add3A_2942 = arith.addf %add3A_2940, %add3A_2941 : vector<16xf32>
        %add3A_2943 = arith.addf %add3A_2909, %add3A_2919 : vector<16xf32>
        %add3A_2944 = arith.addf %add3A_2929, %add3A_2939 : vector<16xf32>
        %add3A_2945 = arith.addf %add3A_2943, %add3A_2944 : vector<16xf32>
        %add3A_2946 = arith.addf %add3A_2942, %add3A_2945 : vector<16xf32>
        %mul3A_2947 = arith.mulf %add3A_2869, %add3A_2869 : vector<16xf32>
        %mul3A_2948 = arith.mulf %add3A_2879, %add3A_2879 : vector<16xf32>
        %add3A_2949 = arith.addf %mul3A_2947, %mul3A_2948 : vector<16xf32>
        %mul3A_2950 = arith.mulf %add3A_2889, %add3A_2889 : vector<16xf32>
        %mul3A_2951 = arith.mulf %add3A_2899, %add3A_2899 : vector<16xf32>
        %add3A_2952 = arith.addf %mul3A_2950, %mul3A_2951 : vector<16xf32>
        %add3A_2953 = arith.addf %add3A_2949, %add3A_2952 : vector<16xf32>
        %mul3A_2954 = arith.mulf %add3A_2909, %add3A_2909 : vector<16xf32>
        %mul3A_2955 = arith.mulf %add3A_2919, %add3A_2919 : vector<16xf32>
        %add3A_2956 = arith.addf %mul3A_2954, %mul3A_2955 : vector<16xf32>
        %add3A_2957 = arith.addf %add3A_2953, %add3A_2956 : vector<16xf32>
        %mul3A_2958 = arith.mulf %add3A_2929, %add3A_2929 : vector<16xf32>
        %mul3A_2959 = arith.mulf %add3A_2939, %add3A_2939 : vector<16xf32>
        %add3A_2960 = arith.addf %mul3A_2958, %mul3A_2959 : vector<16xf32>
        %add3A_2961 = arith.addf %add3A_2957, %add3A_2960 : vector<16xf32>
        %reduce_sum3A_2962 = arith.constant true
        %reduce_sum3A_2963 = vector.broadcast %reduce_sum3A_2962 : i1 to vector<16xi1>
        %reduce_sum3A_2964 = tpu.scan <sum>, %add3A_2946 masked %reduce_sum3A_2963 : vector<16xf32>, vector<16xi1> -> vector<16xf32>
        %reduce_sum3A_2965 = vector.extract %reduce_sum3A_2964[15] : f32 from vector<16xf32>
        %reduce_sum3A_2966 = arith.constant true
        %reduce_sum3A_2967 = vector.broadcast %reduce_sum3A_2966 : i1 to vector<16xi1>
        %reduce_sum3A_2968 = tpu.scan <sum>, %add3A_2961 masked %reduce_sum3A_2967 : vector<16xf32>, vector<16xi1> -> vector<16xf32>
        %reduce_sum3A_2969 = vector.extract %reduce_sum3A_2968[15] : f32 from vector<16xf32>
        %mul3A_2970 = arith.constant 7.812500e-03 : f32
        %mul3A_2971 = arith.mulf %reduce_sum3A_2965, %mul3A_2970 : f32
        %mul3A_2972 = arith.constant 7.812500e-03 : f32
        %mul3A_2973 = arith.mulf %reduce_sum3A_2969, %mul3A_2972 : f32
        %mul3A_2974 = arith.mulf %mul3A_2971, %mul3A_2971 : f32
        %sub3A_2975 = arith.subf %mul3A_2973, %mul3A_2974 : f32
        %add3A_2976 = arith.constant 9.99999974E-6 : f32
        %add3A_2977 = arith.addf %sub3A_2975, %add3A_2976 : f32
        %broadcast_in_dim3A_2978 = vector.broadcast %add3A_2977 : f32 to vector<16xf32>
        %bitcast3A_2979 = vector.bitcast %broadcast_in_dim3A_2978 : vector<16xf32> to vector<16xi32>
        %shift_right_arithmetic3A_2980 = arith.constant 1 : i32
        %shift_right_arithmetic3A_2981 = vector.broadcast %shift_right_arithmetic3A_2980 : i32 to vector<16xi32>
        %shift_right_arithmetic3A_2982 = arith.shrsi %bitcast3A_2979, %shift_right_arithmetic3A_2981 : vector<16xi32>
        %sub3A_2983 = arith.constant 1597463007 : i32
        %sub3A_2984 = vector.broadcast %sub3A_2983 : i32 to vector<16xi32>
        %sub3A_2985 = arith.subi %sub3A_2984, %shift_right_arithmetic3A_2982 : vector<16xi32>
        %bitcast3A_2986 = vector.bitcast %sub3A_2985 : vector<16xi32> to vector<16xf32>
        %mul3A_2987 = arith.constant 5.000000e-01 : f32
        %mul3A_2988 = vector.broadcast %mul3A_2987 : f32 to vector<16xf32>
        %mul3A_2989 = arith.mulf %mul3A_2988, %broadcast_in_dim3A_2978 : vector<16xf32>
        %mul3A_2990 = arith.mulf %mul3A_2989, %bitcast3A_2986 : vector<16xf32>
        %mul3A_2991 = arith.mulf %mul3A_2990, %bitcast3A_2986 : vector<16xf32>
        %sub3A_2992 = arith.constant 1.500000e+00 : f32
        %sub3A_2993 = vector.broadcast %sub3A_2992 : f32 to vector<16xf32>
        %sub3A_2994 = arith.subf %sub3A_2993, %mul3A_2991 : vector<16xf32>
        %mul3A_2995 = arith.mulf %bitcast3A_2986, %sub3A_2994 : vector<16xf32>
        %mul3A_2996 = arith.constant 5.000000e-01 : f32
        %mul3A_2997 = vector.broadcast %mul3A_2996 : f32 to vector<16xf32>
        %mul3A_2998 = arith.mulf %mul3A_2997, %broadcast_in_dim3A_2978 : vector<16xf32>
        %mul3A_2999 = arith.mulf %mul3A_2998, %mul3A_2995 : vector<16xf32>
        %mul3A_3000 = arith.mulf %mul3A_2999, %mul3A_2995 : vector<16xf32>
        %sub3A_3001 = arith.constant 1.500000e+00 : f32
        %sub3A_3002 = vector.broadcast %sub3A_3001 : f32 to vector<16xf32>
        %sub3A_3003 = arith.subf %sub3A_3002, %mul3A_3000 : vector<16xf32>
        %mul3A_3004 = arith.mulf %mul3A_2995, %sub3A_3003 : vector<16xf32>
        %mul3A_3005 = arith.constant 5.000000e-01 : f32
        %mul3A_3006 = vector.broadcast %mul3A_3005 : f32 to vector<16xf32>
        %mul3A_3007 = arith.mulf %mul3A_3006, %broadcast_in_dim3A_2978 : vector<16xf32>
        %mul3A_3008 = arith.mulf %mul3A_3007, %mul3A_3004 : vector<16xf32>
        %mul3A_3009 = arith.mulf %mul3A_3008, %mul3A_3004 : vector<16xf32>
        %sub3A_3010 = arith.constant 1.500000e+00 : f32
        %sub3A_3011 = vector.broadcast %sub3A_3010 : f32 to vector<16xf32>
        %sub3A_3012 = arith.subf %sub3A_3011, %mul3A_3009 : vector<16xf32>
        %mul3A_3013 = arith.mulf %mul3A_3004, %sub3A_3012 : vector<16xf32>
        %sub3A_3014 = vector.broadcast %mul3A_2971 : f32 to vector<16xf32>
        %sub3A_3015 = arith.subf %add3A_2869, %sub3A_3014 : vector<16xf32>
        %mul3A_3016 = arith.mulf %sub3A_3015, %mul3A_3013 : vector<16xf32>
        %mul3A_3017 = arith.mulf %mul3A_3016, %get3A_105 : vector<16xf32>
        %add3A_3018 = arith.addf %mul3A_3017, %get3A_121 : vector<16xf32>
        %swap3A_3019 = arith.index_cast %add3A_2857 : i32 to index
        %swap3A_3020 = arith.constant 0 : index
        %swap3A_3021 = tpu.vector_load %arg11[%swap3A_3019, %swap3A_3020] {strides = array<i32>} : memref<256x128xf32, #tpu.memory_space<vmem>>, vector<16xf32>,
        tpu.vector_store %arg11[%swap3A_3019, %swap3A_3020], %add3A_3018 {strides = array<i32>} : memref<256x128xf32, #tpu.memory_space<vmem>>, vector<16xf32>,
        %sub3A_3022 = vector.broadcast %mul3A_2971 : f32 to vector<16xf32>
        %sub3A_3023 = arith.subf %add3A_2879, %sub3A_3022 : vector<16xf32>
        %mul3A_3024 = arith.mulf %sub3A_3023, %mul3A_3013 : vector<16xf32>
        %mul3A_3025 = arith.mulf %mul3A_3024, %get3A_107 : vector<16xf32>
        %add3A_3026 = arith.addf %mul3A_3025, %get3A_123 : vector<16xf32>
        %swap3A_3027 = arith.index_cast %add3A_2857 : i32 to index
        %swap3A_3028 = arith.constant 16 : index
        %swap3A_3029 = tpu.vector_load %arg11[%swap3A_3027, %swap3A_3028] {strides = array<i32>} : memref<256x128xf32, #tpu.memory_space<vmem>>, vector<16xf32>,
        tpu.vector_store %arg11[%swap3A_3027, %swap3A_3028], %add3A_3026 {strides = array<i32>} : memref<256x128xf32, #tpu.memory_space<vmem>>, vector<16xf32>,
        %sub3A_3030 = vector.broadcast %mul3A_2971 : f32 to vector<16xf32>
        %sub3A_3031 = arith.subf %add3A_2889, %sub3A_3030 : vector<16xf32>
        %mul3A_3032 = arith.mulf %sub3A_3031, %mul3A_3013 : vector<16xf32>
        %mul3A_3033 = arith.mulf %mul3A_3032, %get3A_109 : vector<16xf32>
        %add3A_3034 = arith.addf %mul3A_3033, %get3A_125 : vector<16xf32>
        %swap3A_3035 = arith.index_cast %add3A_2857 : i32 to index
        %swap3A_3036 = arith.constant 32 : index
        %swap3A_3037 = tpu.vector_load %arg11[%swap3A_3035, %swap3A_3036] {strides = array<i32>} : memref<256x128xf32, #tpu.memory_space<vmem>>, vector<16xf32>,
        tpu.vector_store %arg11[%swap3A_3035, %swap3A_3036], %add3A_3034 {strides = array<i32>} : memref<256x128xf32, #tpu.memory_space<vmem>>, vector<16xf32>,
        %sub3A_3038 = vector.broadcast %mul3A_2971 : f32 to vector<16xf32>
        %sub3A_3039 = arith.subf %add3A_2899, %sub3A_3038 : vector<16xf32>
        %mul3A_3040 = arith.mulf %sub3A_3039, %mul3A_3013 : vector<16xf32>
        %mul3A_3041 = arith.mulf %mul3A_3040, %get3A_111 : vector<16xf32>
        %add3A_3042 = arith.addf %mul3A_3041, %get3A_127 : vector<16xf32>
        %swap3A_3043 = arith.index_cast %add3A_2857 : i32 to index
        %swap3A_3044 = arith.constant 48 : index
        %swap3A_3045 = tpu.vector_load %arg11[%swap3A_3043, %swap3A_3044] {strides = array<i32>} : memref<256x128xf32, #tpu.memory_space<vmem>>, vector<16xf32>,
        tpu.vector_store %arg11[%swap3A_3043, %swap3A_3044], %add3A_3042 {strides = array<i32>} : memref<256x128xf32, #tpu.memory_space<vmem>>, vector<16xf32>,
        %sub3A_3046 = vector.broadcast %mul3A_2971 : f32 to vector<16xf32>
        %sub3A_3047 = arith.subf %add3A_2909, %sub3A_3046 : vector<16xf32>
        %mul3A_3048 = arith.mulf %sub3A_3047, %mul3A_3013 : vector<16xf32>
        %mul3A_3049 = arith.mulf %mul3A_3048, %get3A_113 : vector<16xf32>
        %add3A_3050 = arith.addf %mul3A_3049, %get3A_129 : vector<16xf32>
        %swap3A_3051 = arith.index_cast %add3A_2857 : i32 to index
        %swap3A_3052 = arith.constant 64 : index
        %swap3A_3053 = tpu.vector_load %arg11[%swap3A_3051, %swap3A_3052] {strides = array<i32>} : memref<256x128xf32, #tpu.memory_space<vmem>>, vector<16xf32>,
        tpu.vector_store %arg11[%swap3A_3051, %swap3A_3052], %add3A_3050 {strides = array<i32>} : memref<256x128xf32, #tpu.memory_space<vmem>>, vector<16xf32>,
        %sub3A_3054 = vector.broadcast %mul3A_2971 : f32 to vector<16xf32>
        %sub3A_3055 = arith.subf %add3A_2919, %sub3A_3054 : vector<16xf32>
        %mul3A_3056 = arith.mulf %sub3A_3055, %mul3A_3013 : vector<16xf32>
        %mul3A_3057 = arith.mulf %mul3A_3056, %get3A_115 : vector<16xf32>
        %add3A_3058 = arith.addf %mul3A_3057, %get3A_131 : vector<16xf32>
        %swap3A_3059 = arith.index_cast %add3A_2857 : i32 to index
        %swap3A_3060 = arith.constant 80 : index
        %swap3A_3061 = tpu.vector_load %arg11[%swap3A_3059, %swap3A_3060] {strides = array<i32>} : memref<256x128xf32, #tpu.memory_space<vmem>>, vector<16xf32>,
        tpu.vector_store %arg11[%swap3A_3059, %swap3A_3060], %add3A_3058 {strides = array<i32>} : memref<256x128xf32, #tpu.memory_space<vmem>>, vector<16xf32>,
        %sub3A_3062 = vector.broadcast %mul3A_2971 : f32 to vector<16xf32>
        %sub3A_3063 = arith.subf %add3A_2929, %sub3A_3062 : vector<16xf32>
        %mul3A_3064 = arith.mulf %sub3A_3063, %mul3A_3013 : vector<16xf32>
        %mul3A_3065 = arith.mulf %mul3A_3064, %get3A_117 : vector<16xf32>
        %add3A_3066 = arith.addf %mul3A_3065, %get3A_133 : vector<16xf32>
        %swap3A_3067 = arith.index_cast %add3A_2857 : i32 to index
        %swap3A_3068 = arith.constant 96 : index
        %swap3A_3069 = tpu.vector_load %arg11[%swap3A_3067, %swap3A_3068] {strides = array<i32>} : memref<256x128xf32, #tpu.memory_space<vmem>>, vector<16xf32>,
        tpu.vector_store %arg11[%swap3A_3067, %swap3A_3068], %add3A_3066 {strides = array<i32>} : memref<256x128xf32, #tpu.memory_space<vmem>>, vector<16xf32>,
        %sub3A_3070 = vector.broadcast %mul3A_2971 : f32 to vector<16xf32>
        %sub3A_3071 = arith.subf %add3A_2939, %sub3A_3070 : vector<16xf32>
        %mul3A_3072 = arith.mulf %sub3A_3071, %mul3A_3013 : vector<16xf32>
        %mul3A_3073 = arith.mulf %mul3A_3072, %get3A_119 : vector<16xf32>
        %add3A_3074 = arith.addf %mul3A_3073, %get3A_135 : vector<16xf32>
        %swap3A_3075 = arith.index_cast %add3A_2857 : i32 to index
        %swap3A_3076 = arith.constant 112 : index
        %swap3A_3077 = tpu.vector_load %arg11[%swap3A_3075, %swap3A_3076] {strides = array<i32>} : memref<256x128xf32, #tpu.memory_space<vmem>>, vector<16xf32>,
        tpu.vector_store %arg11[%swap3A_3075, %swap3A_3076], %add3A_3074 {strides = array<i32>} : memref<256x128xf32, #tpu.memory_space<vmem>>, vector<16xf32>,
        %add3A_3078 = arith.constant 13 : i32
        %add3A_3079 = arith.addi %mul3A_196, %add3A_3078 : i32
        %slice3A_3080 = vector.extract_strided_slice %get3A_198 {offsets = [13], sizes = [1], strides = [1]} : vector<16xf32> to vector<1xf32>
        %squeeze3A_3081 = vector.extract %slice3A_3080[0] : f32 from vector<1xf32>
        %get3A_3082 = arith.index_cast %add3A_3079 : i32 to index
        %get3A_3083 = arith.constant 0 : index
        %get3A_3084 = tpu.vector_load %arg11[%get3A_3082, %get3A_3083] {strides = array<i32>} : memref<256x128xf32, #tpu.memory_space<vmem>>, vector<16xf32>,
        %get3A_3085 = arith.index_cast %add3A_3079 : i32 to index
        %get3A_3086 = arith.constant 0 : index
        %get3A_3087 = tpu.vector_load %arg10[%get3A_3085, %get3A_3086] {strides = array<i32>} : memref<256x128xf32, #tpu.memory_space<vmem>>, vector<16xf32>,
        %add3A_3088 = arith.addf %get3A_3084, %get3A_3087 : vector<16xf32>
        %mul3A_3089 = vector.broadcast %squeeze3A_3081 : f32 to vector<16xf32>
        %mul3A_3090 = arith.mulf %mul3A_3089, %sub3A_96 : vector<16xf32>
        %add3A_3091 = arith.addf %add3A_3088, %mul3A_3090 : vector<16xf32>
        %get3A_3092 = arith.index_cast %add3A_3079 : i32 to index
        %get3A_3093 = arith.constant 16 : index
        %get3A_3094 = tpu.vector_load %arg11[%get3A_3092, %get3A_3093] {strides = array<i32>} : memref<256x128xf32, #tpu.memory_space<vmem>>, vector<16xf32>,
        %get3A_3095 = arith.index_cast %add3A_3079 : i32 to index
        %get3A_3096 = arith.constant 16 : index
        %get3A_3097 = tpu.vector_load %arg10[%get3A_3095, %get3A_3096] {strides = array<i32>} : memref<256x128xf32, #tpu.memory_space<vmem>>, vector<16xf32>,
        %add3A_3098 = arith.addf %get3A_3094, %get3A_3097 : vector<16xf32>
        %mul3A_3099 = vector.broadcast %squeeze3A_3081 : f32 to vector<16xf32>
        %mul3A_3100 = arith.mulf %mul3A_3099, %sub3A_97 : vector<16xf32>
        %add3A_3101 = arith.addf %add3A_3098, %mul3A_3100 : vector<16xf32>
        %get3A_3102 = arith.index_cast %add3A_3079 : i32 to index
        %get3A_3103 = arith.constant 32 : index
        %get3A_3104 = tpu.vector_load %arg11[%get3A_3102, %get3A_3103] {strides = array<i32>} : memref<256x128xf32, #tpu.memory_space<vmem>>, vector<16xf32>,
        %get3A_3105 = arith.index_cast %add3A_3079 : i32 to index
        %get3A_3106 = arith.constant 32 : index
        %get3A_3107 = tpu.vector_load %arg10[%get3A_3105, %get3A_3106] {strides = array<i32>} : memref<256x128xf32, #tpu.memory_space<vmem>>, vector<16xf32>,
        %add3A_3108 = arith.addf %get3A_3104, %get3A_3107 : vector<16xf32>
        %mul3A_3109 = vector.broadcast %squeeze3A_3081 : f32 to vector<16xf32>
        %mul3A_3110 = arith.mulf %mul3A_3109, %sub3A_98 : vector<16xf32>
        %add3A_3111 = arith.addf %add3A_3108, %mul3A_3110 : vector<16xf32>
        %get3A_3112 = arith.index_cast %add3A_3079 : i32 to index
        %get3A_3113 = arith.constant 48 : index
        %get3A_3114 = tpu.vector_load %arg11[%get3A_3112, %get3A_3113] {strides = array<i32>} : memref<256x128xf32, #tpu.memory_space<vmem>>, vector<16xf32>,
        %get3A_3115 = arith.index_cast %add3A_3079 : i32 to index
        %get3A_3116 = arith.constant 48 : index
        %get3A_3117 = tpu.vector_load %arg10[%get3A_3115, %get3A_3116] {strides = array<i32>} : memref<256x128xf32, #tpu.memory_space<vmem>>, vector<16xf32>,
        %add3A_3118 = arith.addf %get3A_3114, %get3A_3117 : vector<16xf32>
        %mul3A_3119 = vector.broadcast %squeeze3A_3081 : f32 to vector<16xf32>
        %mul3A_3120 = arith.mulf %mul3A_3119, %sub3A_99 : vector<16xf32>
        %add3A_3121 = arith.addf %add3A_3118, %mul3A_3120 : vector<16xf32>
        %get3A_3122 = arith.index_cast %add3A_3079 : i32 to index
        %get3A_3123 = arith.constant 64 : index
        %get3A_3124 = tpu.vector_load %arg11[%get3A_3122, %get3A_3123] {strides = array<i32>} : memref<256x128xf32, #tpu.memory_space<vmem>>, vector<16xf32>,
        %get3A_3125 = arith.index_cast %add3A_3079 : i32 to index
        %get3A_3126 = arith.constant 64 : index
        %get3A_3127 = tpu.vector_load %arg10[%get3A_3125, %get3A_3126] {strides = array<i32>} : memref<256x128xf32, #tpu.memory_space<vmem>>, vector<16xf32>,
        %add3A_3128 = arith.addf %get3A_3124, %get3A_3127 : vector<16xf32>
        %mul3A_3129 = vector.broadcast %squeeze3A_3081 : f32 to vector<16xf32>
        %mul3A_3130 = arith.mulf %mul3A_3129, %sub3A_100 : vector<16xf32>
        %add3A_3131 = arith.addf %add3A_3128, %mul3A_3130 : vector<16xf32>
        %get3A_3132 = arith.index_cast %add3A_3079 : i32 to index
        %get3A_3133 = arith.constant 80 : index
        %get3A_3134 = tpu.vector_load %arg11[%get3A_3132, %get3A_3133] {strides = array<i32>} : memref<256x128xf32, #tpu.memory_space<vmem>>, vector<16xf32>,
        %get3A_3135 = arith.index_cast %add3A_3079 : i32 to index
        %get3A_3136 = arith.constant 80 : index
        %get3A_3137 = tpu.vector_load %arg10[%get3A_3135, %get3A_3136] {strides = array<i32>} : memref<256x128xf32, #tpu.memory_space<vmem>>, vector<16xf32>,
        %add3A_3138 = arith.addf %get3A_3134, %get3A_3137 : vector<16xf32>
        %mul3A_3139 = vector.broadcast %squeeze3A_3081 : f32 to vector<16xf32>
        %mul3A_3140 = arith.mulf %mul3A_3139, %sub3A_101 : vector<16xf32>
        %add3A_3141 = arith.addf %add3A_3138, %mul3A_3140 : vector<16xf32>
        %get3A_3142 = arith.index_cast %add3A_3079 : i32 to index
        %get3A_3143 = arith.constant 96 : index
        %get3A_3144 = tpu.vector_load %arg11[%get3A_3142, %get3A_3143] {strides = array<i32>} : memref<256x128xf32, #tpu.memory_space<vmem>>, vector<16xf32>,
        %get3A_3145 = arith.index_cast %add3A_3079 : i32 to index
        %get3A_3146 = arith.constant 96 : index
        %get3A_3147 = tpu.vector_load %arg10[%get3A_3145, %get3A_3146] {strides = array<i32>} : memref<256x128xf32, #tpu.memory_space<vmem>>, vector<16xf32>,
        %add3A_3148 = arith.addf %get3A_3144, %get3A_3147 : vector<16xf32>
        %mul3A_3149 = vector.broadcast %squeeze3A_3081 : f32 to vector<16xf32>
        %mul3A_3150 = arith.mulf %mul3A_3149, %sub3A_102 : vector<16xf32>
        %add3A_3151 = arith.addf %add3A_3148, %mul3A_3150 : vector<16xf32>
        %get3A_3152 = arith.index_cast %add3A_3079 : i32 to index
        %get3A_3153 = arith.constant 112 : index
        %get3A_3154 = tpu.vector_load %arg11[%get3A_3152, %get3A_3153] {strides = array<i32>} : memref<256x128xf32, #tpu.memory_space<vmem>>, vector<16xf32>,
        %get3A_3155 = arith.index_cast %add3A_3079 : i32 to index
        %get3A_3156 = arith.constant 112 : index
        %get3A_3157 = tpu.vector_load %arg10[%get3A_3155, %get3A_3156] {strides = array<i32>} : memref<256x128xf32, #tpu.memory_space<vmem>>, vector<16xf32>,
        %add3A_3158 = arith.addf %get3A_3154, %get3A_3157 : vector<16xf32>
        %mul3A_3159 = vector.broadcast %squeeze3A_3081 : f32 to vector<16xf32>
        %mul3A_3160 = arith.mulf %mul3A_3159, %sub3A_103 : vector<16xf32>
        %add3A_3161 = arith.addf %add3A_3158, %mul3A_3160 : vector<16xf32>
        %add3A_3162 = arith.addf %add3A_3091, %add3A_3101 : vector<16xf32>
        %add3A_3163 = arith.addf %add3A_3111, %add3A_3121 : vector<16xf32>
        %add3A_3164 = arith.addf %add3A_3162, %add3A_3163 : vector<16xf32>
        %add3A_3165 = arith.addf %add3A_3131, %add3A_3141 : vector<16xf32>
        %add3A_3166 = arith.addf %add3A_3151, %add3A_3161 : vector<16xf32>
        %add3A_3167 = arith.addf %add3A_3165, %add3A_3166 : vector<16xf32>
        %add3A_3168 = arith.addf %add3A_3164, %add3A_3167 : vector<16xf32>
        %mul3A_3169 = arith.mulf %add3A_3091, %add3A_3091 : vector<16xf32>
        %mul3A_3170 = arith.mulf %add3A_3101, %add3A_3101 : vector<16xf32>
        %add3A_3171 = arith.addf %mul3A_3169, %mul3A_3170 : vector<16xf32>
        %mul3A_3172 = arith.mulf %add3A_3111, %add3A_3111 : vector<16xf32>
        %mul3A_3173 = arith.mulf %add3A_3121, %add3A_3121 : vector<16xf32>
        %add3A_3174 = arith.addf %mul3A_3172, %mul3A_3173 : vector<16xf32>
        %add3A_3175 = arith.addf %add3A_3171, %add3A_3174 : vector<16xf32>
        %mul3A_3176 = arith.mulf %add3A_3131, %add3A_3131 : vector<16xf32>
        %mul3A_3177 = arith.mulf %add3A_3141, %add3A_3141 : vector<16xf32>
        %add3A_3178 = arith.addf %mul3A_3176, %mul3A_3177 : vector<16xf32>
        %add3A_3179 = arith.addf %add3A_3175, %add3A_3178 : vector<16xf32>
        %mul3A_3180 = arith.mulf %add3A_3151, %add3A_3151 : vector<16xf32>
        %mul3A_3181 = arith.mulf %add3A_3161, %add3A_3161 : vector<16xf32>
        %add3A_3182 = arith.addf %mul3A_3180, %mul3A_3181 : vector<16xf32>
        %add3A_3183 = arith.addf %add3A_3179, %add3A_3182 : vector<16xf32>
        %reduce_sum3A_3184 = arith.constant true
        %reduce_sum3A_3185 = vector.broadcast %reduce_sum3A_3184 : i1 to vector<16xi1>
        %reduce_sum3A_3186 = tpu.scan <sum>, %add3A_3168 masked %reduce_sum3A_3185 : vector<16xf32>, vector<16xi1> -> vector<16xf32>
        %reduce_sum3A_3187 = vector.extract %reduce_sum3A_3186[15] : f32 from vector<16xf32>
        %reduce_sum3A_3188 = arith.constant true
        %reduce_sum3A_3189 = vector.broadcast %reduce_sum3A_3188 : i1 to vector<16xi1>
        %reduce_sum3A_3190 = tpu.scan <sum>, %add3A_3183 masked %reduce_sum3A_3189 : vector<16xf32>, vector<16xi1> -> vector<16xf32>
        %reduce_sum3A_3191 = vector.extract %reduce_sum3A_3190[15] : f32 from vector<16xf32>
        %mul3A_3192 = arith.constant 7.812500e-03 : f32
        %mul3A_3193 = arith.mulf %reduce_sum3A_3187, %mul3A_3192 : f32
        %mul3A_3194 = arith.constant 7.812500e-03 : f32
        %mul3A_3195 = arith.mulf %reduce_sum3A_3191, %mul3A_3194 : f32
        %mul3A_3196 = arith.mulf %mul3A_3193, %mul3A_3193 : f32
        %sub3A_3197 = arith.subf %mul3A_3195, %mul3A_3196 : f32
        %add3A_3198 = arith.constant 9.99999974E-6 : f32
        %add3A_3199 = arith.addf %sub3A_3197, %add3A_3198 : f32
        %broadcast_in_dim3A_3200 = vector.broadcast %add3A_3199 : f32 to vector<16xf32>
        %bitcast3A_3201 = vector.bitcast %broadcast_in_dim3A_3200 : vector<16xf32> to vector<16xi32>
        %shift_right_arithmetic3A_3202 = arith.constant 1 : i32
        %shift_right_arithmetic3A_3203 = vector.broadcast %shift_right_arithmetic3A_3202 : i32 to vector<16xi32>
        %shift_right_arithmetic3A_3204 = arith.shrsi %bitcast3A_3201, %shift_right_arithmetic3A_3203 : vector<16xi32>
        %sub3A_3205 = arith.constant 1597463007 : i32
        %sub3A_3206 = vector.broadcast %sub3A_3205 : i32 to vector<16xi32>
        %sub3A_3207 = arith.subi %sub3A_3206, %shift_right_arithmetic3A_3204 : vector<16xi32>
        %bitcast3A_3208 = vector.bitcast %sub3A_3207 : vector<16xi32> to vector<16xf32>
        %mul3A_3209 = arith.constant 5.000000e-01 : f32
        %mul3A_3210 = vector.broadcast %mul3A_3209 : f32 to vector<16xf32>
        %mul3A_3211 = arith.mulf %mul3A_3210, %broadcast_in_dim3A_3200 : vector<16xf32>
        %mul3A_3212 = arith.mulf %mul3A_3211, %bitcast3A_3208 : vector<16xf32>
        %mul3A_3213 = arith.mulf %mul3A_3212, %bitcast3A_3208 : vector<16xf32>
        %sub3A_3214 = arith.constant 1.500000e+00 : f32
        %sub3A_3215 = vector.broadcast %sub3A_3214 : f32 to vector<16xf32>
        %sub3A_3216 = arith.subf %sub3A_3215, %mul3A_3213 : vector<16xf32>
        %mul3A_3217 = arith.mulf %bitcast3A_3208, %sub3A_3216 : vector<16xf32>
        %mul3A_3218 = arith.constant 5.000000e-01 : f32
        %mul3A_3219 = vector.broadcast %mul3A_3218 : f32 to vector<16xf32>
        %mul3A_3220 = arith.mulf %mul3A_3219, %broadcast_in_dim3A_3200 : vector<16xf32>
        %mul3A_3221 = arith.mulf %mul3A_3220, %mul3A_3217 : vector<16xf32>
        %mul3A_3222 = arith.mulf %mul3A_3221, %mul3A_3217 : vector<16xf32>
        %sub3A_3223 = arith.constant 1.500000e+00 : f32
        %sub3A_3224 = vector.broadcast %sub3A_3223 : f32 to vector<16xf32>
        %sub3A_3225 = arith.subf %sub3A_3224, %mul3A_3222 : vector<16xf32>
        %mul3A_3226 = arith.mulf %mul3A_3217, %sub3A_3225 : vector<16xf32>
        %mul3A_3227 = arith.constant 5.000000e-01 : f32
        %mul3A_3228 = vector.broadcast %mul3A_3227 : f32 to vector<16xf32>
        %mul3A_3229 = arith.mulf %mul3A_3228, %broadcast_in_dim3A_3200 : vector<16xf32>
        %mul3A_3230 = arith.mulf %mul3A_3229, %mul3A_3226 : vector<16xf32>
        %mul3A_3231 = arith.mulf %mul3A_3230, %mul3A_3226 : vector<16xf32>
        %sub3A_3232 = arith.constant 1.500000e+00 : f32
        %sub3A_3233 = vector.broadcast %sub3A_3232 : f32 to vector<16xf32>
        %sub3A_3234 = arith.subf %sub3A_3233, %mul3A_3231 : vector<16xf32>
        %mul3A_3235 = arith.mulf %mul3A_3226, %sub3A_3234 : vector<16xf32>
        %sub3A_3236 = vector.broadcast %mul3A_3193 : f32 to vector<16xf32>
        %sub3A_3237 = arith.subf %add3A_3091, %sub3A_3236 : vector<16xf32>
        %mul3A_3238 = arith.mulf %sub3A_3237, %mul3A_3235 : vector<16xf32>
        %mul3A_3239 = arith.mulf %mul3A_3238, %get3A_105 : vector<16xf32>
        %add3A_3240 = arith.addf %mul3A_3239, %get3A_121 : vector<16xf32>
        %swap3A_3241 = arith.index_cast %add3A_3079 : i32 to index
        %swap3A_3242 = arith.constant 0 : index
        %swap3A_3243 = tpu.vector_load %arg11[%swap3A_3241, %swap3A_3242] {strides = array<i32>} : memref<256x128xf32, #tpu.memory_space<vmem>>, vector<16xf32>,
        tpu.vector_store %arg11[%swap3A_3241, %swap3A_3242], %add3A_3240 {strides = array<i32>} : memref<256x128xf32, #tpu.memory_space<vmem>>, vector<16xf32>,
        %sub3A_3244 = vector.broadcast %mul3A_3193 : f32 to vector<16xf32>
        %sub3A_3245 = arith.subf %add3A_3101, %sub3A_3244 : vector<16xf32>
        %mul3A_3246 = arith.mulf %sub3A_3245, %mul3A_3235 : vector<16xf32>
        %mul3A_3247 = arith.mulf %mul3A_3246, %get3A_107 : vector<16xf32>
        %add3A_3248 = arith.addf %mul3A_3247, %get3A_123 : vector<16xf32>
        %swap3A_3249 = arith.index_cast %add3A_3079 : i32 to index
        %swap3A_3250 = arith.constant 16 : index
        %swap3A_3251 = tpu.vector_load %arg11[%swap3A_3249, %swap3A_3250] {strides = array<i32>} : memref<256x128xf32, #tpu.memory_space<vmem>>, vector<16xf32>,
        tpu.vector_store %arg11[%swap3A_3249, %swap3A_3250], %add3A_3248 {strides = array<i32>} : memref<256x128xf32, #tpu.memory_space<vmem>>, vector<16xf32>,
        %sub3A_3252 = vector.broadcast %mul3A_3193 : f32 to vector<16xf32>
        %sub3A_3253 = arith.subf %add3A_3111, %sub3A_3252 : vector<16xf32>
        %mul3A_3254 = arith.mulf %sub3A_3253, %mul3A_3235 : vector<16xf32>
        %mul3A_3255 = arith.mulf %mul3A_3254, %get3A_109 : vector<16xf32>
        %add3A_3256 = arith.addf %mul3A_3255, %get3A_125 : vector<16xf32>
        %swap3A_3257 = arith.index_cast %add3A_3079 : i32 to index
        %swap3A_3258 = arith.constant 32 : index
        %swap3A_3259 = tpu.vector_load %arg11[%swap3A_3257, %swap3A_3258] {strides = array<i32>} : memref<256x128xf32, #tpu.memory_space<vmem>>, vector<16xf32>,
        tpu.vector_store %arg11[%swap3A_3257, %swap3A_3258], %add3A_3256 {strides = array<i32>} : memref<256x128xf32, #tpu.memory_space<vmem>>, vector<16xf32>,
        %sub3A_3260 = vector.broadcast %mul3A_3193 : f32 to vector<16xf32>
        %sub3A_3261 = arith.subf %add3A_3121, %sub3A_3260 : vector<16xf32>
        %mul3A_3262 = arith.mulf %sub3A_3261, %mul3A_3235 : vector<16xf32>
        %mul3A_3263 = arith.mulf %mul3A_3262, %get3A_111 : vector<16xf32>
        %add3A_3264 = arith.addf %mul3A_3263, %get3A_127 : vector<16xf32>
        %swap3A_3265 = arith.index_cast %add3A_3079 : i32 to index
        %swap3A_3266 = arith.constant 48 : index
        %swap3A_3267 = tpu.vector_load %arg11[%swap3A_3265, %swap3A_3266] {strides = array<i32>} : memref<256x128xf32, #tpu.memory_space<vmem>>, vector<16xf32>,
        tpu.vector_store %arg11[%swap3A_3265, %swap3A_3266], %add3A_3264 {strides = array<i32>} : memref<256x128xf32, #tpu.memory_space<vmem>>, vector<16xf32>,
        %sub3A_3268 = vector.broadcast %mul3A_3193 : f32 to vector<16xf32>
        %sub3A_3269 = arith.subf %add3A_3131, %sub3A_3268 : vector<16xf32>
        %mul3A_3270 = arith.mulf %sub3A_3269, %mul3A_3235 : vector<16xf32>
        %mul3A_3271 = arith.mulf %mul3A_3270, %get3A_113 : vector<16xf32>
        %add3A_3272 = arith.addf %mul3A_3271, %get3A_129 : vector<16xf32>
        %swap3A_3273 = arith.index_cast %add3A_3079 : i32 to index
        %swap3A_3274 = arith.constant 64 : index
        %swap3A_3275 = tpu.vector_load %arg11[%swap3A_3273, %swap3A_3274] {strides = array<i32>} : memref<256x128xf32, #tpu.memory_space<vmem>>, vector<16xf32>,
        tpu.vector_store %arg11[%swap3A_3273, %swap3A_3274], %add3A_3272 {strides = array<i32>} : memref<256x128xf32, #tpu.memory_space<vmem>>, vector<16xf32>,
        %sub3A_3276 = vector.broadcast %mul3A_3193 : f32 to vector<16xf32>
        %sub3A_3277 = arith.subf %add3A_3141, %sub3A_3276 : vector<16xf32>
        %mul3A_3278 = arith.mulf %sub3A_3277, %mul3A_3235 : vector<16xf32>
        %mul3A_3279 = arith.mulf %mul3A_3278, %get3A_115 : vector<16xf32>
        %add3A_3280 = arith.addf %mul3A_3279, %get3A_131 : vector<16xf32>
        %swap3A_3281 = arith.index_cast %add3A_3079 : i32 to index
        %swap3A_3282 = arith.constant 80 : index
        %swap3A_3283 = tpu.vector_load %arg11[%swap3A_3281, %swap3A_3282] {strides = array<i32>} : memref<256x128xf32, #tpu.memory_space<vmem>>, vector<16xf32>,
        tpu.vector_store %arg11[%swap3A_3281, %swap3A_3282], %add3A_3280 {strides = array<i32>} : memref<256x128xf32, #tpu.memory_space<vmem>>, vector<16xf32>,
        %sub3A_3284 = vector.broadcast %mul3A_3193 : f32 to vector<16xf32>
        %sub3A_3285 = arith.subf %add3A_3151, %sub3A_3284 : vector<16xf32>
        %mul3A_3286 = arith.mulf %sub3A_3285, %mul3A_3235 : vector<16xf32>
        %mul3A_3287 = arith.mulf %mul3A_3286, %get3A_117 : vector<16xf32>
        %add3A_3288 = arith.addf %mul3A_3287, %get3A_133 : vector<16xf32>
        %swap3A_3289 = arith.index_cast %add3A_3079 : i32 to index
        %swap3A_3290 = arith.constant 96 : index
        %swap3A_3291 = tpu.vector_load %arg11[%swap3A_3289, %swap3A_3290] {strides = array<i32>} : memref<256x128xf32, #tpu.memory_space<vmem>>, vector<16xf32>,
        tpu.vector_store %arg11[%swap3A_3289, %swap3A_3290], %add3A_3288 {strides = array<i32>} : memref<256x128xf32, #tpu.memory_space<vmem>>, vector<16xf32>,
        %sub3A_3292 = vector.broadcast %mul3A_3193 : f32 to vector<16xf32>
        %sub3A_3293 = arith.subf %add3A_3161, %sub3A_3292 : vector<16xf32>
        %mul3A_3294 = arith.mulf %sub3A_3293, %mul3A_3235 : vector<16xf32>
        %mul3A_3295 = arith.mulf %mul3A_3294, %get3A_119 : vector<16xf32>
        %add3A_3296 = arith.addf %mul3A_3295, %get3A_135 : vector<16xf32>
        %swap3A_3297 = arith.index_cast %add3A_3079 : i32 to index
        %swap3A_3298 = arith.constant 112 : index
        %swap3A_3299 = tpu.vector_load %arg11[%swap3A_3297, %swap3A_3298] {strides = array<i32>} : memref<256x128xf32, #tpu.memory_space<vmem>>, vector<16xf32>,
        tpu.vector_store %arg11[%swap3A_3297, %swap3A_3298], %add3A_3296 {strides = array<i32>} : memref<256x128xf32, #tpu.memory_space<vmem>>, vector<16xf32>,
        %add3A_3300 = arith.constant 14 : i32
        %add3A_3301 = arith.addi %mul3A_196, %add3A_3300 : i32
        %slice3A_3302 = vector.extract_strided_slice %get3A_198 {offsets = [14], sizes = [1], strides = [1]} : vector<16xf32> to vector<1xf32>
        %squeeze3A_3303 = vector.extract %slice3A_3302[0] : f32 from vector<1xf32>
        %get3A_3304 = arith.index_cast %add3A_3301 : i32 to index
        %get3A_3305 = arith.constant 0 : index
        %get3A_3306 = tpu.vector_load %arg11[%get3A_3304, %get3A_3305] {strides = array<i32>} : memref<256x128xf32, #tpu.memory_space<vmem>>, vector<16xf32>,
        %get3A_3307 = arith.index_cast %add3A_3301 : i32 to index
        %get3A_3308 = arith.constant 0 : index
        %get3A_3309 = tpu.vector_load %arg10[%get3A_3307, %get3A_3308] {strides = array<i32>} : memref<256x128xf32, #tpu.memory_space<vmem>>, vector<16xf32>,
        %add3A_3310 = arith.addf %get3A_3306, %get3A_3309 : vector<16xf32>
        %mul3A_3311 = vector.broadcast %squeeze3A_3303 : f32 to vector<16xf32>
        %mul3A_3312 = arith.mulf %mul3A_3311, %sub3A_96 : vector<16xf32>
        %add3A_3313 = arith.addf %add3A_3310, %mul3A_3312 : vector<16xf32>
        %get3A_3314 = arith.index_cast %add3A_3301 : i32 to index
        %get3A_3315 = arith.constant 16 : index
        %get3A_3316 = tpu.vector_load %arg11[%get3A_3314, %get3A_3315] {strides = array<i32>} : memref<256x128xf32, #tpu.memory_space<vmem>>, vector<16xf32>,
        %get3A_3317 = arith.index_cast %add3A_3301 : i32 to index
        %get3A_3318 = arith.constant 16 : index
        %get3A_3319 = tpu.vector_load %arg10[%get3A_3317, %get3A_3318] {strides = array<i32>} : memref<256x128xf32, #tpu.memory_space<vmem>>, vector<16xf32>,
        %add3A_3320 = arith.addf %get3A_3316, %get3A_3319 : vector<16xf32>
        %mul3A_3321 = vector.broadcast %squeeze3A_3303 : f32 to vector<16xf32>
        %mul3A_3322 = arith.mulf %mul3A_3321, %sub3A_97 : vector<16xf32>
        %add3A_3323 = arith.addf %add3A_3320, %mul3A_3322 : vector<16xf32>
        %get3A_3324 = arith.index_cast %add3A_3301 : i32 to index
        %get3A_3325 = arith.constant 32 : index
        %get3A_3326 = tpu.vector_load %arg11[%get3A_3324, %get3A_3325] {strides = array<i32>} : memref<256x128xf32, #tpu.memory_space<vmem>>, vector<16xf32>,
        %get3A_3327 = arith.index_cast %add3A_3301 : i32 to index
        %get3A_3328 = arith.constant 32 : index
        %get3A_3329 = tpu.vector_load %arg10[%get3A_3327, %get3A_3328] {strides = array<i32>} : memref<256x128xf32, #tpu.memory_space<vmem>>, vector<16xf32>,
        %add3A_3330 = arith.addf %get3A_3326, %get3A_3329 : vector<16xf32>
        %mul3A_3331 = vector.broadcast %squeeze3A_3303 : f32 to vector<16xf32>
        %mul3A_3332 = arith.mulf %mul3A_3331, %sub3A_98 : vector<16xf32>
        %add3A_3333 = arith.addf %add3A_3330, %mul3A_3332 : vector<16xf32>
        %get3A_3334 = arith.index_cast %add3A_3301 : i32 to index
        %get3A_3335 = arith.constant 48 : index
        %get3A_3336 = tpu.vector_load %arg11[%get3A_3334, %get3A_3335] {strides = array<i32>} : memref<256x128xf32, #tpu.memory_space<vmem>>, vector<16xf32>,
        %get3A_3337 = arith.index_cast %add3A_3301 : i32 to index
        %get3A_3338 = arith.constant 48 : index
        %get3A_3339 = tpu.vector_load %arg10[%get3A_3337, %get3A_3338] {strides = array<i32>} : memref<256x128xf32, #tpu.memory_space<vmem>>, vector<16xf32>,
        %add3A_3340 = arith.addf %get3A_3336, %get3A_3339 : vector<16xf32>
        %mul3A_3341 = vector.broadcast %squeeze3A_3303 : f32 to vector<16xf32>
        %mul3A_3342 = arith.mulf %mul3A_3341, %sub3A_99 : vector<16xf32>
        %add3A_3343 = arith.addf %add3A_3340, %mul3A_3342 : vector<16xf32>
        %get3A_3344 = arith.index_cast %add3A_3301 : i32 to index
        %get3A_3345 = arith.constant 64 : index
        %get3A_3346 = tpu.vector_load %arg11[%get3A_3344, %get3A_3345] {strides = array<i32>} : memref<256x128xf32, #tpu.memory_space<vmem>>, vector<16xf32>,
        %get3A_3347 = arith.index_cast %add3A_3301 : i32 to index
        %get3A_3348 = arith.constant 64 : index
        %get3A_3349 = tpu.vector_load %arg10[%get3A_3347, %get3A_3348] {strides = array<i32>} : memref<256x128xf32, #tpu.memory_space<vmem>>, vector<16xf32>,
        %add3A_3350 = arith.addf %get3A_3346, %get3A_3349 : vector<16xf32>
        %mul3A_3351 = vector.broadcast %squeeze3A_3303 : f32 to vector<16xf32>
        %mul3A_3352 = arith.mulf %mul3A_3351, %sub3A_100 : vector<16xf32>
        %add3A_3353 = arith.addf %add3A_3350, %mul3A_3352 : vector<16xf32>
        %get3A_3354 = arith.index_cast %add3A_3301 : i32 to index
        %get3A_3355 = arith.constant 80 : index
        %get3A_3356 = tpu.vector_load %arg11[%get3A_3354, %get3A_3355] {strides = array<i32>} : memref<256x128xf32, #tpu.memory_space<vmem>>, vector<16xf32>,
        %get3A_3357 = arith.index_cast %add3A_3301 : i32 to index
        %get3A_3358 = arith.constant 80 : index
        %get3A_3359 = tpu.vector_load %arg10[%get3A_3357, %get3A_3358] {strides = array<i32>} : memref<256x128xf32, #tpu.memory_space<vmem>>, vector<16xf32>,
        %add3A_3360 = arith.addf %get3A_3356, %get3A_3359 : vector<16xf32>
        %mul3A_3361 = vector.broadcast %squeeze3A_3303 : f32 to vector<16xf32>
        %mul3A_3362 = arith.mulf %mul3A_3361, %sub3A_101 : vector<16xf32>
        %add3A_3363 = arith.addf %add3A_3360, %mul3A_3362 : vector<16xf32>
        %get3A_3364 = arith.index_cast %add3A_3301 : i32 to index
        %get3A_3365 = arith.constant 96 : index
        %get3A_3366 = tpu.vector_load %arg11[%get3A_3364, %get3A_3365] {strides = array<i32>} : memref<256x128xf32, #tpu.memory_space<vmem>>, vector<16xf32>,
        %get3A_3367 = arith.index_cast %add3A_3301 : i32 to index
        %get3A_3368 = arith.constant 96 : index
        %get3A_3369 = tpu.vector_load %arg10[%get3A_3367, %get3A_3368] {strides = array<i32>} : memref<256x128xf32, #tpu.memory_space<vmem>>, vector<16xf32>,
        %add3A_3370 = arith.addf %get3A_3366, %get3A_3369 : vector<16xf32>
        %mul3A_3371 = vector.broadcast %squeeze3A_3303 : f32 to vector<16xf32>
        %mul3A_3372 = arith.mulf %mul3A_3371, %sub3A_102 : vector<16xf32>
        %add3A_3373 = arith.addf %add3A_3370, %mul3A_3372 : vector<16xf32>
        %get3A_3374 = arith.index_cast %add3A_3301 : i32 to index
        %get3A_3375 = arith.constant 112 : index
        %get3A_3376 = tpu.vector_load %arg11[%get3A_3374, %get3A_3375] {strides = array<i32>} : memref<256x128xf32, #tpu.memory_space<vmem>>, vector<16xf32>,
        %get3A_3377 = arith.index_cast %add3A_3301 : i32 to index
        %get3A_3378 = arith.constant 112 : index
        %get3A_3379 = tpu.vector_load %arg10[%get3A_3377, %get3A_3378] {strides = array<i32>} : memref<256x128xf32, #tpu.memory_space<vmem>>, vector<16xf32>,
        %add3A_3380 = arith.addf %get3A_3376, %get3A_3379 : vector<16xf32>
        %mul3A_3381 = vector.broadcast %squeeze3A_3303 : f32 to vector<16xf32>
        %mul3A_3382 = arith.mulf %mul3A_3381, %sub3A_103 : vector<16xf32>
        %add3A_3383 = arith.addf %add3A_3380, %mul3A_3382 : vector<16xf32>
        %add3A_3384 = arith.addf %add3A_3313, %add3A_3323 : vector<16xf32>
        %add3A_3385 = arith.addf %add3A_3333, %add3A_3343 : vector<16xf32>
        %add3A_3386 = arith.addf %add3A_3384, %add3A_3385 : vector<16xf32>
        %add3A_3387 = arith.addf %add3A_3353, %add3A_3363 : vector<16xf32>
        %add3A_3388 = arith.addf %add3A_3373, %add3A_3383 : vector<16xf32>
        %add3A_3389 = arith.addf %add3A_3387, %add3A_3388 : vector<16xf32>
        %add3A_3390 = arith.addf %add3A_3386, %add3A_3389 : vector<16xf32>
        %mul3A_3391 = arith.mulf %add3A_3313, %add3A_3313 : vector<16xf32>
        %mul3A_3392 = arith.mulf %add3A_3323, %add3A_3323 : vector<16xf32>
        %add3A_3393 = arith.addf %mul3A_3391, %mul3A_3392 : vector<16xf32>
        %mul3A_3394 = arith.mulf %add3A_3333, %add3A_3333 : vector<16xf32>
        %mul3A_3395 = arith.mulf %add3A_3343, %add3A_3343 : vector<16xf32>
        %add3A_3396 = arith.addf %mul3A_3394, %mul3A_3395 : vector<16xf32>
        %add3A_3397 = arith.addf %add3A_3393, %add3A_3396 : vector<16xf32>
        %mul3A_3398 = arith.mulf %add3A_3353, %add3A_3353 : vector<16xf32>
        %mul3A_3399 = arith.mulf %add3A_3363, %add3A_3363 : vector<16xf32>
        %add3A_3400 = arith.addf %mul3A_3398, %mul3A_3399 : vector<16xf32>
        %add3A_3401 = arith.addf %add3A_3397, %add3A_3400 : vector<16xf32>
        %mul3A_3402 = arith.mulf %add3A_3373, %add3A_3373 : vector<16xf32>
        %mul3A_3403 = arith.mulf %add3A_3383, %add3A_3383 : vector<16xf32>
        %add3A_3404 = arith.addf %mul3A_3402, %mul3A_3403 : vector<16xf32>
        %add3A_3405 = arith.addf %add3A_3401, %add3A_3404 : vector<16xf32>
        %reduce_sum3A_3406 = arith.constant true
        %reduce_sum3A_3407 = vector.broadcast %reduce_sum3A_3406 : i1 to vector<16xi1>
        %reduce_sum3A_3408 = tpu.scan <sum>, %add3A_3390 masked %reduce_sum3A_3407 : vector<16xf32>, vector<16xi1> -> vector<16xf32>
        %reduce_sum3A_3409 = vector.extract %reduce_sum3A_3408[15] : f32 from vector<16xf32>
        %reduce_sum3A_3410 = arith.constant true
        %reduce_sum3A_3411 = vector.broadcast %reduce_sum3A_3410 : i1 to vector<16xi1>
        %reduce_sum3A_3412 = tpu.scan <sum>, %add3A_3405 masked %reduce_sum3A_3411 : vector<16xf32>, vector<16xi1> -> vector<16xf32>
        %reduce_sum3A_3413 = vector.extract %reduce_sum3A_3412[15] : f32 from vector<16xf32>
        %mul3A_3414 = arith.constant 7.812500e-03 : f32
        %mul3A_3415 = arith.mulf %reduce_sum3A_3409, %mul3A_3414 : f32
        %mul3A_3416 = arith.constant 7.812500e-03 : f32
        %mul3A_3417 = arith.mulf %reduce_sum3A_3413, %mul3A_3416 : f32
        %mul3A_3418 = arith.mulf %mul3A_3415, %mul3A_3415 : f32
        %sub3A_3419 = arith.subf %mul3A_3417, %mul3A_3418 : f32
        %add3A_3420 = arith.constant 9.99999974E-6 : f32
        %add3A_3421 = arith.addf %sub3A_3419, %add3A_3420 : f32
        %broadcast_in_dim3A_3422 = vector.broadcast %add3A_3421 : f32 to vector<16xf32>
        %bitcast3A_3423 = vector.bitcast %broadcast_in_dim3A_3422 : vector<16xf32> to vector<16xi32>
        %shift_right_arithmetic3A_3424 = arith.constant 1 : i32
        %shift_right_arithmetic3A_3425 = vector.broadcast %shift_right_arithmetic3A_3424 : i32 to vector<16xi32>
        %shift_right_arithmetic3A_3426 = arith.shrsi %bitcast3A_3423, %shift_right_arithmetic3A_3425 : vector<16xi32>
        %sub3A_3427 = arith.constant 1597463007 : i32
        %sub3A_3428 = vector.broadcast %sub3A_3427 : i32 to vector<16xi32>
        %sub3A_3429 = arith.subi %sub3A_3428, %shift_right_arithmetic3A_3426 : vector<16xi32>
        %bitcast3A_3430 = vector.bitcast %sub3A_3429 : vector<16xi32> to vector<16xf32>
        %mul3A_3431 = arith.constant 5.000000e-01 : f32
        %mul3A_3432 = vector.broadcast %mul3A_3431 : f32 to vector<16xf32>
        %mul3A_3433 = arith.mulf %mul3A_3432, %broadcast_in_dim3A_3422 : vector<16xf32>
        %mul3A_3434 = arith.mulf %mul3A_3433, %bitcast3A_3430 : vector<16xf32>
        %mul3A_3435 = arith.mulf %mul3A_3434, %bitcast3A_3430 : vector<16xf32>
        %sub3A_3436 = arith.constant 1.500000e+00 : f32
        %sub3A_3437 = vector.broadcast %sub3A_3436 : f32 to vector<16xf32>
        %sub3A_3438 = arith.subf %sub3A_3437, %mul3A_3435 : vector<16xf32>
        %mul3A_3439 = arith.mulf %bitcast3A_3430, %sub3A_3438 : vector<16xf32>
        %mul3A_3440 = arith.constant 5.000000e-01 : f32
        %mul3A_3441 = vector.broadcast %mul3A_3440 : f32 to vector<16xf32>
        %mul3A_3442 = arith.mulf %mul3A_3441, %broadcast_in_dim3A_3422 : vector<16xf32>
        %mul3A_3443 = arith.mulf %mul3A_3442, %mul3A_3439 : vector<16xf32>
        %mul3A_3444 = arith.mulf %mul3A_3443, %mul3A_3439 : vector<16xf32>
        %sub3A_3445 = arith.constant 1.500000e+00 : f32
        %sub3A_3446 = vector.broadcast %sub3A_3445 : f32 to vector<16xf32>
        %sub3A_3447 = arith.subf %sub3A_3446, %mul3A_3444 : vector<16xf32>
        %mul3A_3448 = arith.mulf %mul3A_3439, %sub3A_3447 : vector<16xf32>
        %mul3A_3449 = arith.constant 5.000000e-01 : f32
        %mul3A_3450 = vector.broadcast %mul3A_3449 : f32 to vector<16xf32>
        %mul3A_3451 = arith.mulf %mul3A_3450, %broadcast_in_dim3A_3422 : vector<16xf32>
        %mul3A_3452 = arith.mulf %mul3A_3451, %mul3A_3448 : vector<16xf32>
        %mul3A_3453 = arith.mulf %mul3A_3452, %mul3A_3448 : vector<16xf32>
        %sub3A_3454 = arith.constant 1.500000e+00 : f32
        %sub3A_3455 = vector.broadcast %sub3A_3454 : f32 to vector<16xf32>
        %sub3A_3456 = arith.subf %sub3A_3455, %mul3A_3453 : vector<16xf32>
        %mul3A_3457 = arith.mulf %mul3A_3448, %sub3A_3456 : vector<16xf32>
        %sub3A_3458 = vector.broadcast %mul3A_3415 : f32 to vector<16xf32>
        %sub3A_3459 = arith.subf %add3A_3313, %sub3A_3458 : vector<16xf32>
        %mul3A_3460 = arith.mulf %sub3A_3459, %mul3A_3457 : vector<16xf32>
        %mul3A_3461 = arith.mulf %mul3A_3460, %get3A_105 : vector<16xf32>
        %add3A_3462 = arith.addf %mul3A_3461, %get3A_121 : vector<16xf32>
        %swap3A_3463 = arith.index_cast %add3A_3301 : i32 to index
        %swap3A_3464 = arith.constant 0 : index
        %swap3A_3465 = tpu.vector_load %arg11[%swap3A_3463, %swap3A_3464] {strides = array<i32>} : memref<256x128xf32, #tpu.memory_space<vmem>>, vector<16xf32>,
        tpu.vector_store %arg11[%swap3A_3463, %swap3A_3464], %add3A_3462 {strides = array<i32>} : memref<256x128xf32, #tpu.memory_space<vmem>>, vector<16xf32>,
        %sub3A_3466 = vector.broadcast %mul3A_3415 : f32 to vector<16xf32>
        %sub3A_3467 = arith.subf %add3A_3323, %sub3A_3466 : vector<16xf32>
        %mul3A_3468 = arith.mulf %sub3A_3467, %mul3A_3457 : vector<16xf32>
        %mul3A_3469 = arith.mulf %mul3A_3468, %get3A_107 : vector<16xf32>
        %add3A_3470 = arith.addf %mul3A_3469, %get3A_123 : vector<16xf32>
        %swap3A_3471 = arith.index_cast %add3A_3301 : i32 to index
        %swap3A_3472 = arith.constant 16 : index
        %swap3A_3473 = tpu.vector_load %arg11[%swap3A_3471, %swap3A_3472] {strides = array<i32>} : memref<256x128xf32, #tpu.memory_space<vmem>>, vector<16xf32>,
        tpu.vector_store %arg11[%swap3A_3471, %swap3A_3472], %add3A_3470 {strides = array<i32>} : memref<256x128xf32, #tpu.memory_space<vmem>>, vector<16xf32>,
        %sub3A_3474 = vector.broadcast %mul3A_3415 : f32 to vector<16xf32>
        %sub3A_3475 = arith.subf %add3A_3333, %sub3A_3474 : vector<16xf32>
        %mul3A_3476 = arith.mulf %sub3A_3475, %mul3A_3457 : vector<16xf32>
        %mul3A_3477 = arith.mulf %mul3A_3476, %get3A_109 : vector<16xf32>
        %add3A_3478 = arith.addf %mul3A_3477, %get3A_125 : vector<16xf32>
        %swap3A_3479 = arith.index_cast %add3A_3301 : i32 to index
        %swap3A_3480 = arith.constant 32 : index
        %swap3A_3481 = tpu.vector_load %arg11[%swap3A_3479, %swap3A_3480] {strides = array<i32>} : memref<256x128xf32, #tpu.memory_space<vmem>>, vector<16xf32>,
        tpu.vector_store %arg11[%swap3A_3479, %swap3A_3480], %add3A_3478 {strides = array<i32>} : memref<256x128xf32, #tpu.memory_space<vmem>>, vector<16xf32>,
        %sub3A_3482 = vector.broadcast %mul3A_3415 : f32 to vector<16xf32>
        %sub3A_3483 = arith.subf %add3A_3343, %sub3A_3482 : vector<16xf32>
        %mul3A_3484 = arith.mulf %sub3A_3483, %mul3A_3457 : vector<16xf32>
        %mul3A_3485 = arith.mulf %mul3A_3484, %get3A_111 : vector<16xf32>
        %add3A_3486 = arith.addf %mul3A_3485, %get3A_127 : vector<16xf32>
        %swap3A_3487 = arith.index_cast %add3A_3301 : i32 to index
        %swap3A_3488 = arith.constant 48 : index
        %swap3A_3489 = tpu.vector_load %arg11[%swap3A_3487, %swap3A_3488] {strides = array<i32>} : memref<256x128xf32, #tpu.memory_space<vmem>>, vector<16xf32>,
        tpu.vector_store %arg11[%swap3A_3487, %swap3A_3488], %add3A_3486 {strides = array<i32>} : memref<256x128xf32, #tpu.memory_space<vmem>>, vector<16xf32>,
        %sub3A_3490 = vector.broadcast %mul3A_3415 : f32 to vector<16xf32>
        %sub3A_3491 = arith.subf %add3A_3353, %sub3A_3490 : vector<16xf32>
        %mul3A_3492 = arith.mulf %sub3A_3491, %mul3A_3457 : vector<16xf32>
        %mul3A_3493 = arith.mulf %mul3A_3492, %get3A_113 : vector<16xf32>
        %add3A_3494 = arith.addf %mul3A_3493, %get3A_129 : vector<16xf32>
        %swap3A_3495 = arith.index_cast %add3A_3301 : i32 to index
        %swap3A_3496 = arith.constant 64 : index
        %swap3A_3497 = tpu.vector_load %arg11[%swap3A_3495, %swap3A_3496] {strides = array<i32>} : memref<256x128xf32, #tpu.memory_space<vmem>>, vector<16xf32>,
        tpu.vector_store %arg11[%swap3A_3495, %swap3A_3496], %add3A_3494 {strides = array<i32>} : memref<256x128xf32, #tpu.memory_space<vmem>>, vector<16xf32>,
        %sub3A_3498 = vector.broadcast %mul3A_3415 : f32 to vector<16xf32>
        %sub3A_3499 = arith.subf %add3A_3363, %sub3A_3498 : vector<16xf32>
        %mul3A_3500 = arith.mulf %sub3A_3499, %mul3A_3457 : vector<16xf32>
        %mul3A_3501 = arith.mulf %mul3A_3500, %get3A_115 : vector<16xf32>
        %add3A_3502 = arith.addf %mul3A_3501, %get3A_131 : vector<16xf32>
        %swap3A_3503 = arith.index_cast %add3A_3301 : i32 to index
        %swap3A_3504 = arith.constant 80 : index
        %swap3A_3505 = tpu.vector_load %arg11[%swap3A_3503, %swap3A_3504] {strides = array<i32>} : memref<256x128xf32, #tpu.memory_space<vmem>>, vector<16xf32>,
        tpu.vector_store %arg11[%swap3A_3503, %swap3A_3504], %add3A_3502 {strides = array<i32>} : memref<256x128xf32, #tpu.memory_space<vmem>>, vector<16xf32>,
        %sub3A_3506 = vector.broadcast %mul3A_3415 : f32 to vector<16xf32>
        %sub3A_3507 = arith.subf %add3A_3373, %sub3A_3506 : vector<16xf32>
        %mul3A_3508 = arith.mulf %sub3A_3507, %mul3A_3457 : vector<16xf32>
        %mul3A_3509 = arith.mulf %mul3A_3508, %get3A_117 : vector<16xf32>
        %add3A_3510 = arith.addf %mul3A_3509, %get3A_133 : vector<16xf32>
        %swap3A_3511 = arith.index_cast %add3A_3301 : i32 to index
        %swap3A_3512 = arith.constant 96 : index
        %swap3A_3513 = tpu.vector_load %arg11[%swap3A_3511, %swap3A_3512] {strides = array<i32>} : memref<256x128xf32, #tpu.memory_space<vmem>>, vector<16xf32>,
        tpu.vector_store %arg11[%swap3A_3511, %swap3A_3512], %add3A_3510 {strides = array<i32>} : memref<256x128xf32, #tpu.memory_space<vmem>>, vector<16xf32>,
        %sub3A_3514 = vector.broadcast %mul3A_3415 : f32 to vector<16xf32>
        %sub3A_3515 = arith.subf %add3A_3383, %sub3A_3514 : vector<16xf32>
        %mul3A_3516 = arith.mulf %sub3A_3515, %mul3A_3457 : vector<16xf32>
        %mul3A_3517 = arith.mulf %mul3A_3516, %get3A_119 : vector<16xf32>
        %add3A_3518 = arith.addf %mul3A_3517, %get3A_135 : vector<16xf32>
        %swap3A_3519 = arith.index_cast %add3A_3301 : i32 to index
        %swap3A_3520 = arith.constant 112 : index
        %swap3A_3521 = tpu.vector_load %arg11[%swap3A_3519, %swap3A_3520] {strides = array<i32>} : memref<256x128xf32, #tpu.memory_space<vmem>>, vector<16xf32>,
        tpu.vector_store %arg11[%swap3A_3519, %swap3A_3520], %add3A_3518 {strides = array<i32>} : memref<256x128xf32, #tpu.memory_space<vmem>>, vector<16xf32>,
        %add3A_3522 = arith.constant 15 : i32
        %add3A_3523 = arith.addi %mul3A_196, %add3A_3522 : i32
        %slice3A_3524 = vector.extract_strided_slice %get3A_198 {offsets = [15], sizes = [1], strides = [1]} : vector<16xf32> to vector<1xf32>
        %squeeze3A_3525 = vector.extract %slice3A_3524[0] : f32 from vector<1xf32>
        %get3A_3526 = arith.index_cast %add3A_3523 : i32 to index
        %get3A_3527 = arith.constant 0 : index
        %get3A_3528 = tpu.vector_load %arg11[%get3A_3526, %get3A_3527] {strides = array<i32>} : memref<256x128xf32, #tpu.memory_space<vmem>>, vector<16xf32>,
        %get3A_3529 = arith.index_cast %add3A_3523 : i32 to index
        %get3A_3530 = arith.constant 0 : index
        %get3A_3531 = tpu.vector_load %arg10[%get3A_3529, %get3A_3530] {strides = array<i32>} : memref<256x128xf32, #tpu.memory_space<vmem>>, vector<16xf32>,
        %add3A_3532 = arith.addf %get3A_3528, %get3A_3531 : vector<16xf32>
        %mul3A_3533 = vector.broadcast %squeeze3A_3525 : f32 to vector<16xf32>
        %mul3A_3534 = arith.mulf %mul3A_3533, %sub3A_96 : vector<16xf32>
        %add3A_3535 = arith.addf %add3A_3532, %mul3A_3534 : vector<16xf32>
        %get3A_3536 = arith.index_cast %add3A_3523 : i32 to index
        %get3A_3537 = arith.constant 16 : index
        %get3A_3538 = tpu.vector_load %arg11[%get3A_3536, %get3A_3537] {strides = array<i32>} : memref<256x128xf32, #tpu.memory_space<vmem>>, vector<16xf32>,
        %get3A_3539 = arith.index_cast %add3A_3523 : i32 to index
        %get3A_3540 = arith.constant 16 : index
        %get3A_3541 = tpu.vector_load %arg10[%get3A_3539, %get3A_3540] {strides = array<i32>} : memref<256x128xf32, #tpu.memory_space<vmem>>, vector<16xf32>,
        %add3A_3542 = arith.addf %get3A_3538, %get3A_3541 : vector<16xf32>
        %mul3A_3543 = vector.broadcast %squeeze3A_3525 : f32 to vector<16xf32>
        %mul3A_3544 = arith.mulf %mul3A_3543, %sub3A_97 : vector<16xf32>
        %add3A_3545 = arith.addf %add3A_3542, %mul3A_3544 : vector<16xf32>
        %get3A_3546 = arith.index_cast %add3A_3523 : i32 to index
        %get3A_3547 = arith.constant 32 : index
        %get3A_3548 = tpu.vector_load %arg11[%get3A_3546, %get3A_3547] {strides = array<i32>} : memref<256x128xf32, #tpu.memory_space<vmem>>, vector<16xf32>,
        %get3A_3549 = arith.index_cast %add3A_3523 : i32 to index
        %get3A_3550 = arith.constant 32 : index
        %get3A_3551 = tpu.vector_load %arg10[%get3A_3549, %get3A_3550] {strides = array<i32>} : memref<256x128xf32, #tpu.memory_space<vmem>>, vector<16xf32>,
        %add3A_3552 = arith.addf %get3A_3548, %get3A_3551 : vector<16xf32>
        %mul3A_3553 = vector.broadcast %squeeze3A_3525 : f32 to vector<16xf32>
        %mul3A_3554 = arith.mulf %mul3A_3553, %sub3A_98 : vector<16xf32>
        %add3A_3555 = arith.addf %add3A_3552, %mul3A_3554 : vector<16xf32>
        %get3A_3556 = arith.index_cast %add3A_3523 : i32 to index
        %get3A_3557 = arith.constant 48 : index
        %get3A_3558 = tpu.vector_load %arg11[%get3A_3556, %get3A_3557] {strides = array<i32>} : memref<256x128xf32, #tpu.memory_space<vmem>>, vector<16xf32>,
        %get3A_3559 = arith.index_cast %add3A_3523 : i32 to index
        %get3A_3560 = arith.constant 48 : index
        %get3A_3561 = tpu.vector_load %arg10[%get3A_3559, %get3A_3560] {strides = array<i32>} : memref<256x128xf32, #tpu.memory_space<vmem>>, vector<16xf32>,
        %add3A_3562 = arith.addf %get3A_3558, %get3A_3561 : vector<16xf32>
        %mul3A_3563 = vector.broadcast %squeeze3A_3525 : f32 to vector<16xf32>
        %mul3A_3564 = arith.mulf %mul3A_3563, %sub3A_99 : vector<16xf32>
        %add3A_3565 = arith.addf %add3A_3562, %mul3A_3564 : vector<16xf32>
        %get3A_3566 = arith.index_cast %add3A_3523 : i32 to index
        %get3A_3567 = arith.constant 64 : index
        %get3A_3568 = tpu.vector_load %arg11[%get3A_3566, %get3A_3567] {strides = array<i32>} : memref<256x128xf32, #tpu.memory_space<vmem>>, vector<16xf32>,
        %get3A_3569 = arith.index_cast %add3A_3523 : i32 to index
        %get3A_3570 = arith.constant 64 : index
        %get3A_3571 = tpu.vector_load %arg10[%get3A_3569, %get3A_3570] {strides = array<i32>} : memref<256x128xf32, #tpu.memory_space<vmem>>, vector<16xf32>,
        %add3A_3572 = arith.addf %get3A_3568, %get3A_3571 : vector<16xf32>
        %mul3A_3573 = vector.broadcast %squeeze3A_3525 : f32 to vector<16xf32>
        %mul3A_3574 = arith.mulf %mul3A_3573, %sub3A_100 : vector<16xf32>
        %add3A_3575 = arith.addf %add3A_3572, %mul3A_3574 : vector<16xf32>
        %get3A_3576 = arith.index_cast %add3A_3523 : i32 to index
        %get3A_3577 = arith.constant 80 : index
        %get3A_3578 = tpu.vector_load %arg11[%get3A_3576, %get3A_3577] {strides = array<i32>} : memref<256x128xf32, #tpu.memory_space<vmem>>, vector<16xf32>,
        %get3A_3579 = arith.index_cast %add3A_3523 : i32 to index
        %get3A_3580 = arith.constant 80 : index
        %get3A_3581 = tpu.vector_load %arg10[%get3A_3579, %get3A_3580] {strides = array<i32>} : memref<256x128xf32, #tpu.memory_space<vmem>>, vector<16xf32>,
        %add3A_3582 = arith.addf %get3A_3578, %get3A_3581 : vector<16xf32>
        %mul3A_3583 = vector.broadcast %squeeze3A_3525 : f32 to vector<16xf32>
        %mul3A_3584 = arith.mulf %mul3A_3583, %sub3A_101 : vector<16xf32>
        %add3A_3585 = arith.addf %add3A_3582, %mul3A_3584 : vector<16xf32>
        %get3A_3586 = arith.index_cast %add3A_3523 : i32 to index
        %get3A_3587 = arith.constant 96 : index
        %get3A_3588 = tpu.vector_load %arg11[%get3A_3586, %get3A_3587] {strides = array<i32>} : memref<256x128xf32, #tpu.memory_space<vmem>>, vector<16xf32>,
        %get3A_3589 = arith.index_cast %add3A_3523 : i32 to index
        %get3A_3590 = arith.constant 96 : index
        %get3A_3591 = tpu.vector_load %arg10[%get3A_3589, %get3A_3590] {strides = array<i32>} : memref<256x128xf32, #tpu.memory_space<vmem>>, vector<16xf32>,
        %add3A_3592 = arith.addf %get3A_3588, %get3A_3591 : vector<16xf32>
        %mul3A_3593 = vector.broadcast %squeeze3A_3525 : f32 to vector<16xf32>
        %mul3A_3594 = arith.mulf %mul3A_3593, %sub3A_102 : vector<16xf32>
        %add3A_3595 = arith.addf %add3A_3592, %mul3A_3594 : vector<16xf32>
        %get3A_3596 = arith.index_cast %add3A_3523 : i32 to index
        %get3A_3597 = arith.constant 112 : index
        %get3A_3598 = tpu.vector_load %arg11[%get3A_3596, %get3A_3597] {strides = array<i32>} : memref<256x128xf32, #tpu.memory_space<vmem>>, vector<16xf32>,
        %get3A_3599 = arith.index_cast %add3A_3523 : i32 to index
        %get3A_3600 = arith.constant 112 : index
        %get3A_3601 = tpu.vector_load %arg10[%get3A_3599, %get3A_3600] {strides = array<i32>} : memref<256x128xf32, #tpu.memory_space<vmem>>, vector<16xf32>,
        %add3A_3602 = arith.addf %get3A_3598, %get3A_3601 : vector<16xf32>
        %mul3A_3603 = vector.broadcast %squeeze3A_3525 : f32 to vector<16xf32>
        %mul3A_3604 = arith.mulf %mul3A_3603, %sub3A_103 : vector<16xf32>
        %add3A_3605 = arith.addf %add3A_3602, %mul3A_3604 : vector<16xf32>
        %add3A_3606 = arith.addf %add3A_3535, %add3A_3545 : vector<16xf32>
        %add3A_3607 = arith.addf %add3A_3555, %add3A_3565 : vector<16xf32>
        %add3A_3608 = arith.addf %add3A_3606, %add3A_3607 : vector<16xf32>
        %add3A_3609 = arith.addf %add3A_3575, %add3A_3585 : vector<16xf32>
        %add3A_3610 = arith.addf %add3A_3595, %add3A_3605 : vector<16xf32>
        %add3A_3611 = arith.addf %add3A_3609, %add3A_3610 : vector<16xf32>
        %add3A_3612 = arith.addf %add3A_3608, %add3A_3611 : vector<16xf32>
        %mul3A_3613 = arith.mulf %add3A_3535, %add3A_3535 : vector<16xf32>
        %mul3A_3614 = arith.mulf %add3A_3545, %add3A_3545 : vector<16xf32>
        %add3A_3615 = arith.addf %mul3A_3613, %mul3A_3614 : vector<16xf32>
        %mul3A_3616 = arith.mulf %add3A_3555, %add3A_3555 : vector<16xf32>
        %mul3A_3617 = arith.mulf %add3A_3565, %add3A_3565 : vector<16xf32>
        %add3A_3618 = arith.addf %mul3A_3616, %mul3A_3617 : vector<16xf32>
        %add3A_3619 = arith.addf %add3A_3615, %add3A_3618 : vector<16xf32>
        %mul3A_3620 = arith.mulf %add3A_3575, %add3A_3575 : vector<16xf32>
        %mul3A_3621 = arith.mulf %add3A_3585, %add3A_3585 : vector<16xf32>
        %add3A_3622 = arith.addf %mul3A_3620, %mul3A_3621 : vector<16xf32>
        %add3A_3623 = arith.addf %add3A_3619, %add3A_3622 : vector<16xf32>
        %mul3A_3624 = arith.mulf %add3A_3595, %add3A_3595 : vector<16xf32>
        %mul3A_3625 = arith.mulf %add3A_3605, %add3A_3605 : vector<16xf32>
        %add3A_3626 = arith.addf %mul3A_3624, %mul3A_3625 : vector<16xf32>
        %add3A_3627 = arith.addf %add3A_3623, %add3A_3626 : vector<16xf32>
        %reduce_sum3A_3628 = arith.constant true
        %reduce_sum3A_3629 = vector.broadcast %reduce_sum3A_3628 : i1 to vector<16xi1>
        %reduce_sum3A_3630 = tpu.scan <sum>, %add3A_3612 masked %reduce_sum3A_3629 : vector<16xf32>, vector<16xi1> -> vector<16xf32>
        %reduce_sum3A_3631 = vector.extract %reduce_sum3A_3630[15] : f32 from vector<16xf32>
        %reduce_sum3A_3632 = arith.constant true
        %reduce_sum3A_3633 = vector.broadcast %reduce_sum3A_3632 : i1 to vector<16xi1>
        %reduce_sum3A_3634 = tpu.scan <sum>, %add3A_3627 masked %reduce_sum3A_3633 : vector<16xf32>, vector<16xi1> -> vector<16xf32>
        %reduce_sum3A_3635 = vector.extract %reduce_sum3A_3634[15] : f32 from vector<16xf32>
        %mul3A_3636 = arith.constant 7.812500e-03 : f32
        %mul3A_3637 = arith.mulf %reduce_sum3A_3631, %mul3A_3636 : f32
        %mul3A_3638 = arith.constant 7.812500e-03 : f32
        %mul3A_3639 = arith.mulf %reduce_sum3A_3635, %mul3A_3638 : f32
        %mul3A_3640 = arith.mulf %mul3A_3637, %mul3A_3637 : f32
        %sub3A_3641 = arith.subf %mul3A_3639, %mul3A_3640 : f32
        %add3A_3642 = arith.constant 9.99999974E-6 : f32
        %add3A_3643 = arith.addf %sub3A_3641, %add3A_3642 : f32
        %broadcast_in_dim3A_3644 = vector.broadcast %add3A_3643 : f32 to vector<16xf32>
        %bitcast3A_3645 = vector.bitcast %broadcast_in_dim3A_3644 : vector<16xf32> to vector<16xi32>
        %shift_right_arithmetic3A_3646 = arith.constant 1 : i32
        %shift_right_arithmetic3A_3647 = vector.broadcast %shift_right_arithmetic3A_3646 : i32 to vector<16xi32>
        %shift_right_arithmetic3A_3648 = arith.shrsi %bitcast3A_3645, %shift_right_arithmetic3A_3647 : vector<16xi32>
        %sub3A_3649 = arith.constant 1597463007 : i32
        %sub3A_3650 = vector.broadcast %sub3A_3649 : i32 to vector<16xi32>
        %sub3A_3651 = arith.subi %sub3A_3650, %shift_right_arithmetic3A_3648 : vector<16xi32>
        %bitcast3A_3652 = vector.bitcast %sub3A_3651 : vector<16xi32> to vector<16xf32>
        %mul3A_3653 = arith.constant 5.000000e-01 : f32
        %mul3A_3654 = vector.broadcast %mul3A_3653 : f32 to vector<16xf32>
        %mul3A_3655 = arith.mulf %mul3A_3654, %broadcast_in_dim3A_3644 : vector<16xf32>
        %mul3A_3656 = arith.mulf %mul3A_3655, %bitcast3A_3652 : vector<16xf32>
        %mul3A_3657 = arith.mulf %mul3A_3656, %bitcast3A_3652 : vector<16xf32>
        %sub3A_3658 = arith.constant 1.500000e+00 : f32
        %sub3A_3659 = vector.broadcast %sub3A_3658 : f32 to vector<16xf32>
        %sub3A_3660 = arith.subf %sub3A_3659, %mul3A_3657 : vector<16xf32>
        %mul3A_3661 = arith.mulf %bitcast3A_3652, %sub3A_3660 : vector<16xf32>
        %mul3A_3662 = arith.constant 5.000000e-01 : f32
        %mul3A_3663 = vector.broadcast %mul3A_3662 : f32 to vector<16xf32>
        %mul3A_3664 = arith.mulf %mul3A_3663, %broadcast_in_dim3A_3644 : vector<16xf32>
        %mul3A_3665 = arith.mulf %mul3A_3664, %mul3A_3661 : vector<16xf32>
        %mul3A_3666 = arith.mulf %mul3A_3665, %mul3A_3661 : vector<16xf32>
        %sub3A_3667 = arith.constant 1.500000e+00 : f32
        %sub3A_3668 = vector.broadcast %sub3A_3667 : f32 to vector<16xf32>
        %sub3A_3669 = arith.subf %sub3A_3668, %mul3A_3666 : vector<16xf32>
        %mul3A_3670 = arith.mulf %mul3A_3661, %sub3A_3669 : vector<16xf32>
        %mul3A_3671 = arith.constant 5.000000e-01 : f32
        %mul3A_3672 = vector.broadcast %mul3A_3671 : f32 to vector<16xf32>
        %mul3A_3673 = arith.mulf %mul3A_3672, %broadcast_in_dim3A_3644 : vector<16xf32>
        %mul3A_3674 = arith.mulf %mul3A_3673, %mul3A_3670 : vector<16xf32>
        %mul3A_3675 = arith.mulf %mul3A_3674, %mul3A_3670 : vector<16xf32>
        %sub3A_3676 = arith.constant 1.500000e+00 : f32
        %sub3A_3677 = vector.broadcast %sub3A_3676 : f32 to vector<16xf32>
        %sub3A_3678 = arith.subf %sub3A_3677, %mul3A_3675 : vector<16xf32>
        %mul3A_3679 = arith.mulf %mul3A_3670, %sub3A_3678 : vector<16xf32>
        %sub3A_3680 = vector.broadcast %mul3A_3637 : f32 to vector<16xf32>
        %sub3A_3681 = arith.subf %add3A_3535, %sub3A_3680 : vector<16xf32>
        %mul3A_3682 = arith.mulf %sub3A_3681, %mul3A_3679 : vector<16xf32>
        %mul3A_3683 = arith.mulf %mul3A_3682, %get3A_105 : vector<16xf32>
        %add3A_3684 = arith.addf %mul3A_3683, %get3A_121 : vector<16xf32>
        %swap3A_3685 = arith.index_cast %add3A_3523 : i32 to index
        %swap3A_3686 = arith.constant 0 : index
        %swap3A_3687 = tpu.vector_load %arg11[%swap3A_3685, %swap3A_3686] {strides = array<i32>} : memref<256x128xf32, #tpu.memory_space<vmem>>, vector<16xf32>,
        tpu.vector_store %arg11[%swap3A_3685, %swap3A_3686], %add3A_3684 {strides = array<i32>} : memref<256x128xf32, #tpu.memory_space<vmem>>, vector<16xf32>,
        %sub3A_3688 = vector.broadcast %mul3A_3637 : f32 to vector<16xf32>
        %sub3A_3689 = arith.subf %add3A_3545, %sub3A_3688 : vector<16xf32>
        %mul3A_3690 = arith.mulf %sub3A_3689, %mul3A_3679 : vector<16xf32>
        %mul3A_3691 = arith.mulf %mul3A_3690, %get3A_107 : vector<16xf32>
        %add3A_3692 = arith.addf %mul3A_3691, %get3A_123 : vector<16xf32>
        %swap3A_3693 = arith.index_cast %add3A_3523 : i32 to index
        %swap3A_3694 = arith.constant 16 : index
        %swap3A_3695 = tpu.vector_load %arg11[%swap3A_3693, %swap3A_3694] {strides = array<i32>} : memref<256x128xf32, #tpu.memory_space<vmem>>, vector<16xf32>,
        tpu.vector_store %arg11[%swap3A_3693, %swap3A_3694], %add3A_3692 {strides = array<i32>} : memref<256x128xf32, #tpu.memory_space<vmem>>, vector<16xf32>,
        %sub3A_3696 = vector.broadcast %mul3A_3637 : f32 to vector<16xf32>
        %sub3A_3697 = arith.subf %add3A_3555, %sub3A_3696 : vector<16xf32>
        %mul3A_3698 = arith.mulf %sub3A_3697, %mul3A_3679 : vector<16xf32>
        %mul3A_3699 = arith.mulf %mul3A_3698, %get3A_109 : vector<16xf32>
        %add3A_3700 = arith.addf %mul3A_3699, %get3A_125 : vector<16xf32>
        %swap3A_3701 = arith.index_cast %add3A_3523 : i32 to index
        %swap3A_3702 = arith.constant 32 : index
        %swap3A_3703 = tpu.vector_load %arg11[%swap3A_3701, %swap3A_3702] {strides = array<i32>} : memref<256x128xf32, #tpu.memory_space<vmem>>, vector<16xf32>,
        tpu.vector_store %arg11[%swap3A_3701, %swap3A_3702], %add3A_3700 {strides = array<i32>} : memref<256x128xf32, #tpu.memory_space<vmem>>, vector<16xf32>,
        %sub3A_3704 = vector.broadcast %mul3A_3637 : f32 to vector<16xf32>
        %sub3A_3705 = arith.subf %add3A_3565, %sub3A_3704 : vector<16xf32>
        %mul3A_3706 = arith.mulf %sub3A_3705, %mul3A_3679 : vector<16xf32>
        %mul3A_3707 = arith.mulf %mul3A_3706, %get3A_111 : vector<16xf32>
        %add3A_3708 = arith.addf %mul3A_3707, %get3A_127 : vector<16xf32>
        %swap3A_3709 = arith.index_cast %add3A_3523 : i32 to index
        %swap3A_3710 = arith.constant 48 : index
        %swap3A_3711 = tpu.vector_load %arg11[%swap3A_3709, %swap3A_3710] {strides = array<i32>} : memref<256x128xf32, #tpu.memory_space<vmem>>, vector<16xf32>,
        tpu.vector_store %arg11[%swap3A_3709, %swap3A_3710], %add3A_3708 {strides = array<i32>} : memref<256x128xf32, #tpu.memory_space<vmem>>, vector<16xf32>,
        %sub3A_3712 = vector.broadcast %mul3A_3637 : f32 to vector<16xf32>
        %sub3A_3713 = arith.subf %add3A_3575, %sub3A_3712 : vector<16xf32>
        %mul3A_3714 = arith.mulf %sub3A_3713, %mul3A_3679 : vector<16xf32>
        %mul3A_3715 = arith.mulf %mul3A_3714, %get3A_113 : vector<16xf32>
        %add3A_3716 = arith.addf %mul3A_3715, %get3A_129 : vector<16xf32>
        %swap3A_3717 = arith.index_cast %add3A_3523 : i32 to index
        %swap3A_3718 = arith.constant 64 : index
        %swap3A_3719 = tpu.vector_load %arg11[%swap3A_3717, %swap3A_3718] {strides = array<i32>} : memref<256x128xf32, #tpu.memory_space<vmem>>, vector<16xf32>,
        tpu.vector_store %arg11[%swap3A_3717, %swap3A_3718], %add3A_3716 {strides = array<i32>} : memref<256x128xf32, #tpu.memory_space<vmem>>, vector<16xf32>,
        %sub3A_3720 = vector.broadcast %mul3A_3637 : f32 to vector<16xf32>
        %sub3A_3721 = arith.subf %add3A_3585, %sub3A_3720 : vector<16xf32>
        %mul3A_3722 = arith.mulf %sub3A_3721, %mul3A_3679 : vector<16xf32>
        %mul3A_3723 = arith.mulf %mul3A_3722, %get3A_115 : vector<16xf32>
        %add3A_3724 = arith.addf %mul3A_3723, %get3A_131 : vector<16xf32>
        %swap3A_3725 = arith.index_cast %add3A_3523 : i32 to index
        %swap3A_3726 = arith.constant 80 : index
        %swap3A_3727 = tpu.vector_load %arg11[%swap3A_3725, %swap3A_3726] {strides = array<i32>} : memref<256x128xf32, #tpu.memory_space<vmem>>, vector<16xf32>,
        tpu.vector_store %arg11[%swap3A_3725, %swap3A_3726], %add3A_3724 {strides = array<i32>} : memref<256x128xf32, #tpu.memory_space<vmem>>, vector<16xf32>,
        %sub3A_3728 = vector.broadcast %mul3A_3637 : f32 to vector<16xf32>
        %sub3A_3729 = arith.subf %add3A_3595, %sub3A_3728 : vector<16xf32>
        %mul3A_3730 = arith.mulf %sub3A_3729, %mul3A_3679 : vector<16xf32>
        %mul3A_3731 = arith.mulf %mul3A_3730, %get3A_117 : vector<16xf32>
        %add3A_3732 = arith.addf %mul3A_3731, %get3A_133 : vector<16xf32>
        %swap3A_3733 = arith.index_cast %add3A_3523 : i32 to index
        %swap3A_3734 = arith.constant 96 : index
        %swap3A_3735 = tpu.vector_load %arg11[%swap3A_3733, %swap3A_3734] {strides = array<i32>} : memref<256x128xf32, #tpu.memory_space<vmem>>, vector<16xf32>,
        tpu.vector_store %arg11[%swap3A_3733, %swap3A_3734], %add3A_3732 {strides = array<i32>} : memref<256x128xf32, #tpu.memory_space<vmem>>, vector<16xf32>,
        %sub3A_3736 = vector.broadcast %mul3A_3637 : f32 to vector<16xf32>
        %sub3A_3737 = arith.subf %add3A_3605, %sub3A_3736 : vector<16xf32>
        %mul3A_3738 = arith.mulf %sub3A_3737, %mul3A_3679 : vector<16xf32>
        %mul3A_3739 = arith.mulf %mul3A_3738, %get3A_119 : vector<16xf32>
        %add3A_3740 = arith.addf %mul3A_3739, %get3A_135 : vector<16xf32>
        %swap3A_3741 = arith.index_cast %add3A_3523 : i32 to index
        %swap3A_3742 = arith.constant 112 : index
        %swap3A_3743 = tpu.vector_load %arg11[%swap3A_3741, %swap3A_3742] {strides = array<i32>} : memref<256x128xf32, #tpu.memory_space<vmem>>, vector<16xf32>,
        tpu.vector_store %arg11[%swap3A_3741, %swap3A_3742], %add3A_3740 {strides = array<i32>} : memref<256x128xf32, #tpu.memory_space<vmem>>, vector<16xf32>,
      }
      %scan3A_191 = arith.constant 16 : i32
      %mul3A_192 = arith.constant 256 : i32
      %mul3A_193 = arith.muli %select_n3A_30, %mul3A_192 : i32
      "tpu.region"() ({
        %run_scoped3A = tpu.sem_alloc : memref<!tpu.dma_semaphore, #tpu.memory_space<semaphore_mem>>
        %dma_start3A_194 = arith.constant 0 : i32
        %dma_start3A_195 = tpu.memref_slice %arg9[%add3A_150, %mul3A_193, %dma_start3A_194] : memref<1024x512x128xf32, #tpu.memory_space<hbm>> -> memref<1x256x128xf32, #tpu.memory_space<hbm>>
        %dma_start3A_196 = tpu.memref_squeeze %dma_start3A_195 : memref<1x256x128xf32, #tpu.memory_space<hbm>> -> memref<256x128xf32, #tpu.memory_space<hbm>>
        %dma_start3A_197 = arith.constant 0 : i32
        %dma_start3A_198 = tpu.memref_slice %arg9[%add3A_150, %mul3A_193, %dma_start3A_197] : memref<1024x512x128xf32, #tpu.memory_space<hbm>> -> memref<1x256x128xf32, #tpu.memory_space<hbm>>
        %dma_start3A_199 = tpu.memref_squeeze %dma_start3A_198 : memref<1x256x128xf32, #tpu.memory_space<hbm>> -> memref<256x128xf32, #tpu.memory_space<hbm>>
        tpu.enqueue_dma source(%arg11 : memref<256x128xf32, #tpu.memory_space<vmem>>) target(%dma_start3A_199 : memref<256x128xf32, #tpu.memory_space<hbm>>) target_semaphore(%run_scoped3A : memref<!tpu.dma_semaphore, #tpu.memory_space<semaphore_mem>>)
        %dma_wait3A_200 = arith.constant 0 : i32
        %dma_wait3A_201 = tpu.memref_slice %arg9[%add3A_150, %mul3A_193, %dma_wait3A_200] : memref<1024x512x128xf32, #tpu.memory_space<hbm>> -> memref<1x256x128xf32, #tpu.memory_space<hbm>>
        %dma_wait3A_202 = tpu.memref_squeeze %dma_wait3A_201 : memref<1x256x128xf32, #tpu.memory_space<hbm>> -> memref<256x128xf32, #tpu.memory_space<hbm>>
        %dma_wait3A_203 = arith.constant 0 : i32
        %dma_wait3A_204 = tpu.memref_slice %arg9[%add3A_150, %mul3A_193, %dma_wait3A_203] : memref<1024x512x128xf32, #tpu.memory_space<hbm>> -> memref<1x256x128xf32, #tpu.memory_space<hbm>>
        %dma_wait3A_205 = tpu.memref_squeeze %dma_wait3A_204 : memref<1x256x128xf32, #tpu.memory_space<hbm>> -> memref<256x128xf32, #tpu.memory_space<hbm>>
        tpu.wait_dma2 semaphore(%run_scoped3A : memref<!tpu.dma_semaphore, #tpu.memory_space<semaphore_mem>>) src(%arg11 : memref<256x128xf32, #tpu.memory_space<vmem>>) dst(%dma_wait3A_205 : memref<256x128xf32, #tpu.memory_space<hbm>>)
        tpu.yield
      }) : () -> ()
    }
    %scan3A_146 = arith.constant 64 : i32
    return
  }
}

</mosaic_0001>

<sc_bundles>
// kernel: _sc_embed_ln.3.cloned.1.call-start
scs
__scs_entry_jumppad:
0x0: {  	(pc) =	sbr.rel $0x88, $3  }
0x1: {  	(tag) =	ssettag $0x0;
	lr =	simm.s32 $0x1  }
0x2: {  	[smem:$0x3F9A] =	sst lr;
	_ =	strace $0xD0000000  }
0x3: {  	_ = 	snop  }
0x4: {  	_ = 	snop  }
0x5: {  	_ = 	snop  }
0x6: {  	_ = 	snop  }
0x7: {  	_ = 	snop  }
__scs_overlays_trampoline_lowered:
0x8: {  	[smem:$0x3FA9] =	sst s0  }
0x9: {  	[smem:$0x3FAA] =	sst s1  }
0xa: {  	[smem:$0x3FAB] =	sst s2  }
0xb: {  	[smem:$0x3FAC] =	sst s3  }
0xc: {  	[smem:$0x3FAD] =	sst s4  }
0xd: {  	[smem:$0x3FAE] =	sst s5  }
0xe: {  	[smem:$0x3FAF] =	sst s6  }
0xf: {  	[smem:$0x3FB0] =	sst s7  }
0x10: {  	[smem:$0x3FB1] =	sst s8  }
0x11: {  	[smem:$0x3FB2] =	sst s9;
	s0 =	simm.s32 @!p0 $0x0  }
0x12: {  	s1 =	sld [smem:$0x3F98];
	s0 =	simm.s32 @p0 $0x1  }
0x13: {  	[smem:$0x3FB3] =	sst s0;
	s0 =	simm.s32 @!p1 $0x0  }
0x14: {  	s2 =	sld [smem:$0x3F97];
	s0 =	simm.s32 @p1 $0x1  }
0x15: {  	[smem:$0x3FB4] =	sst s0;
	s0 =	simm.s32 @!p2 $0x0  }
0x16: {  	s3 =	sld [smem:$0x3FDB];
	s0 =	simm.s32 @p2 $0x1  }
0x17: {  	s4 =	simm.s32 $0x1BF5;
	[smem:$0x3FB6] =	sst s0  }
0x18: {  	s0 =	sld [smem:$0x3F99];
	_ =	swait.ge [sflag:s4], $0x0  }
0x19: {  	s7 =	sld [smem:$0x3F9A]  }
0x1a: {  	s8 =	sadd.s32 $0xFFFFE003, lr  }
0x1b: {  	s9 =	sadd.s32 $0xFFFFFEF7, lr;
	s5 =	simm.s32 $0xFFFFFFFF;
	p2 =	slt.u32 s8, $0xFFFFF086  }
0x1c: {  	p1 =	slt.u32 s9, $0xF7A;
	s5 =	simm.s32 @!p2 $0x0  }
0x1d: {  	s5 =	simm.s32 @p1 $0x1;
	p0 =	seq.s32 s7, s2  }
0x1e: {  	s7 =	smul.u32 @!p0 $0xF7A, s2;
	p2 =	seq.s32 @!p0 s5, $0x0  }
0x1f: {  	s9 =	smul.u32 $0xF7A, s1;
	s8 =	simm.s32 @!p0 $0x1BF5;
	p2 =	por !p2, p0  }
0x20: {  	[sflag:s8] =	ssyncset.s32 @!p0 $0xFFFFF086;
	s6 =	sadd.s32 @!p0 s3, s7;
	s7 =	simm.s32 @!p0 $0x108  }
0x21: {  	s3 =	sadd.s32 s3, s9;
	s6 =	sadd.s32 @!p0 $0x88, s6;
	s7 =	simm.s32 @p2 $0x1082  }
0x22: {  	[simem:s7], [sflag:s8] =	dma.local @!p0 [hbm:s6], $0xF7A  }
0x23: {  	s9 =	sor.u32 $0xD0000000, s2;
	s6 =	simm.s32 $0x108;
	_ =	swait.ge @!p0 [sflag:s8], $0x0  }
0x24: {  	s3 =	sadd.s32 $0x88, s3;
	s6 =	simm.s32 @!p1 $0x1082;
	[sflag:s4] =	ssyncset.s32 $0xFFFFF086  }
0x25: {  	[simem:s6], [sflag:s4] =	dma.local [hbm:s3], $0xF7A  }
0x26: {  	[smem:$0x3F9A] =	sst s1;
	(tag) =	ssettag s2;
	_ =	strace s9  }
0x27: {  	s1 =	sld [smem:$0x3FAA]  }
0x28: {  	s2 =	sld [smem:$0x3FAB]  }
0x29: {  	s4 =	sld [smem:$0x3FAD]  }
0x2a: {  	p0 =	seq.s32 s5, $0x0;
	s5 =	sld [smem:$0x3FAE]  }
0x2b: {  	s6 =	sld [smem:$0x3FAF]  }
0x2c: {  	s7 =	sld [smem:$0x3FB0]  }
0x2d: {  	s3 =	simm.s32 $0x108;
	s8 =	sld [smem:$0x3FB1]  }
0x2e: {  	s3 =	simm.s32 @!p0 $0x1082;
	s9 =	sld [smem:$0x3FB2]  }
0x2f: {  	lr =	sadd.s32 s0, s3;
	s0 =	sld [smem:$0x3FA9]  }
0x30: {  	s3 =	sld [smem:$0x3FAC]  }
0x31: {  	[smem:$0x3FB5] =	sst s10  }
0x32: {  	s10 =	sld [smem:$0x3FB3];
	_ =	sdelay $0x3  }
0x33: {  	p0 =	seq.s32 s10, $0x1;
	s10 =	sld [smem:$0x3FB5];
	_ =	sdelay $0x3  }
0x34: {  	[smem:$0x3FB5] =	sst s10  }
0x35: {  	s10 =	sld [smem:$0x3FB4];
	_ =	sdelay $0x3  }
0x36: {  	p1 =	seq.s32 s10, $0x1;
	s10 =	sld [smem:$0x3FB5];
	_ =	sdelay $0x3  }
0x37: {  	[smem:$0x3FB5] =	sst s10  }
0x38: {  	s10 =	sld [smem:$0x3FB6]  }
0x39: {  	_ = 	snop;
	(pc) =	sbr.ind lr, $3  }
0x3a: {  	_ = 	snop  }
0x3b: {  	_ = 	snop  }
0x3c: {  	p2 =	seq.s32 s10, $0x1;
	s10 =	sld [smem:$0x3FB5]  }
0x3d: {  	_ =	shalt  }
0x3e: {  	_ =	shalt  }
0x3f: {  	_ =	shalt  }
0x40: {  	_ =	shalt  }
0x41: {  	_ =	shalt  }
0x42: {  	_ =	shalt  }
0x43: {  	_ =	shalt  }
0x44: {  	_ =	shalt  }
0x45: {  	_ =	shalt  }
0x46: {  	_ =	shalt  }
0x47: {  	_ =	shalt  }
0x48: {  	_ =	shalt  }
0x49: {  	_ =	shalt  }
0x4a: {  	_ =	shalt  }
0x4b: {  	_ =	shalt  }
0x4c: {  	_ =	shalt  }
0x4d: {  	_ =	shalt  }
0x4e: {  	_ =	shalt  }
0x4f: {  	_ =	shalt  }
0x50: {  	_ =	shalt  }
0x51: {  	_ =	shalt  }
0x52: {  	_ =	shalt  }
0x53: {  	_ =	shalt  }
0x54: {  	_ =	shalt  }
0x55: {  	_ =	shalt  }
0x56: {  	_ =	shalt  }
0x57: {  	_ =	shalt  }
0x58: {  	_ =	shalt  }
0x59: {  	_ =	shalt  }
0x5a: {  	_ =	shalt  }
0x5b: {  	_ =	shalt  }
0x5c: {  	_ =	shalt  }
0x5d: {  	_ =	shalt  }
0x5e: {  	_ =	shalt  }
0x5f: {  	_ =	shalt  }
0x60: {  	_ =	shalt  }
0x61: {  	_ =	shalt  }
0x62: {  	_ =	shalt  }
0x63: {  	_ =	shalt  }
0x64: {  	_ =	shalt  }
0x65: {  	_ =	shalt  }
0x66: {  	_ =	shalt  }
0x67: {  	_ =	shalt  }
0x68: {  	_ =	shalt  }
0x69: {  	_ =	shalt  }
0x6a: {  	_ =	shalt  }
0x6b: {  	_ =	shalt  }
0x6c: {  	_ =	shalt  }
0x6d: {  	_ =	shalt  }
0x6e: {  	_ =	shalt  }
0x6f: {  	_ =	shalt  }
0x70: {  	_ =	shalt  }
0x71: {  	_ =	shalt  }
0x72: {  	_ =	shalt  }
0x73: {  	_ =	shalt  }
0x74: {  	_ =	shalt  }
0x75: {  	_ =	shalt  }
0x76: {  	_ =	shalt  }
0x77: {  	_ =	shalt  }
0x78: {  	_ =	shalt  }
0x79: {  	_ =	shalt  }
0x7a: {  	_ =	shalt  }
0x7b: {  	_ =	shalt  }
0x7c: {  	_ =	shalt  }
0x7d: {  	_ =	shalt  }
0x7e: {  	_ =	shalt  }
0x7f: {  	_ =	shalt  }
0x80: {  	_ =	shalt  }
0x81: {  	_ =	shalt  }
0x82: {  	_ =	shalt  }
0x83: {  	_ =	shalt  }
0x84: {  	_ =	shalt  }
0x85: {  	_ =	shalt  }
0x86: {  	_ =	shalt  }
0x87: {  	_ =	shalt  }
.Lfunc_end0:
.L_simem_size_0:
called_computation_lowered:
.L_overlay_start_0:
0x88: {  	s2 =	sld [smem:$0x3FD9]  }
0x89: {  	s3 =	sld [smem:$0x3FFE];
	_ =	sdelay $0x1  }
0x8a: {  	s1 =	srdreg.scid  }
0x8b: {  	s0 =	sand.u32 $0x1, s1  }
0x8c: {  	s18 =	sshll.u32 s0, $0xA;
	s2 =	sadd.s32 s3, s2  }
0x8d: {  	s2 =	sadd.s32 s2, s18  }
0x8e: {  	[smem:$0x3FC1] =	sst s2  }
0x8f: {  	_ = 	snop  }
0x90: {  	s2 =	sld [smem:$0x3FC9]  }
0x91: {  	s19 =	sld [smem:$0x3FC8]  }
0x92: {  	s4 =	sld [smem:$0x3FC7]  }
0x93: {  	s5 =	sld [smem:$0x3FC6]  }
0x94: {  	s6 =	sld [smem:$0x3FC5]  }
0x95: {  	s7 =	sld [smem:$0x3FC4]  }
0x96: {  	s8 =	sld [smem:$0x3FC3]  }
0x97: {  	s9 =	sld [smem:$0x3FD0];
	(tm) =	ssettm $0x1  }
0x98: {  	s10 =	sld [smem:$0x3FFB];
	_ =	sdelay $0x3  }
0x99: {  	_ =	strace s10  }
0x9a: {  	s10 =	sld [smem:$0x3FFC];
	_ =	sdelay $0x3  }
0x9b: {  	_ =	strace s10  }
0x9c: {  	s10 =	sld [smem:$0x3FFD];
	_ =	sdelay $0x3  }
0x9d: {  	_ =	strace s10  }
0x9e: {  	_ =	strace $0x8FFFFFFF  }
0x9f: {  	s20 =	sld [smem:$0x3FDB];
	_ =	sdelay $0x1  }
0xa0: {  	s11 =	simm.s32 $_scs_section_size  }
0xa1: {  	s12 =	simm.s32 $_size__tile_overlayer_lowered;
	s13 =	simm.s32 $_tile_overlayer_lowered  }
0xa2: {  	s23 =	simm.s32 $0x1BFF;
	s22 =	sshll.u32 s13, $0x1;
	s10 =	sadd.s32 s11, s20  }
0xa3: {  	s14 =	simm.s32 $0x0;
	s21 =	sshll.u32 s12, $0x1;
	s12 =	sadd.s32 s22, s10  }
0xa4: {  	[timem:s14], [sflag:s23] =	dma.local [hbm:s12], s21  }
0xa5: {  	_ =	swait.ge [sflag:s23], s21  }
0xa6: {  	s11 =	ssub.s32 $0x0, s21;
	[sflag:s23] =	ssyncset.done $0x0  }
0xa7: {  	[sflag:s23] =	ssyncadd.s32 s11;
	_ =	sdelay $0x1  }
0xa8: {  	s24 =	simm.s32 $0x1B8B  }
0xa9: {  	_ =	swait.ge [sflag:s24], $0x1  }
0xaa: {  	[sflag:s24] =	ssyncset.done $0x0  }
0xab: {  	s25 =	simm.s32 $0x1B8E;
	[sflag:s24] =	ssyncadd.s32 $0xFFFFFFFF  }
0xac: {  	s26 =	simm.s32 $execute0_lowered;
	[smem:$0x3FD2] =	sst s25  }
0xad: {  	s11 =	sshll.u32 s26, $0x1;
	_ =	strace $0x80000046;
	[dreg:$0x1] =	wrdreg $0xFFFFFFFF  }
0xae: {  	s28 =	simm.s32 $_size_execute0_lowered;
	s10 =	sadd.s32 s10, s11;
	[dreg:$0x0] =	wrdreg $0x0  }
0xaf: {  	s11 =	sshll.u32 s28, $0x1;
	[dreg:$0x2] =	wrdreg s10  }
0xb0: {  	[dreg:$0x3] =	wrdreg s11  }
0xb1: {  	[dreg:$0x4] =	wrdreg $0xC0  }
0xb2: {  	_ =	task [dreg:s14], $0x5FFFF  }
0xb3: {  	[dreg:$0x1] =	wrdreg $0xFFFFFFFF  }
0xb4: {  	[dreg:$0x0] =	wrdreg $0x60  }
0xb5: {  	[dreg:$0x2] =	wrdreg s2  }
0xb6: {  	[dreg:$0x3] =	wrdreg s19  }
0xb7: {  	[dreg:$0x4] =	wrdreg s4  }
0xb8: {  	[dreg:$0x5] =	wrdreg s5  }
0xb9: {  	[dreg:$0x6] =	wrdreg s6  }
0xba: {  	[dreg:$0x7] =	wrdreg s7  }
0xbb: {  	[dreg:$0x8] =	wrdreg s8  }
0xbc: {  	[dreg:$0x9] =	wrdreg s9  }
0xbd: {  	[dreg:$0xa] =	wrdreg $0x9  }
0xbe: {  	_ =	task.clear_ibuf [dreg:s14], $0xBFFFF;
	_ =	strace $0x90000046  }
0xbf: {  	s29 =	simm.s32 $0x9;
	_ =	strace $0x80000048  }
0xc0: {  	_ =	swait.ge [sflag:s29], $0x1  }
0xc1: {  	[sflag:s29] =	ssyncadd.s32 $0xFFFFFFFF  }
0xc2: {  	_ =	strace $0x90000048  }
0xc3: {  	_ =	sfence  }
0xc4: {  	s30 =	sld [smem:$0x0];
	_ =	sdelay $0x2  }
0xc5: {  	s31 =	sshll.u32 s1, $0xD;
	s1 =	sshrl.u32 s1, $0x2  }
0xc6: {  	s3 =	sand.u32 $0x4000, s31;
	s1 =	sadd.s32 s1, s30  }
0xc7: {  	s0 =	sor.u32 s3, s0;
	s1 =	sshll.u32 s1, $0x11  }
0xc8: {  	s0 =	sor.u32 s1, s0  }
0xc9: {  	s0 =	sadd.s32 $0x8F2B, s0  }
0xca: {  	[sflag:s0] =	ssyncadd.remote.s32 $0x1  }
0xcb: {  	_ =	sfence.sel $0xFFFF  }
0xcc: {  	[dreg:$0x0] =	wrdreg $0xFFFFFFFF;
	(pc) =	sbr.abs _section_cstart, $3  }
0xcd: {  	[dreg:$0x1] =	wrdreg $0xFFFFFFFF  }
0xce: {  	_ =	task.clear_ibuf [dreg:s14], $0x2FFFF;
	_ =	strace $0x9FFFFFFF  }
0xcf: {  	(tm) =	ssettm $0x7FFFFFFF  }
tec
execute0_lowered:
.L_overlay_start_1:
0x0: {  	(tag) =	ssettag $0x1  }
0x1: {  	s6 =	rddreg [dreg:$0x0]  }
0x2: {  	s2 =	rddreg [dreg:$0x2]  }
0x3: {  	s0 =	rddreg [dreg:$0x4];
	s1 =	srdreg.scid  }
0x4: {  	s7 =	stileid.u32;
	s9 =	simm.s32 $0x0;
	s4 =	simm.s32 $0x1  }
0x5: {  	s10 =	simm.s32 $0x1;
	s17 =	simm.s32 $0x2;
	s21 =	simm.s32 $0x10000  }
0x6: {  	s22 =	simm.s32 $0x10080;
	s23 =	simm.s32 $0x10100;
	s24 =	simm.s32 $0x80  }
0x7: {  	s25 =	simm.s32 $0x8000;
	s26 =	simm.s32 $0xC000;
	s29 =	simm.s32 $0x0  }
0x8: {  	s1 =	sand.u32 $0x1, s1;
	[smem:$0x7FF] =	sst s9;
	s8 =	smov.u32 s6  }
0x9: {  	s15 =	sadd.s32 $0x10, s6;
	s3 =	sor.u32 s1, s7;
	p1 =	seq.s32 s1, $0x1  }
0xa: {  	s30 =	ssub.s32 $0x2, s1;
	_ =	strace $0x80000047;
	p0 =	seq.s32 s3, $0x0  }
0xb: {  	s11 =	sshll.u32 s1, $0x8;
	s12 =	sshll.u32 s1, $0xF;
	p0 =	por !p0, !p1  }
0xc: {  	s1 =	sshll.u32 s1, $0xC;
	s5 =	sshrl.u32 s30, $0x1;
	p0 =	por !p0, !p0  }
0xd: {  	s0 =	sadd.s32 s0, s1;
	s3 =	ssub.s32 s30, s5;
	s4 =	simm.s32 @!p0 $0x0  }
0xe: {  	[dreg:$0x9] =	wrdreg s0;
	s31 =	smax.u32 s3, $0x1;
	s4 =	ssub.s32 s7, s4  }
0xf: {  	s1 =	simm.s32 $0x0;
	[dreg:$0xa] =	wrdreg s31;
	s14 =	sshll.u32 s4, $0x6  }
.LBB2_1:
0x10: {  	[dreg:$0xb] =	wrdreg s1  }
0x11: {  	s0 =	rddreg [dreg:$0x9]  }
0x12: {  	[tilespmem:s9], [sflag:$0x2] =	stream.linear.gather [hbm4b:s0+s9], $0x8000, $0x38;
	[tilespmem:$0x10500] =	vst v63  }
0x13: {  	_ =	swait.ge [sflag:s17], $0x8000  }
0x14: {  	[sflag:s17] =	ssyncset.done $0x0  }
0x15: {  	[sflag:s17] =	ssyncadd.s32 $0xFFFF8000  }
0x16: {  	s19 =	simm.s32 $0x10300;
	s18 =	rddreg [dreg:$0x3]  }
0x17: {  	[tilespmem:s19], [sflag:$0x2] =	stream.linear.gather [hbm4b:s18+s9], $0x100, $0x38;
	[tilespmem:$0x10500] =	vst v63  }
0x18: {  	_ =	swait.ge [sflag:s17], $0x100  }
0x19: {  	[sflag:s17] =	ssyncset.done $0x0  }
0x1a: {  	[sflag:s17] =	ssyncadd.s32 $0xFFFFFF00  }
0x1b: {  	s28 =	simm.s32 $0x10400;
	s20 =	rddreg [dreg:$0x5]  }
0x1c: {  	[tilespmem:s28], [sflag:$0x2] =	stream.linear.gather [hbm4b:s20+s9], $0x80, $0x38;
	[tilespmem:$0x10500] =	vst v63  }
0x1d: {  	_ =	swait.ge [sflag:s17], $0x80  }
0x1e: {  	[sflag:s17] =	ssyncset.done $0x0  }
0x1f: {  	[sflag:s17] =	ssyncadd.s32 $0xFFFFFF80  }
0x20: {  	s31 =	simm.s32 $0x10480;
	s30 =	rddreg [dreg:$0x6]  }
0x21: {  	[tilespmem:s31], [sflag:$0x2] =	stream.linear.gather [hbm4b:s30+s9], $0x80, $0x38;
	[tilespmem:$0x10500] =	vst v63  }
0x22: {  	_ =	swait.ge [sflag:s17], $0x80  }
0x23: {  	[sflag:s17] =	ssyncset.done $0x0  }
0x24: {  	[sflag:s17] =	ssyncadd.s32 $0xFFFFFF80  }
0x25: {  	v6 =	vld [tilespmem:$0x10300]  }
0x26: {  	v7 =	vld [tilespmem:$0x10310]  }
0x27: {  	v4 =	vld [tilespmem:$0x10320]  }
0x28: {  	v5 =	vld [tilespmem:$0x10330]  }
0x29: {  	v2 =	vld [tilespmem:$0x10340]  }
0x2a: {  	v3 =	vld [tilespmem:$0x10350]  }
0x2b: {  	v0 =	vld [tilespmem:$0x10360]  }
0x2c: {  	v1 =	vld [tilespmem:$0x10370]  }
0x2d: {  	v14 =	vld [tilespmem:$0x10380]  }
0x2e: {  	v15 =	vld [tilespmem:$0x10390]  }
0x2f: {  	v12 =	vld [tilespmem:$0x103A0]  }
0x30: {  	v13 =	vld [tilespmem:$0x103B0]  }
0x31: {  	v10 =	vld [tilespmem:$0x103C0]  }
0x32: {  	v11 =	vld [tilespmem:$0x103D0]  }
0x33: {  	v8 =	vld [tilespmem:$0x103E0]  }
0x34: {  	v9 =	vld [tilespmem:$0x103F0]  }
0x35: {  	v25 =	vld [tilespmem:$0x10400]  }
0x36: {  	v26 =	vld [tilespmem:$0x10410]  }
0x37: {  	v27 =	vld [tilespmem:$0x10420]  }
0x38: {  	v28 =	vld [tilespmem:$0x10430]  }
0x39: {  	v29 =	vld [tilespmem:$0x10440]  }
0x3a: {  	v30 =	vld [tilespmem:$0x10450]  }
0x3b: {  	v31 =	vld [tilespmem:$0x10460]  }
0x3c: {  	v32 =	vld [tilespmem:$0x10470]  }
0x3d: {  	v33 =	vld [tilespmem:$0x10480]  }
0x3e: {  	v34 =	vld [tilespmem:$0x10490]  }
0x3f: {  	v35 =	vld [tilespmem:$0x104A0]  }
0x40: {  	v36 =	vld [tilespmem:$0x104B0]  }
0x41: {  	v37 =	vld [tilespmem:$0x104C0]  }
0x42: {  	v38 =	vld [tilespmem:$0x104D0]  }
0x43: {  	v39 =	vld [tilespmem:$0x104E0]  }
0x44: {  	s0 =	simm.s32 $0x0;
	v40 =	vld [tilespmem:$0x104F0]  }
0x45: {  	v19 =	vld [tilespmem:s0+$0x0]  }
0x46: {  	v21 =	vld [tilespmem:s0+$0x10]  }
0x47: {  	v20 =	vld [tilespmem:s0+$0x20]  }
0x48: {  	v17 =	vld [tilespmem:s0+$0x30]  }
0x49: {  	v16 =	vld [tilespmem:s0+$0x40]  }
0x4a: {  	v18 =	vld [tilespmem:s0+$0x50];
	v22 =	vadd.f32 v19, v6  }
0x4b: {  	s1 =	simm.s32 $0x200;
	v21 =	vadd.f32 v21, v7;
	v19 =	vld [tilespmem:s0+$0x60]  }
.LBB2_2:
0x4c: {  	s3 =	sshra.s32 s1, $0x2;
	p0 =	sne.s32 s1, $0x1FE00;
	[tilespmem:s0+$0x0] =	vst v22;
	v20 =	vadd.f32 v20, v4;
	v22 =	vld [tilespmem:s0+$0x70]  }
0x4d: {  	v23 =	vld [tilespmem:s3+$0x0];
	[tilespmem:s0+$0x10] =	vst v21;
	v17 =	vadd.f32 v17, v5  }
0x4e: {  	v21 =	vld [tilespmem:s3+$0x10];
	[tilespmem:s0+$0x20] =	vst v20;
	v16 =	vadd.f32 v16, v2  }
.Ltmp0:
0x4f: {  	v20 =	vld [tilespmem:s3+$0x20];
	[tilespmem:s0+$0x30] =	vst v17;
	v18 =	vadd.f32 v18, v3;
	(pc) =	sbr.rel @p0 .LBB2_2-.Ltmp0, $4  }
0x50: {  	v17 =	vld [tilespmem:s3+$0x30];
	[tilespmem:s0+$0x40] =	vst v16;
	v19 =	vadd.f32 v19, v0  }
0x51: {  	v16 =	vld [tilespmem:s3+$0x40];
	[tilespmem:s0+$0x50] =	vst v18;
	v24 =	vadd.f32 v22, v1  }
0x52: {  	v22 =	vadd.f32 v23, v6;
	v18 =	vld [tilespmem:s3+$0x50];
	[tilespmem:s0+$0x60] =	vst v19  }
0x53: {  	s1 =	sadd.s32 $0x200, s1;
	v21 =	vadd.f32 v21, v7;
	v19 =	vld [tilespmem:s3+$0x60];
	[tilespmem:s0+$0x70] =	vst v24;
	s0 =	smov.u32 s3  }
0x54: {  	[tilespmem:s0+$0x0] =	vst v22  }
0x55: {  	[tilespmem:$0x1FE90] =	vst v25  }
0x56: {  	[tilespmem:$0x1FEA0] =	vst v26  }
0x57: {  	[tilespmem:$0x1FEB0] =	vst v27  }
0x58: {  	[tilespmem:$0x1FEC0] =	vst v28  }
0x59: {  	[tilespmem:$0x1FED0] =	vst v29  }
0x5a: {  	[tilespmem:$0x1FEE0] =	vst v30  }
0x5b: {  	[tilespmem:$0x1FEF0] =	vst v31  }
0x5c: {  	[tilespmem:$0x1FF00] =	vst v32  }
0x5d: {  	[tilespmem:$0x1FF10] =	vst v33  }
0x5e: {  	[tilespmem:$0x1FF20] =	vst v34  }
0x5f: {  	[tilespmem:$0x1FF30] =	vst v35  }
0x60: {  	[tilespmem:$0x1FF40] =	vst v36  }
0x61: {  	[tilespmem:$0x1FF50] =	vst v37  }
0x62: {  	[tilespmem:$0x1FF60] =	vst v38  }
0x63: {  	[tilespmem:$0x1FF70] =	vst v39  }
0x64: {  	v20 =	vadd.f32 v20, v4;
	[tilespmem:$0x1FF80] =	vst v40  }
0x65: {  	v14 =	vsub.f32 v14, v6;
	[tilespmem:s0+$0x10] =	vst v21  }
0x66: {  	v15 =	vsub.f32 v15, v7;
	[tilespmem:s0+$0x20] =	vst v20  }
0x67: {  	v17 =	vadd.f32 v17, v5;
	[tilespmem:$0x1FF90] =	vst v14  }
0x68: {  	v21 =	vsub.f32 v9, v1;
	[tilespmem:$0x1FFA0] =	vst v15  }
0x69: {  	v16 =	vadd.f32 v16, v2;
	[tilespmem:s0+$0x30] =	vst v17  }
0x6a: {  	v22 =	vld [tilespmem:s0+$0x70];
	v18 =	vadd.f32 v18, v3;
	[tilespmem:$0x1FFF0] =	vst v21  }
0x6b: {  	v17 =	vsub.f32 v13, v5;
	[tilespmem:s0+$0x40] =	vst v16  }
0x6c: {  	v20 =	vadd.f32 v19, v0;
	[tilespmem:s0+$0x50] =	vst v18  }
0x6d: {  	v16 =	vsub.f32 v12, v4;
	[tilespmem:$0x1FFC0] =	vst v17  }
0x6e: {  	v19 =	vsub.f32 v11, v3;
	[tilespmem:s0+$0x60] =	vst v20  }
0x6f: {  	v22 =	vadd.f32 v22, v1;
	[tilespmem:$0x1FFB0] =	vst v16  }
0x70: {  	v20 =	vsub.f32 v8, v0;
	[tilespmem:$0x1FFD0] =	vst v19  }
0x71: {  	[tilespmem:s0+$0x70] =	vst v22  }
0x72: {  	s30 =	simm.s32 $0x0;
	v18 =	vsub.f32 v10, v2;
	[tilespmem:$0x1FFE0] =	vst v20  }
.LBB2_4:
0x73: {  	s31 =	sadd.s32 s14, s30  }
0x74: {  	s0 =	sshll.u32 s31, $0x9  }
0x75: {  	s0 =	sor.u32 s11, s0  }
0x76: {  	s0 =	sshrl.u32 s0, $0x3  }
0x77: {  	s1 =	sadd.s32 s8, s0  }
0x78: {  	[tilespmem:s21], [sflag:$0x2] =	stream.linear.gather [hbm4b:s1+s29], $0x80, $0x38;
	[tilespmem:$0x10500] =	vst v63  }
0x79: {  	_ =	swait.ge [sflag:s17], $0x80  }
0x7a: {  	[sflag:s17] =	ssyncset.done $0x0  }
0x7b: {  	s20 =	sadd.s32 s0, s15;
	[sflag:s17] =	ssyncadd.s32 $0xFFFFFF80  }
0x7c: {  	[tilespmem:s22], [sflag:$0x2] =	stream.linear.gather [hbm4b:s20+s29], $0x80, $0x38;
	[tilespmem:$0x10500] =	vst v63  }
0x7d: {  	_ =	swait.ge [sflag:s17], $0x80  }
0x7e: {  	[sflag:s17] =	ssyncset.done $0x0  }
0x7f: {  	[sflag:s17] =	ssyncadd.s32 $0xFFFFFF80  }
0x80: {  	s28 =	rddreg [dreg:$0x1]  }
0x81: {  	s0 =	sadd.s32 s28, s0  }
0x82: {  	[tilespmem:s23], [sflag:$0x2] =	stream.linear.gather [hbm4b:s0+s29], $0x100, $0x38;
	[tilespmem:$0x10500] =	vst v63  }
0x83: {  	_ =	swait.ge [sflag:s17], $0x100  }
0x84: {  	[sflag:s17] =	ssyncset.done $0x0  }
0x85: {  	[sflag:s17] =	ssyncadd.s32 $0xFFFFFF00  }
0x86: {  	[tilespmem:s25], [sflag:$0x1] =	stream.indirect.gather [hbm4b:s2+s24], $0x80, s21, s24, $0xb8;
	[tilespmem:$0x10500] =	vst v63  }
0x87: {  	_ = 	snop  }
0x88: {  	[tilespmem:s26], [sflag:$0x1] =	stream.indirect.gather [hbm4b:s2+s24], $0x80, s22, s24, $0xb8;
	[tilespmem:$0x10500] =	vst v63  }
0x89: {  	_ =	swait.ge [sflag:s10], $0x4000  }
0x8a: {  	[sflag:s10] =	ssyncset.done $0x0  }
0x8b: {  	[sflag:s10] =	ssyncadd.s32 $0xFFFFC000  }
0x8c: {  	_ =	swait.ge [sflag:s10], $0x4000  }
0x8d: {  	[sflag:s10] =	ssyncset.done $0x0  }
0x8e: {  	[sflag:s10] =	ssyncadd.s32 $0xFFFFC000  }
0x8f: {  	v0 =	vld [tilespmem:$0x10100]  }
0x90: {  	v1 =	vld [tilespmem:$0x10110]  }
0x91: {  	v2 =	vld [tilespmem:$0x10120]  }
0x92: {  	v3 =	vld [tilespmem:$0x10130]  }
0x93: {  	v4 =	vld [tilespmem:$0x10140]  }
0x94: {  	v5 =	vld [tilespmem:$0x10150];
	v0 =	vcvt.s32.f32 v0  }
0x95: {  	v6 =	vld [tilespmem:$0x10160];
	v1 =	vcvt.s32.f32 v1  }
0x96: {  	v42 =	vld [tilespmem:$0x10170];
	v41 =	vcvt.s32.f32 v2;
	[tilespmem:$0x10200] =	vst v0  }
0x97: {  	v44 =	vld [tilespmem:$0x10180];
	v43 =	vcvt.s32.f32 v3;
	[tilespmem:$0x10210] =	vst v1  }
0x98: {  	v46 =	vld [tilespmem:$0x10190];
	v45 =	vcvt.s32.f32 v4;
	[tilespmem:$0x10220] =	vst v41  }
0x99: {  	v48 =	vld [tilespmem:$0x101A0];
	v47 =	vcvt.s32.f32 v5;
	[tilespmem:$0x10230] =	vst v43  }
0x9a: {  	v50 =	vld [tilespmem:$0x101B0];
	v49 =	vcvt.s32.f32 v6;
	[tilespmem:$0x10240] =	vst v45  }
0x9b: {  	v52 =	vld [tilespmem:$0x101C0];
	v51 =	vcvt.s32.f32 v42;
	[tilespmem:$0x10250] =	vst v47  }
0x9c: {  	v54 =	vld [tilespmem:$0x101D0];
	v53 =	vcvt.s32.f32 v44;
	[tilespmem:$0x10260] =	vst v49  }
0x9d: {  	v56 =	vld [tilespmem:$0x101E0];
	v55 =	vcvt.s32.f32 v46;
	[tilespmem:$0x10270] =	vst v51  }
0x9e: {  	v58 =	vld [tilespmem:$0x101F0];
	v57 =	vcvt.s32.f32 v48;
	[tilespmem:$0x10280] =	vst v53  }
0x9f: {  	v59 =	vcvt.s32.f32 v50;
	[tilespmem:$0x10290] =	vst v55  }
0xa0: {  	v60 =	vcvt.s32.f32 v52;
	[tilespmem:$0x102A0] =	vst v57  }
0xa1: {  	v61 =	vcvt.s32.f32 v54;
	[tilespmem:$0x102B0] =	vst v59  }
0xa2: {  	v62 =	vcvt.s32.f32 v56;
	[tilespmem:$0x102C0] =	vst v60  }
0xa3: {  	v63 =	vcvt.s32.f32 v58;
	[tilespmem:$0x102D0] =	vst v61  }
0xa4: {  	[tilespmem:$0x102E0] =	vst v62  }
0xa5: {  	s4 =	simm.s32 $0x0;
	[tilespmem:$0x102F0] =	vst v63  }
.LBB2_5:
0xa6: {  	s5 =	sshll.u32 s4, $0xB;
	v51 =	vld [tilespmem:$0x1FF90]  }
0xa7: {  	v0 =	vld [tilespmem:s5+$0x8000]  }
0xa8: {  	v1 =	vld [tilespmem:s5+$0x0]  }
0xa9: {  	v2 =	vld [tilespmem:s5+$0x8010]  }
0xaa: {  	v3 =	vld [tilespmem:s5+$0x10]  }
0xab: {  	v4 =	vld [tilespmem:s5+$0x8020]  }
0xac: {  	v5 =	vld [tilespmem:s5+$0x20]  }
0xad: {  	v6 =	vld [tilespmem:s5+$0x8030]  }
0xae: {  	v7 =	vld [tilespmem:s5+$0x30]  }
0xaf: {  	v8 =	vld [tilespmem:s5+$0x8040]  }
0xb0: {  	v9 =	vld [tilespmem:s5+$0x40]  }
0xb1: {  	v10 =	vld [tilespmem:s5+$0x8050]  }
0xb2: {  	s0 =	sshll.u32 s4, $0x4;
	v12 =	vld [tilespmem:s5+$0x50]  }
0xb3: {  	s0 =	sand.u32 $0x3FFFFFF0, s0;
	v13 =	vld [tilespmem:s5+$0x8060]  }
0xb4: {  	v24 =	vld [tilespmem:s0+$0x10200]  }
0xb5: {  	v61 =	vld [tilespmem:s5+$0x8070]  }
0xb6: {  	v63 =	vld [tilespmem:s5+$0x8080]  }
0xb7: {  	v36 =	vld [tilespmem:s5+$0x80]  }
0xb8: {  	v45 =	vld [tilespmem:s5+$0x80D0]  }
0xb9: {  	v33 =	vld [tilespmem:s5+$0xD0];
	v11 =	vbroadcast v24, $0x0  }
0xba: {  	v40 =	vld [tilespmem:s5+$0x8090]  }
0xbb: {  	v0 =	vadd.f32 v1, v0;
	v2 =	vadd.f32 v3, v2;
	v59 =	vmul.f32 v11, v14;
	v14 =	vld [tilespmem:s5+$0x60]  }
0xbc: {  	v42 =	vld [tilespmem:s5+$0x80A0];
	v4 =	vadd.f32 v5, v4;
	v6 =	vadd.f32 v7, v6  }
0xbd: {  	v26 =	vld [tilespmem:s5+$0xB0];
	v37 =	vadd.f32 v9, v8;
	v39 =	vadd.f32 v12, v10;
	v48 =	vbroadcast v24, $0x1  }
0xbe: {  	v34 =	vld [tilespmem:s5+$0x80E0];
	v54 =	vadd.f32 v33, v45;
	v60 =	vmul.f32 v11, v15;
	v15 =	vmul.f32 v11, v16  }
0xbf: {  	v50 =	vld [tilespmem:s5+$0xE0];
	v62 =	vmul.f32 v11, v17;
	v12 =	vmul.f32 v11, v19;
	v0 =	vadd.f32 v0, v59  }
0xc0: {  	v16 =	vld [tilespmem:s5+$0x70];
	v1 =	vadd.f32 v2, v60;
	v13 =	vadd.f32 v14, v13;
	v14 =	vmul.f32 v11, v20  }
0xc1: {  	v38 =	vmul.f32 v11, v18;
	v3 =	vadd.f32 v4, v15;
	v4 =	vadd.f32 v6, v62;
	v15 =	vld [tilespmem:s5+$0x90]  }
0xc2: {  	v41 =	vmul.f32 v11, v21;
	v9 =	vadd.f32 v39, v12;
	v12 =	vadd.f32 v13, v14;
	v13 =	vld [tilespmem:s5+$0xA0]  }
0xc3: {  	v7 =	vadd.f32 v37, v38;
	v2 =	vadd.f32 v36, v63;
	v6 =	vmul.f32 v48, v51;
	v14 =	vld [tilespmem:s5+$0x80B0]  }
0xc4: {  	v35 =	vld [tilespmem:s5+$0xF0];
	v55 =	vmul.f32 v48, v19;
	v56 =	vmul.f32 v48, v20;
	v43 =	vadd.f32 v1, v0  }
0xc5: {  	v17 =	vld [tilespmem:$0x1FFA0];
	v25 =	vadd.f32 v9, v7;
	v28 =	vmul.f32 v0, v0;
	v2 =	vadd.f32 v2, v6  }
0xc6: {  	v29 =	vmul.f32 v1, v1;
	v5 =	vadd.f32 v16, v61;
	v10 =	vadd.f32 v15, v40;
	v15 =	vld [tilespmem:s5+$0x80F0]  }
0xc7: {  	v31 =	vmul.f32 v4, v4;
	v16 =	vadd.f32 v4, v3;
	v11 =	vadd.f32 v13, v42;
	v13 =	vld [tilespmem:$0x1FFB0]  }
0xc8: {  	v46 =	vmul.f32 v7, v7;
	v5 =	vadd.f32 v5, v41;
	v53 =	vadd.f32 v26, v14;
	v14 =	vld [tilespmem:$0x1FFC0]  }
0xc9: {  	v30 =	vld [tilespmem:s5+$0x80C0];
	v47 =	vmul.f32 v9, v9;
	v44 =	vadd.f32 v29, v28;
	v29 =	vadd.f32 v50, v34  }
0xca: {  	v32 =	vld [tilespmem:s5+$0xC0];
	v8 =	vadd.f32 v16, v43;
	v16 =	vmul.f32 v3, v3;
	v27 =	vadd.f32 v5, v12  }
0xcb: {  	v52 =	vmul.f32 v48, v17;
	v49 =	vadd.f32 v47, v46;
	v28 =	vadd.f32 v29, v56  }
0xcc: {  	v16 =	vadd.f32 v31, v16;
	v25 =	vadd.f32 v27, v25;
	v13 =	vmul.f32 v48, v13  }
0xcd: {  	v10 =	vadd.f32 v10, v52;
	v15 =	vadd.f32 v35, v15;
	v14 =	vmul.f32 v48, v14  }
0xce: {  	v8 =	vadd.f32 v25, v8;
	v25 =	vmul.f32 v48, v21;
	v11 =	vadd.f32 v11, v13  }
0xcf: {  	v6 =	vadd.f32 v53, v14;
	v13 =	vadd.f32 v32, v30;
	v14 =	vmul.f32 v48, v18  }
0xd0: {  	v16 =	vadd.f32 v16, v44;
	v15 =	vadd.f32 v15, v25;
	(xrf2) =	vadd.scan.msk.f32 $0xffff, v8  }
0xd1: {  	v57 =	vmul.f32 v12, v12;
	v13 =	vadd.f32 v13, v14;
	v14 =	vadd.f32 v54, v55  }
0xd2: {  	v58 =	vmul.f32 v5, v5;
	v59 =	vadd.f32 v10, v2;
	v62 =	vadd.f32 v15, v28  }
0xd3: {  	v60 =	vadd.f32 v6, v11;
	v61 =	vadd.f32 v14, v13  }
0xd4: {  	v16 =	vadd.f32 v49, v16;
	v25 =	vadd.f32 v58, v57  }
0xd5: {  	v63 =	vadd.f32 v60, v59;
	v29 =	vadd.f32 v62, v61  }
0xd6: {  	v16 =	vadd.f32 v25, v16  }
0xd7: {  	v8 =	vadd.f32 v29, v63  }
0xd8: {  	(xrf2) =	vadd.scan.msk.f32 $0xffff, v16  }
0xd9: {  	(xrf2) =	vadd.scan.msk.f32 $0xffff, v8  }
0xda: {  	v30, _, _ =	vpop (xrf2)  }
0xdb: {  	(v2sf) =	vpush v30, $0xF;
	_ =	sdelay $0x2  }
0xdc: {  	v45 =	vld [tilespmem:s5+$0x120]  }
0xdd: {  	v47 =	vld [tilespmem:s5+$0x8130]  }
0xde: {  	v40 =	vld [tilespmem:s5+$0x8100];
	v31 =	vmul.f32 v2, v2;
	v16 =	vmul.f32 v10, v10  }
0xdf: {  	v41 =	vld [tilespmem:s5+$0x8110];
	v32 =	vmul.f32 v11, v11;
	v33 =	vmul.f32 v6, v6  }
0xe0: {  	v44 =	vld [tilespmem:s5+$0x8120];
	v35 =	vmul.f32 v13, v13;
	v34, _, _ =	vpop (xrf2);
	v8 =	vadd.f32 v16, v31  }
0xe1: {  	v42 =	vld [tilespmem:s5+$0x110];
	v36 =	vmul.f32 v14, v14;
	v16 =	vadd.f32 v33, v32;
	(v2sf) =	vpush v34, $0xF;
	v37, _, _ =	vpop (xrf2)  }
0xe2: {  	v38 =	vmul.f32 v28, v28;
	v49 =	vld [tilespmem:s5+$0x130];
	(v2sf) =	vpush v37, $0xF  }
0xe3: {  	v57 =	vld [tilespmem:s5+$0x8150];
	v39 =	vmul.f32 v15, v15;
	v8 =	vadd.f32 v16, v8;
	v16 =	vadd.f32 v36, v35  }
0xe4: {  	v53 =	vld [tilespmem:s5+$0x8140]  }
0xe5: {  	v55 =	vld [tilespmem:s5+$0x140];
	v8 =	vadd.f32 v16, v8;
	v16 =	vadd.f32 v39, v38  }
0xe6: {  	v60 =	vld [tilespmem:s5+$0x150]  }
0xe7: {  	v8 =	vadd.f32 v16, v8;
	v16 =	vld [tilespmem:s5+$0x100]  }
0xe8: {  	v63 =	vld [tilespmem:s5+$0x8160];
	s7 =	spop (v2sf)  }
0xe9: {  	v34 =	vld [tilespmem:$0x1FF90];
	s6 =	smul.f32 $7.812500000e-03, s7  }
0xea: {  	v35 =	vadd.f32 v42, v41;
	v36 =	vld [tilespmem:$0x1FFB0]  }
0xeb: {  	v41 =	vld [tilespmem:s5+$0x8180];
	v42 =	vadd.f32 v60, v57;
	v39 =	vadd.f32 v55, v53;
	(xrf2) =	vadd.scan.msk.f32 $0xffff, v8;
	v43 =	vmov s6  }
0xec: {  	v38 =	vld [tilespmem:$0x1FFC0];
	v8 =	vadd.f32 v16, v40;
	v0 =	vsub.f32 v0, v43  }
0xed: {  	v1 =	vsub.f32 v1, v43;
	v51 =	vsub.f32 v12, v43;
	v12 =	vld [tilespmem:s5+$0x160]  }
0xee: {  	v59 =	vbroadcast v24, $0x2;
	v50 =	vsub.f32 v9, v43;
	[tilespmem:$0x1F570] =	vst v0;
	v0 =	vadd.f32 v45, v44;
	v44 =	vld [tilespmem:s5+$0x180]  }
0xef: {  	v46 =	vsub.f32 v3, v43;
	[tilespmem:$0x1F580] =	vst v1;
	v1 =	vadd.f32 v49, v47;
	v47 =	vld [tilespmem:s5+$0x8190]  }
0xf0: {  	v40 =	vmul.f32 v59, v18;
	s7 =	spop (v2sf);
	v48 =	vsub.f32 v4, v43;
	v22 =	vsub.f32 v7, v43;
	[tilespmem:$0x1F5B0] =	vst v50;
	v50 =	vld [tilespmem:s5+$0x190]  }
0xf1: {  	v53 =	vld [tilespmem:s5+$0x81A0];
	v23 =	vsub.f32 v5, v43;
	v3 =	vmul.f32 v59, v38;
	v43 =	vmul.f32 v59, v19;
	s13 =	spop (v2sf)  }
0xf2: {  	v37 =	vld [tilespmem:s5+$0x170];
	v26 =	vadd.f32 v39, v40;
	[tilespmem:$0x1F590] =	vst v46;
	v46 =	vmul.f32 v59, v20;
	v45 =	vadd.f32 v12, v63;
	s3 =	smul.f32 $7.812500000e-03, s13  }
0xf3: {  	v27 =	vadd.f32 v42, v43;
	v49 =	vmul.f32 v59, v21;
	v43 =	vld [tilespmem:$0x1FF90];
	v25 =	vadd.f32 v1, v3  }
0xf4: {  	v16 =	vld [tilespmem:s5+$0x81C0];
	v31 =	vadd.f32 v45, v46;
	v3 =	vadd.f32 v44, v41;
	v54 =	vmov s3  }
0xf5: {  	v52, _, _ =	vpop (xrf2);
	v63 =	vbroadcast v24, $0x3;
	v45 =	vadd.f32 v50, v47;
	v61 =	vsub.f32 v13, v54;
	v13 =	vld [tilespmem:$0x1FFA0]  }
0xf6: {  	v55 =	vmul.f32 v25, v25;
	v46 =	vld [tilespmem:$0x1FFA0];
	(v2sf) =	vpush v52, $0xF;
	v2 =	vsub.f32 v2, v54  }
0xf7: {  	v58 =	vsub.f32 v11, v54;
	v62 =	vsub.f32 v14, v54;
	v11 =	vmul.f32 v59, v34;
	v14 =	vld [tilespmem:s5+$0x8170]  }
0xf8: {  	v38 =	vld [tilespmem:s5+$0x1D0];
	[tilespmem:$0x1F5A0] =	vst v48;
	v7 =	vmul.f32 v63, v43;
	v56 =	vsub.f32 v10, v54;
	v6 =	vsub.f32 v6, v54  }
0xf9: {  	[tilespmem:$0x1F5C0] =	vst v51;
	v44 =	vld [tilespmem:s5+$0x1E0];
	v33 =	vsub.f32 v28, v54;
	v29 =	vadd.f32 v8, v11;
	v8 =	vmul.f32 v59, v36  }
0xfa: {  	v47 =	vld [tilespmem:s5+$0x81F0];
	v4 =	vsub.f32 v15, v54;
	v15 =	vmul.f32 v27, v27;
	[tilespmem:$0x1F600] =	vst v6;
	v13 =	vmul.f32 v59, v13  }
0xfb: {  	v50 =	vld [tilespmem:s5+$0x1F0];
	[tilespmem:$0x1F630] =	vst v33;
	v6 =	vmul.f32 v63, v46;
	v33 =	vadd.f32 v3, v7;
	v0 =	vadd.f32 v0, v8  }
0xfc: {  	[tilespmem:$0x1F5E0] =	vst v56;
	v56 =	vld [tilespmem:s5+$0x1A0];
	v51 =	vmul.f32 v29, v29;
	v48 =	vadd.f32 v37, v14;
	v30 =	vadd.f32 v35, v13  }
0xfd: {  	[tilespmem:$0x1F5F0] =	vst v58;
	v58 =	vld [tilespmem:s5+$0x1B0];
	v34 =	vadd.f32 v45, v6;
	v59 =	vadd.f32 v27, v26;
	v14 =	vmul.f32 v26, v26  }
0xfe: {  	v54 =	vmul.f32 v0, v0;
	v28 =	vadd.f32 v48, v49;
	v49 =	vld [tilespmem:$0x1FFB0];
	v52 =	vmul.f32 v30, v30  }
0xff: {  	[tilespmem:$0x1F610] =	vst v61;
	v61 =	vld [tilespmem:s5+$0x1C0];
	v12 =	vadd.f32 v25, v0;
	v14 =	vadd.f32 v15, v14  }
0x100: {  	[tilespmem:$0x1F640] =	vst v4;
	v6 =	vld [tilespmem:s5+$0x8200];
	v1 =	vadd.f32 v55, v54;
	v4 =	vadd.f32 v52, v51  }
0x101: {  	v37 =	vld [tilespmem:s5+$0x81D0];
	v57 =	vadd.f32 v30, v29;
	v60 =	vadd.f32 v28, v31  }
0x102: {  	v13 =	vld [tilespmem:s5+$0x81B0];
	v48 =	vadd.f32 v56, v53;
	v1 =	vadd.f32 v1, v4  }
0x103: {  	v11 =	vadd.f32 v12, v57;
	v5 =	vadd.f32 v60, v59;
	v52 =	vld [tilespmem:$0x1FFC0];
	v7 =	vmul.f32 v63, v49  }
0x104: {  	v1 =	vadd.f32 v14, v1;
	v14 =	vld [tilespmem:s5+$0x81E0]  }
0x105: {  	v5 =	vadd.f32 v5, v11;
	v35 =	vadd.f32 v48, v7;
	v7 =	vld [tilespmem:s5+$0x8210]  }
0x106: {  	v56 =	vmul.f32 v63, v19;
	v48 =	vld [tilespmem:s5+$0x8220]  }
0x107: {  	v54 =	vmul.f32 v63, v18;
	v60 =	vmul.f32 v63, v21;
	(xrf2) =	vadd.scan.msk.f32 $0xffff, v5;
	v5 =	vld [tilespmem:s5+$0x200]  }
0x108: {  	[tilespmem:$0x1F5D0] =	vst v2;
	v51 =	vadd.f32 v58, v13;
	v58 =	vmul.f32 v63, v20;
	v2 =	vmul.f32 v63, v52;
	v63 =	vld [tilespmem:s5+$0x210]  }
0x109: {  	[tilespmem:$0x1F620] =	vst v62;
	v53 =	vadd.f32 v61, v16;
	v57 =	vadd.f32 v44, v14;
	v14 =	vld [tilespmem:s5+$0x220]  }
0x10a: {  	v55 =	vadd.f32 v38, v37;
	v52 =	vld [tilespmem:s5+$0x8230]  }
0x10b: {  	v15 =	vmul.f32 v31, v31;
	v62 =	vmul.f32 v28, v28;
	v38 =	vadd.f32 v53, v54;
	v54 =	vld [tilespmem:s5+$0x230]  }
0x10c: {  	v61 =	vmul.f32 v33, v33;
	v59 =	vadd.f32 v50, v47;
	v41 =	vadd.f32 v55, v56;
	v55 =	vld [tilespmem:s5+$0x8240]  }
0x10d: {  	v12 =	vadd.f32 v62, v15;
	v62 =	vmul.f32 v34, v34;
	v49 =	vadd.f32 v34, v33;
	v40 =	vld [tilespmem:s5+$0x240]  }
0x10e: {  	v13 =	vmul.f32 v38, v38;
	v50 =	vadd.f32 v59, v60;
	v15 =	vmul.f32 v41, v41;
	v44 =	vld [tilespmem:s5+$0x250]  }
0x10f: {  	v3 =	vadd.f32 v62, v61;
	v36 =	vadd.f32 v51, v2;
	v60 =	vld [tilespmem:$0x1FF90]  }
0x110: {  	v53 =	vadd.f32 v41, v38;
	v46 =	vmul.f32 v35, v35;
	v13 =	vadd.f32 v15, v13;
	v61 =	vld [tilespmem:s5+$0x260]  }
0x111: {  	v12 =	vadd.f32 v12, v1;
	v47 =	vmul.f32 v36, v36;
	v51 =	vadd.f32 v36, v35;
	v62 =	vld [tilespmem:$0x1FFA0]  }
0x112: {  	v59 =	vadd.f32 v5, v6;
	v45 =	vld [tilespmem:s5+$0x270];
	v43 =	vadd.f32 v57, v58  }
0x113: {  	v37 =	vbroadcast v24, $0x4;
	v11 =	vld [tilespmem:s5+$0x8290];
	v7 =	vadd.f32 v63, v7;
	v1 =	vadd.f32 v47, v46  }
0x114: {  	v56 =	vmul.f32 v50, v50;
	v10 =	vadd.f32 v51, v49;
	v57 =	vld [tilespmem:s5+$0x8250];
	v16 =	vadd.f32 v50, v43  }
0x115: {  	v58 =	vld [tilespmem:s5+$0x8260];
	v1 =	vadd.f32 v1, v3;
	v15 =	vmul.f32 v43, v43;
	v9 =	vadd.f32 v14, v48  }
0x116: {  	v5 =	vmul.f32 v37, v60;
	v14 =	vld [tilespmem:$0x1FFB0];
	v2 =	vadd.f32 v54, v52;
	v4 =	vadd.f32 v16, v53  }
0x117: {  	v63 =	vld [tilespmem:s5+$0x8270];
	v8 =	vmul.f32 v37, v62;
	v1 =	vadd.f32 v13, v1;
	v15 =	vadd.f32 v56, v15  }
0x118: {  	v46 =	vld [tilespmem:s5+$0x82B0];
	v54 =	vmul.f32 v37, v18;
	v53 =	vadd.f32 v40, v55;
	v39 =	vadd.f32 v59, v5;
	v16, _, _ =	vpop (xrf2)  }
0x119: {  	v56 =	vmul.f32 v37, v19;
	(v2sf) =	vpush v16, $0xF;
	v16 =	vadd.f32 v15, v1;
	v15 =	vld [tilespmem:$0x1FFC0]  }
0x11a: {  	v60 =	vld [tilespmem:s5+$0x290];
	v42 =	vadd.f32 v7, v8;
	v55 =	vadd.f32 v44, v57;
	v57 =	vmul.f32 v37, v20  }
0x11b: {  	v5 =	vld [tilespmem:s5+$0x8280];
	v13 =	vadd.f32 v4, v10;
	v4 =	vadd.f32 v61, v58;
	v14 =	vmul.f32 v37, v14  }
0x11c: {  	v8 =	vld [tilespmem:s5+$0x280];
	v59 =	vmul.f32 v37, v21;
	v58 =	vadd.f32 v45, v63;
	v1 =	vadd.f32 v53, v54  }
0x11d: {  	v62 =	vld [tilespmem:s5+$0x82A0];
	v49 =	vmul.f32 v39, v39;
	v51 =	vadd.f32 v9, v14;
	v14 =	vmul.f32 v42, v42  }
0x11e: {  	v61 =	vadd.f32 v42, v39;
	v3 =	vadd.f32 v58, v59;
	v59 =	vld [tilespmem:$0x1FF90];
	v15 =	vmul.f32 v37, v15  }
0x11f: {  	v40 =	vadd.f32 v4, v57;
	v9 =	vld [tilespmem:s5+$0x82E0];
	v10 =	vadd.f32 v14, v49  }
0x120: {  	v14 =	vld [tilespmem:s5+$0x2B0];
	v32 =	vadd.f32 v2, v15;
	v2 =	vadd.f32 v55, v56  }
0x121: {  	v47 =	vadd.f32 v3, v40;
	v5 =	vadd.f32 v8, v5;
	v49 =	vld [tilespmem:s5+$0x82C0];
	v37 =	vbroadcast v24, $0x5  }
0x122: {  	v53 =	vmul.f32 v51, v51;
	v15 =	vld [tilespmem:s5+$0x2A0];
	v52 =	vadd.f32 v2, v1;
	v54 =	vmul.f32 v32, v32  }
0x123: {  	v55 =	vmul.f32 v1, v1;
	v8 =	vmul.f32 v37, v59;
	v59 =	vld [tilespmem:s5+$0x2F0];
	v63 =	vadd.f32 v32, v51  }
0x124: {  	v48 =	vmul.f32 v2, v2;
	v44 =	vadd.f32 v54, v53;
	v56 =	vadd.f32 v47, v52;
	v47 =	vld [tilespmem:s5+$0x2C0]  }
0x125: {  	v4 =	vadd.f32 v63, v61;
	v61 =	vld [tilespmem:$0x1FFA0]  }
0x126: {  	v57 =	vadd.f32 v48, v55;
	v63 =	vld [tilespmem:s5+$0x82F0];
	v10 =	vadd.f32 v44, v10  }
0x127: {  	v54 =	vadd.f32 v56, v4;
	v56 =	vld [tilespmem:$0x1FFB0]  }
0x128: {  	v44 =	vadd.f32 v57, v10;
	v57 =	vld [tilespmem:$0x1FFC0]  }
0x129: {  	v58 =	vmul.f32 v40, v40;
	v48 =	vld [tilespmem:s5+$0x82D0];
	v52 =	vmul.f32 v3, v3  }
0x12a: {  	v60 =	vadd.f32 v60, v11;
	v14 =	vadd.f32 v14, v46;
	v53 =	vld [tilespmem:s5+$0x2D0];
	v6 =	vmul.f32 v37, v61  }
0x12b: {  	v62 =	vadd.f32 v15, v62;
	v45 =	vadd.f32 v52, v58;
	v10 =	vld [tilespmem:s5+$0x2E0];
	v61 =	vmul.f32 v37, v18  }
0x12c: {  	v15 =	vmul.f32 v37, v56;
	v7 =	vadd.f32 v60, v6;
	v60 =	vadd.f32 v47, v49  }
0x12d: {  	v4 =	vadd.f32 v5, v8;
	v63 =	vadd.f32 v59, v63;
	v58 =	vmul.f32 v37, v57  }
0x12e: {  	v8 =	vadd.f32 v62, v15;
	v6 =	vadd.f32 v60, v61;
	v15 =	vmul.f32 v37, v19  }
0x12f: {  	v62 =	vmul.f32 v37, v20;
	v5 =	vadd.f32 v14, v58;
	v14 =	vadd.f32 v53, v48  }
0x130: {  	(xrf2) =	vadd.scan.msk.f32 $0xffff, v12;
	v12 =	vld [tilespmem:$0x1FF90];
	v10 =	vadd.f32 v10, v9;
	v37 =	vmul.f32 v37, v21;
	v60 =	vmul.f32 v4, v4  }
0x131: {  	v17 =	vld [tilespmem:s5+$0x370];
	v9 =	vadd.f32 v14, v15;
	v14 =	vmul.f32 v8, v8;
	v15 =	vmul.f32 v5, v5  }
0x132: {  	v61 =	vmul.f32 v7, v7;
	v11 =	vadd.f32 v10, v62;
	v10 =	vadd.f32 v63, v37;
	v37 =	vld [tilespmem:s5+$0x8320]  }
0x133: {  	v14 =	vadd.f32 v15, v14;
	v15 =	vld [tilespmem:s5+$0x320]  }
0x134: {  	v46 =	vld [tilespmem:s5+$0x8300];
	v47 =	vadd.f32 v61, v60  }
0x135: {  	v55 =	vld [tilespmem:s5+$0x8310];
	v62 =	vadd.f32 v7, v4;
	v63 =	vadd.f32 v5, v8  }
0x136: {  	v56 =	vld [tilespmem:s5+$0x310];
	v58 =	vadd.f32 v10, v11;
	v57 =	vadd.f32 v9, v6  }
0x137: {  	v48 =	vld [tilespmem:s5+$0x300];
	v52 =	vmul.f32 v6, v6;
	v49 =	vadd.f32 v63, v62;
	v60 =	vmul.f32 v9, v9  }
0x138: {  	v57 =	vadd.f32 v58, v57;
	v37 =	vadd.f32 v15, v37;
	v15 =	vld [tilespmem:$0x1FFA0]  }
0x139: {  	v59 =	vld [tilespmem:s5+$0x330];
	v14 =	vadd.f32 v14, v47;
	v52 =	vadd.f32 v60, v52  }
0x13a: {  	v44 =	vadd.f32 v45, v44;
	v53 =	vld [tilespmem:s5+$0x8330]  }
0x13b: {  	v61 =	vld [tilespmem:s5+$0x8340];
	v45 =	vadd.f32 v57, v49;
	v57 =	vadd.f32 v52, v14;
	v52 =	vbroadcast v24, $0x6  }
0x13c: {  	v62 =	vld [tilespmem:s5+$0x8350];
	v58 =	vmul.f32 v11, v11;
	v60 =	vmul.f32 v10, v10  }
0x13d: {  	v14 =	vadd.f32 v48, v46;
	v46 =	vadd.f32 v56, v55;
	v55 =	vmul.f32 v52, v15;
	v15 =	vld [tilespmem:$0x1FFB0]  }
0x13e: {  	v47 =	vld [tilespmem:s5+$0x340]  }
0x13f: {  	v58 =	vadd.f32 v60, v58;
	v60 =	vld [tilespmem:s5+$0x8360]  }
0x140: {  	v48 =	vld [tilespmem:s5+$0x360]  }
0x141: {  	v56 =	vld [tilespmem:s5+$0x8370]  }
0x142: {  	v53 =	vadd.f32 v59, v53;
	v59 =	vmul.f32 v52, v15;
	v15 =	vld [tilespmem:$0x1FFC0]  }
0x143: {  	(xrf2) =	vadd.scan.msk.f32 $0xffff, v13;
	v49 =	vld [tilespmem:s5+$0x350]  }
0x144: {  	s1 =	spop (v2sf);
	(xrf2) =	vadd.scan.msk.f32 $0xffff, v16  }
0x145: {  	(xrf2) =	vadd.scan.msk.f32 $0xffff, v54;
	s16 =	spop (v2sf);
	v12 =	vmul.f32 v52, v12;
	v54 =	vadd.f32 v58, v57  }
0x146: {  	s13 =	smul.f32 $7.812500000e-03, s16;
	v16 =	vadd.f32 v47, v61;
	v61 =	vmul.f32 v52, v18;
	v60 =	vadd.f32 v48, v60  }
0x147: {  	v17 =	vadd.f32 v17, v56;
	v63 =	vmul.f32 v52, v15;
	v15 =	vadd.f32 v14, v12  }
0x148: {  	v14 =	vadd.f32 v37, v59;
	v37 =	vadd.f32 v49, v62;
	v49 =	vmov s13  }
0x149: {  	v12 =	vadd.f32 v46, v55;
	v62 =	vmul.f32 v52, v19;
	v56 =	vsub.f32 v30, v49  }
0x14a: {  	v59 =	vmul.f32 v52, v21;
	v30 =	vsub.f32 v26, v49;
	v13 =	vadd.f32 v53, v63  }
0x14b: {  	v53 =	vadd.f32 v16, v61;
	v48 =	vadd.f32 v37, v62  }
0x14c: {  	(xrf2) =	vadd.scan.msk.f32 $0xffff, v44;
	v63 =	vmul.f32 v52, v20;
	v16 =	vadd.f32 v17, v59;
	v17 =	vadd.f32 v12, v15;
	v61, _, _ =	vpop (xrf2)  }
0x14d: {  	v59 =	vsub.f32 v29, v49;
	(v2sf) =	vpush v61, $0xF  }
0x14e: {  	(xrf2) =	vadd.scan.msk.f32 $0xffff, v45;
	[tilespmem:$0x1F650] =	vst v56;
	v56 =	vsub.f32 v25, v49;
	v52 =	vadd.f32 v60, v63  }
0x14f: {  	v47 =	vld [tilespmem:s5+$0x3A0];
	v57, _, _ =	vpop (xrf2);
	(xrf2) =	vadd.scan.msk.f32 $0xffff, v54;
	v54 =	vsub.f32 v31, v49;
	v60 =	vadd.f32 v13, v14  }
0x150: {  	v26 =	vld [tilespmem:s5+$0x83A0];
	v62 =	vadd.f32 v48, v53;
	v63 =	vadd.f32 v16, v52  }
0x151: {  	v61 =	vmul.f32 v15, v15;
	(v2sf) =	vpush v57, $0xF;
	v57 =	vsub.f32 v0, v49  }
0x152: {  	v58, _, _ =	vpop (xrf2);
	v29 =	vmul.f32 v13, v13;
	v17 =	vadd.f32 v60, v17;
	v55 =	vadd.f32 v63, v62  }
0x153: {  	v44 =	vld [tilespmem:s5+$0x8380];
	(v2sf) =	vpush v58, $0xF;
	v58 =	vsub.f32 v27, v49;
	v62 =	vmul.f32 v12, v12  }
0x154: {  	v37 =	vld [tilespmem:s5+$0x8390];
	v60, _, _ =	vpop (xrf2);
	v63 =	vmul.f32 v14, v14;
	v17 =	vadd.f32 v55, v17;
	v55 =	vmul.f32 v53, v53  }
0x155: {  	v45 =	vld [tilespmem:s5+$0x390];
	v26 =	vadd.f32 v47, v26;
	(v2sf) =	vpush v60, $0xF  }
0x156: {  	v31 =	vld [tilespmem:s5+$0x3B0];
	[tilespmem:$0x1F660] =	vst v54;
	v54 =	vmul.f32 v48, v48;
	v27, _, _ =	vpop (xrf2);
	v0 =	vadd.f32 v62, v61;
	v25 =	vadd.f32 v29, v63  }
0x157: {  	v47 =	vld [tilespmem:$0x1FFB0];
	v60 =	vsub.f32 v28, v49;
	(v2sf) =	vpush v27, $0xF  }
0x158: {  	v28 =	vld [tilespmem:s5+$0x3C0];
	(xrf2) =	vadd.scan.msk.f32 $0xffff, v17;
	v0 =	vadd.f32 v25, v0;
	v25 =	vadd.f32 v54, v55;
	v55, _, _ =	vpop (xrf2)  }
0x159: {  	(v2sf) =	vpush v55, $0xF;
	v55 =	vmov v18;
	v18 =	vld [tilespmem:$0x1FF90]  }
0x15a: {  	v27 =	vld [tilespmem:s5+$0x83B0]  }
0x15b: {  	v17 =	vld [tilespmem:s5+$0x380]  }
0x15c: {  	v54 =	vld [tilespmem:s5+$0x83C0];
	v0 =	vadd.f32 v25, v0;
	v25 =	vbroadcast v24, $0x7;
	v61, _, _ =	vpop (xrf2)  }
0x15d: {  	v62 =	vmul.f32 v52, v52;
	v63 =	vmul.f32 v16, v16;
	(v2sf) =	vpush v61, $0xF;
	v61 =	vld [tilespmem:$0x1FFC0]  }
0x15e: {  	v49 =	vmul.f32 v25, v18;
	v18 =	vld [tilespmem:$0x1FFA0]  }
0x15f: {  	v46 =	vadd.f32 v63, v62;
	v62 =	vld [tilespmem:s5+$0x3D0]  }
0x160: {  	v17 =	vadd.f32 v17, v44;
	v44 =	vld [tilespmem:s5+$0x83D0]  }
0x161: {  	v37 =	vadd.f32 v45, v37;
	v27 =	vadd.f32 v31, v27  }
0x162: {  	v63 =	vadd.f32 v46, v0;
	v31 =	vmul.f32 v25, v47;
	v45, _, _ =	vpop (xrf2);
	v49 =	vadd.f32 v17, v49;
	v17 =	vld [tilespmem:s5+$0x3E0]  }
0x163: {  	(v2sf) =	vpush v45, $0xF;
	v45 =	vmul.f32 v25, v61;
	v61 =	vld [tilespmem:s5+$0x3F0];
	v29 =	vmul.f32 v25, v18  }
0x164: {  	v28 =	vadd.f32 v28, v54;
	v54 =	vmul.f32 v25, v55;
	v47 =	vadd.f32 v26, v31;
	v18 =	vld [tilespmem:s5+$0x83E0]  }
0x165: {  	v0 =	vmul.f32 v25, v19;
	v62 =	vadd.f32 v62, v44;
	v29 =	vadd.f32 v37, v29;
	v37 =	vld [tilespmem:s5+$0x83F0]  }
0x166: {  	v54 =	vadd.f32 v28, v54;
	v46 =	vadd.f32 v27, v45  }
0x167: {  	v44 =	vmul.f32 v25, v20;
	v26 =	vmul.f32 v49, v49;
	v45 =	vadd.f32 v62, v0  }
0x168: {  	s6 =	smul.f32 s6, s6;
	v62 =	vmul.f32 v46, v46;
	v27 =	vmul.f32 v29, v29  }
0x169: {  	s18 =	smul.f32 $7.812500000e-03, s7;
	v28 =	vadd.f32 v45, v54;
	v17 =	vadd.f32 v17, v18;
	v18 =	vmul.f32 v47, v47  }
0x16a: {  	v25 =	vmul.f32 v25, v21;
	v26 =	vadd.f32 v27, v26;
	v0 =	vadd.f32 v61, v37  }
0x16b: {  	s6 =	ssub.f32 s18, s6;
	v18 =	vadd.f32 v62, v18;
	v37 =	vadd.f32 v17, v44  }
0x16c: {  	v61 =	vmul.f32 v54, v54;
	v62 =	vmul.f32 v45, v45;
	v44 =	vadd.f32 v0, v25  }
0x16d: {  	s6 =	sadd.f32 $9.999999740e-06, s6;
	s0 =	spop (v2sf);
	v17 =	vadd.f32 v18, v26;
	v18 =	vadd.f32 v29, v49  }
0x16e: {  	s19 =	spop (v2sf);
	v25 =	vadd.f32 v46, v47;
	v26 =	vadd.f32 v62, v61;
	v27 =	vmul.f32 v37, v37  }
0x16f: {  	s16 =	smul.f32 $7.812500000e-03, s19;
	v62 =	vmov s6;
	v31 =	vadd.f32 v44, v37;
	v0 =	vmul.f32 v44, v44  }
0x170: {  	s28 =	spop (v2sf);
	v18 =	vadd.f32 v25, v18;
	v17 =	vadd.f32 v26, v17;
	v25 =	vmul.f32 $5.000000000e-01, v62  }
0x171: {  	s20 =	spop (v2sf);
	v28 =	vadd.f32 v31, v28;
	v26 =	vadd.f32 v0, v27;
	v31 =	vmov s16  }
0x172: {  	s19 =	smul.f32 $7.812500000e-03, s20;
	s20 =	spop (v2sf);
	v0 =	vshra.s32 v62, $0x1;
	v62 =	vsub.f32 v34, v31;
	v34 =	vsub.f32 v35, v31  }
0x173: {  	s7 =	spop (v2sf);
	v35 =	vsub.f32 v36, v31  }
0x174: {  	(xrf2) =	vadd.scan.msk.f32 $0xffff, v63;
	s7 =	smul.f32 $7.812500000e-03, s7;
	v27 =	vsub.s32 $0x5F3759DF, v0;
	v41 =	vsub.f32 v41, v31;
	[tilespmem:$0x1F670] =	vst v34  }
0x175: {  	v61 =	vsub.f32 v33, v31;
	v43 =	vsub.f32 v43, v31;
	v36 =	vmul.f32 v27, v25;
	[tilespmem:$0x1F680] =	vst v35  }
0x176: {  	v63 =	vsub.f32 v38, v31;
	[tilespmem:$0x1F690] =	vst v41;
	v34 =	vsub.f32 v50, v31;
	v31 =	vmov s7  }
0x177: {  	[tilespmem:$0x1F6A0] =	vst v43;
	v35 =	vmul.f32 v27, v36;
	v36 =	vmov s19;
	v33 =	vsub.f32 v4, v31  }
0x178: {  	v18 =	vadd.f32 v28, v18;
	[tilespmem:$0x1F6B0] =	vst v34;
	v39 =	vsub.f32 v39, v36  }
0x179: {  	v17 =	vadd.f32 v26, v17;
	v26 =	vld [tilespmem:s5+$0x8430];
	v41 =	vsub.f32 v42, v36;
	[tilespmem:$0x1F740] =	vst v33  }
0x17a: {  	v4 =	vld [tilespmem:s5+$0x400];
	v42 =	vsub.f32 v51, v36;
	[tilespmem:$0x1F6C0] =	vst v39  }
0x17b: {  	(xrf2) =	vadd.scan.msk.f32 $0xffff, v18;
	v18 =	vld [tilespmem:s5+$0x8470];
	v43 =	vsub.f32 v32, v36;
	[tilespmem:$0x1F6D0] =	vst v41  }
0x17c: {  	v50 =	vsub.f32 v1, v36;
	v51 =	vsub.f32 v2, v36;
	v2 =	vld [tilespmem:s5+$0x8400];
	[tilespmem:$0x1F6E0] =	vst v42  }
0x17d: {  	s18 =	spop (v2sf);
	v38 =	vsub.f32 $1.500000000e+00, v35;
	v35 =	vsub.f32 v8, v31;
	v8 =	vld [tilespmem:s5+$0x420];
	[tilespmem:$0x1F6F0] =	vst v43  }
0x17e: {  	s3 =	smul.f32 s3, s3;
	s6 =	spop (v2sf);
	v28 =	vsub.f32 v40, v36;
	v32 =	vsub.f32 v3, v36;
	[tilespmem:$0x1F700] =	vst v50;
	v43 =	vld [tilespmem:s5+$0x410]  }
0x17f: {  	s6 =	smul.f32 $7.812500000e-03, s6;
	v34 =	vsub.f32 v7, v31;
	[tilespmem:$0x1F710] =	vst v51;
	v39 =	vsub.f32 v6, v31;
	v6 =	vld [tilespmem:s5+$0x8420]  }
0x180: {  	s1 =	smul.f32 $7.812500000e-03, s1;
	v40 =	vsub.f32 v9, v31;
	[tilespmem:$0x1F730] =	vst v32;
	v41 =	vsub.f32 v11, v31;
	v32 =	vld [tilespmem:s5+$0x430]  }
0x181: {  	[tilespmem:$0x1F720] =	vst v28;
	v51 =	vmov s6;
	v27 =	vmul.f32 v27, v38;
	v38 =	vsub.f32 v5, v31;
	v5 =	vld [tilespmem:s5+$0x8410]  }
0x182: {  	s1 =	ssub.f32 s1, s3;
	[tilespmem:$0x1F750] =	vst v34;
	v50 =	vsub.f32 v10, v31;
	v28 =	vsub.f32 v13, v51;
	v13 =	vld [tilespmem:s5+$0x8440]  }
0x183: {  	(xrf2) =	vadd.scan.msk.f32 $0xffff, v17;
	v9 =	vsub.f32 v15, v51;
	v10 =	vsub.f32 v12, v51;
	v15 =	vld [tilespmem:s5+$0x8450];
	[tilespmem:$0x1F780] =	vst v39  }
0x184: {  	s1 =	sadd.f32 $9.999999740e-06, s1;
	v11 =	vsub.f32 v14, v51;
	v33 =	vsub.f32 v48, v51;
	v48 =	vld [tilespmem:s5+$0x8460];
	[tilespmem:$0x1F7A0] =	vst v41;
	v36 =	vmul.f32 v27, v25  }
0x185: {  	v31 =	vsub.f32 v53, v51;
	v34 =	vsub.f32 v52, v51;
	v41 =	vld [tilespmem:$0x1FF90];
	[tilespmem:$0x1F770] =	vst v38  }
0x186: {  	v12 =	vbroadcast v24, $0x8;
	v52 =	vld [tilespmem:$0x1FFA0];
	v42, _, _ =	vpop (xrf2);
	v39 =	vmov s1;
	[tilespmem:$0x1F7C0] =	vst v9;
	v3 =	vmul.f32 v36, v27  }
0x187: {  	(v2sf) =	vpush v42, $0xF;
	[tilespmem:$0x1F7D0] =	vst v10;
	v38 =	vld [tilespmem:s5+$0x440];
	v2 =	vadd.f32 v4, v2;
	v42 =	vshra.s32 v39, $0x1  }
0x188: {  	[tilespmem:$0x1F7F0] =	vst v28;
	v4 =	vmul.f32 $5.000000000e-01, v39;
	v10 =	vld [tilespmem:$0x1FFB0];
	v36 =	vsub.f32 v16, v51;
	v3 =	vsub.f32 $1.500000000e+00, v3  }
0x189: {  	[tilespmem:$0x1F800] =	vst v31;
	v28 =	vmul.f32 v12, v55;
	v31 =	vld [tilespmem:s5+$0x470];
	v6 =	vadd.f32 v8, v6;
	v9 =	vadd.f32 v32, v26  }
0x18a: {  	v43 =	vadd.f32 v43, v5;
	v14 =	vmul.f32 v12, v41;
	v3 =	vmul.f32 v3, v27;
	v27 =	vld [tilespmem:$0x1FFC0]  }
0x18b: {  	[tilespmem:$0x1F760] =	vst v35;
	v16 =	vld [tilespmem:s5+$0x450];
	v5 =	vsub.s32 $0x5F3759DF, v42;
	v53 =	vmul.f32 v12, v52;
	v42 =	vmul.f32 v12, v20;
	v35, _, _ =	vpop (xrf2)  }
0x18c: {  	[tilespmem:$0x1F7B0] =	vst v50;
	v51 =	vmul.f32 v5, v4;
	(v2sf) =	vpush v35, $0xF;
	v50 =	vadd.f32 v2, v14;
	v14 =	vld [tilespmem:s5+$0x460]  }
0x18d: {  	[tilespmem:$0x1F790] =	vst v40;
	v40, _, _ =	vpop (xrf2);
	v26 =	vmul.f32 v12, v10;
	v41 =	vadd.f32 v43, v53;
	v1 =	vadd.f32 v38, v13  }
0x18e: {  	v52 =	vadd.f32 v31, v18;
	(v2sf) =	vpush v40, $0xF;
	v35 =	vmul.f32 v5, v51  }
0x18f: {  	v38 =	vadd.f32 v6, v26;
	v43 =	vadd.f32 v1, v28;
	v17 =	vmul.f32 v12, v27  }
0x190: {  	v40 =	vmul.f32 v12, v19;
	v39 =	vadd.f32 v16, v15;
	v6 =	vsub.f32 $1.500000000e+00, v35  }
0x191: {  	[tilespmem:$0x1F830] =	vst v36;
	v31 =	vld [tilespmem:s5+$0x8480];
	v51 =	vmul.f32 v41, v41;
	v7 =	vadd.f32 v14, v48;
	v36 =	vadd.f32 v9, v17  }
0x192: {  	[tilespmem:$0x1F810] =	vst v33;
	v13 =	vld [tilespmem:s5+$0x480];
	v33 =	vadd.f32 v39, v40;
	v48 =	vmul.f32 v50, v50;
	v27 =	vmul.f32 v12, v21  }
0x193: {  	[tilespmem:$0x1F820] =	vst v34;
	v18 =	vld [tilespmem:s5+$0x4A0];
	v53 =	vmul.f32 v38, v38;
	v34 =	vadd.f32 v7, v42;
	v26 =	vmul.f32 v36, v36  }
0x194: {  	v1 =	vadd.f32 v51, v48;
	v35 =	vadd.f32 v52, v27;
	v42 =	vmul.f32 v3, v25;
	v48 =	vld [tilespmem:s5+$0x8490]  }
0x195: {  	v2 =	vadd.f32 v26, v53;
	v53 =	vld [tilespmem:s5+$0x490]  }
0x196: {  	s13 =	smul.f32 s13, s13;
	v14 =	vld [tilespmem:s5+$0x84A0];
	v16 =	vadd.f32 v33, v43;
	v8 =	vmul.f32 v42, v3;
	v17 =	vadd.f32 v35, v34  }
0x197: {  	s0 =	smul.f32 $7.812500000e-03, s0;
	v28 =	vadd.f32 v41, v50;
	v40 =	vmul.f32 v43, v43;
	v12 =	vmul.f32 v33, v33;
	v27 =	vld [tilespmem:s5+$0x84B0]  }
0x198: {  	v16 =	vadd.f32 v17, v16;
	v17 =	vld [tilespmem:s5+$0x4B0];
	v8 =	vsub.f32 $1.500000000e+00, v8  }
0x199: {  	s0 =	ssub.f32 s0, s13;
	v5 =	vmul.f32 v5, v6;
	v51 =	vadd.f32 v12, v40;
	v10 =	vadd.f32 v36, v38;
	v26 =	vld [tilespmem:s5+$0x84C0]  }
0x19a: {  	v1 =	vadd.f32 v2, v1;
	v3 =	vmul.f32 v8, v3;
	v8 =	vadd.f32 v53, v48;
	v48 =	vld [tilespmem:$0x1FF90]  }
0x19b: {  	s0 =	sadd.f32 $9.999999740e-06, s0;
	[tilespmem:$0x1F7E0] =	vst v11;
	v11 =	vadd.f32 v13, v31;
	v15 =	vmul.f32 v5, v4;
	v6 =	vadd.f32 v10, v28;
	v28 =	vld [tilespmem:s5+$0x4C0]  }
0x19c: {  	v32 =	vmul.f32 v34, v34;
	v39 =	vmul.f32 v35, v35;
	v1 =	vadd.f32 v51, v1;
	v51 =	vld [tilespmem:$0x1FFA0]  }
0x19d: {  	v13 =	vbroadcast v24, $0x9;
	v52 =	vmov s0;
	v15 =	vmul.f32 v15, v5;
	v10 =	vld [tilespmem:s5+$0x84D0]  }
0x19e: {  	v12 =	vshra.s32 v52, $0x1;
	v7 =	vmul.f32 $5.000000000e-01, v52;
	v25 =	vadd.f32 v39, v32;
	v39 =	vld [tilespmem:$0x1F570]  }
0x19f: {  	v12 =	vsub.s32 $0x5F3759DF, v12;
	v42 =	vsub.f32 $1.500000000e+00, v15;
	v15 =	vmul.f32 v13, v48;
	v48 =	vld [tilespmem:$0x1FFB0]  }
0x1a0: {  	v40 =	vmul.f32 v12, v7;
	v53 =	vld [tilespmem:s5+$0x4D0]  }
0x1a1: {  	v9 =	vadd.f32 v25, v1;
	v1 =	vld [tilespmem:s5+$0x84E0];
	v52 =	vmul.f32 v13, v51  }
0x1a2: {  	v5 =	vmul.f32 v42, v5;
	v2 =	vmul.f32 v12, v40;
	v6 =	vadd.f32 v16, v6;
	v51 =	vld [tilespmem:$0x1FFC0]  }
0x1a3: {  	v40 =	vadd.f32 v18, v14;
	v18 =	vmul.f32 v13, v55;
	v31 =	vadd.f32 v8, v52;
	v8 =	vld [tilespmem:s5+$0x4E0]  }
0x1a4: {  	v4 =	vmul.f32 v5, v4;
	v2 =	vsub.f32 $1.500000000e+00, v2;
	v52 =	vld [tilespmem:s5+$0x4F0];
	v14 =	vmul.f32 v13, v48  }
0x1a5: {  	v16 =	vadd.f32 v28, v26;
	v0 =	vmul.f32 v3, v39;
	v42 =	vadd.f32 v11, v15;
	v15 =	vld [tilespmem:s5+$0x84F0]  }
0x1a6: {  	v10 =	vadd.f32 v53, v10;
	v53 =	vmul.f32 v13, v19;
	v32 =	vadd.f32 v40, v14;
	v40 =	vld [tilespmem:$0x1F580]  }
0x1a7: {  	v2 =	vmul.f32 v12, v2;
	v12 =	vadd.f32 v17, v27;
	v26 =	vadd.f32 v16, v18  }
0x1a8: {  	v27 =	vadd.f32 v10, v53;
	v53 =	vmul.f32 v13, v21;
	v17 =	vmul.f32 v13, v51;
	v48 =	vld [tilespmem:$0x1F590]  }
0x1a9: {  	v11 =	vmul.f32 v2, v7;
	v51 =	vmul.f32 v13, v20;
	v1 =	vadd.f32 v8, v1  }
0x1aa: {  	(xrf2) =	vadd.scan.msk.f32 $0xffff, v6;
	v39 =	vld [tilespmem:$0x1F5A0];
	v13 =	vmul.f32 v42, v42;
	v25 =	vadd.f32 v12, v17;
	v52 =	vadd.f32 v52, v15  }
0x1ab: {  	[tilespmem:$0x1F8D0] =	vst v0;
	v14 =	vmul.f32 v31, v31;
	v28 =	vadd.f32 v1, v51;
	v0 =	vmul.f32 v3, v40  }
0x1ac: {  	v8 =	vld [tilespmem:$0x1F5B0];
	v16 =	vmul.f32 v25, v25;
	v51 =	vadd.f32 v52, v53;
	v52 =	vmul.f32 v3, v22  }
0x1ad: {  	v53 =	vmul.f32 v11, v2;
	[tilespmem:$0x1F8E0] =	vst v0;
	v0 =	vmul.f32 v3, v48  }
0x1ae: {  	s3 =	smul.f32 $7.812500000e-03, s28;
	v10 =	vld [tilespmem:$0x1F5C0];
	v11 =	vmul.f32 v3, v23;
	[tilespmem:$0x1F910] =	vst v52;
	v40 =	vmul.f32 v4, v5  }
0x1af: {  	s13 =	smul.f32 s16, s16;
	v52 =	vadd.f32 v27, v26;
	v12 =	vadd.f32 v51, v28;
	[tilespmem:$0x1F8F0] =	vst v0;
	v0 =	vmul.f32 v3, v39  }
0x1b0: {  	v1 =	vsub.f32 $1.500000000e+00, v40;
	v39 =	vsub.f32 $1.500000000e+00, v53;
	v53 =	vmul.f32 v32, v32  }
0x1b1: {  	s0 =	ssub.f32 s3, s13;
	v40 =	vadd.f32 v31, v42;
	v48 =	vadd.f32 v25, v32;
	[tilespmem:$0x1F900] =	vst v0;
	v0 =	vmul.f32 v3, v8  }
0x1b2: {  	v18 =	vld [tilespmem:s5+$0x8530];
	v2 =	vmul.f32 v39, v2;
	v39 =	vadd.f32 v12, v52;
	v4 =	vadd.f32 v16, v53  }
0x1b3: {  	s0 =	sadd.f32 $9.999999740e-06, s0;
	v17 =	vld [tilespmem:s5+$0x8520];
	[tilespmem:$0x1F920] =	vst v0;
	v0 =	vmul.f32 v3, v10;
	v10 =	vmul.f32 v1, v5;
	v1 =	vadd.f32 v48, v40  }
0x1b4: {  	v12 =	vld [tilespmem:s5+$0x520];
	v16 =	vmul.f32 v27, v27;
	v40 =	vadd.f32 v14, v13;
	v13, _, _ =	vpop (xrf2);
	v14 =	vmul.f32 v26, v26  }
0x1b5: {  	v48 =	vmov s0;
	v3 =	vld [tilespmem:s5+$0x530];
	(v2sf) =	vpush v13, $0xF;
	v13 =	vadd.f32 v39, v1  }
0x1b6: {  	v15 =	vld [tilespmem:s5+$0x510];
	v52 =	vadd.f32 v16, v14;
	v14 =	vmul.f32 $5.000000000e-01, v48;
	v1 =	vshra.s32 v48, $0x1  }
0x1b7: {  	[tilespmem:$0x1F940] =	vst v11;
	v11 =	vld [tilespmem:s5+$0x8510];
	v53 =	vmul.f32 v2, v7;
	v4 =	vadd.f32 v4, v40;
	v1 =	vsub.s32 $0x5F3759DF, v1  }
0x1b8: {  	v6 =	vld [tilespmem:s5+$0x8500];
	[tilespmem:$0x1F930] =	vst v0;
	v0 =	vmul.f32 v1, v14  }
0x1b9: {  	v52 =	vadd.f32 v52, v4;
	v4 =	vmul.f32 v53, v2;
	v53 =	vld [tilespmem:$0x1FF90]  }
0x1ba: {  	v12 =	vadd.f32 v12, v17;
	v17 =	vadd.f32 v3, v18;
	v3 =	vmul.f32 v1, v0;
	v0 =	vld [tilespmem:$0x1FFB0]  }
0x1bb: {  	v8 =	vld [tilespmem:s5+$0x500]  }
0x1bc: {  	v11 =	vadd.f32 v15, v11;
	v15 =	vbroadcast v24, $0xA;
	v16 =	vld [tilespmem:s5+$0x8540]  }
0x1bd: {  	v48 =	vld [tilespmem:s5+$0x540]  }
0x1be: {  	v18 =	vmul.f32 v15, v53;
	v53 =	vld [tilespmem:$0x1FFA0]  }
0x1bf: {  	v21 =	vmul.f32 v15, v0;
	v0 =	vld [tilespmem:$0x1FFC0]  }
0x1c0: {  	v39 =	vmul.f32 v28, v28;
	v40 =	vmul.f32 v51, v51  }
0x1c1: {  	v5 =	vld [tilespmem:s5+$0x8550]  }
0x1c2: {  	v6 =	vadd.f32 v8, v6;
	v8 =	vld [tilespmem:s5+$0x550];
	v39 =	vadd.f32 v40, v39  }
0x1c3: {  	v7 =	vld [tilespmem:s5+$0x560];
	v4 =	vsub.f32 $1.500000000e+00, v4;
	v20 =	vsub.f32 $1.500000000e+00, v3;
	v53 =	vmul.f32 v15, v53  }
0x1c4: {  	v40 =	vld [tilespmem:s5+$0x8560];
	v3 =	vadd.f32 v6, v18;
	v6 =	vadd.f32 v48, v16;
	v22 =	vmul.f32 v15, v0  }
0x1c5: {  	v48 =	vld [tilespmem:$0x1FFD0];
	v0 =	vmul.f32 v4, v2;
	v4 =	vadd.f32 v11, v53;
	v53 =	vmul.f32 v15, v55  }
0x1c6: {  	v11 =	vmul.f32 v1, v20;
	v1 =	vadd.f32 v12, v21;
	v12 =	vld [tilespmem:$0x1FFE0]  }
0x1c7: {  	v8 =	vadd.f32 v8, v5;
	v5 =	vadd.f32 v6, v53;
	v53 =	vld [tilespmem:$0x1FFF0];
	_ =	sdelay $0x1  }
0x1c8: {  	v7 =	vadd.f32 v7, v40;
	v40 =	vld [tilespmem:$0x1F5D0]  }
0x1c9: {  	(xrf2) =	vadd.scan.msk.f32 $0xffff, v9;
	v9 =	vmul.f32 v15, v48;
	v48 =	vld [tilespmem:$0x1F5E0];
	_ =	sdelay $0x1  }
0x1ca: {  	v12 =	vmul.f32 v15, v12;
	v15 =	vmul.f32 v15, v53;
	v53 =	vld [tilespmem:$0x1F5F0];
	_ =	sdelay $0x1  }
0x1cb: {  	v6 =	vadd.f32 v7, v12;
	v7 =	vmul.f32 v10, v40;
	v40 =	vld [tilespmem:$0x1F600]  }
0x1cc: {  	v8 =	vadd.f32 v8, v9;
	v9 =	vmul.f32 v10, v48;
	_ =	sdelay $0x1  }
0x1cd: {  	v2 =	vadd.f32 v17, v22;
	[tilespmem:$0x1F960] =	vst v9;
	v9 =	vmul.f32 v10, v53  }
0x1ce: {  	v19 =	vld [tilespmem:s5+$0x8570]  }
0x1cf: {  	v23 =	vld [tilespmem:s5+$0x570];
	v48 =	vadd.f32 v4, v3;
	v12 =	vadd.f32 v2, v1;
	[tilespmem:$0x1F970] =	vst v9;
	v9 =	vmul.f32 v10, v40;
	_ =	sdelay $0x1  }
0x1d0: {  	[tilespmem:$0x1F980] =	vst v9;
	v9 =	vadd.f32 v12, v48;
	v12 =	vld [tilespmem:$0x1F620];
	_ =	sdelay $0x2  }
0x1d1: {  	v16 =	vadd.f32 v23, v19;
	_ =	sdelay $0x1  }
0x1d2: {  	[tilespmem:$0x1F950] =	vst v7;
	v7 =	vadd.f32 v16, v15;
	v15 =	vld [tilespmem:$0x1F610];
	v12 =	vmul.f32 v10, v12;
	_ =	sdelay $0x1  }
0x1d3: {  	[tilespmem:$0x1F9A0] =	vst v12;
	v12 =	vld [tilespmem:$0x1F630];
	_ =	sdelay $0x2  }
0x1d4: {  	v15 =	vmul.f32 v10, v15;
	_ =	sdelay $0x1  }
0x1d5: {  	v16 =	vadd.f32 v7, v6;
	[tilespmem:$0x1F990] =	vst v15;
	v15 =	vadd.f32 v8, v5;
	v12 =	vmul.f32 v10, v12  }
0x1d6: {  	v19 =	vld [tilespmem:$0x1F640]  }
0x1d7: {  	v17 =	vadd.f32 v39, v52;
	[tilespmem:$0x1F9B0] =	vst v12;
	v12 =	vadd.f32 v16, v15;
	v15 =	vmul.f32 v3, v3  }
0x1d8: {  	(xrf2) =	vadd.scan.msk.f32 $0xffff, v13;
	v13 =	vmul.f32 v1, v1;
	v18 =	vmul.f32 v2, v2;
	v53 =	vld [tilespmem:$0x1F650]  }
0x1d9: {  	(xrf2) =	vadd.scan.msk.f32 $0xffff, v17;
	v17 =	vmul.f32 v0, v58;
	v16 =	vmul.f32 v4, v4  }
0x1da: {  	v9 =	vadd.f32 v12, v9;
	v12 =	vadd.f32 v18, v13;
	v13 =	vmul.f32 v0, v59  }
0x1db: {  	v10 =	vmul.f32 v10, v19;
	v52 =	vadd.f32 v16, v15;
	v16 =	vmul.f32 v8, v8;
	v18 =	vld [tilespmem:$0x1F660];
	v15, _, _ =	vpop (xrf2)  }
0x1dc: {  	s1 =	spop (v2sf);
	[tilespmem:$0x1F9D0] =	vst v13;
	v13 =	vmul.f32 v11, v14;
	(v2sf) =	vpush v15, $0xF;
	v15 =	vmul.f32 v5, v5  }
0x1dd: {  	s20 =	smul.f32 $7.812500000e-03, s20;
	s16 =	spop (v2sf);
	[tilespmem:$0x1F9C0] =	vst v10;
	v10 =	vadd.f32 v12, v52;
	(xrf2) =	vadd.scan.msk.f32 $0xffff, v9;
	v9 =	vmul.f32 v0, v53  }
0x1de: {  	s13 =	smul.f32 $7.812500000e-03, s16;
	[tilespmem:$0x1FAA0] =	vst v17;
	v59 =	vmul.f32 v13, v11;
	v12 =	vadd.f32 v16, v15;
	v15 =	vmul.f32 v0, v30  }
0x1df: {  	s28 =	smul.f32 s19, s19;
	v22 =	vld [tilespmem:s5+$0x5A0];
	v20 =	vmul.f32 v6, v6;
	[tilespmem:$0x1FA60] =	vst v9;
	v13 =	vmul.f32 v0, v57  }
0x1e0: {  	v18 =	vmul.f32 v0, v18;
	v30 =	vld [tilespmem:s5+$0x85A0];
	v9 =	vsub.f32 $1.500000000e+00, v59;
	[tilespmem:$0x1FA90] =	vst v15;
	v15 =	vmov s13  }
0x1e1: {  	s0 =	ssub.f32 s20, s28;
	v17 =	vld [tilespmem:s5+$0x8590];
	[tilespmem:$0x1FA70] =	vst v13;
	v13 =	vmul.f32 v0, v56;
	v10 =	vadd.f32 v12, v10;
	v19 =	vsub.f32 v37, v15  }
0x1e2: {  	v16 =	vld [tilespmem:s5+$0x580];
	v0 =	vmul.f32 v0, v60;
	[tilespmem:$0x1FAB0] =	vst v18;
	v57 =	vsub.f32 v49, v15;
	v49 =	vsub.f32 v29, v15  }
0x1e3: {  	s0 =	sadd.f32 $9.999999740e-06, s0;
	v21 =	vmul.f32 v7, v7;
	v18 =	vld [tilespmem:s5+$0x590];
	[tilespmem:$0x1FA80] =	vst v13;
	v47 =	vsub.f32 v47, v15;
	v46 =	vsub.f32 v46, v15  }
0x1e4: {  	v13 =	vld [tilespmem:s5+$0x8580];
	[tilespmem:$0x1FAC0] =	vst v0;
	v54 =	vsub.f32 v54, v15;
	v45 =	vsub.f32 v45, v15;
	v9 =	vmul.f32 v9, v11  }
0x1e5: {  	v39 =	vsub.f32 v44, v15;
	v15 =	vmov s0;
	[tilespmem:$0x1F840] =	vst v19;
	v0 =	vadd.f32 v22, v30;
	v22 =	vld [tilespmem:$0x1FF90];
	v19, _, _ =	vpop (xrf2)  }
0x1e6: {  	v23 =	vld [tilespmem:s5+$0x85D0];
	v12 =	vadd.f32 v21, v20;
	v21 =	vmul.f32 $5.000000000e-01, v15;
	(v2sf) =	vpush v19, $0xF;
	v19, _, _ =	vpop (xrf2)  }
0x1e7: {  	v40 =	vld [tilespmem:s5+$0x85B0];
	v44 =	vmul.f32 v9, v14;
	(v2sf) =	vpush v19, $0xF;
	v19 =	vshra.s32 v15, $0x1  }
0x1e8: {  	v52 =	vld [tilespmem:$0x1FFA0];
	v17 =	vadd.f32 v18, v17;
	v18 =	vbroadcast v24, $0xB;
	v15, _, _ =	vpop (xrf2);
	v14 =	vsub.s32 $0x5F3759DF, v19  }
0x1e9: {  	v56 =	vld [tilespmem:$0x1FFB0];
	(v2sf) =	vpush v15, $0xF;
	v15 =	vmul.f32 v14, v21  }
0x1ea: {  	v59 =	vld [tilespmem:$0x1FFC0];
	v13 =	vadd.f32 v16, v13;
	v22 =	vmul.f32 v18, v22  }
0x1eb: {  	v20 =	vld [tilespmem:s5+$0x5B0];
	v48 =	vmul.f32 v14, v15  }
0x1ec: {  	v11 =	vadd.f32 v13, v22;
	v13 =	vld [tilespmem:s5+$0x5E0]  }
0x1ed: {  	v12 =	vadd.f32 v12, v10;
	v10 =	vmul.f32 v44, v9;
	v53 =	vsub.f32 $1.500000000e+00, v48;
	v48 =	vld [tilespmem:s5+$0x85E0]  }
0x1ee: {  	s3 =	smul.f32 $7.812500000e-03, s18;
	v16 =	vld [tilespmem:s5+$0x5C0]  }
0x1ef: {  	s16 =	smul.f32 s7, s7;
	v10 =	vsub.f32 $1.500000000e+00, v10;
	v29 =	vmul.f32 v18, v52;
	v19 =	vld [tilespmem:s5+$0x85C0]  }
0x1f0: {  	v58 =	vmul.f32 v18, v56;
	v15 =	vld [tilespmem:s5+$0x5D0]  }
0x1f1: {  	s0 =	ssub.f32 s3, s16;
	v44 =	vmul.f32 v10, v9;
	v9 =	vadd.f32 v17, v29;
	v17 =	vmul.f32 v14, v53;
	v53 =	vld [tilespmem:$0x1FFD0]  }
0x1f2: {  	v56 =	vadd.f32 v0, v58;
	v58 =	vadd.f32 v13, v48;
	v13 =	vld [tilespmem:$0x1FFE0]  }
0x1f3: {  	s0 =	sadd.f32 $9.999999740e-06, s0  }
0x1f4: {  	v20 =	vadd.f32 v20, v40;
	v60 =	vmul.f32 v18, v59  }
0x1f5: {  	v52 =	vld [tilespmem:s5+$0x85F0];
	v14 =	vadd.f32 v16, v19;
	v16 =	vmov s0  }
0x1f6: {  	v10 =	vadd.f32 v20, v60;
	v19 =	vld [tilespmem:s5+$0x5F0];
	v15 =	vadd.f32 v15, v23;
	v22 =	vmul.f32 $5.000000000e-01, v16  }
0x1f7: {  	v20 =	vshra.s32 v16, $0x1;
	v29 =	vmul.f32 v18, v53;
	v60 =	vmul.f32 v18, v13  }
0x1f8: {  	v23 =	vmul.f32 v18, v55;
	v16 =	vmul.f32 v17, v21;
	v20 =	vsub.s32 $0x5F3759DF, v20  }
0x1f9: {  	v59 =	vmul.f32 v20, v22;
	v13 =	vadd.f32 v15, v29;
	v15 =	vadd.f32 v58, v60;
	v58 =	vld [tilespmem:$0x1FFF0]  }
0x1fa: {  	v16 =	vmul.f32 v16, v17  }
0x1fb: {  	v14 =	vadd.f32 v14, v23;
	v0 =	vadd.f32 v19, v52;
	v19 =	vmul.f32 v20, v59  }
0x1fc: {  	v23 =	vmul.f32 v11, v11;
	v48 =	vmul.f32 v9, v9;
	v16 =	vsub.f32 $1.500000000e+00, v16  }
0x1fd: {  	v52 =	vmul.f32 v56, v56;
	v53 =	vmul.f32 v10, v10;
	v19 =	vsub.f32 $1.500000000e+00, v19  }
0x1fe: {  	v16 =	vmul.f32 v16, v17;
	v18 =	vmul.f32 v18, v58  }
0x1ff: {  	v17 =	vadd.f32 v48, v23;
	v23 =	vadd.f32 v53, v52;
	v19 =	vmul.f32 v20, v19  }
0x200: {  	v20 =	vmul.f32 v13, v13;
	v52 =	vadd.f32 v0, v18;
	v18 =	vmul.f32 v14, v14  }
0x201: {  	(xrf2) =	vadd.scan.msk.f32 $0xffff, v12;
	v12 =	vld [tilespmem:$0x1F690]  }
0x202: {  	v18 =	vadd.f32 v20, v18;
	v20 =	vmul.f32 v44, v62;
	_ =	sdelay $0x1  }
0x203: {  	[tilespmem:$0x1FAE0] =	vst v20;
	v20 =	vld [tilespmem:$0x1F670];
	_ =	sdelay $0x1  }
0x204: {  	v12 =	vmul.f32 v44, v12  }
0x205: {  	[tilespmem:$0x1F850] =	vst v39;
	v17 =	vadd.f32 v23, v17;
	v23 =	vmul.f32 v44, v61  }
0x206: {  	[tilespmem:$0x1FB20] =	vst v12;
	v12 =	vld [tilespmem:$0x1F6A0];
	v59 =	vadd.f32 v9, v11;
	v60 =	vadd.f32 v10, v56  }
0x207: {  	[tilespmem:$0x1FAD0] =	vst v23;
	v23 =	vadd.f32 v13, v14;
	v39 =	vadd.f32 v52, v15;
	v20 =	vmul.f32 v44, v20  }
0x208: {  	v17 =	vadd.f32 v18, v17;
	v18 =	vmul.f32 v16, v21  }
0x209: {  	s18 =	spop (v2sf);
	v48 =	vld [tilespmem:$0x1F680];
	v37 =	vadd.f32 v60, v59;
	v21 =	vmul.f32 v19, v22;
	[tilespmem:$0x1FAF0] =	vst v20;
	v20 =	vadd.f32 v39, v23  }
0x20a: {  	s19 =	smul.f32 $7.812500000e-03, s1;
	s20 =	spop (v2sf);
	v18 =	vmul.f32 v18, v16  }
0x20b: {  	s1 =	smul.f32 $7.812500000e-03, s20;
	v12 =	vmul.f32 v44, v12;
	v0 =	vadd.f32 v20, v37;
	v20 =	vmul.f32 v21, v19  }
0x20c: {  	v40 =	vmul.f32 v52, v52;
	v58 =	vsub.f32 $1.500000000e+00, v18  }
0x20d: {  	s6 =	smul.f32 s6, s6;
	[tilespmem:$0x1FB30] =	vst v12;
	v18 =	vmov s1;
	v23 =	vmul.f32 v15, v15;
	v12 =	vsub.f32 $1.500000000e+00, v20;
	v20 =	vld [tilespmem:$0x1F6B0]  }
0x20e: {  	v53 =	vmul.f32 v44, v63;
	v29 =	vmul.f32 v44, v48;
	v48 =	vsub.f32 v36, v18  }
0x20f: {  	s3 =	ssub.f32 s19, s6;
	v36 =	vsub.f32 v43, v18;
	v23 =	vadd.f32 v40, v23  }
0x210: {  	s28 =	spop (v2sf);
	[tilespmem:$0x1FB10] =	vst v53;
	v53 =	vsub.f32 v33, v18;
	v33 =	vsub.f32 v35, v18  }
0x211: {  	s3 =	sadd.f32 $9.999999740e-06, s3;
	s7 =	spop (v2sf);
	v39 =	vsub.f32 v41, v18;
	v17 =	vadd.f32 v23, v17  }
0x212: {  	s6 =	smul.f32 $7.812500000e-03, s7;
	v37 =	vsub.f32 v38, v18;
	(xrf2) =	vadd.scan.msk.f32 $0xffff, v0;
	v0 =	vmul.f32 v58, v16;
	v20 =	vmul.f32 v44, v20  }
0x213: {  	v16 =	vmov s3;
	v19 =	vmul.f32 v12, v19;
	v12 =	vsub.f32 v34, v18;
	(xrf2) =	vadd.scan.msk.f32 $0xffff, v17  }
0x214: {  	v17 =	vmul.f32 $5.000000000e-01, v16;
	v44 =	vsub.f32 v50, v18;
	[tilespmem:$0x1FB40] =	vst v20;
	v20 =	vmov s6  }
0x215: {  	v18 =	vshra.s32 v16, $0x1;
	v34 =	vsub.f32 v42, v20;
	v16 =	vsub.f32 v31, v20  }
0x216: {  	v41 =	vsub.f32 v32, v20;
	v25 =	vsub.f32 v25, v20  }
0x217: {  	v35 =	vsub.f32 v26, v20;
	v38 =	vsub.f32 v27, v20  }
0x218: {  	v42 =	vsub.f32 v28, v20;
	v43 =	vsub.f32 v51, v20;
	v20 =	vld [tilespmem:$0x1F6C0];
	_ =	sdelay $0x4  }
0x219: {  	v20 =	vmul.f32 v0, v20;
	_ =	sdelay $0x1  }
0x21a: {  	[tilespmem:$0x1FB50] =	vst v20;
	v20 =	vld [tilespmem:$0x1F6D0];
	_ =	sdelay $0x4  }
0x21b: {  	v20 =	vmul.f32 v0, v20;
	_ =	sdelay $0x3  }
0x21c: {  	[tilespmem:$0x1FB60] =	vst v20;
	v20, _, _ =	vpop (xrf2)  }
0x21d: {  	s7 =	spop (v2sf);
	(v2sf) =	vpush v20, $0xF;
	v20 =	vld [tilespmem:$0x1F6E0];
	_ =	sdelay $0x1  }
0x21e: {  	v18 =	vsub.s32 $0x5F3759DF, v18  }
0x21f: {  	v21 =	vmul.f32 v18, v17;
	_ =	sdelay $0x1  }
0x220: {  	v20 =	vmul.f32 v0, v20;
	_ =	sdelay $0x1  }
0x221: {  	[tilespmem:$0x1FB70] =	vst v20;
	v20 =	vmul.f32 v18, v21;
	v21, _, _ =	vpop (xrf2)  }
0x222: {  	(v2sf) =	vpush v21, $0xF;
	v21 =	vld [tilespmem:$0x1F6F0];
	_ =	sdelay $0x4  }
0x223: {  	v63 =	vld [tilespmem:$0x1F730];
	v21 =	vmul.f32 v0, v21  }
0x224: {  	s16 =	spop (v2sf);
	v61 =	vld [tilespmem:$0x1F720]  }
0x225: {  	s3 =	smul.f32 $7.812500000e-03, s16;
	[tilespmem:$0x1FB80] =	vst v21;
	v21 =	vld [tilespmem:$0x1F700]  }
0x226: {  	v59 =	vld [tilespmem:$0x1F710]  }
0x227: {  	v23 =	vld [tilespmem:s5+$0x8600];
	v60 =	vmov s3  }
0x228: {  	[tilespmem:$0x1FB00] =	vst v29;
	v29 =	vsub.f32 v2, v60;
	v2 =	vld [tilespmem:s5+$0x620]  }
0x229: {  	v62 =	vsub.f32 v4, v60;
	v40 =	vsub.f32 v6, v60;
	v6 =	vld [tilespmem:s5+$0x8630]  }
0x22a: {  	v50 =	vsub.f32 v3, v60;
	v3 =	vld [tilespmem:s5+$0x610];
	v21 =	vmul.f32 v0, v21  }
0x22b: {  	[tilespmem:$0x1F860] =	vst v62;
	v62 =	vld [tilespmem:$0x1FF90]  }
0x22c: {  	[tilespmem:$0x1FB90] =	vst v21;
	v21 =	vld [tilespmem:s5+$0x600]  }
0x22d: {  	s13 =	smul.f32 s13, s13;
	[tilespmem:$0x1F8B0] =	vst v40;
	v40 =	vld [tilespmem:$0x1FFA0]  }
0x22e: {  	s0 =	smul.f32 $7.812500000e-03, s18;
	v27 =	vld [tilespmem:s5+$0x8610];
	v28 =	vmul.f32 v0, v61;
	v20 =	vsub.f32 $1.500000000e+00, v20  }
0x22f: {  	v51 =	vsub.f32 v7, v60;
	v7 =	vld [tilespmem:s5+$0x8670]  }
0x230: {  	s0 =	ssub.f32 s0, s13;
	[tilespmem:$0x1FBB0] =	vst v28;
	v28 =	vsub.f32 v1, v60;
	v1 =	vld [tilespmem:s5+$0x8620];
	v4 =	vmul.f32 v18, v20  }
0x231: {  	v26 =	vmul.f32 v0, v59;
	v59 =	vadd.f32 v21, v23;
	v21 =	vld [tilespmem:s5+$0x8640]  }
0x232: {  	s0 =	sadd.f32 $9.999999740e-06, s0;
	v30 =	vmul.f32 v19, v22;
	v31 =	vsub.f32 v5, v60;
	v61 =	vmul.f32 v4, v17;
	v23 =	vld [tilespmem:s5+$0x640]  }
0x233: {  	v32 =	vsub.f32 v8, v60;
	[tilespmem:$0x1FBA0] =	vst v26;
	v60 =	vld [tilespmem:s5+$0x630];
	v3 =	vadd.f32 v3, v27;
	v20 =	vbroadcast v24, $0xC  }
0x234: {  	[tilespmem:$0x1F8C0] =	vst v51;
	v51 =	vld [tilespmem:s5+$0x650];
	v58, _, _ =	vpop (xrf2);
	v18 =	vmov s0;
	v8 =	vmul.f32 v61, v4;
	v0 =	vmul.f32 v0, v63  }
0x235: {  	[tilespmem:$0x1F870] =	vst v28;
	v28 =	vld [tilespmem:s5+$0x8650];
	(v2sf) =	vpush v58, $0xF;
	v22 =	vshra.s32 v18, $0x1;
	v18 =	vmul.f32 $5.000000000e-01, v18  }
0x236: {  	v26 =	vmul.f32 v20, v62;
	v62 =	vld [tilespmem:s5+$0x670];
	v58 =	vsub.f32 $1.500000000e+00, v8;
	[tilespmem:$0x1FBC0] =	vst v0;
	v0 =	vmul.f32 v30, v19  }
0x237: {  	[tilespmem:$0x1F880] =	vst v29;
	v22 =	vsub.s32 $0x5F3759DF, v22;
	v29 =	vmul.f32 v20, v40;
	v61 =	vadd.f32 v23, v21;
	v21 =	vld [tilespmem:$0x1FFB0]  }
0x238: {  	v5 =	vmul.f32 v58, v4;
	v58 =	vld [tilespmem:$0x1FFD0];
	v63 =	vmul.f32 v22, v18;
	v0 =	vsub.f32 $1.500000000e+00, v0  }
0x239: {  	v1 =	vadd.f32 v2, v1;
	v29 =	vadd.f32 v3, v29;
	v3 =	vld [tilespmem:s5+$0x660]  }
0x23a: {  	v8 =	vld [tilespmem:s5+$0x8660];
	v19 =	vmul.f32 v0, v19;
	v0 =	vadd.f32 v59, v26;
	v59 =	vmul.f32 v22, v63  }
0x23b: {  	v7 =	vadd.f32 v62, v7;
	v62 =	vld [tilespmem:$0x1FFF0];
	v63 =	vadd.f32 v51, v28  }
0x23c: {  	v51 =	vmul.f32 v20, v55;
	v2 =	vsub.f32 $1.500000000e+00, v59;
	v23 =	vld [tilespmem:$0x1FFC0];
	v21 =	vmul.f32 v20, v21  }
0x23d: {  	s19 =	spop (v2sf);
	v30 =	vmul.f32 v20, v58;
	v59 =	vld [tilespmem:$0x1F740]  }
0x23e: {  	s20 =	spop (v2sf);
	v22 =	vmul.f32 v22, v2;
	v2 =	vadd.f32 v1, v21;
	v1 =	vadd.f32 v61, v51;
	v61 =	vld [tilespmem:$0x1FFE0]  }
0x23f: {  	s13 =	smul.f32 $7.812500000e-03, s20  }
0x240: {  	v60 =	vadd.f32 v60, v6;
	v30 =	vadd.f32 v63, v30;
	v63 =	vld [tilespmem:$0x1F750]  }
0x241: {  	[tilespmem:$0x1F8A0] =	vst v32;
	v27 =	vld [tilespmem:$0x1F760];
	v3 =	vadd.f32 v3, v8;
	v32 =	vmov s13;
	v23 =	vmul.f32 v20, v23  }
0x242: {  	v8 =	vmul.f32 v20, v62;
	v9 =	vsub.f32 v9, v32;
	v4 =	vmul.f32 v19, v59  }
0x243: {  	[tilespmem:$0x1F890] =	vst v31;
	v58 =	vld [tilespmem:$0x1F7A0];
	v40 =	vadd.f32 v60, v23;
	v60 =	vmul.f32 v5, v17;
	v6 =	vmul.f32 v20, v61  }
0x244: {  	v31 =	vld [tilespmem:$0x1F770];
	v62 =	vsub.f32 v13, v32;
	[tilespmem:$0x1FBD0] =	vst v4;
	v4 =	vadd.f32 v7, v8;
	v17 =	vmul.f32 v22, v18  }
0x245: {  	v13 =	vld [tilespmem:s5+$0x680];
	v26 =	vmul.f32 v60, v5;
	v3 =	vadd.f32 v3, v6;
	v6 =	vmul.f32 v19, v63  }
0x246: {  	[tilespmem:$0x1F9F0] =	vst v9;
	v7 =	vmul.f32 v19, v27;
	v28 =	vmul.f32 v17, v22;
	v60 =	vsub.f32 v14, v32;
	v14 =	vld [tilespmem:$0x1F7D0]  }
0x247: {  	v11 =	vsub.f32 v11, v32;
	v51 =	vld [tilespmem:$0x1F790];
	[tilespmem:$0x1FBE0] =	vst v6;
	v6 =	vsub.f32 $1.500000000e+00, v26  }
0x248: {  	v56 =	vsub.f32 v56, v32;
	v9 =	vmul.f32 v19, v58;
	[tilespmem:$0x1FBF0] =	vst v7;
	v17 =	vld [tilespmem:$0x1F780];
	v7 =	vsub.f32 $1.500000000e+00, v28  }
0x249: {  	[tilespmem:$0x1F9E0] =	vst v11;
	v58 =	vmul.f32 v29, v29;
	v61 =	vld [tilespmem:$0x1F7B0];
	v5 =	vmul.f32 v6, v5  }
0x24a: {  	[tilespmem:$0x1FA00] =	vst v56;
	v56 =	vmul.f32 v0, v0;
	v7 =	vmul.f32 v7, v22;
	v22 =	vld [tilespmem:$0x1F800]  }
0x24b: {  	[tilespmem:$0x1FA30] =	vst v62;
	v62 =	vld [tilespmem:s5+$0x6B0];
	v59 =	vsub.f32 v10, v32;
	v14 =	vmul.f32 v5, v14  }
0x24c: {  	[tilespmem:$0x1FC30] =	vst v9;
	v10 =	vadd.f32 v58, v56;
	v56 =	vld [tilespmem:$0x1FF90];
	v8 =	vmul.f32 v19, v31;
	v11 =	vmul.f32 v19, v51  }
0x24d: {  	s28 =	smul.f32 $7.812500000e-03, s28;
	v20 =	vmul.f32 v40, v40;
	v17 =	vmul.f32 v19, v17;
	[tilespmem:$0x1FC60] =	vst v14;
	v14 =	vld [tilespmem:$0x1F7E0]  }
0x24e: {  	s1 =	smul.f32 s1, s1;
	[tilespmem:$0x1FA10] =	vst v59;
	v59 =	vld [tilespmem:$0x1F7F0];
	v9 =	vmul.f32 v19, v61;
	v19 =	vmul.f32 v2, v2  }
0x24f: {  	v58 =	vld [tilespmem:$0x1F830];
	v22 =	vmul.f32 v5, v22  }
0x250: {  	s0 =	ssub.f32 s28, s1;
	[tilespmem:$0x1FC00] =	vst v8;
	v19 =	vadd.f32 v20, v19;
	v20 =	vld [tilespmem:$0x1F820]  }
0x251: {  	[tilespmem:$0x1FC90] =	vst v22;
	v22 =	vld [tilespmem:$0x1F810]  }
0x252: {  	s0 =	sadd.f32 $9.999999740e-06, s0;
	v21 =	vld [tilespmem:s5+$0x86A0];
	[tilespmem:$0x1FA20] =	vst v60;
	v14 =	vmul.f32 v5, v14  }
0x253: {  	v23 =	vld [tilespmem:s5+$0x86B0];
	v8 =	vsub.f32 v52, v32;
	[tilespmem:$0x1FC20] =	vst v11;
	v11 =	vmul.f32 v5, v59  }
0x254: {  	v28 =	vadd.f32 v30, v1;
	v51 =	vld [tilespmem:s5+$0x8680];
	v63 =	vsub.f32 v15, v32;
	[tilespmem:$0x1FC70] =	vst v14;
	v14 =	vmov s0  }
0x255: {  	v32 =	vld [tilespmem:$0x1F7C0];
	[tilespmem:$0x1FC80] =	vst v11;
	v20 =	vmul.f32 v5, v20;
	v11 =	vmul.f32 $5.000000000e-01, v14;
	v14 =	vshra.s32 v14, $0x1  }
0x256: {  	v60 =	vmul.f32 v1, v1;
	v15 =	vld [tilespmem:s5+$0x8690];
	[tilespmem:$0x1FC10] =	vst v17;
	v22 =	vmul.f32 v5, v22;
	v14 =	vsub.s32 $0x5F3759DF, v14  }
0x257: {  	v31 =	vadd.f32 v4, v3;
	v17 =	vld [tilespmem:s5+$0x690];
	v61 =	vmul.f32 v30, v30;
	[tilespmem:$0x1FCB0] =	vst v20;
	v20 =	vmul.f32 v14, v11  }
0x258: {  	v27 =	vadd.f32 v40, v2;
	v26 =	vadd.f32 v29, v0;
	[tilespmem:$0x1FCA0] =	vst v22;
	v22 =	vld [tilespmem:s5+$0x6A0]  }
0x259: {  	v52 =	vadd.f32 v31, v28;
	v28 =	vld [tilespmem:s5+$0x86C0];
	[tilespmem:$0x1FC40] =	vst v9;
	v9 =	vadd.f32 v61, v60;
	v20 =	vmul.f32 v14, v20  }
0x25a: {  	[tilespmem:$0x1FA50] =	vst v8;
	v31 =	vld [tilespmem:s5+$0x6C0];
	v8 =	vmul.f32 v5, v32;
	v10 =	vadd.f32 v19, v10;
	v5 =	vmul.f32 v5, v58  }
0x25b: {  	v18 =	vmul.f32 v7, v18;
	[tilespmem:$0x1FA40] =	vst v63;
	v63 =	vmul.f32 v3, v3;
	v60 =	vld [tilespmem:s5+$0x6D0];
	v59 =	vsub.f32 $1.500000000e+00, v20  }
0x25c: {  	v6 =	vadd.f32 v27, v26;
	v19 =	vbroadcast v24, $0xD;
	[tilespmem:$0x1FCC0] =	vst v5;
	v5 =	vadd.f32 v9, v10;
	v20 =	vld [tilespmem:$0x1FFA0]  }
0x25d: {  	v9 =	vmul.f32 v14, v59;
	v14 =	vadd.f32 v17, v15;
	v15 =	vadd.f32 v22, v21;
	v21 =	vld [tilespmem:$0x1FFB0]  }
0x25e: {  	v61 =	vmul.f32 v18, v7;
	v18 =	vld [tilespmem:s5+$0x86E0];
	[tilespmem:$0x1FC50] =	vst v8;
	v8 =	vadd.f32 v13, v51;
	v13 =	vmul.f32 v4, v4  }
0x25f: {  	v32 =	vmul.f32 v19, v56;
	v17 =	vld [tilespmem:s5+$0x6E0]  }
0x260: {  	v6 =	vadd.f32 v52, v6;
	v13 =	vadd.f32 v13, v63;
	v63 =	vld [tilespmem:$0x1FFC0]  }
0x261: {  	s1 =	smul.f32 $7.812500000e-03, s7;
	v52 =	vld [tilespmem:s5+$0x86D0];
	v51 =	vadd.f32 v8, v32;
	v8 =	vsub.f32 $1.500000000e+00, v61;
	v20 =	vmul.f32 v19, v20  }
0x262: {  	s7 =	smul.f32 s6, s6;
	v23 =	vadd.f32 v62, v23;
	v31 =	vadd.f32 v31, v28;
	v32 =	vld [tilespmem:s5+$0x6F0];
	v21 =	vmul.f32 v19, v21  }
0x263: {  	v7 =	vmul.f32 v8, v7;
	v22 =	vld [tilespmem:s5+$0x86F0];
	v62 =	vmul.f32 v9, v11;
	v58 =	vadd.f32 v14, v20  }
0x264: {  	s0 =	ssub.f32 s1, s7;
	v20 =	vld [tilespmem:$0x1FFE0];
	v59 =	vadd.f32 v15, v21;
	v15 =	vadd.f32 v17, v18;
	v17 =	vmul.f32 v19, v55  }
0x265: {  	v27 =	vmul.f32 v19, v63;
	v14 =	vmul.f32 v62, v9;
	v18 =	vld [tilespmem:$0x1FFD0]  }
0x266: {  	v10 =	vadd.f32 v60, v52;
	v26 =	vmul.f32 v7, v57;
	s0 =	sadd.f32 $9.999999740e-06, s0;
	v63 =	vadd.f32 v31, v17;
	v17 =	vld [tilespmem:$0x1FFF0]  }
0x267: {  	v28 =	vmul.f32 v7, v47;
	v47 =	vmul.f32 v7, v54;
	v14 =	vsub.f32 $1.500000000e+00, v14  }
0x268: {  	v56 =	vadd.f32 v23, v27;
	v27 =	vmul.f32 v7, v49;
	v49 =	vmov s0  }
0x269: {  	v52 =	vadd.f32 v32, v22;
	v9 =	vmul.f32 v14, v9;
	v20 =	vmul.f32 v19, v20  }
0x26a: {  	v31 =	vadd.f32 v58, v51;
	v32 =	vadd.f32 v56, v59;
	v18 =	vmul.f32 v19, v18  }
0x26b: {  	(xrf2) =	vadd.scan.msk.f32 $0xffff, v6;
	v14 =	vmul.f32 v51, v51;
	v61 =	vadd.f32 v15, v20;
	v17 =	vmul.f32 v19, v17  }
0x26c: {  	v15 =	vmul.f32 v58, v58;
	v62 =	vadd.f32 v10, v18;
	v10 =	vshra.s32 v49, $0x1  }
0x26d: {  	s18 =	smul.f32 $7.812500000e-03, s19;
	v18 =	vmul.f32 v59, v59;
	v19 =	vmul.f32 v56, v56;
	v60 =	vadd.f32 v52, v17  }
0x26e: {  	s19 =	smul.f32 s3, s3;
	v14 =	vadd.f32 v15, v14;
	v15 =	vmul.f32 v7, v45;
	v52 =	vmul.f32 v9, v11  }
0x26f: {  	[tilespmem:$0x1FD10] =	vst v47;
	v47 =	vld [tilespmem:$0x1F850];
	v11 =	vmul.f32 $5.000000000e-01, v49;
	v22 =	vadd.f32 v62, v63;
	v23 =	vadd.f32 v60, v61  }
0x270: {  	v46 =	vmul.f32 v7, v46;
	s0 =	ssub.f32 s18, s19;
	v10 =	vsub.s32 $0x5F3759DF, v10;
	v18 =	vadd.f32 v19, v18;
	v19 =	vld [tilespmem:$0x1F840]  }
0x271: {  	v6 =	vadd.f32 v32, v31;
	v20 =	vld [tilespmem:s5+$0x700];
	[tilespmem:$0x1FD20] =	vst v15;
	v15 =	vmul.f32 v10, v11;
	v49 =	vadd.f32 v23, v22  }
0x272: {  	v5 =	vadd.f32 v13, v5;
	s0 =	sadd.f32 $9.999999740e-06, s0;
	v54 =	vmul.f32 v63, v63;
	v17 =	vld [tilespmem:s5+$0x8700];
	v57 =	vmul.f32 v62, v62  }
0x273: {  	v8 =	vmul.f32 v52, v9;
	v15 =	vmul.f32 v10, v15;
	v6 =	vadd.f32 v49, v6;
	v49 =	vld [tilespmem:$0x1FF90]  }
0x274: {  	v52 =	vadd.f32 v18, v14;
	v14 =	vadd.f32 v57, v54;
	v54 =	vmov s0  }
0x275: {  	[tilespmem:$0x1FCD0] =	vst v26;
	v26 =	vld [tilespmem:s5+$0x8720];
	v8 =	vsub.f32 $1.500000000e+00, v8;
	v18, _, _ =	vpop (xrf2);
	v19 =	vmul.f32 v7, v19;
	v15 =	vsub.f32 $1.500000000e+00, v15  }
0x276: {  	v13 =	vld [tilespmem:s5+$0x8740];
	v7 =	vmul.f32 v7, v47;
	(v2sf) =	vpush v18, $0xF;
	v18 =	vbroadcast v24, $0xE  }
0x277: {  	[tilespmem:$0x1FCF0] =	vst v28;
	v28 =	vld [tilespmem:s5+$0x750];
	v8 =	vmul.f32 v8, v9;
	v9 =	vshra.s32 v54, $0x1;
	v10 =	vmul.f32 v10, v15  }
0x278: {  	v21 =	vld [tilespmem:s5+$0x8710];
	v15 =	vadd.f32 v20, v17;
	v17 =	vmul.f32 $5.000000000e-01, v54;
	v31 =	vmul.f32 v18, v49  }
0x279: {  	[tilespmem:$0x1FD30] =	vst v19;
	v19 =	vld [tilespmem:s5+$0x710];
	v9 =	vsub.s32 $0x5F3759DF, v9  }
0x27a: {  	[tilespmem:$0x1FD40] =	vst v7;
	v7 =	vadd.f32 v14, v52;
	v52 =	vld [tilespmem:$0x1FFA0];
	v32 =	vadd.f32 v15, v31;
	v15 =	vmul.f32 v9, v17  }
0x27b: {  	v45 =	vld [tilespmem:s5+$0x720]  }
0x27c: {  	v22 =	vld [tilespmem:s5+$0x8730];
	v15 =	vmul.f32 v9, v15  }
0x27d: {  	v23 =	vld [tilespmem:s5+$0x730]  }
0x27e: {  	v57 =	vmul.f32 v60, v60;
	v14 =	vld [tilespmem:s5+$0x740];
	v15 =	vsub.f32 $1.500000000e+00, v15  }
0x27f: {  	v20 =	vld [tilespmem:s5+$0x8750];
	v19 =	vadd.f32 v19, v21;
	v21 =	vmul.f32 v61, v61;
	v54 =	vmul.f32 v18, v52  }
0x280: {  	v47 =	vld [tilespmem:$0x1FFB0];
	v9 =	vmul.f32 v9, v15;
	v15 =	vmul.f32 v8, v44  }
0x281: {  	s20 =	spop (v2sf);
	s28 =	smul.f32 s13, s13;
	v49 =	vld [tilespmem:$0x1FFC0];
	v21 =	vadd.f32 v57, v21  }
0x282: {  	s0 =	smul.f32 $7.812500000e-03, s20;
	v57 =	vmul.f32 v10, v11;
	v31 =	vadd.f32 v19, v54;
	v54 =	vld [tilespmem:$0x1FFD0];
	[tilespmem:$0x1FD50] =	vst v15;
	v15 =	vmul.f32 v8, v39  }
0x283: {  	[tilespmem:$0x1FD00] =	vst v46;
	v46 =	vld [tilespmem:s5+$0x8760];
	v22 =	vadd.f32 v23, v22;
	v13 =	vadd.f32 v14, v13  }
0x284: {  	s0 =	ssub.f32 s0, s28;
	v14 =	vadd.f32 v28, v20;
	v20 =	vld [tilespmem:s5+$0x760];
	v23 =	vmul.f32 v57, v10;
	[tilespmem:$0x1FD60] =	vst v15;
	v15 =	vmul.f32 v8, v37  }
0x285: {  	[tilespmem:$0x1FCE0] =	vst v27;
	v52 =	vmul.f32 v18, v55;
	v19 =	vadd.f32 v45, v26;
	v26 =	vmul.f32 v18, v47  }
0x286: {  	s0 =	sadd.f32 $9.999999740e-06, s0;
	v27 =	vmul.f32 v18, v49;
	v23 =	vsub.f32 $1.500000000e+00, v23;
	[tilespmem:$0x1FD70] =	vst v15;
	v15 =	vmul.f32 v8, v48  }
0x287: {  	v28 =	vadd.f32 v19, v26;
	v26 =	vadd.f32 v13, v52;
	v57 =	vmul.f32 v18, v54  }
0x288: {  	v19 =	vld [tilespmem:s5+$0x8770];
	v45 =	vadd.f32 v22, v27;
	v10 =	vmul.f32 v23, v10;
	[tilespmem:$0x1FD80] =	vst v15;
	v15 =	vmov s0  }
0x289: {  	v13 =	vld [tilespmem:s5+$0x770];
	v27 =	vadd.f32 v14, v57;
	v14 =	vadd.f32 v20, v46;
	v20 =	vshra.s32 v15, $0x1  }
0x28a: {  	v49 =	vmul.f32 v10, v11;
	v11 =	vmul.f32 $5.000000000e-01, v15;
	v15 =	vsub.s32 $0x5F3759DF, v20;
	v20 =	vld [tilespmem:$0x1FFE0]  }
0x28b: {  	v22 =	vld [tilespmem:$0x1FFF0];
	_ =	sdelay $0x2  }
0x28c: {  	v12 =	vmul.f32 v8, v12  }
0x28d: {  	v13 =	vadd.f32 v13, v19;
	v19 =	vmul.f32 v9, v17;
	v20 =	vmul.f32 v18, v20  }
0x28e: {  	(xrf2) =	vadd.scan.msk.f32 $0xffff, v5;
	v57 =	vadd.f32 v27, v26;
	v5 =	vmul.f32 v49, v10;
	v18 =	vmul.f32 v18, v22  }
0x28f: {  	v22 =	vmul.f32 v15, v11;
	v54 =	vadd.f32 v14, v20;
	v14 =	vmul.f32 v8, v36  }
0x290: {  	v5 =	vsub.f32 $1.500000000e+00, v5;
	v39 =	vadd.f32 v13, v18;
	v13 =	vmul.f32 v19, v9  }
0x291: {  	v18 =	vmul.f32 v8, v53;
	v53 =	vadd.f32 v31, v32;
	[tilespmem:$0x1FD90] =	vst v14;
	v14 =	vmul.f32 v15, v22  }
0x292: {  	v52 =	vsub.f32 $1.500000000e+00, v13;
	v13 =	vadd.f32 v45, v28  }
0x293: {  	[tilespmem:$0x1FDB0] =	vst v12;
	v37 =	vmul.f32 v28, v28;
	v12 =	vsub.f32 $1.500000000e+00, v14;
	v14 =	vadd.f32 v39, v54  }
0x294: {  	v10 =	vmul.f32 v5, v10;
	v8 =	vmul.f32 v8, v33;
	v5 =	vadd.f32 v13, v53  }
0x295: {  	s3 =	spop (v2sf);
	v13 =	vmul.f32 v32, v32;
	v12 =	vmul.f32 v15, v12;
	v33 =	vadd.f32 v14, v57  }
0x296: {  	s0 =	smul.f32 $7.812500000e-03, s3;
	v14 =	vmul.f32 v31, v31;
	v15 =	vmul.f32 v45, v45  }
0x297: {  	v7 =	vadd.f32 v21, v7;
	v44 =	vadd.f32 v33, v5  }
0x298: {  	(xrf2) =	vadd.scan.msk.f32 $0xffff, v6;
	v13 =	vadd.f32 v14, v13;
	v14 =	vmov s0;
	v15 =	vadd.f32 v15, v37  }
0x299: {  	v46 =	vmul.f32 v10, v34;
	[tilespmem:$0x1FDC0] =	vst v8;
	v6 =	vsub.f32 v0, v14;
	v8 =	vsub.f32 v29, v14  }
0x29a: {  	v47 =	vmul.f32 v10, v16;
	v5 =	vsub.f32 v2, v14;
	v2 =	vsub.f32 v40, v14  }
0x29b: {  	v57 =	vmul.f32 v26, v26;
	v29 =	vsub.f32 v1, v14;
	v40 =	vsub.f32 v30, v14  }
0x29c: {  	(xrf2) =	vadd.scan.msk.f32 $0xffff, v7;
	v7 =	vsub.f32 v3, v14;
	v30 =	vsub.f32 v4, v14;
	v14 =	vmul.f32 v27, v27  }
0x29d: {  	[tilespmem:$0x1FDD0] =	vst v46;
	v13 =	vadd.f32 v15, v13;
	v15 =	vmul.f32 v10, v25  }
0x29e: {  	v48 =	vld [tilespmem:s5+$0x8780];
	[tilespmem:$0x1FDE0] =	vst v47;
	v4 =	vadd.f32 v14, v57;
	v14 =	vmul.f32 v10, v38  }
0x29f: {  	v16 =	vld [tilespmem:s5+$0x780];
	[tilespmem:$0x1FE00] =	vst v15;
	v15 =	vmul.f32 v10, v35  }
0x2a0: {  	[tilespmem:$0x1FDA0] =	vst v18;
	v18 =	vld [tilespmem:s5+$0x7A0]  }
0x2a1: {  	v49 =	vmul.f32 v10, v41;
	v36, _, _ =	vpop (xrf2);
	v9 =	vmul.f32 v52, v9;
	[tilespmem:$0x1FE10] =	vst v15;
	v15 =	vld [tilespmem:s5+$0x87A0]  }
0x2a2: {  	(v2sf) =	vpush v36, $0xF;
	v53 =	vld [tilespmem:s5+$0x8790];
	[tilespmem:$0x1FE20] =	vst v14;
	v14, _, _ =	vpop (xrf2)  }
0x2a3: {  	[tilespmem:$0x1FDF0] =	vst v49;
	v52 =	vmul.f32 v9, v17;
	v17 =	vld [tilespmem:s5+$0x790];
	(xrf2) =	vadd.scan.msk.f32 $0xffff, v44;
	(v2sf) =	vpush v14, $0xF  }
0x2a4: {  	v14 =	vmul.f32 v54, v54;
	v20 =	vld [tilespmem:s5+$0x87B0]  }
0x2a5: {  	v21 =	vld [tilespmem:s5+$0x7B0]  }
0x2a6: {  	v19 =	vmul.f32 v39, v39;
	v15 =	vadd.f32 v18, v15;
	v18 =	vld [tilespmem:$0x1FFB0]  }
0x2a7: {  	v22 =	vld [tilespmem:s5+$0x7C0]  }
0x2a8: {  	v34 =	vld [tilespmem:$0x1FF90];
	v25 =	vadd.f32 v19, v14;
	v14, _, _ =	vpop (xrf2)  }
0x2a9: {  	v3 =	vadd.f32 v17, v53;
	v17 =	vld [tilespmem:$0x1FFA0];
	(v2sf) =	vpush v14, $0xF;
	v14 =	vbroadcast v24, $0xF  }
0x2aa: {  	v35 =	vld [tilespmem:s5+$0x87E0]  }
0x2ab: {  	v4 =	vadd.f32 v4, v13;
	v13 =	vmul.f32 v10, v42;
	v46 =	vld [tilespmem:s5+$0x87F0];
	v18 =	vmul.f32 v14, v18  }
0x2ac: {  	v1 =	vmul.f32 v52, v9;
	v53 =	vld [tilespmem:$0x1F8B0]  }
0x2ad: {  	v10 =	vmul.f32 v10, v43;
	[tilespmem:$0x1FE30] =	vst v13;
	v13 =	vmul.f32 v12, v11;
	v43 =	vadd.f32 v15, v18;
	v15 =	vld [tilespmem:$0x1F860]  }
0x2ae: {  	v1 =	vsub.f32 $1.500000000e+00, v1;
	v57 =	vld [tilespmem:$0x1F8C0]  }
0x2af: {  	v19 =	vld [tilespmem:s5+$0x87C0];
	v13 =	vmul.f32 v13, v12  }
0x2b0: {  	v23 =	vmul.f32 v1, v9;
	v1 =	vadd.f32 v25, v4;
	v4 =	vld [tilespmem:s5+$0x87D0]  }
0x2b1: {  	v33 =	vsub.f32 $1.500000000e+00, v13;
	v13 =	vld [tilespmem:s5+$0x7D0]  }
0x2b2: {  	s0 =	smul.f32 s0, s0;
	v0 =	vadd.f32 v16, v48;
	s6 =	spop (v2sf);
	v16, _, _ =	vpop (xrf2);
	v36 =	vmul.f32 v23, v15;
	v15 =	vld [tilespmem:$0x1FFC0]  }
0x2b3: {  	[tilespmem:$0x1FE40] =	vst v10;
	s1 =	smul.f32 $7.812500000e-03, s6;
	(v2sf) =	vpush v16, $0xF;
	v16 =	vld [tilespmem:s5+$0x7E0];
	v10 =	vmul.f32 v14, v34  }
0x2b4: {  	v17 =	vmul.f32 v14, v17;
	v12 =	vmul.f32 v33, v12;
	v18 =	vadd.f32 v22, v19;
	v19 =	vld [tilespmem:$0x1F870]  }
0x2b5: {  	s0 =	ssub.f32 s1, s0;
	v25 =	vld [tilespmem:$0x1FFD0];
	v9 =	vmul.f32 v23, v53  }
0x2b6: {  	v10 =	vadd.f32 v0, v10;
	v0 =	vadd.f32 v3, v17;
	v17 =	vld [tilespmem:s5+$0x7F0];
	v11 =	vmul.f32 v12, v11  }
0x2b7: {  	v47 =	vadd.f32 v21, v20;
	s0 =	sadd.f32 $9.999999740e-06, s0;
	v33 =	vld [tilespmem:$0x1FFE0];
	[tilespmem:$0x1FE60] =	vst v9;
	v9 =	vmul.f32 v23, v57;
	v15 =	vmul.f32 v14, v15  }
0x2b8: {  	v34 =	vld [tilespmem:$0x1FFF0];
	v4 =	vadd.f32 v13, v4;
	v13 =	vadd.f32 v16, v35;
	v35 =	vmul.f32 v11, v12  }
0x2b9: {  	v37 =	vmul.f32 v23, v19;
	v49 =	vadd.f32 v47, v15;
	v15 =	vmov s0  }
0x2ba: {  	v19 =	vmul.f32 v14, v55;
	v16 =	vshra.s32 v15, $0x1;
	v15 =	vmul.f32 $5.000000000e-01, v15  }
0x2bb: {  	v3 =	vadd.f32 v17, v46;
	v17 =	vmul.f32 v14, v25;
	v16 =	vsub.s32 $0x5F3759DF, v16  }
0x2bc: {  	v24 =	vadd.f32 v18, v19;
	v18 =	vmul.f32 v14, v33;
	v19 =	vmul.f32 v16, v15  }
0x2bd: {  	v20 =	vadd.f32 v0, v10;
	v57 =	vadd.f32 v4, v17;
	v14 =	vmul.f32 v14, v34  }
0x2be: {  	[tilespmem:$0x1FE70] =	vst v9;
	v4 =	vsub.f32 $1.500000000e+00, v35;
	v9 =	vadd.f32 v13, v18;
	v13 =	vmul.f32 v16, v19  }
0x2bf: {  	v17 =	vmul.f32 v0, v0;
	v11 =	vadd.f32 v3, v14;
	v14 =	vmul.f32 v10, v10  }
0x2c0: {  	v18 =	vmul.f32 v43, v43;
	v19 =	vmul.f32 v49, v49;
	v13 =	vsub.f32 $1.500000000e+00, v13  }
0x2c1: {  	v4 =	vmul.f32 v4, v12;
	v21 =	vadd.f32 v49, v43;
	v14 =	vadd.f32 v17, v14;
	v17 =	vld [tilespmem:$0x1FE90]  }
0x2c2: {  	v12 =	vadd.f32 v57, v24;
	v13 =	vmul.f32 v16, v13;
	v16 =	vadd.f32 v19, v18;
	v18 =	vld [tilespmem:$0x1F8D0]  }
0x2c3: {  	v3 =	vadd.f32 v21, v20;
	v20 =	vadd.f32 v11, v9;
	_ =	sdelay $0x1  }
0x2c4: {  	v12 =	vadd.f32 v20, v12;
	v20 =	vld [tilespmem:$0x1FF10]  }
0x2c5: {  	v19 =	vld [tilespmem:$0x1F8E0]  }
0x2c6: {  	v17 =	vmul.f32 v18, v17;
	v18 =	vld [tilespmem:$0x1FEA0];
	_ =	sdelay $0x1  }
0x2c7: {  	v21 =	vld [tilespmem:$0x1F8F0]  }
0x2c8: {  	v17 =	vadd.f32 v17, v20;
	v20 =	vld [tilespmem:$0x1FEB0]  }
0x2c9: {  	v14 =	vadd.f32 v16, v14;
	v16 =	vmul.f32 v24, v24  }
0x2ca: {  	v22 =	vld [tilespmem:$0x1F900];
	v18 =	vmul.f32 v19, v18;
	v19 =	vmul.f32 v57, v57  }
0x2cb: {  	[tilespmem:s5+$0x8000] =	vst v17;
	v17 =	vld [tilespmem:$0x1FF30]  }
0x2cc: {  	v16 =	vadd.f32 v19, v16;
	v19 =	vld [tilespmem:$0x1FF20]  }
0x2cd: {  	v20 =	vmul.f32 v21, v20;
	v21 =	vld [tilespmem:$0x1FEC0];
	_ =	sdelay $0x2  }
0x2ce: {  	v17 =	vadd.f32 v20, v17;
	v20 =	vld [tilespmem:$0x1FF40]  }
0x2cf: {  	v18 =	vadd.f32 v18, v19;
	v19 =	vld [tilespmem:$0x1FED0]  }
0x2d0: {  	v21 =	vmul.f32 v22, v21;
	v22 =	vld [tilespmem:$0x1F910]  }
0x2d1: {  	v48 =	vld [tilespmem:$0x1F880]  }
0x2d2: {  	v44 =	vmul.f32 v23, v50;
	v50 =	vld [tilespmem:$0x1F890]  }
0x2d3: {  	v20 =	vadd.f32 v21, v20;
	v21 =	vld [tilespmem:$0x1FEE0]  }
0x2d4: {  	[tilespmem:s5+$0x8010] =	vst v18;
	v18 =	vld [tilespmem:$0x1FF50]  }
0x2d5: {  	v19 =	vmul.f32 v22, v19;
	v22 =	vld [tilespmem:$0x1F920]  }
0x2d6: {  	v52 =	vld [tilespmem:$0x1F8A0]  }
0x2d7: {  	[tilespmem:$0x1FE50] =	vst v44;
	v44 =	vld [tilespmem:$0x1F960]  }
0x2d8: {  	v42 =	vmul.f32 v23, v48;
	v48 =	vld [tilespmem:$0x1F980]  }
0x2d9: {  	v18 =	vadd.f32 v19, v18;
	v19 =	vld [tilespmem:$0x1FEF0]  }
0x2da: {  	v21 =	vmul.f32 v22, v21;
	v22 =	vld [tilespmem:$0x1F930]  }
0x2db: {  	v41 =	vmul.f32 v23, v50;
	v50 =	vld [tilespmem:$0x1F990]  }
0x2dc: {  	v38 =	vmul.f32 v23, v52;
	v52 =	vld [tilespmem:$0x1FEE0]  }
0x2dd: {  	v23 =	vld [tilespmem:$0x1F940]  }
0x2de: {  	[tilespmem:s5+$0x8020] =	vst v17;
	v17 =	vld [tilespmem:$0x1FF60]  }
0x2df: {  	v19 =	vmul.f32 v22, v19;
	v22 =	vld [tilespmem:$0x1FF00]  }
0x2e0: {  	[tilespmem:s5+$0x8030] =	vst v20;
	v20 =	vld [tilespmem:$0x1FF70]  }
0x2e1: {  	[tilespmem:s5+$0x8040] =	vst v18;
	v18 =	vld [tilespmem:$0x1FF80]  }
0x2e2: {  	v53 =	vld [tilespmem:$0x1F9A0]  }
0x2e3: {  	v46 =	vld [tilespmem:$0x1F970]  }
0x2e4: {  	v17 =	vadd.f32 v21, v17;
	v21 =	vld [tilespmem:$0x1FE90];
	v22 =	vmul.f32 v23, v22  }
0x2e5: {  	v23 =	vld [tilespmem:$0x1F950]  }
0x2e6: {  	v19 =	vadd.f32 v19, v20;
	v20 =	vld [tilespmem:$0x1FEB0];
	v18 =	vadd.f32 v22, v18  }
0x2e7: {  	v47 =	vld [tilespmem:$0x1FEC0]  }
0x2e8: {  	[tilespmem:s5+$0x8070] =	vst v18;
	v18 =	vld [tilespmem:$0x1FF30]  }
0x2e9: {  	[tilespmem:s5+$0x8050] =	vst v17;
	v17 =	vld [tilespmem:$0x1FF10]  }
0x2ea: {  	v21 =	vmul.f32 v23, v21;
	v23 =	vld [tilespmem:$0x1FEA0]  }
0x2eb: {  	[tilespmem:s5+$0x8060] =	vst v19;
	v19 =	vld [tilespmem:$0x1FF20];
	v20 =	vmul.f32 v46, v20  }
0x2ec: {  	v22 =	vld [tilespmem:$0x1FED0]  }
0x2ed: {  	v18 =	vadd.f32 v20, v18;
	v20 =	vld [tilespmem:$0x1F9E0]  }
0x2ee: {  	v25 =	vmul.f32 v48, v47;
	v47 =	vld [tilespmem:$0x1F9C0]  }
0x2ef: {  	v46 =	vld [tilespmem:$0x1FF00];
	v23 =	vmul.f32 v44, v23  }
0x2f0: {  	v17 =	vadd.f32 v21, v17;
	v21 =	vld [tilespmem:$0x1FEF0]  }
0x2f1: {  	v22 =	vmul.f32 v50, v22;
	v50 =	vld [tilespmem:$0x1F9D0];
	v19 =	vadd.f32 v23, v19  }
0x2f2: {  	v34 =	vmul.f32 v4, v20;
	v20 =	vld [tilespmem:$0x1F9F0]  }
0x2f3: {  	[tilespmem:s5+$0x8090] =	vst v19;
	v19 =	vld [tilespmem:$0x1FF50]  }
0x2f4: {  	[tilespmem:s5+$0x8080] =	vst v17;
	v17 =	vld [tilespmem:$0x1FF40]  }
0x2f5: {  	[tilespmem:s5+$0x80A0] =	vst v18;
	v18 =	vld [tilespmem:$0x1FA30]  }
0x2f6: {  	v48 =	vmul.f32 v53, v52;
	v23 =	vld [tilespmem:$0x1FE90]  }
0x2f7: {  	v52 =	vmul.f32 v47, v46;
	v47 =	vmul.f32 v4, v20;
	v20 =	vld [tilespmem:$0x1FA00]  }
0x2f8: {  	v19 =	vadd.f32 v22, v19;
	v22 =	vld [tilespmem:$0x1FA10]  }
0x2f9: {  	v44 =	vld [tilespmem:$0x1F9B0]  }
0x2fa: {  	v17 =	vadd.f32 v25, v17;
	v46 =	vmul.f32 v4, v18;
	v18 =	vld [tilespmem:$0x1FA40]  }
0x2fb: {  	v53 =	vmul.f32 v13, v15  }
0x2fc: {  	[tilespmem:s5+$0x80B0] =	vst v17;
	v17 =	vld [tilespmem:$0x1FA50];
	v23 =	vmul.f32 v50, v23;
	v50 =	vmul.f32 v4, v20  }
0x2fd: {  	v20 =	vmul.f32 v53, v13;
	v33 =	vmul.f32 v4, v22;
	v22 =	vld [tilespmem:$0x1FA20];
	_ =	sdelay $0x1  }
0x2fe: {  	v25 =	vld [tilespmem:$0x1FF60];
	v21 =	vmul.f32 v44, v21;
	v44 =	vmul.f32 v4, v18;
	v18 =	vsub.f32 $1.500000000e+00, v20  }
0x2ff: {  	[tilespmem:s5+$0x80C0] =	vst v19;
	v19 =	vld [tilespmem:$0x1FF10]  }
0x300: {  	v20 =	vld [tilespmem:$0x1FA60];
	v13 =	vmul.f32 v18, v13  }
0x301: {  	v18 =	vld [tilespmem:$0x1FF80];
	v35 =	vmul.f32 v4, v22;
	v4 =	vmul.f32 v4, v17  }
0x302: {  	v17 =	vld [tilespmem:$0x1FF70]  }
0x303: {  	[tilespmem:$0x1FE80] =	vst v4;
	v4 =	vadd.f32 v48, v25;
	v48 =	vld [tilespmem:$0x1FEA0];
	_ =	sdelay $0x1  }
0x304: {  	v53 =	vld [tilespmem:$0x1FF50]  }
0x305: {  	v19 =	vadd.f32 v23, v19;
	v23 =	vld [tilespmem:$0x1FA90]  }
0x306: {  	v17 =	vadd.f32 v21, v17;
	v21 =	vld [tilespmem:$0x1FA70]  }
0x307: {  	(xrf2) =	vadd.scan.msk.f32 $0xffff, v1;
	v18 =	vadd.f32 v52, v18;
	v1 =	vmul.f32 v20, v48;
	v20 =	vld [tilespmem:$0x1FEB0]  }
0x308: {  	[tilespmem:s5+$0x8100] =	vst v19;
	v19 =	vld [tilespmem:$0x1FF30]  }
0x309: {  	s7 =	spop (v2sf);
	[tilespmem:s5+$0x80F0] =	vst v18;
	v18 =	vld [tilespmem:$0x1FF20]  }
0x30a: {  	s16 =	smul.f32 $7.812500000e-03, s7;
	[tilespmem:s5+$0x80E0] =	vst v17;
	v17 =	vld [tilespmem:$0x1FED0]  }
0x30b: {  	v22 =	vld [tilespmem:$0x1FA80]  }
0x30c: {  	s19 =	smul.f32 s16, s16;
	s13 =	spop (v2sf);
	v52 =	vld [tilespmem:$0x1FEC0];
	v20 =	vmul.f32 v21, v20  }
0x30d: {  	s18 =	smul.f32 $7.812500000e-03, s13  }
0x30e: {  	v19 =	vadd.f32 v20, v19;
	v20 =	vld [tilespmem:$0x1FF40]  }
0x30f: {  	s0 =	ssub.f32 s18, s19;
	v1 =	vadd.f32 v1, v18;
	v18 =	vld [tilespmem:$0x1FEE0];
	v17 =	vmul.f32 v23, v17  }
0x310: {  	[tilespmem:s5+$0x80D0] =	vst v4;
	v23 =	vld [tilespmem:$0x1FAA0]  }
0x311: {  	s0 =	sadd.f32 $9.999999740e-06, s0;
	v4 =	vmul.f32 v22, v52;
	[tilespmem:s5+$0x8110] =	vst v1;
	v1 =	vadd.f32 v17, v53;
	v17 =	vld [tilespmem:$0x1FF60]  }
0x312: {  	[tilespmem:s5+$0x8120] =	vst v19;
	v19 =	vld [tilespmem:$0x1FEF0]  }
0x313: {  	v21 =	vmov s0;
	v4 =	vadd.f32 v4, v20;
	v20 =	vld [tilespmem:$0x1FAB0]  }
0x314: {  	v22 =	vshra.s32 v21, $0x1;
	v21 =	vmul.f32 $5.000000000e-01, v21  }
0x315: {  	v48 =	vadd.f32 v16, v14;
	v14 =	vld [tilespmem:$0x1FF70];
	v22 =	vsub.s32 $0x5F3759DF, v22  }
0x316: {  	v18 =	vmul.f32 v23, v18;
	v23 =	vmul.f32 v22, v21  }
0x317: {  	v15 =	vmul.f32 v13, v15  }
0x318: {  	v17 =	vadd.f32 v18, v17;
	v18 =	vmul.f32 v22, v23;
	v23 =	vld [tilespmem:$0x1FAC0];
	v19 =	vmul.f32 v20, v19  }
0x319: {  	v15 =	vmul.f32 v15, v13;
	v20 =	vld [tilespmem:$0x1FF00]  }
0x31a: {  	v3 =	vadd.f32 v12, v3;
	v12 =	vld [tilespmem:$0x1FE90];
	v14 =	vadd.f32 v19, v14  }
0x31b: {  	v15 =	vsub.f32 $1.500000000e+00, v15;
	v16 =	vld [tilespmem:$0x1FF80]  }
0x31c: {  	v25 =	vsub.f32 $1.500000000e+00, v18;
	[tilespmem:s5+$0x8160] =	vst v14;
	v14 =	vld [tilespmem:$0x1FAD0]  }
0x31d: {  	v13 =	vmul.f32 v15, v13  }
0x31e: {  	v15 =	vmul.f32 v22, v25;
	v25 =	vld [tilespmem:$0x1FF10];
	v20 =	vmul.f32 v23, v20  }
0x31f: {  	v53 =	vld [tilespmem:$0x1FEB0]  }
0x320: {  	[tilespmem:s5+$0x8150] =	vst v17;
	v17 =	vld [tilespmem:$0x1FAE0];
	v16 =	vadd.f32 v20, v16  }
0x321: {  	v12 =	vmul.f32 v14, v12;
	v14 =	vld [tilespmem:$0x1FEA0]  }
0x322: {  	[tilespmem:s5+$0x8170] =	vst v16;
	v16 =	vld [tilespmem:$0x1FAF0]  }
0x323: {  	(xrf2) =	vadd.scan.msk.f32 $0xffff, v3;
	v3 =	vadd.f32 v12, v25;
	v12 =	vld [tilespmem:$0x1FF20];
	_ =	sdelay $0x2  }
0x324: {  	v18 =	vmul.f32 v9, v9;
	v14 =	vmul.f32 v17, v14  }
0x325: {  	[tilespmem:s5+$0x8130] =	vst v4;
	v23 =	vmul.f32 v11, v11;
	v4 =	vmul.f32 v16, v53;
	v16 =	vld [tilespmem:$0x1FB00]  }
0x326: {  	v12 =	vadd.f32 v14, v12;
	v14 =	vld [tilespmem:$0x1FEC0]  }
0x327: {  	v52 =	vadd.f32 v23, v18;
	_ =	sdelay $0x1  }
0x328: {  	[tilespmem:s5+$0x8140] =	vst v1;
	v1 =	vadd.f32 v52, v48;
	v48 =	vld [tilespmem:$0x1FF30]  }
0x329: {  	v52 =	vld [tilespmem:$0x1FED0]  }
0x32a: {  	v14 =	vmul.f32 v16, v14;
	v16 =	vld [tilespmem:$0x1FB10];
	_ =	sdelay $0x2  }
0x32b: {  	v17, _, _ =	vpop (xrf2);
	v53 =	vld [tilespmem:$0x1FF40]  }
0x32c: {  	(v2sf) =	vpush v17, $0xF;
	v17 =	vld [tilespmem:$0x1FB20]  }
0x32d: {  	(xrf2) =	vadd.scan.msk.f32 $0xffff, v1;
	v1 =	vadd.f32 v4, v48;
	v4 =	vmul.f32 v16, v52;
	v16 =	vld [tilespmem:$0x1FEE0];
	_ =	sdelay $0x3  }
0x32e: {  	[tilespmem:s5+$0x8180] =	vst v3;
	v3 =	vadd.f32 v14, v53;
	v14 =	vld [tilespmem:$0x1FEF0]  }
0x32f: {  	v16 =	vmul.f32 v17, v16;
	v17 =	vld [tilespmem:$0x1FB30];
	_ =	sdelay $0x2  }
0x330: {  	v18 =	vld [tilespmem:$0x1FB40]  }
0x331: {  	[tilespmem:s5+$0x8190] =	vst v12;
	v12 =	vld [tilespmem:$0x1FF50]  }
0x332: {  	v14 =	vmul.f32 v17, v14;
	v17 =	vld [tilespmem:$0x1FF00];
	_ =	sdelay $0x3  }
0x333: {  	v4 =	vadd.f32 v4, v12;
	v12 =	vld [tilespmem:$0x1FE90]  }
0x334: {  	v17 =	vmul.f32 v18, v17;
	v18 =	vld [tilespmem:$0x1FB50];
	_ =	sdelay $0x2  }
0x335: {  	v19 =	vld [tilespmem:$0x1FB60]  }
0x336: {  	v25 =	vld [tilespmem:$0x1FF60]  }
0x337: {  	v12 =	vmul.f32 v18, v12;
	v18 =	vld [tilespmem:$0x1FEA0];
	_ =	sdelay $0x1  }
0x338: {  	v48 =	vld [tilespmem:$0x1FF70]  }
0x339: {  	[tilespmem:s5+$0x81B0] =	vst v3;
	v3 =	vmul.f32 v13, v5;
	v5 =	vld [tilespmem:$0x1FF10]  }
0x33a: {  	[tilespmem:s5+$0x81A0] =	vst v1;
	v1 =	vadd.f32 v16, v25;
	v16 =	vld [tilespmem:$0x1FEB0]  }
0x33b: {  	v18 =	vmul.f32 v19, v18;
	v19 =	vld [tilespmem:$0x1FB70]  }
0x33c: {  	v6 =	vmul.f32 v13, v6;
	v52 =	vld [tilespmem:$0x1FF80]  }
0x33d: {  	[tilespmem:s5+$0x81C0] =	vst v4;
	v4 =	vmul.f32 v13, v40;
	v25 =	vmul.f32 v13, v8;
	v14 =	vadd.f32 v14, v48  }
0x33e: {  	[tilespmem:s5+$0x81D0] =	vst v1;
	v1 =	vmul.f32 v13, v2;
	v2 =	vmul.f32 v13, v29  }
0x33f: {  	v29 =	vmul.f32 v13, v30;
	[tilespmem:s5+$0x81E0] =	vst v14;
	v14 =	vld [tilespmem:$0x1FB80];
	v12 =	vadd.f32 v12, v5;
	v5 =	vmul.f32 v13, v7  }
0x340: {  	v13 =	vld [tilespmem:$0x1FEC0];
	v16 =	vmul.f32 v19, v16;
	v19 =	vmul.f32 v15, v21  }
0x341: {  	v53 =	vadd.f32 v17, v52  }
0x342: {  	v52 =	vld [tilespmem:$0x1FF20];
	v17 =	vmul.f32 v19, v15  }
0x343: {  	[tilespmem:s5+$0x81F0] =	vst v53;
	v53 =	vld [tilespmem:$0x1FF40]  }
0x344: {  	[tilespmem:s5+$0x8200] =	vst v12;
	v12 =	vld [tilespmem:$0x1FF30];
	v48 =	vsub.f32 $1.500000000e+00, v17  }
0x345: {  	v13 =	vmul.f32 v14, v13;
	v14 =	vld [tilespmem:$0x1FED0]  }
0x346: {  	v7 =	vmul.f32 v48, v15;
	v15 =	vld [tilespmem:$0x1FB90];
	_ =	sdelay $0x1  }
0x347: {  	v8 =	vadd.f32 v18, v52  }
0x348: {  	v12 =	vadd.f32 v16, v12  }
0x349: {  	[tilespmem:s5+$0x8210] =	vst v8;
	v8 =	vadd.f32 v13, v53;
	v13 =	vld [tilespmem:$0x1FEE0]  }
0x34a: {  	[tilespmem:s5+$0x8220] =	vst v12;
	v12 =	vld [tilespmem:$0x1FF50];
	v14 =	vmul.f32 v15, v14;
	v15, _, _ =	vpop (xrf2)  }
0x34b: {  	(v2sf) =	vpush v15, $0xF;
	v15 =	vld [tilespmem:$0x1FBA0];
	_ =	sdelay $0x3  }
0x34c: {  	v30 =	vld [tilespmem:$0x1FF60]  }
0x34d: {  	v12 =	vadd.f32 v14, v12;
	v14 =	vld [tilespmem:$0x1FEF0];
	v13 =	vmul.f32 v15, v13;
	v15, _, _ =	vpop (xrf2)  }
0x34e: {  	(v2sf) =	vpush v15, $0xF;
	v15 =	vld [tilespmem:$0x1FBB0];
	_ =	sdelay $0x3  }
0x34f: {  	[tilespmem:s5+$0x8230] =	vst v8;
	v8 =	vadd.f32 v13, v30;
	v13 =	vld [tilespmem:$0x1FF00]  }
0x350: {  	v14 =	vmul.f32 v15, v14;
	v15 =	vld [tilespmem:$0x1FBC0];
	_ =	sdelay $0x2  }
0x351: {  	v16 =	vld [tilespmem:$0x1FBD0]  }
0x352: {  	[tilespmem:s5+$0x8240] =	vst v12;
	v12 =	vld [tilespmem:$0x1FF70]  }
0x353: {  	v13 =	vmul.f32 v15, v13;
	v15 =	vld [tilespmem:$0x1FE90];
	_ =	sdelay $0x2  }
0x354: {  	v40 =	vld [tilespmem:$0x1FF80]  }
0x355: {  	v12 =	vadd.f32 v14, v12;
	v14 =	vld [tilespmem:$0x1FEA0]  }
0x356: {  	v15 =	vmul.f32 v16, v15;
	v16 =	vld [tilespmem:$0x1FBE0];
	_ =	sdelay $0x1  }
0x357: {  	v17 =	vld [tilespmem:$0x1FBF0]  }
0x358: {  	[tilespmem:s5+$0x8250] =	vst v8;
	v8 =	vadd.f32 v13, v40;
	v13 =	vld [tilespmem:$0x1FF10]  }
0x359: {  	[tilespmem:s5+$0x8260] =	vst v12;
	v12 =	vld [tilespmem:$0x1FF20]  }
0x35a: {  	v14 =	vmul.f32 v16, v14;
	v16 =	vld [tilespmem:$0x1FEB0];
	_ =	sdelay $0x2  }
0x35b: {  	v13 =	vadd.f32 v15, v13;
	v15 =	vld [tilespmem:$0x1FEC0]  }
0x35c: {  	v12 =	vadd.f32 v14, v12;
	v14 =	vld [tilespmem:$0x1FF30]  }
0x35d: {  	v16 =	vmul.f32 v17, v16;
	v17 =	vld [tilespmem:$0x1FC00];
	_ =	sdelay $0x2  }
0x35e: {  	v48 =	vld [tilespmem:$0x1FF40]  }
0x35f: {  	v14 =	vadd.f32 v16, v14;
	v16 =	vld [tilespmem:$0x1FED0]  }
0x360: {  	v15 =	vmul.f32 v17, v15;
	v17 =	vld [tilespmem:$0x1FC10];
	_ =	sdelay $0x3  }
0x361: {  	[tilespmem:s5+$0x8270] =	vst v8;
	v8 =	vadd.f32 v15, v48;
	v15 =	vld [tilespmem:$0x1FEE0]  }
0x362: {  	v16 =	vmul.f32 v17, v16;
	v17 =	vld [tilespmem:$0x1FC20];
	_ =	sdelay $0x1  }
0x363: {  	[tilespmem:s5+$0x8290] =	vst v12;
	v12 =	vld [tilespmem:$0x1FF60]  }
0x364: {  	v18 =	vld [tilespmem:$0x1FC30]  }
0x365: {  	v19 =	vld [tilespmem:$0x1FC50]  }
0x366: {  	[tilespmem:s5+$0x8280] =	vst v13;
	v13 =	vld [tilespmem:$0x1FF50];
	v15 =	vmul.f32 v17, v15  }
0x367: {  	v17 =	vld [tilespmem:$0x1FEF0]  }
0x368: {  	v12 =	vadd.f32 v15, v12;
	v15 =	vld [tilespmem:$0x1FE90]  }
0x369: {  	v20 =	vld [tilespmem:$0x1FC60]  }
0x36a: {  	[tilespmem:s5+$0x82A0] =	vst v14;
	v14 =	vld [tilespmem:$0x1FF70]  }
0x36b: {  	v13 =	vadd.f32 v16, v13;
	v16 =	vld [tilespmem:$0x1FF00]  }
0x36c: {  	v17 =	vmul.f32 v18, v17;
	v18 =	vld [tilespmem:$0x1FC40]  }
0x36d: {  	v15 =	vmul.f32 v19, v15;
	v19 =	vld [tilespmem:$0x1FEA0]  }
0x36e: {  	v53 =	vld [tilespmem:$0x1FF20]  }
0x36f: {  	v14 =	vadd.f32 v17, v14;
	v17 =	vld [tilespmem:$0x1FF80];
	_ =	sdelay $0x1  }
0x370: {  	v16 =	vmul.f32 v18, v16  }
0x371: {  	v18 =	vmul.f32 v7, v21;
	v19 =	vmul.f32 v20, v19  }
0x372: {  	v30 =	vld [tilespmem:$0x1FEB0]  }
0x373: {  	v16 =	vadd.f32 v16, v17;
	v17 =	vmul.f32 v18, v7;
	v18 =	vadd.f32 v19, v53;
	v19 =	vld [tilespmem:$0x1FC70];
	_ =	sdelay $0x3  }
0x374: {  	[tilespmem:s5+$0x82C0] =	vst v13;
	v13 =	vld [tilespmem:$0x1FEC0]  }
0x375: {  	[tilespmem:s5+$0x82B0] =	vst v8;
	v8 =	vmul.f32 v19, v30;
	v19 =	vld [tilespmem:$0x1FC80]  }
0x376: {  	v52 =	vld [tilespmem:$0x1FF10];
	_ =	sdelay $0x1  }
0x377: {  	[tilespmem:s5+$0x82D0] =	vst v12;
	v12 =	vld [tilespmem:$0x1FF30]  }
0x378: {  	v20 =	vld [tilespmem:$0x1FC90]  }
0x379: {  	v13 =	vmul.f32 v19, v13;
	v19 =	vld [tilespmem:$0x1FED0]  }
0x37a: {  	v15 =	vadd.f32 v15, v52;
	v52 =	vld [tilespmem:$0x1FF40];
	_ =	sdelay $0x2  }
0x37b: {  	v17 =	vsub.f32 $1.500000000e+00, v17  }
0x37c: {  	v19 =	vmul.f32 v20, v19  }
0x37d: {  	v20 =	vadd.f32 v8, v12;
	v8 =	vmul.f32 v17, v7;
	v7 =	vadd.f32 v13, v52;
	v13 =	vld [tilespmem:$0x1FF50];
	_ =	sdelay $0x1  }
0x37e: {  	v40 =	vld [tilespmem:$0x1FEE0]  }
0x37f: {  	v12 =	vld [tilespmem:$0x1FCA0];
	_ =	sdelay $0x1  }
0x380: {  	v17 =	vadd.f32 v19, v13;
	v13 =	vld [tilespmem:$0x1FF60];
	_ =	sdelay $0x1  }
0x381: {  	v48 =	vld [tilespmem:$0x1FEF0]  }
0x382: {  	v21 =	vld [tilespmem:$0x1FCB0];
	v12 =	vmul.f32 v12, v40;
	_ =	sdelay $0x1  }
0x383: {  	v19 =	vadd.f32 v12, v13;
	v12 =	vld [tilespmem:$0x1FF70];
	_ =	sdelay $0x1  }
0x384: {  	[tilespmem:s5+$0x8320] =	vst v20;
	v20 =	vld [tilespmem:$0x1FCE0]  }
0x385: {  	v21 =	vmul.f32 v21, v48;
	[tilespmem:s5+$0x8340] =	vst v17;
	v17 =	vld [tilespmem:$0x1FEA0]  }
0x386: {  	v13 =	vld [tilespmem:$0x1FCC0]  }
0x387: {  	v21 =	vadd.f32 v21, v12;
	v12 =	vld [tilespmem:$0x1FF00];
	_ =	sdelay $0x1  }
0x388: {  	[tilespmem:s5+$0x8360] =	vst v21;
	v21 =	vld [tilespmem:$0x1FF20]  }
0x389: {  	[tilespmem:s5+$0x8350] =	vst v19;
	v19 =	vld [tilespmem:$0x1FF80];
	_ =	sdelay $0x1  }
0x38a: {  	v17 =	vmul.f32 v20, v17;
	v22 =	vmul.f32 v13, v12;
	v12 =	vld [tilespmem:$0x1FE90]  }
0x38b: {  	s20 =	spop (v2sf);
	v13 =	vld [tilespmem:$0x1FCD0]  }
0x38c: {  	s6 =	smul.f32 $7.812500000e-03, s20;
	v17 =	vadd.f32 v17, v21;
	v21 =	vld [tilespmem:$0x1FEB0]  }
0x38d: {  	v19 =	vadd.f32 v22, v19;
	v22 =	vld [tilespmem:$0x1FCF0]  }
0x38e: {  	s13 =	smul.f32 s6, s6;
	s28 =	spop (v2sf)  }
0x38f: {  	s7 =	smul.f32 $7.812500000e-03, s28;
	v20 =	vld [tilespmem:$0x1FF10];
	_ =	sdelay $0x1  }
0x390: {  	s0 =	ssub.f32 s7, s13;
	[tilespmem:s5+$0x8370] =	vst v19;
	v19 =	vld [tilespmem:$0x1FEC0]  }
0x391: {  	v23 =	vmul.f32 v13, v12;
	v21 =	vmul.f32 v22, v21;
	v22 =	vld [tilespmem:$0x1FD00]  }
0x392: {  	s0 =	sadd.f32 $9.999999740e-06, s0  }
0x393: {  	v20 =	vadd.f32 v23, v20  }
0x394: {  	[tilespmem:s5+$0x82E0] =	vst v14;
	v48 =	vmov s16;
	v13 =	vmov s0;
	v23 =	vld [tilespmem:$0x1FD10]  }
0x395: {  	v12 =	vsub.f32 v51, v48;
	v14 =	vshra.s32 v13, $0x1;
	v51 =	vmul.f32 $5.000000000e-01, v13;
	[tilespmem:s5+$0x8380] =	vst v20;
	v20 =	vld [tilespmem:$0x1FF30]  }
0x396: {  	[tilespmem:s5+$0x8310] =	vst v18;
	v18 =	vsub.s32 $0x5F3759DF, v14;
	v19 =	vmul.f32 v22, v19;
	v22 =	vld [tilespmem:$0x1FED0]  }
0x397: {  	v53 =	vmul.f32 v18, v51  }
0x398: {  	[tilespmem:s5+$0x82F0] =	vst v16  }
0x399: {  	v16 =	vsub.f32 v58, v48;
	v58 =	vld [tilespmem:$0x1FF40];
	[tilespmem:s5+$0x8330] =	vst v7;
	v7 =	vmul.f32 v18, v53  }
0x39a: {  	v20 =	vadd.f32 v21, v20;
	v21 =	vld [tilespmem:$0x1FEE0]  }
0x39b: {  	v7 =	vsub.f32 $1.500000000e+00, v7;
	v22 =	vmul.f32 v23, v22;
	v23 =	vld [tilespmem:$0x1FD20];
	_ =	sdelay $0x1  }
0x39c: {  	s16 =	spop (v2sf);
	[tilespmem:s5+$0x8390] =	vst v17;
	v17 =	vmul.f32 v18, v7;
	v18 =	vld [tilespmem:$0x1FF50]  }
0x39d: {  	s18 =	spop (v2sf);
	s19 =	smul.f32 $7.812500000e-03, s16;
	v7 =	vadd.f32 v19, v58;
	v19 =	vld [tilespmem:$0x1FF60]  }
0x39e: {  	s20 =	smul.f32 $7.812500000e-03, s18;
	v14 =	vsub.f32 v56, v48;
	v56 =	vld [tilespmem:$0x1FD30]  }
0x39f: {  	s28 =	smul.f32 s19, s19;
	v21 =	vmul.f32 v23, v21;
	v23 =	vld [tilespmem:$0x1FEF0]  }
0x3a0: {  	v13 =	vsub.f32 v59, v48;
	v59 =	vld [tilespmem:$0x1FF00]  }
0x3a1: {  	s0 =	ssub.f32 s20, s28;
	[tilespmem:s5+$0x83A0] =	vst v20;
	v20 =	vld [tilespmem:$0x1FF70]  }
0x3a2: {  	v18 =	vadd.f32 v22, v18;
	v22 =	vld [tilespmem:$0x1FD40];
	v19 =	vadd.f32 v21, v19  }
0x3a3: {  	[tilespmem:s5+$0x8300] =	vst v15;
	s0 =	sadd.f32 $9.999999740e-06, s0  }
0x3a4: {  	[tilespmem:s5+$0x83D0] =	vst v19;
	v19 =	vld [tilespmem:$0x1FF80];
	v23 =	vmul.f32 v56, v23  }
0x3a5: {  	v15 =	vsub.f32 v63, v48;
	v30 =	vsub.f32 v62, v48;
	[tilespmem:s5+$0x83C0] =	vst v18;
	v18 =	vld [tilespmem:$0x1FE90];
	v21 =	vmov s0  }
0x3a6: {  	[tilespmem:s5+$0x83B0] =	vst v7;
	v7 =	vmul.f32 $5.000000000e-01, v21;
	v20 =	vadd.f32 v23, v20;
	v23 =	vshra.s32 v21, $0x1;
	v21 =	vld [tilespmem:$0x1FD50]  }
0x3a7: {  	v40 =	vsub.f32 v61, v48;
	v48 =	vsub.f32 v60, v48;
	v60 =	vld [tilespmem:$0x1FD60];
	v22 =	vmul.f32 v22, v59  }
0x3a8: {  	[tilespmem:s5+$0x83E0] =	vst v20;
	v20 =	vld [tilespmem:$0x1FF10]  }
0x3a9: {  	v19 =	vadd.f32 v22, v19;
	v22 =	vld [tilespmem:$0x1FEA0]  }
0x3aa: {  	v63 =	vld [tilespmem:$0x1FD80]  }
0x3ab: {  	[tilespmem:s5+$0x83F0] =	vst v19;
	v19 =	vld [tilespmem:$0x1FF20];
	v18 =	vmul.f32 v21, v18  }
0x3ac: {  	v62 =	vld [tilespmem:$0x1FD70]  }
0x3ad: {  	v18 =	vadd.f32 v18, v20;
	v20 =	vld [tilespmem:$0x1FEB0]  }
0x3ae: {  	v58 =	vld [tilespmem:$0x1FDA0];
	v22 =	vmul.f32 v60, v22  }
0x3af: {  	[tilespmem:s5+$0x8400] =	vst v18;
	v18 =	vld [tilespmem:$0x1FF30]  }
0x3b0: {  	v19 =	vadd.f32 v22, v19;
	v22 =	vld [tilespmem:$0x1FEC0]  }
0x3b1: {  	v59 =	vld [tilespmem:$0x1FDE0]  }
0x3b2: {  	v21 =	vsub.s32 $0x5F3759DF, v23;
	[tilespmem:s5+$0x8410] =	vst v19;
	v19 =	vld [tilespmem:$0x1FF40];
	v20 =	vmul.f32 v62, v20  }
0x3b3: {  	v56 =	vld [tilespmem:$0x1FD90];
	v61 =	vmul.f32 v21, v7  }
0x3b4: {  	v23 =	vmul.f32 v17, v51;
	v18 =	vadd.f32 v20, v18;
	v20 =	vld [tilespmem:$0x1FED0]  }
0x3b5: {  	v60 =	vld [tilespmem:$0x1FDF0];
	v52 =	vmul.f32 v21, v61;
	v22 =	vmul.f32 v63, v22  }
0x3b6: {  	v23 =	vmul.f32 v23, v17;
	[tilespmem:s5+$0x8420] =	vst v18;
	v18 =	vld [tilespmem:$0x1FF50]  }
0x3b7: {  	v52 =	vsub.f32 $1.500000000e+00, v52;
	v19 =	vadd.f32 v22, v19;
	v22 =	vld [tilespmem:$0x1FEE0]  }
0x3b8: {  	v61 =	vld [tilespmem:$0x1FEC0];
	v23 =	vsub.f32 $1.500000000e+00, v23  }
0x3b9: {  	[tilespmem:s5+$0x8430] =	vst v19;
	v19 =	vmul.f32 v21, v52;
	v21 =	vld [tilespmem:$0x1FF60];
	v20 =	vmul.f32 v56, v20  }
0x3ba: {  	v17 =	vmul.f32 v23, v17;
	v23 =	vld [tilespmem:$0x1FDB0]  }
0x3bb: {  	v18 =	vadd.f32 v20, v18;
	v20 =	vld [tilespmem:$0x1FEF0]  }
0x3bc: {  	v62 =	vld [tilespmem:$0x1FE00];
	v22 =	vmul.f32 v58, v22  }
0x3bd: {  	v63 =	vld [tilespmem:$0x1FE10]  }
0x3be: {  	v21 =	vadd.f32 v22, v21;
	v22 =	vld [tilespmem:$0x1FF00]  }
0x3bf: {  	[tilespmem:s5+$0x8440] =	vst v18;
	v18 =	vld [tilespmem:$0x1FF70]  }
0x3c0: {  	v20 =	vmul.f32 v23, v20;
	v23 =	vld [tilespmem:$0x1FDC0]  }
0x3c1: {  	v52 =	vmul.f32 v62, v61;
	v61 =	vld [tilespmem:$0x1FE40]  }
0x3c2: {  	[tilespmem:s5+$0x8450] =	vst v21;
	v21 =	vld [tilespmem:$0x1FF80]  }
0x3c3: {  	v62 =	vld [tilespmem:$0x1FE90]  }
0x3c4: {  	v18 =	vadd.f32 v20, v18;
	v20 =	vld [tilespmem:$0x1FE90]  }
0x3c5: {  	v22 =	vmul.f32 v23, v22;
	v23 =	vld [tilespmem:$0x1FDD0]  }
0x3c6: {  	[tilespmem:s5+$0x8460] =	vst v18;
	v18 =	vld [tilespmem:$0x1FF10]  }
0x3c7: {  	v21 =	vadd.f32 v22, v21;
	v22 =	vld [tilespmem:$0x1FEB0]  }
0x3c8: {  	v56 =	vld [tilespmem:$0x1FEE0]  }
0x3c9: {  	[tilespmem:s5+$0x8470] =	vst v21;
	v21 =	vld [tilespmem:$0x1FF30]  }
0x3ca: {  	v58 =	vld [tilespmem:$0x1FE20];
	v20 =	vmul.f32 v23, v20  }
0x3cb: {  	v23 =	vld [tilespmem:$0x1FEA0]  }
0x3cc: {  	v22 =	vmul.f32 v60, v22;
	v18 =	vadd.f32 v20, v18;
	v20 =	vld [tilespmem:$0x1FF20]  }
0x3cd: {  	v60 =	vld [tilespmem:$0x1FF00]  }
0x3ce: {  	v21 =	vadd.f32 v22, v21;
	v22 =	vld [tilespmem:$0x1FF40]  }
0x3cf: {  	[tilespmem:s5+$0x8480] =	vst v18;
	v18 =	vld [tilespmem:$0x1FF50]  }
0x3d0: {  	v23 =	vmul.f32 v59, v23;
	v59 =	vld [tilespmem:$0x1FE30]  }
0x3d1: {  	[tilespmem:s5+$0x84A0] =	vst v21;
	v21 =	vld [tilespmem:$0x1FF70]  }
0x3d2: {  	v20 =	vadd.f32 v23, v20;
	v23 =	vld [tilespmem:$0x1FED0]  }
0x3d3: {  	v53 =	vmul.f32 v61, v60;
	v60 =	vld [tilespmem:$0x1FEA0]  }
0x3d4: {  	v61 =	vld [tilespmem:$0x1FEB0]  }
0x3d5: {  	[tilespmem:s5+$0x8490] =	vst v20;
	v20 =	vld [tilespmem:$0x1FF60]  }
0x3d6: {  	v22 =	vadd.f32 v52, v22;
	v52 =	vmul.f32 v58, v56;
	v56 =	vld [tilespmem:$0x1FED0]  }
0x3d7: {  	v58 =	vld [tilespmem:$0x1FEE0]  }
0x3d8: {  	[tilespmem:s5+$0x84B0] =	vst v22;
	v22 =	vld [tilespmem:$0x1FF10]  }
0x3d9: {  	v23 =	vmul.f32 v63, v23;
	v63 =	vld [tilespmem:$0x1FE50]  }
0x3da: {  	v36 =	vmul.f32 v36, v60;
	v60 =	vld [tilespmem:$0x1FE60]  }
0x3db: {  	v37 =	vmul.f32 v37, v61;
	v61 =	vld [tilespmem:$0x1FF00]  }
0x3dc: {  	v18 =	vadd.f32 v23, v18;
	v23 =	vld [tilespmem:$0x1FEF0]  }
0x3dd: {  	v20 =	vadd.f32 v52, v20;
	v38 =	vmul.f32 v38, v58;
	v58 =	vld [tilespmem:$0x1FEB0]  }
0x3de: {  	[tilespmem:s5+$0x84C0] =	vst v18;
	v18 =	vld [tilespmem:$0x1FF30]  }
0x3df: {  	[tilespmem:s5+$0x84D0] =	vst v20;
	v20 =	vld [tilespmem:$0x1FF40]  }
0x3e0: {  	v52 =	vmul.f32 v63, v62;
	v62 =	vld [tilespmem:$0x1FF20]  }
0x3e1: {  	v63 =	vld [tilespmem:$0x1FEC0]  }
0x3e2: {  	v23 =	vmul.f32 v59, v23;
	v59 =	vld [tilespmem:$0x1FEF0]  }
0x3e3: {  	v22 =	vadd.f32 v52, v22;
	v52 =	vld [tilespmem:$0x1FE90]  }
0x3e4: {  	v21 =	vadd.f32 v23, v21;
	v23 =	vld [tilespmem:$0x1FF80]  }
0x3e5: {  	v18 =	vadd.f32 v37, v18;
	v37 =	vmul.f32 v41, v56;
	v56 =	vld [tilespmem:$0x1FEA0]  }
0x3e6: {  	[tilespmem:s5+$0x8500] =	vst v22;
	v22 =	vld [tilespmem:$0x1FF10]  }
0x3e7: {  	v36 =	vadd.f32 v36, v62;
	v62 =	vld [tilespmem:$0x1FE70]  }
0x3e8: {  	v42 =	vmul.f32 v42, v63;
	v63 =	vld [tilespmem:$0x1FF60]  }
0x3e9: {  	[tilespmem:s5+$0x84E0] =	vst v21;
	v21 =	vld [tilespmem:$0x1FF50]  }
0x3ea: {  	[tilespmem:s5+$0x8520] =	vst v18;
	v18 =	vld [tilespmem:$0x1FF30]  }
0x3eb: {  	v41 =	vmul.f32 v60, v59;
	v59 =	vld [tilespmem:$0x1FEC0]  }
0x3ec: {  	v60 =	vld [tilespmem:$0x1FF20]  }
0x3ed: {  	v20 =	vadd.f32 v42, v20;
	v34 =	vmul.f32 v34, v52;
	v52 =	vld [tilespmem:$0x1FF00]  }
0x3ee: {  	v23 =	vadd.f32 v53, v23;
	v53 =	vld [tilespmem:$0x1FF80]  }
0x3ef: {  	[tilespmem:s5+$0x8530] =	vst v20;
	v20 =	vld [tilespmem:$0x1FF40]  }
0x3f0: {  	v22 =	vadd.f32 v34, v22;
	v34 =	vmul.f32 v50, v58;
	v58 =	vld [tilespmem:$0x1FEF0]  }
0x3f1: {  	v42 =	vmul.f32 v62, v61;
	v61 =	vld [tilespmem:$0x1FED0]  }
0x3f2: {  	v62 =	vmul.f32 v17, v51;
	v51 =	vld [tilespmem:$0x1FEE0]  }
0x3f3: {  	v21 =	vadd.f32 v37, v21;
	[tilespmem:s5+$0x84F0] =	vst v23;
	v23 =	vld [tilespmem:$0x1FF70]  }
0x3f4: {  	v16 =	vmul.f32 v8, v16;
	v37 =	vadd.f32 v38, v63;
	v33 =	vmul.f32 v33, v59;
	v59 =	vld [tilespmem:$0x1FF00]  }
0x3f5: {  	v15 =	vmul.f32 v8, v15;
	v30 =	vmul.f32 v8, v30;
	v18 =	vadd.f32 v34, v18;
	[tilespmem:s5+$0x8540] =	vst v21;
	v21 =	vld [tilespmem:$0x1FF50]  }
0x3f6: {  	v12 =	vmul.f32 v8, v12;
	v63 =	vmul.f32 v62, v17;
	[tilespmem:s5+$0x8550] =	vst v37;
	v37 =	vld [tilespmem:$0x1FF50]  }
0x3f7: {  	v13 =	vmul.f32 v8, v13;
	v14 =	vmul.f32 v8, v14;
	[tilespmem:s5+$0x85A0] =	vst v18;
	v18 =	vld [tilespmem:$0x1FEF0];
	v38 =	vadd.f32 v42, v53  }
0x3f8: {  	v20 =	vadd.f32 v33, v20;
	v33 =	vsub.f32 $1.500000000e+00, v63;
	v53 =	vld [tilespmem:$0x1FE80];
	v35 =	vmul.f32 v35, v61  }
0x3f9: {  	[tilespmem:s5+$0x8510] =	vst v36;
	v63 =	vld [tilespmem:$0x1FEC0];
	v23 =	vadd.f32 v41, v23;
	v41 =	vmul.f32 v47, v56;
	v47 =	vmul.f32 v8, v40  }
0x3fa: {  	v61 =	vld [tilespmem:$0x1FEA0];
	v8 =	vmul.f32 v8, v48;
	v48 =	vmul.f32 v19, v7;
	[tilespmem:s5+$0x8570] =	vst v38  }
0x3fb: {  	v38 =	vld [tilespmem:$0x1FF60];
	v36 =	vadd.f32 v41, v60;
	v21 =	vadd.f32 v35, v21;
	[tilespmem:s5+$0x8560] =	vst v23;
	v23 =	vmov s6  }
0x3fc: {  	v40 =	vld [tilespmem:$0x1FF80];
	v32 =	vsub.f32 v32, v23;
	v31 =	vsub.f32 v31, v23  }
0x3fd: {  	[tilespmem:s5+$0x8580] =	vst v22;
	v56 =	vld [tilespmem:$0x1FF40];
	v50 =	vmul.f32 v48, v19;
	v22 =	vsub.f32 v28, v23;
	v28 =	vsub.f32 v45, v23  }
0x3fe: {  	[tilespmem:s5+$0x85B0] =	vst v20;
	v35 =	vmul.f32 v46, v51;
	v26 =	vsub.f32 v26, v23;
	v20 =	vsub.f32 v39, v23;
	v39 =	vld [tilespmem:$0x1FF70]  }
0x3ff: {  	v17 =	vmul.f32 v33, v17;
	v27 =	vsub.f32 v27, v23;
	v33 =	vsub.f32 $1.500000000e+00, v50;
	[tilespmem:s5+$0x85C0] =	vst v21;
	v21 =	vld [tilespmem:$0x1FE90]  }
0x400: {  	v5 =	vmul.f32 v5, v58;
	[tilespmem:s5+$0x8590] =	vst v36;
	v36 =	vsub.f32 v54, v23;
	v54 =	vld [tilespmem:$0x1FEB0];
	v23 =	vadd.f32 v35, v38  }
0x401: {  	v18 =	vmul.f32 v44, v18;
	v19 =	vmul.f32 v33, v19;
	v33 =	vld [tilespmem:$0x1FF10]  }
0x402: {  	v35 =	vmul.f32 v53, v52;
	[tilespmem:s5+$0x85D0] =	vst v23;
	v23 =	vld [tilespmem:$0x1FEA0]  }
0x403: {  	v18 =	vadd.f32 v18, v39;
	v60 =	vadd.f32 v5, v39;
	v5 =	vmul.f32 v16, v61;
	v16 =	vld [tilespmem:$0x1FEB0]  }
0x404: {  	v6 =	vmul.f32 v6, v21;
	v21 =	vadd.f32 v35, v40;
	v35 =	vld [tilespmem:$0x1FF30]  }
0x405: {  	[tilespmem:s5+$0x85E0] =	vst v18;
	v18 =	vld [tilespmem:$0x1FEC0]  }
0x406: {  	v46 =	vld [tilespmem:$0x1FF40]  }
0x407: {  	v7 =	vmul.f32 v19, v7;
	v6 =	vadd.f32 v6, v33;
	[tilespmem:s5+$0x85F0] =	vst v21;
	v21 =	vld [tilespmem:$0x1FEE0]  }
0x408: {  	v3 =	vmul.f32 v3, v54;
	v23 =	vmul.f32 v25, v23;
	v25 =	vld [tilespmem:$0x1FE90]  }
0x409: {  	v7 =	vmul.f32 v7, v19;
	[tilespmem:s5+$0x8600] =	vst v6;
	v6 =	vmul.f32 v29, v59;
	v29 =	vld [tilespmem:$0x1FED0]  }
0x40a: {  	v13 =	vmul.f32 v13, v16;
	v3 =	vadd.f32 v3, v35;
	v1 =	vmul.f32 v1, v18;
	v18 =	vld [tilespmem:$0x1FED0]  }
0x40b: {  	v42 =	vld [tilespmem:$0x1FF20];
	v53 =	vmul.f32 v17, v27;
	[tilespmem:s5+$0x8660] =	vst v60;
	v7 =	vsub.f32 $1.500000000e+00, v7;
	v62 =	vadd.f32 v6, v40  }
0x40c: {  	v44 =	vld [tilespmem:$0x1FEF0];
	v16 =	vmul.f32 v17, v31;
	v45 =	vadd.f32 v13, v35;
	v4 =	vmul.f32 v4, v21;
	[tilespmem:s5+$0x8620] =	vst v3  }
0x40d: {  	v54 =	vld [tilespmem:$0x1FEB0];
	v6 =	vmul.f32 v14, v63;
	v1 =	vadd.f32 v1, v56;
	v12 =	vmul.f32 v12, v25;
	[tilespmem:s5+$0x8670] =	vst v62  }
0x40e: {  	[tilespmem:s5+$0x86A0] =	vst v45;
	v4 =	vadd.f32 v4, v38;
	v14 =	vmul.f32 v15, v29;
	v15 =	vmul.f32 v17, v32  }
0x40f: {  	v32 =	vld [tilespmem:$0x1FF00];
	[tilespmem:s5+$0x8630] =	vst v1;
	v41 =	vadd.f32 v12, v33;
	v1 =	vadd.f32 v6, v46;
	v2 =	vmul.f32 v2, v18  }
0x410: {  	v12 =	vld [tilespmem:$0x1FEE0];
	[tilespmem:s5+$0x8650] =	vst v4;
	v13 =	vmul.f32 v15, v25;
	v48 =	vadd.f32 v14, v37;
	v14 =	vmul.f32 v17, v22  }
0x411: {  	v18 =	vld [tilespmem:$0x1FF20];
	v4 =	vadd.f32 v5, v42;
	v5 =	vmul.f32 v47, v44;
	[tilespmem:s5+$0x8680] =	vst v41;
	v2 =	vadd.f32 v2, v37  }
0x412: {  	v47 =	vld [tilespmem:$0x1FEA0];
	[tilespmem:s5+$0x86B0] =	vst v1;
	v56 =	vadd.f32 v13, v33;
	v13 =	vmul.f32 v14, v54;
	v14 =	vmov s19  }
0x413: {  	v15 =	vmul.f32 v17, v28;
	v28 =	vld [tilespmem:$0x1FEC0];
	[tilespmem:s5+$0x8690] =	vst v4;
	v52 =	vadd.f32 v5, v39;
	v10 =	vsub.f32 v10, v14  }
0x414: {  	v31 =	vld [tilespmem:$0x1FEF0];
	v7 =	vmul.f32 v7, v19;
	[tilespmem:s5+$0x86C0] =	vst v48;
	v0 =	vsub.f32 v0, v14;
	v41 =	vsub.f32 v49, v14  }
0x415: {  	v34 =	vld [tilespmem:$0x1FF20];
	v8 =	vmul.f32 v8, v32;
	v44 =	vsub.f32 v24, v14;
	v45 =	vsub.f32 v57, v14;
	[tilespmem:s5+$0x8640] =	vst v2  }
0x416: {  	v51 =	vld [tilespmem:$0x1FEA0];
	v48 =	vsub.f32 v9, v14;
	v12 =	vmul.f32 v30, v12;
	[tilespmem:s5+$0x86E0] =	vst v52;
	v59 =	vadd.f32 v13, v35  }
0x417: {  	[tilespmem:s5+$0x8700] =	vst v56;
	v18 =	vadd.f32 v23, v18;
	v6 =	vmul.f32 v16, v47;
	v16 =	vmul.f32 v17, v36  }
0x418: {  	v30 =	vld [tilespmem:$0x1FEE0];
	v8 =	vadd.f32 v8, v40;
	v58 =	vmul.f32 v15, v28;
	v10 =	vmul.f32 v7, v10;
	[tilespmem:s5+$0x8720] =	vst v59  }
0x419: {  	v36 =	vld [tilespmem:$0x1FF40];
	v0 =	vmul.f32 v7, v0;
	v50 =	vadd.f32 v12, v38;
	[tilespmem:s5+$0x8610] =	vst v18;
	v61 =	vmul.f32 v16, v31  }
0x41a: {  	v12 =	vmul.f32 v17, v26;
	v6 =	vadd.f32 v6, v34;
	[tilespmem:s5+$0x86F0] =	vst v8;
	v63 =	vmul.f32 v10, v25  }
0x41b: {  	v25 =	vsub.f32 v43, v14;
	v0 =	vmul.f32 v0, v51;
	[tilespmem:s5+$0x86D0] =	vst v50;
	v62 =	vadd.f32 v61, v39  }
0x41c: {  	v47 =	vmul.f32 v7, v44;
	v51 =	vsub.f32 v11, v14;
	[tilespmem:s5+$0x8710] =	vst v6;
	v42 =	vadd.f32 v63, v33  }
0x41d: {  	v12 =	vmul.f32 v12, v29;
	v50 =	vmul.f32 v7, v45;
	v0 =	vadd.f32 v0, v34;
	[tilespmem:s5+$0x8760] =	vst v62  }
0x41e: {  	v18 =	vmov v55;
	v5 =	vmul.f32 v53, v30;
	v4 =	vadd.f32 v58, v36;
	[tilespmem:s5+$0x8780] =	vst v42  }
0x41f: {  	v55 =	vmul.f32 v17, v20;
	v53 =	vmul.f32 v47, v29;
	v60 =	vadd.f32 v12, v37;
	[tilespmem:s5+$0x8790] =	vst v0  }
0x420: {  	v43 =	vmul.f32 v7, v25;
	v56 =	vmul.f32 v50, v30;
	v5 =	vadd.f32 v5, v38;
	[tilespmem:s5+$0x8730] =	vst v4  }
0x421: {  	v57 =	vmul.f32 v7, v51;
	v1 =	vmul.f32 v55, v32;
	v58 =	vadd.f32 v53, v37;
	[tilespmem:s5+$0x8740] =	vst v60  }
0x422: {  	v46 =	vmul.f32 v43, v54;
	v54 =	vmul.f32 v7, v48;
	v60 =	vadd.f32 v56, v38;
	[tilespmem:s5+$0x8750] =	vst v5  }
0x423: {  	v19 =	vld [tilespmem:$0x1FFD0];
	v61 =	vmul.f32 v57, v32;
	v4 =	vmul.f32 v7, v41;
	v1 =	vadd.f32 v1, v40;
	[tilespmem:s5+$0x87C0] =	vst v58  }
0x424: {  	p0 =	sne.s32 s4, $0xF;
	v21 =	vld [tilespmem:$0x1FFF0];
	v52 =	vadd.f32 v46, v35;
	v59 =	vmul.f32 v54, v31;
	[tilespmem:s5+$0x87D0] =	vst v60  }
.Ltmp1:
0x425: {  	v15 =	vld [tilespmem:$0x1FFA0];
	v63 =	vadd.f32 v61, v40;
	v49 =	vmul.f32 v4, v28;
	[tilespmem:s5+$0x8770] =	vst v1;
	(pc) =	sbr.rel @p0 .LBB2_5-.Ltmp1, $4  }
0x426: {  	v16 =	vld [tilespmem:$0x1FFB0];
	[tilespmem:s5+$0x87A0] =	vst v52;
	v62 =	vadd.f32 v59, v39  }
0x427: {  	v14 =	vld [tilespmem:$0x1FF90];
	[tilespmem:s5+$0x87F0] =	vst v63;
	v55 =	vadd.f32 v49, v36  }
0x428: {  	v20 =	vld [tilespmem:$0x1FFE0];
	[tilespmem:s5+$0x87E0] =	vst v62  }
0x429: {  	s4 =	sadd.s32 $0x1, s4;
	v17 =	vld [tilespmem:$0x1FFC0];
	[tilespmem:s5+$0x87B0] =	vst v55  }
0x42a: {  	s0 =	sshll.u32 s31, $0x10  }
0x42b: {  	s30 =	sadd.s32 $0x1, s30;
	s0 =	sor.u32 s12, s0  }
0x42c: {  	s1 =	rddreg [dreg:$0x7];
	p0 =	sne.s32 s30, $0x40;
	s0 =	sshrl.u32 s0, $0x3  }
.Ltmp2:
0x42d: {  	s0 =	sadd.s32 s1, s0;
	(pc) =	sbr.rel @p0 .LBB2_4-.Ltmp2, $4  }
0x42e: {  	[hbm4b:s0+s9] =	stream.linear.scatter [tilespmem:s25], [sflag:$0x2], $0x8000, $0x38;
	[tilespmem:$0x10500] =	vst v63  }
0x42f: {  	_ =	swait.ge [sflag:s17], $0x8000  }
0x430: {  	[sflag:s17] =	ssyncset.done $0x0  }
0x431: {  	[sflag:s17] =	ssyncadd.s32 $0xFFFF8000  }
0x432: {  	s1 =	rddreg [dreg:$0xb]  }
0x433: {  	s0 =	rddreg [dreg:$0xa];
	s1 =	sadd.s32 $0x1, s1  }
0x434: {  	p0 =	sne.s32 s1, s0  }
.Ltmp3:
0x435: {  	_ = 	snop;
	(pc) =	sbr.rel @p0 .LBB2_1-.Ltmp3, $1  }
0x436: {  	_ =	sdelay $0x3  }
0x437: {  	_ =	sfence.sel $0x180000  }
0x438: {  	[bflag:$0x0] =	sbarrier.arrive $0xFFFF  }
0x439: {  	_ =	strace $0x90000047  }
0x43a: {  	s0 =	stileid.u32;
	[bflag:$0x2] =	sbarrier.arrive $0xFFFF  }
0x43b: {  	p0 =	sne.s32 s0, $0x0;
	s0 =	rddreg [dreg:$0x8]  }
0x43c: {  	s0 =	sadd.s32 @!p0 $0x100000, s0  }
0x43d: {  	[sflag:s0] =	ssyncadd.tile.s32 @!p0 $0x1;
	_ =	shalt  }
.Lfunc_end2:
_tile_overlayer_lowered:
.L_overlay_start_2:
0x43e: {  	(tag) =	ssettag $0x2  }
0x43f: {  	s0 =	rddreg [dreg:$0x0];
	s2 =	stileid.u32  }
0x440: {  	s1 =	rddreg [dreg:$0x1];
	p0 =	sne.s32 s2, $0x0  }
0x441: {  	s3 =	rddreg [dreg:$0x2];
	[bflag:$0x3] =	sbarrier.arrive $0xFFFF;
	s2 =	simm.s32 @!p0 $0x1C02  }
0x442: {  	[timem:s3], [sflag:s2] =	dma.local @!p0 [hbm:s0], s1  }
0x443: {  	s0 =	simm.s32 @!p0 $0x2  }
0x444: {  	_ =	swait.ge @!p0 [sflag:s0], s1  }
0x445: {  	s1 =	ssub.s32 @!p0 $0x0, s1;
	[sflag:s0] =	ssyncset.done @!p0 $0x0  }
0x446: {  	[sflag:s0] =	ssyncadd.s32 @!p0 s1  }
0x447: {  	[bflag:$0x3] =	sbarrier.arrive $0xFFFF  }
0x448: {  	_ =	shalt  }

</sc_bundles>
